<compile_context>
chip_gen: v7x
topology: tpu7x:2x2x1
jax: 0.10.2.dev20260603
libtpu: 0.0.44.dev20260713+nightly
codegen_flags: <defaults>
</compile_context>

<pallas_src>
import functools

import jax
import jax.numpy as jnp
from jax import lax
from jax.experimental import pallas as pl
from jax.experimental.pallas import tpu as pltpu
from jax.experimental.pallas import tpu_sc as plsc

B, S, D, H = 32, 16384, 64, 4
LANES = 16
BLK = S // LANES
BS = 16384
NSB = S // BS
EPS = 1e-8
STICKY_THR = 1e-35


def _k0_body(u_ref, w_ref, rw_ref, fg_ref, uu_ref):
    ret = 1.0
    for h in range(H):
        rwh = rw_ref[:, h, :]
        fgh = fg_ref[:, h][:, None]
        ret = ret * (2.0 - rwh * fgh)
    u = u_ref[...]
    w = w_ref[...]
    uu_ref[...] = (u + w - u * w) * ret


def _k0_call(usage2d, write_prev2d, read_weights, free_gates):
    return pl.pallas_call(
        _k0_body,
        grid=(B // 8,),
        in_specs=[
            pl.BlockSpec((8, S), lambda g: (g, 0)),
            pl.BlockSpec((8, S), lambda g: (g, 0)),
            pl.BlockSpec((8, H, S), lambda g: (g, 0, 0)),
            pl.BlockSpec((8, H), lambda g: (g, 0)),
        ],
        out_specs=[
            pl.BlockSpec((8, S), lambda g: (g, 0)),
        ],
        out_shape=[
            jax.ShapeDtypeStruct((B, S), jnp.float32),
        ],
    )(usage2d, write_prev2d, read_weights, free_gates)


def _k1_body(mem_ref, key_ref, str_ref, z_ref, m_ref, l_ref):
    b = pl.program_id(0)
    mem = mem_ref[0]
    key = key_ref[0, 0]
    kn = key / (jnp.sqrt(jnp.sum(key * key)) + EPS)
    cosn = lax.dot_general(kn[None, :], mem, (((1,), (0,)), ((), ())),
                           preferred_element_type=jnp.float32)[0]
    nr = jnp.sqrt(jnp.sum(mem * mem, axis=0))
    cos = cosn / (nr + EPS)
    z = cos * str_ref[0, 0, 0]
    z_ref[pl.ds(b, 1), :] = z[None, :]
    bm = jnp.max(z)
    m_ref[b, 0] = bm
    l_ref[b, 0] = jnp.sum(jnp.exp(z - bm))


def _k1_call(memory_matrix, lookup_keys3d, strengths3d):
    return pl.pallas_call(
        _k1_body,
        grid=(B,),
        in_specs=[
            pl.BlockSpec((1, D, S), lambda b: (b, 0, 0)),
            pl.BlockSpec((1, 1, D), lambda b: (b, 0, 0)),
            pl.BlockSpec((1, 1, 1), lambda b: (b, 0, 0), memory_space=pltpu.SMEM),
        ],
        out_specs=[
            pl.BlockSpec((B, S), lambda b: (0, 0)),
            pl.BlockSpec((B, 1), lambda b: (0, 0), memory_space=pltpu.SMEM),
            pl.BlockSpec((B, 1), lambda b: (0, 0), memory_space=pltpu.SMEM),
        ],
        out_shape=[
            jax.ShapeDtypeStruct((B, S), jnp.float32),
            jax.ShapeDtypeStruct((B, 1), jnp.float32),
            jax.ShapeDtypeStruct((B, 1), jnp.float32),
        ],
    )(memory_matrix, lookup_keys3d, strengths3d)


_LGC = (-2.4825606616e-02, 2.6685882287e-01, -1.2342631731e+00,
        3.2188328372e+00, -5.2641104772e+00, 6.0658301432e+00,
        -3.0283174811e+00)
_LN2 = 0.6931471805599453
_LOG2_STICKY = -116.27


def _sc_body(uu_hbm, alloc_hbm, keyA, keyB, payA, payB, alloc_v,
             hist, start, shf, shi):
    nc = 2
    wid = lax.axis_index("s") * nc + lax.axis_index("c")
    pltpu.sync_copy(uu_hbm.at[wid], keyA)

    ln = lax.iota(jnp.int32, 16)
    ones_i = jnp.ones((16,), jnp.int32)
    zeros_i = jnp.zeros((16,), jnp.int32)
    shi[pl.ds(0, 16)] = zeros_i
    bcast31 = jnp.full((16,), 31, jnp.int32)

    bufs = [(keyA, payA), (keyB, payB)]
    for p in range(4):
        sh = 8 * p
        ksrc, psrc = bufs[p % 2]
        kdst, pdst = bufs[(p + 1) % 2]
        last = (p == 3)

        def zero_body(i, _):
            for j in range(4):
                hist[pl.ds((i * 4 + j) * 16, 16)] = zeros_i
            return 0
        lax.fori_loop(0, 64, zero_body, 0)

        def cnt_body(i, _, ksrc=ksrc, sh=sh):
            for j in range(16):
                t = i * 16 + j
                k = ksrc[pl.ds(t * 16, 16)]
                d = jnp.bitwise_and(
                    lax.shift_right_logical(plsc.bitcast(k, jnp.int32), sh),
                    255)
                plsc.addupdate_scatter(hist, [d * 16 + ln], ones_i)
            return 0
        lax.fori_loop(0, BLK // 16, cnt_body, 0)

        def scan_body(i, carry):
            v = hist[pl.ds(i * 16, 16)]
            s = plsc.cumsum(v)
            shi[pl.ds(16, 16)] = s
            excl = plsc.load_gather(shi, [ln + 15])
            start[pl.ds(i * 16, 16)] = carry + excl
            tot = plsc.load_gather(shi, [bcast31])
            return carry + tot
        lax.fori_loop(0, 256, scan_body, zeros_i)

        def perm_body(i, _, ksrc=ksrc, psrc=psrc, kdst=kdst, pdst=pdst,
                      sh=sh, first=(p == 0), last=last):
            for j in range(8):
                t = i * 8 + j
                k = ksrc[pl.ds(t * 16, 16)]
                pay = (t * 16 + ln) if first else psrc[pl.ds(t * 16, 16)]
                d = jnp.bitwise_and(
                    lax.shift_right_logical(plsc.bitcast(k, jnp.int32), sh),
                    255)
                hidx = d * 16 + ln
                off = plsc.load_gather(start, [hidx])
                if last:
                    waddr = off
                else:
                    waddr = jnp.bitwise_or(
                        lax.shift_left(jnp.bitwise_and(off, 1023), 4),
                        lax.shift_right_logical(off, 10))
                plsc.store_scatter(kdst, [waddr], k)
                plsc.store_scatter(pdst, [waddr], pay)
                plsc.addupdate_scatter(start, [hidx], ones_i)
            return 0
        lax.fori_loop(0, BLK // 8, perm_body, 0)

    def alloc_body(v, carry):
        c, deadf = carry
        su = keyA[pl.ds(v * 16, 16)]
        ki = plsc.bitcast(su, jnp.int32)
        ef = (lax.shift_right_logical(ki, 23) - 127).astype(jnp.float32)
        m = plsc.bitcast(
            jnp.bitwise_or(jnp.bitwise_and(ki, 0x7FFFFF), 0x3F800000),
            jnp.float32)
        lg = jnp.float32(_LGC[0])
        for cc in _LGC[1:]:
            lg = lg * m + jnp.float32(cc)
        lg = lg + ef
        incl = plsc.cumsum(lg)
        y = c + (incl - lg)
        deadnow = jnp.where(y < _LOG2_STICKY, 1.0, 0.0)
        deadcum = jnp.maximum(plsc.cummax(deadnow), jnp.full((16,), deadf))
        E = jnp.where(deadcum > 0.0, 0.0, jnp.exp(y * _LN2))
        a = (1.0 - su) * E
        pay = payA[pl.ds(v * 16, 16)]
        plsc.store_scatter(alloc_v, [pay], a)
        return (c + jnp.sum(lg), jnp.maximum(deadf, jnp.max(deadcum)))
    lax.fori_loop(0, S // 16, alloc_body,
                  (jnp.float32(0.0), jnp.float32(0.0)))

    pltpu.sync_copy(alloc_v, alloc_hbm.at[wid])


def _alloc_sc(uu):
    mesh = plsc.VectorSubcoreMesh(core_axis_name="c", subcore_axis_name="s")
    return pl.kernel(
        _sc_body,
        mesh=mesh,
        compiler_params=pltpu.CompilerParams(needs_layout_passes=False),
        out_type=jax.ShapeDtypeStruct((B, S), jnp.float32),
        scratch_types=[
            pltpu.VMEM((S,), jnp.float32),
            pltpu.VMEM((S,), jnp.float32),
            pltpu.VMEM((S,), jnp.int32),
            pltpu.VMEM((S,), jnp.int32),
            pltpu.VMEM((S,), jnp.float32),
            pltpu.VMEM((4096,), jnp.int32),
            pltpu.VMEM((4096,), jnp.int32),
            pltpu.VMEM((32,), jnp.float32),
            pltpu.VMEM((32,), jnp.int32),
        ],
    )(uu)


def _k3_body(mem_ref, z_ref, alloc_ref, rw_ref, m_ref, l_ref, wg_ref,
             ag_ref, wv_ref, ev_ref, nm_ref, rv_ref):
    b = pl.program_id(0)
    z = z_ref[b]
    lw = jnp.exp(z - m_ref[b, 0]) / l_ref[b, 0]
    ag = ag_ref[b, 0]
    ww = wg_ref[b, 0] * (ag * alloc_ref[b] + (1.0 - ag) * lw)
    mem = mem_ref[0]
    ev = ev_ref[0, :, 0]
    wv = wv_ref[0, :, 0]
    nm = (mem * (1.0 - ev[:, None] * ww[None, :])
          + wv[:, None] * ww[None, :])
    nm_ref[0] = nm
    rv_ref[0] = lax.dot_general(nm, rw_ref[0], (((1,), (1,)), ((), ())),
                                preferred_element_type=jnp.float32)


def _k3_call(memory_matrix, z2d, alloc2d, read_weights, m2d, l2d, wg2d,
             ag2d, wv3d, ev3d):
    return pl.pallas_call(
        _k3_body,
        grid=(B,),
        in_specs=[
            pl.BlockSpec((1, D, S), lambda b: (b, 0, 0)),
            pl.BlockSpec((B, S), lambda b: (0, 0)),
            pl.BlockSpec((B, S), lambda b: (0, 0)),
            pl.BlockSpec((1, H, S), lambda b: (b, 0, 0)),
            pl.BlockSpec((B, 1), lambda b: (0, 0), memory_space=pltpu.SMEM),
            pl.BlockSpec((B, 1), lambda b: (0, 0), memory_space=pltpu.SMEM),
            pl.BlockSpec((B, 1), lambda b: (0, 0), memory_space=pltpu.SMEM),
            pl.BlockSpec((B, 1), lambda b: (0, 0), memory_space=pltpu.SMEM),
            pl.BlockSpec((1, D, 1), lambda b: (b, 0, 0)),
            pl.BlockSpec((1, D, 1), lambda b: (b, 0, 0)),
        ],
        out_specs=[
            pl.BlockSpec((1, D, S), lambda b: (b, 0, 0)),
            pl.BlockSpec((1, D, H), lambda b: (b, 0, 0)),
        ],
        out_shape=[
            jax.ShapeDtypeStruct((B, D, S), jnp.float32),
            jax.ShapeDtypeStruct((B, D, H), jnp.float32),
        ],
    )(memory_matrix, z2d, alloc2d, read_weights, m2d, l2d, wg2d,
      ag2d, wv3d, ev3d)


def kernel(memory_matrix, usage_vector, read_weights, write_weight_prev,
           free_gates, lookup_keys, strengths, write_gate, allocation_gate,
           write_vector, erase_vector):
    r3 = lambda x: x.reshape(B, 1, -1)
    mem_t = jnp.swapaxes(memory_matrix, 1, 2)
    rw_t = jnp.swapaxes(read_weights, 1, 2)
    uu, = _k0_call(usage_vector, write_weight_prev, rw_t, free_gates)
    alloc = _alloc_sc(uu)
    z, m, l = _k1_call(mem_t, r3(lookup_keys), r3(strengths))
    new_mem_t, read_vecs = _k3_call(
        mem_t, z, alloc, rw_t, m, l, write_gate, allocation_gate,
        write_vector.reshape(B, D, 1), erase_vector.reshape(B, D, 1))
    return jnp.swapaxes(new_mem_t, 1, 2), read_vecs

# --- scband reference (transcript-rebuilt; emitter-appended) ---
"""Pipeline reference for scband-memory-38482906972752 (READ-ONLY COPY).

The authoritative reference and input builder live on the scoring server;
editing this copy changes nothing except your own understanding.
"""

import jax, jax.numpy as jnp
import numpy as np

B, S, D, H = 32, 16384, 64, 4


def setup_inputs(seed: int = 0) -> dict:
    key = jax.random.key(seed)
    ks = jax.random.split(key, 11)
    return {
        "memory_matrix": jax.random.normal(ks[0], (B, S, D), dtype=jnp.float32),
        "usage_vector": jax.random.uniform(ks[1], (B, S), dtype=jnp.float32),
        "read_weights": jax.random.uniform(ks[2], (B, S, H), dtype=jnp.float32),
        "write_weight_prev": jax.random.uniform(ks[3], (B, S), dtype=jnp.float32),
        "free_gates": jax.random.uniform(ks[4], (B, H), dtype=jnp.float32),
        "lookup_keys": jax.random.normal(ks[5], (B, D, 1), dtype=jnp.float32),
        "strengths": jax.random.uniform(ks[6], (B, 1), dtype=jnp.float32),
        "write_gate": jax.random.uniform(ks[7], (B, 1), dtype=jnp.float32),
        "allocation_gate": jax.random.uniform(ks[8], (B, 1), dtype=jnp.float32),
        "write_vector": jax.random.normal(ks[9], (B, D), dtype=jnp.float32),
        "erase_vector": jax.random.uniform(ks[10], (B, D), dtype=jnp.float32),
    }


def reference(memory_matrix, usage_vector, read_weights, write_weight_prev,
              free_gates, lookup_keys, strengths, write_gate, allocation_gate,
              write_vector, erase_vector):
    eps = 1e-8
    # --- get_content_address: cosine distance + strength-scaled softmax over slots ---
    mem_norm = memory_matrix / (jnp.linalg.norm(memory_matrix, axis=2, keepdims=True) + eps)
    key_norm = lookup_keys / (jnp.linalg.norm(lookup_keys, axis=1, keepdims=True) + eps)
    cos_dist = jnp.einsum('bsd,bdk->bsk', mem_norm, key_norm)  # (B, S, K)
    str_e = strengths[:, None, :]  # (B, 1, K) broadcast over slots
    lookup_weight = jax.nn.softmax(cos_dist * str_e, axis=1)  # (B, S, K)

    # --- update_usage_vector ---
    fg = free_gates[:, None, :]  # (B, 1, H)
    retention_vector = jnp.prod(2.0 - read_weights * fg, axis=2)  # (B, S)
    updated_usage = (usage_vector + write_weight_prev - usage_vector * write_weight_prev) * retention_vector

    # --- sort usage ascending (free_list = original indices) ---
    free_list = jnp.argsort(updated_usage, axis=1)  # (B, S) int
    sorted_usage = jnp.take_along_axis(updated_usage, free_list, axis=1)

    # --- get_allocation_weight: exclusive cumprod + flat scatter back to original order ---
    ones = jnp.ones((updated_usage.shape[0], 1), dtype=updated_usage.dtype)
    shifted_cumprod = jnp.cumprod(jnp.concatenate([ones, sorted_usage[:, :-1]], axis=1), axis=1)
    unordered_allocation_weight = (1.0 - sorted_usage) * shifted_cumprod  # (B, S)
    Bn, Sn = updated_usage.shape
    index_mapper = (jnp.arange(Bn) * Sn)[:, None]
    flat_mapped_free_list = (free_list + index_mapper).reshape(-1)
    flat_container = jnp.zeros(Bn * Sn, dtype=updated_usage.dtype)
    flat_ordered = flat_container.at[flat_mapped_free_list].set(unordered_allocation_weight.reshape(-1))
    allocation_weight = flat_ordered.reshape(Bn, Sn)

    # --- update_write_weight ---
    lw = lookup_weight[:, :, 0]  # (B, S) single write key
    ag = allocation_gate  # (B, 1) broadcasts over S
    write_weight = write_gate * (ag * allocation_weight + (1.0 - ag) * lw)

    # --- update_memory: erase then write (scatter-style weighted overwrite) ---
    erase_term = 1.0 - write_weight[:, :, None] * erase_vector[:, None, :]
    new_memory = memory_matrix * erase_term + write_weight[:, :, None] * write_vector[:, None, :]

    # --- update_read_vectors: M^T @ read_weights (no per-slot transformers, n_layers=0) ---
    read_vecs = jnp.einsum('bsd,bsh->bdh', new_memory, read_weights)  # (B, D, H)

    return new_memory, read_vecs

if __name__ == "__main__":
    import jax
    _d = setup_inputs()
    print(jax.jit(kernel)(*tuple(_d.values())))

</pallas_src>

<mosaic_0001>
#map = affine_map<(d0, d1) -> (0, 0)>
module attributes {stable_mosaic.version = 14 : i64} {
  func.func @_sc_body(%arg0: i32, %arg1: i32, %arg2: memref<32x16384xf32, #tpu.memory_space<hbm>>, %arg3: memref<32x16384xf32, #tpu.memory_space<hbm>>, %arg4: memref<16384xf32, #tpu.memory_space<vmem>>, %arg5: memref<16384xf32, #tpu.memory_space<vmem>>, %arg6: memref<16384xi32, #tpu.memory_space<vmem>>, %arg7: memref<16384xi32, #tpu.memory_space<vmem>>, %arg8: memref<16384xf32, #tpu.memory_space<vmem>>, %arg9: memref<4096xi32, #tpu.memory_space<vmem>>, %arg10: memref<4096xi32, #tpu.memory_space<vmem>>, %arg11: memref<32xf32, #tpu.memory_space<vmem>>, %arg12: memref<32xi32, #tpu.memory_space<vmem>>) attributes {dimension_semantics = [#tpu.dimension_semantics<core_parallel>, #tpu.dimension_semantics<subcore_parallel>], iteration_bounds = array<i64: 2, 16>, scalar_prefetch = 0 : i64, scratch_operands = 9 : i64, tpu.core_type = #tpu.core_type<sc_vector_subcore>, window_params = [{transform_indices = #map}, {transform_indices = #map}]} {
    %mul3A = arith.constant 2 : i32
    %mul3A_0 = arith.muli %arg1, %mul3A : i32
    %add3A = arith.addi %mul3A_0, %arg0 : i32
    "tpu.region"() ({
      %run_scoped3A = tpu.sem_alloc : memref<!tpu.dma_semaphore, #tpu.memory_space<semaphore_mem>>
      %dma_start3A = arith.constant 0 : i32
      %dma_start3A_122 = tpu.memref_slice %arg2[%add3A, %dma_start3A] : memref<32x16384xf32, #tpu.memory_space<hbm>> -> memref<1x16384xf32, #tpu.memory_space<hbm>>
      %dma_start3A_123 = tpu.memref_squeeze %dma_start3A_122 : memref<1x16384xf32, #tpu.memory_space<hbm>> -> memref<16384xf32, #tpu.memory_space<hbm>>
      %dma_start3A_124 = arith.constant 0 : i32
      %dma_start3A_125 = tpu.memref_slice %arg2[%add3A, %dma_start3A_124] : memref<32x16384xf32, #tpu.memory_space<hbm>> -> memref<1x16384xf32, #tpu.memory_space<hbm>>
      %dma_start3A_126 = tpu.memref_squeeze %dma_start3A_125 : memref<1x16384xf32, #tpu.memory_space<hbm>> -> memref<16384xf32, #tpu.memory_space<hbm>>
      tpu.enqueue_dma source(%dma_start3A_126 : memref<16384xf32, #tpu.memory_space<hbm>>) target(%arg4 : memref<16384xf32, #tpu.memory_space<vmem>>) target_semaphore(%run_scoped3A : memref<!tpu.dma_semaphore, #tpu.memory_space<semaphore_mem>>)
      %dma_wait3A = arith.constant 0 : i32
      %dma_wait3A_127 = tpu.memref_slice %arg2[%add3A, %dma_wait3A] : memref<32x16384xf32, #tpu.memory_space<hbm>> -> memref<1x16384xf32, #tpu.memory_space<hbm>>
      %dma_wait3A_128 = tpu.memref_squeeze %dma_wait3A_127 : memref<1x16384xf32, #tpu.memory_space<hbm>> -> memref<16384xf32, #tpu.memory_space<hbm>>
      %dma_wait3A_129 = arith.constant 0 : i32
      %dma_wait3A_130 = tpu.memref_slice %arg2[%add3A, %dma_wait3A_129] : memref<32x16384xf32, #tpu.memory_space<hbm>> -> memref<1x16384xf32, #tpu.memory_space<hbm>>
      %dma_wait3A_131 = tpu.memref_squeeze %dma_wait3A_130 : memref<1x16384xf32, #tpu.memory_space<hbm>> -> memref<16384xf32, #tpu.memory_space<hbm>>
      tpu.wait_dma2 semaphore(%run_scoped3A : memref<!tpu.dma_semaphore, #tpu.memory_space<semaphore_mem>>) src(%dma_wait3A_131 : memref<16384xf32, #tpu.memory_space<hbm>>) dst(%arg4 : memref<16384xf32, #tpu.memory_space<vmem>>)
      tpu.yield
    }) : () -> ()
    %iota3A = tpu.iota {dimensions = array<i32: 0>} : vector<16xi32>
    %broadcast_in_dim3A = arith.constant 1 : i32
    %broadcast_in_dim3A_1 = vector.broadcast %broadcast_in_dim3A : i32 to vector<16xi32>
    %broadcast_in_dim3A_2 = arith.constant 0 : i32
    %broadcast_in_dim3A_3 = vector.broadcast %broadcast_in_dim3A_2 : i32 to vector<16xi32>
    %swap3A = arith.constant 0 : index
    %swap3A_4 = tpu.vector_load %arg12[%swap3A] {strides = array<i32>} : memref<32xi32, #tpu.memory_space<vmem>>, vector<16xi32>,
    tpu.vector_store %arg12[%swap3A], %broadcast_in_dim3A_3 {strides = array<i32>} : memref<32xi32, #tpu.memory_space<vmem>>, vector<16xi32>,
    %broadcast_in_dim3A_5 = arith.constant 31 : i32
    %broadcast_in_dim3A_6 = vector.broadcast %broadcast_in_dim3A_5 : i32 to vector<16xi32>
    %scan3A = arith.constant 0 : i32
    %scan3A_7 = arith.constant 0 : i32
    %scan3A_8 = arith.constant 64 : i32
    %scan3A_9 = arith.addi %scan3A_7, %scan3A_8 : i32
    %scan3A_10 = arith.constant 1 : i32
    %scan3A_11 = scf.for %scan3A_122 = %scan3A_7 to %scan3A_9 step %scan3A_10 iter_args(%scan3A_123 = %scan3A) -> (i32)  : i32 {
      %mul3A_124 = arith.constant 4 : i32
      %mul3A_125 = arith.muli %scan3A_122, %mul3A_124 : i32
      %add3A_126 = arith.constant 0 : i32
      %add3A_127 = arith.addi %mul3A_125, %add3A_126 : i32
      %mul3A_128 = arith.constant 16 : i32
      %mul3A_129 = arith.muli %add3A_127, %mul3A_128 : i32
      %swap3A_130 = arith.index_cast %mul3A_129 : i32 to index
      %swap3A_131 = tpu.vector_load %arg9[%swap3A_130] {strides = array<i32>} : memref<4096xi32, #tpu.memory_space<vmem>>, vector<16xi32>,
      tpu.vector_store %arg9[%swap3A_130], %broadcast_in_dim3A_3 {strides = array<i32>} : memref<4096xi32, #tpu.memory_space<vmem>>, vector<16xi32>,
      %mul3A_132 = arith.constant 4 : i32
      %mul3A_133 = arith.muli %scan3A_122, %mul3A_132 : i32
      %add3A_134 = arith.constant 1 : i32
      %add3A_135 = arith.addi %mul3A_133, %add3A_134 : i32
      %mul3A_136 = arith.constant 16 : i32
      %mul3A_137 = arith.muli %add3A_135, %mul3A_136 : i32
      %swap3A_138 = arith.index_cast %mul3A_137 : i32 to index
      %swap3A_139 = tpu.vector_load %arg9[%swap3A_138] {strides = array<i32>} : memref<4096xi32, #tpu.memory_space<vmem>>, vector<16xi32>,
      tpu.vector_store %arg9[%swap3A_138], %broadcast_in_dim3A_3 {strides = array<i32>} : memref<4096xi32, #tpu.memory_space<vmem>>, vector<16xi32>,
      %mul3A_140 = arith.constant 4 : i32
      %mul3A_141 = arith.muli %scan3A_122, %mul3A_140 : i32
      %add3A_142 = arith.constant 2 : i32
      %add3A_143 = arith.addi %mul3A_141, %add3A_142 : i32
      %mul3A_144 = arith.constant 16 : i32
      %mul3A_145 = arith.muli %add3A_143, %mul3A_144 : i32
      %swap3A_146 = arith.index_cast %mul3A_145 : i32 to index
      %swap3A_147 = tpu.vector_load %arg9[%swap3A_146] {strides = array<i32>} : memref<4096xi32, #tpu.memory_space<vmem>>, vector<16xi32>,
      tpu.vector_store %arg9[%swap3A_146], %broadcast_in_dim3A_3 {strides = array<i32>} : memref<4096xi32, #tpu.memory_space<vmem>>, vector<16xi32>,
      %mul3A_148 = arith.constant 4 : i32
      %mul3A_149 = arith.muli %scan3A_122, %mul3A_148 : i32
      %add3A_150 = arith.constant 3 : i32
      %add3A_151 = arith.addi %mul3A_149, %add3A_150 : i32
      %mul3A_152 = arith.constant 16 : i32
      %mul3A_153 = arith.muli %add3A_151, %mul3A_152 : i32
      %swap3A_154 = arith.index_cast %mul3A_153 : i32 to index
      %swap3A_155 = tpu.vector_load %arg9[%swap3A_154] {strides = array<i32>} : memref<4096xi32, #tpu.memory_space<vmem>>, vector<16xi32>,
      tpu.vector_store %arg9[%swap3A_154], %broadcast_in_dim3A_3 {strides = array<i32>} : memref<4096xi32, #tpu.memory_space<vmem>>, vector<16xi32>,
      %scan3A_156 = arith.constant 0 : i32
      scf.yield %scan3A_156 : i32
    }
    %scan3A_12 = arith.constant 64 : i32
    %scan3A_13 = arith.constant 0 : i32
    %scan3A_14 = arith.constant 0 : i32
    %scan3A_15 = arith.constant 64 : i32
    %scan3A_16 = arith.addi %scan3A_14, %scan3A_15 : i32
    %scan3A_17 = arith.constant 1 : i32
    %scan3A_18 = scf.for %scan3A_122 = %scan3A_14 to %scan3A_16 step %scan3A_17 iter_args(%scan3A_123 = %scan3A_13) -> (i32)  : i32 {
      %mul3A_124 = arith.constant 16 : i32
      %mul3A_125 = arith.muli %scan3A_122, %mul3A_124 : i32
      %add3A_126 = arith.constant 0 : i32
      %add3A_127 = arith.addi %mul3A_125, %add3A_126 : i32
      %mul3A_128 = arith.constant 16 : i32
      %mul3A_129 = arith.muli %add3A_127, %mul3A_128 : i32
      %get3A = arith.index_cast %mul3A_129 : i32 to index
      %get3A_130 = tpu.vector_load %arg4[%get3A] {strides = array<i32>} : memref<16384xf32, #tpu.memory_space<vmem>>, vector<16xf32>,
      %bitcast3A = vector.bitcast %get3A_130 : vector<16xf32> to vector<16xi32>
      %shift_right_logical3A = arith.constant 0 : i32
      %shift_right_logical3A_131 = vector.broadcast %shift_right_logical3A : i32 to vector<16xi32>
      %shift_right_logical3A_132 = arith.shrui %bitcast3A, %shift_right_logical3A_131 : vector<16xi32>
      %and3A = arith.constant 255 : i32
      %and3A_133 = vector.broadcast %and3A : i32 to vector<16xi32>
      %and3A_134 = arith.andi %shift_right_logical3A_132, %and3A_133 : vector<16xi32>
      %mul3A_135 = arith.constant 16 : i32
      %mul3A_136 = vector.broadcast %mul3A_135 : i32 to vector<16xi32>
      %mul3A_137 = arith.muli %and3A_134, %mul3A_136 : vector<16xi32>
      %add3A_138 = arith.addi %mul3A_137, %iota3A : vector<16xi32>
      tpu.vector_store_idx %arg9[%add3A_138], %broadcast_in_dim3A_1 {add = true} : memref<4096xi32, #tpu.memory_space<vmem>>[vector<16xi32>], vector<16xi32>,
      %mul3A_139 = arith.constant 16 : i32
      %mul3A_140 = arith.muli %scan3A_122, %mul3A_139 : i32
      %add3A_141 = arith.constant 1 : i32
      %add3A_142 = arith.addi %mul3A_140, %add3A_141 : i32
      %mul3A_143 = arith.constant 16 : i32
      %mul3A_144 = arith.muli %add3A_142, %mul3A_143 : i32
      %get3A_145 = arith.index_cast %mul3A_144 : i32 to index
      %get3A_146 = tpu.vector_load %arg4[%get3A_145] {strides = array<i32>} : memref<16384xf32, #tpu.memory_space<vmem>>, vector<16xf32>,
      %bitcast3A_147 = vector.bitcast %get3A_146 : vector<16xf32> to vector<16xi32>
      %shift_right_logical3A_148 = arith.constant 0 : i32
      %shift_right_logical3A_149 = vector.broadcast %shift_right_logical3A_148 : i32 to vector<16xi32>
      %shift_right_logical3A_150 = arith.shrui %bitcast3A_147, %shift_right_logical3A_149 : vector<16xi32>
      %and3A_151 = arith.constant 255 : i32
      %and3A_152 = vector.broadcast %and3A_151 : i32 to vector<16xi32>
      %and3A_153 = arith.andi %shift_right_logical3A_150, %and3A_152 : vector<16xi32>
      %mul3A_154 = arith.constant 16 : i32
      %mul3A_155 = vector.broadcast %mul3A_154 : i32 to vector<16xi32>
      %mul3A_156 = arith.muli %and3A_153, %mul3A_155 : vector<16xi32>
      %add3A_157 = arith.addi %mul3A_156, %iota3A : vector<16xi32>
      tpu.vector_store_idx %arg9[%add3A_157], %broadcast_in_dim3A_1 {add = true} : memref<4096xi32, #tpu.memory_space<vmem>>[vector<16xi32>], vector<16xi32>,
      %mul3A_158 = arith.constant 16 : i32
      %mul3A_159 = arith.muli %scan3A_122, %mul3A_158 : i32
      %add3A_160 = arith.constant 2 : i32
      %add3A_161 = arith.addi %mul3A_159, %add3A_160 : i32
      %mul3A_162 = arith.constant 16 : i32
      %mul3A_163 = arith.muli %add3A_161, %mul3A_162 : i32
      %get3A_164 = arith.index_cast %mul3A_163 : i32 to index
      %get3A_165 = tpu.vector_load %arg4[%get3A_164] {strides = array<i32>} : memref<16384xf32, #tpu.memory_space<vmem>>, vector<16xf32>,
      %bitcast3A_166 = vector.bitcast %get3A_165 : vector<16xf32> to vector<16xi32>
      %shift_right_logical3A_167 = arith.constant 0 : i32
      %shift_right_logical3A_168 = vector.broadcast %shift_right_logical3A_167 : i32 to vector<16xi32>
      %shift_right_logical3A_169 = arith.shrui %bitcast3A_166, %shift_right_logical3A_168 : vector<16xi32>
      %and3A_170 = arith.constant 255 : i32
      %and3A_171 = vector.broadcast %and3A_170 : i32 to vector<16xi32>
      %and3A_172 = arith.andi %shift_right_logical3A_169, %and3A_171 : vector<16xi32>
      %mul3A_173 = arith.constant 16 : i32
      %mul3A_174 = vector.broadcast %mul3A_173 : i32 to vector<16xi32>
      %mul3A_175 = arith.muli %and3A_172, %mul3A_174 : vector<16xi32>
      %add3A_176 = arith.addi %mul3A_175, %iota3A : vector<16xi32>
      tpu.vector_store_idx %arg9[%add3A_176], %broadcast_in_dim3A_1 {add = true} : memref<4096xi32, #tpu.memory_space<vmem>>[vector<16xi32>], vector<16xi32>,
      %mul3A_177 = arith.constant 16 : i32
      %mul3A_178 = arith.muli %scan3A_122, %mul3A_177 : i32
      %add3A_179 = arith.constant 3 : i32
      %add3A_180 = arith.addi %mul3A_178, %add3A_179 : i32
      %mul3A_181 = arith.constant 16 : i32
      %mul3A_182 = arith.muli %add3A_180, %mul3A_181 : i32
      %get3A_183 = arith.index_cast %mul3A_182 : i32 to index
      %get3A_184 = tpu.vector_load %arg4[%get3A_183] {strides = array<i32>} : memref<16384xf32, #tpu.memory_space<vmem>>, vector<16xf32>,
      %bitcast3A_185 = vector.bitcast %get3A_184 : vector<16xf32> to vector<16xi32>
      %shift_right_logical3A_186 = arith.constant 0 : i32
      %shift_right_logical3A_187 = vector.broadcast %shift_right_logical3A_186 : i32 to vector<16xi32>
      %shift_right_logical3A_188 = arith.shrui %bitcast3A_185, %shift_right_logical3A_187 : vector<16xi32>
      %and3A_189 = arith.constant 255 : i32
      %and3A_190 = vector.broadcast %and3A_189 : i32 to vector<16xi32>
      %and3A_191 = arith.andi %shift_right_logical3A_188, %and3A_190 : vector<16xi32>
      %mul3A_192 = arith.constant 16 : i32
      %mul3A_193 = vector.broadcast %mul3A_192 : i32 to vector<16xi32>
      %mul3A_194 = arith.muli %and3A_191, %mul3A_193 : vector<16xi32>
      %add3A_195 = arith.addi %mul3A_194, %iota3A : vector<16xi32>
      tpu.vector_store_idx %arg9[%add3A_195], %broadcast_in_dim3A_1 {add = true} : memref<4096xi32, #tpu.memory_space<vmem>>[vector<16xi32>], vector<16xi32>,
      %mul3A_196 = arith.constant 16 : i32
      %mul3A_197 = arith.muli %scan3A_122, %mul3A_196 : i32
      %add3A_198 = arith.constant 4 : i32
      %add3A_199 = arith.addi %mul3A_197, %add3A_198 : i32
      %mul3A_200 = arith.constant 16 : i32
      %mul3A_201 = arith.muli %add3A_199, %mul3A_200 : i32
      %get3A_202 = arith.index_cast %mul3A_201 : i32 to index
      %get3A_203 = tpu.vector_load %arg4[%get3A_202] {strides = array<i32>} : memref<16384xf32, #tpu.memory_space<vmem>>, vector<16xf32>,
      %bitcast3A_204 = vector.bitcast %get3A_203 : vector<16xf32> to vector<16xi32>
      %shift_right_logical3A_205 = arith.constant 0 : i32
      %shift_right_logical3A_206 = vector.broadcast %shift_right_logical3A_205 : i32 to vector<16xi32>
      %shift_right_logical3A_207 = arith.shrui %bitcast3A_204, %shift_right_logical3A_206 : vector<16xi32>
      %and3A_208 = arith.constant 255 : i32
      %and3A_209 = vector.broadcast %and3A_208 : i32 to vector<16xi32>
      %and3A_210 = arith.andi %shift_right_logical3A_207, %and3A_209 : vector<16xi32>
      %mul3A_211 = arith.constant 16 : i32
      %mul3A_212 = vector.broadcast %mul3A_211 : i32 to vector<16xi32>
      %mul3A_213 = arith.muli %and3A_210, %mul3A_212 : vector<16xi32>
      %add3A_214 = arith.addi %mul3A_213, %iota3A : vector<16xi32>
      tpu.vector_store_idx %arg9[%add3A_214], %broadcast_in_dim3A_1 {add = true} : memref<4096xi32, #tpu.memory_space<vmem>>[vector<16xi32>], vector<16xi32>,
      %mul3A_215 = arith.constant 16 : i32
      %mul3A_216 = arith.muli %scan3A_122, %mul3A_215 : i32
      %add3A_217 = arith.constant 5 : i32
      %add3A_218 = arith.addi %mul3A_216, %add3A_217 : i32
      %mul3A_219 = arith.constant 16 : i32
      %mul3A_220 = arith.muli %add3A_218, %mul3A_219 : i32
      %get3A_221 = arith.index_cast %mul3A_220 : i32 to index
      %get3A_222 = tpu.vector_load %arg4[%get3A_221] {strides = array<i32>} : memref<16384xf32, #tpu.memory_space<vmem>>, vector<16xf32>,
      %bitcast3A_223 = vector.bitcast %get3A_222 : vector<16xf32> to vector<16xi32>
      %shift_right_logical3A_224 = arith.constant 0 : i32
      %shift_right_logical3A_225 = vector.broadcast %shift_right_logical3A_224 : i32 to vector<16xi32>
      %shift_right_logical3A_226 = arith.shrui %bitcast3A_223, %shift_right_logical3A_225 : vector<16xi32>
      %and3A_227 = arith.constant 255 : i32
      %and3A_228 = vector.broadcast %and3A_227 : i32 to vector<16xi32>
      %and3A_229 = arith.andi %shift_right_logical3A_226, %and3A_228 : vector<16xi32>
      %mul3A_230 = arith.constant 16 : i32
      %mul3A_231 = vector.broadcast %mul3A_230 : i32 to vector<16xi32>
      %mul3A_232 = arith.muli %and3A_229, %mul3A_231 : vector<16xi32>
      %add3A_233 = arith.addi %mul3A_232, %iota3A : vector<16xi32>
      tpu.vector_store_idx %arg9[%add3A_233], %broadcast_in_dim3A_1 {add = true} : memref<4096xi32, #tpu.memory_space<vmem>>[vector<16xi32>], vector<16xi32>,
      %mul3A_234 = arith.constant 16 : i32
      %mul3A_235 = arith.muli %scan3A_122, %mul3A_234 : i32
      %add3A_236 = arith.constant 6 : i32
      %add3A_237 = arith.addi %mul3A_235, %add3A_236 : i32
      %mul3A_238 = arith.constant 16 : i32
      %mul3A_239 = arith.muli %add3A_237, %mul3A_238 : i32
      %get3A_240 = arith.index_cast %mul3A_239 : i32 to index
      %get3A_241 = tpu.vector_load %arg4[%get3A_240] {strides = array<i32>} : memref<16384xf32, #tpu.memory_space<vmem>>, vector<16xf32>,
      %bitcast3A_242 = vector.bitcast %get3A_241 : vector<16xf32> to vector<16xi32>
      %shift_right_logical3A_243 = arith.constant 0 : i32
      %shift_right_logical3A_244 = vector.broadcast %shift_right_logical3A_243 : i32 to vector<16xi32>
      %shift_right_logical3A_245 = arith.shrui %bitcast3A_242, %shift_right_logical3A_244 : vector<16xi32>
      %and3A_246 = arith.constant 255 : i32
      %and3A_247 = vector.broadcast %and3A_246 : i32 to vector<16xi32>
      %and3A_248 = arith.andi %shift_right_logical3A_245, %and3A_247 : vector<16xi32>
      %mul3A_249 = arith.constant 16 : i32
      %mul3A_250 = vector.broadcast %mul3A_249 : i32 to vector<16xi32>
      %mul3A_251 = arith.muli %and3A_248, %mul3A_250 : vector<16xi32>
      %add3A_252 = arith.addi %mul3A_251, %iota3A : vector<16xi32>
      tpu.vector_store_idx %arg9[%add3A_252], %broadcast_in_dim3A_1 {add = true} : memref<4096xi32, #tpu.memory_space<vmem>>[vector<16xi32>], vector<16xi32>,
      %mul3A_253 = arith.constant 16 : i32
      %mul3A_254 = arith.muli %scan3A_122, %mul3A_253 : i32
      %add3A_255 = arith.constant 7 : i32
      %add3A_256 = arith.addi %mul3A_254, %add3A_255 : i32
      %mul3A_257 = arith.constant 16 : i32
      %mul3A_258 = arith.muli %add3A_256, %mul3A_257 : i32
      %get3A_259 = arith.index_cast %mul3A_258 : i32 to index
      %get3A_260 = tpu.vector_load %arg4[%get3A_259] {strides = array<i32>} : memref<16384xf32, #tpu.memory_space<vmem>>, vector<16xf32>,
      %bitcast3A_261 = vector.bitcast %get3A_260 : vector<16xf32> to vector<16xi32>
      %shift_right_logical3A_262 = arith.constant 0 : i32
      %shift_right_logical3A_263 = vector.broadcast %shift_right_logical3A_262 : i32 to vector<16xi32>
      %shift_right_logical3A_264 = arith.shrui %bitcast3A_261, %shift_right_logical3A_263 : vector<16xi32>
      %and3A_265 = arith.constant 255 : i32
      %and3A_266 = vector.broadcast %and3A_265 : i32 to vector<16xi32>
      %and3A_267 = arith.andi %shift_right_logical3A_264, %and3A_266 : vector<16xi32>
      %mul3A_268 = arith.constant 16 : i32
      %mul3A_269 = vector.broadcast %mul3A_268 : i32 to vector<16xi32>
      %mul3A_270 = arith.muli %and3A_267, %mul3A_269 : vector<16xi32>
      %add3A_271 = arith.addi %mul3A_270, %iota3A : vector<16xi32>
      tpu.vector_store_idx %arg9[%add3A_271], %broadcast_in_dim3A_1 {add = true} : memref<4096xi32, #tpu.memory_space<vmem>>[vector<16xi32>], vector<16xi32>,
      %mul3A_272 = arith.constant 16 : i32
      %mul3A_273 = arith.muli %scan3A_122, %mul3A_272 : i32
      %add3A_274 = arith.constant 8 : i32
      %add3A_275 = arith.addi %mul3A_273, %add3A_274 : i32
      %mul3A_276 = arith.constant 16 : i32
      %mul3A_277 = arith.muli %add3A_275, %mul3A_276 : i32
      %get3A_278 = arith.index_cast %mul3A_277 : i32 to index
      %get3A_279 = tpu.vector_load %arg4[%get3A_278] {strides = array<i32>} : memref<16384xf32, #tpu.memory_space<vmem>>, vector<16xf32>,
      %bitcast3A_280 = vector.bitcast %get3A_279 : vector<16xf32> to vector<16xi32>
      %shift_right_logical3A_281 = arith.constant 0 : i32
      %shift_right_logical3A_282 = vector.broadcast %shift_right_logical3A_281 : i32 to vector<16xi32>
      %shift_right_logical3A_283 = arith.shrui %bitcast3A_280, %shift_right_logical3A_282 : vector<16xi32>
      %and3A_284 = arith.constant 255 : i32
      %and3A_285 = vector.broadcast %and3A_284 : i32 to vector<16xi32>
      %and3A_286 = arith.andi %shift_right_logical3A_283, %and3A_285 : vector<16xi32>
      %mul3A_287 = arith.constant 16 : i32
      %mul3A_288 = vector.broadcast %mul3A_287 : i32 to vector<16xi32>
      %mul3A_289 = arith.muli %and3A_286, %mul3A_288 : vector<16xi32>
      %add3A_290 = arith.addi %mul3A_289, %iota3A : vector<16xi32>
      tpu.vector_store_idx %arg9[%add3A_290], %broadcast_in_dim3A_1 {add = true} : memref<4096xi32, #tpu.memory_space<vmem>>[vector<16xi32>], vector<16xi32>,
      %mul3A_291 = arith.constant 16 : i32
      %mul3A_292 = arith.muli %scan3A_122, %mul3A_291 : i32
      %add3A_293 = arith.constant 9 : i32
      %add3A_294 = arith.addi %mul3A_292, %add3A_293 : i32
      %mul3A_295 = arith.constant 16 : i32
      %mul3A_296 = arith.muli %add3A_294, %mul3A_295 : i32
      %get3A_297 = arith.index_cast %mul3A_296 : i32 to index
      %get3A_298 = tpu.vector_load %arg4[%get3A_297] {strides = array<i32>} : memref<16384xf32, #tpu.memory_space<vmem>>, vector<16xf32>,
      %bitcast3A_299 = vector.bitcast %get3A_298 : vector<16xf32> to vector<16xi32>
      %shift_right_logical3A_300 = arith.constant 0 : i32
      %shift_right_logical3A_301 = vector.broadcast %shift_right_logical3A_300 : i32 to vector<16xi32>
      %shift_right_logical3A_302 = arith.shrui %bitcast3A_299, %shift_right_logical3A_301 : vector<16xi32>
      %and3A_303 = arith.constant 255 : i32
      %and3A_304 = vector.broadcast %and3A_303 : i32 to vector<16xi32>
      %and3A_305 = arith.andi %shift_right_logical3A_302, %and3A_304 : vector<16xi32>
      %mul3A_306 = arith.constant 16 : i32
      %mul3A_307 = vector.broadcast %mul3A_306 : i32 to vector<16xi32>
      %mul3A_308 = arith.muli %and3A_305, %mul3A_307 : vector<16xi32>
      %add3A_309 = arith.addi %mul3A_308, %iota3A : vector<16xi32>
      tpu.vector_store_idx %arg9[%add3A_309], %broadcast_in_dim3A_1 {add = true} : memref<4096xi32, #tpu.memory_space<vmem>>[vector<16xi32>], vector<16xi32>,
      %mul3A_310 = arith.constant 16 : i32
      %mul3A_311 = arith.muli %scan3A_122, %mul3A_310 : i32
      %add3A_312 = arith.constant 10 : i32
      %add3A_313 = arith.addi %mul3A_311, %add3A_312 : i32
      %mul3A_314 = arith.constant 16 : i32
      %mul3A_315 = arith.muli %add3A_313, %mul3A_314 : i32
      %get3A_316 = arith.index_cast %mul3A_315 : i32 to index
      %get3A_317 = tpu.vector_load %arg4[%get3A_316] {strides = array<i32>} : memref<16384xf32, #tpu.memory_space<vmem>>, vector<16xf32>,
      %bitcast3A_318 = vector.bitcast %get3A_317 : vector<16xf32> to vector<16xi32>
      %shift_right_logical3A_319 = arith.constant 0 : i32
      %shift_right_logical3A_320 = vector.broadcast %shift_right_logical3A_319 : i32 to vector<16xi32>
      %shift_right_logical3A_321 = arith.shrui %bitcast3A_318, %shift_right_logical3A_320 : vector<16xi32>
      %and3A_322 = arith.constant 255 : i32
      %and3A_323 = vector.broadcast %and3A_322 : i32 to vector<16xi32>
      %and3A_324 = arith.andi %shift_right_logical3A_321, %and3A_323 : vector<16xi32>
      %mul3A_325 = arith.constant 16 : i32
      %mul3A_326 = vector.broadcast %mul3A_325 : i32 to vector<16xi32>
      %mul3A_327 = arith.muli %and3A_324, %mul3A_326 : vector<16xi32>
      %add3A_328 = arith.addi %mul3A_327, %iota3A : vector<16xi32>
      tpu.vector_store_idx %arg9[%add3A_328], %broadcast_in_dim3A_1 {add = true} : memref<4096xi32, #tpu.memory_space<vmem>>[vector<16xi32>], vector<16xi32>,
      %mul3A_329 = arith.constant 16 : i32
      %mul3A_330 = arith.muli %scan3A_122, %mul3A_329 : i32
      %add3A_331 = arith.constant 11 : i32
      %add3A_332 = arith.addi %mul3A_330, %add3A_331 : i32
      %mul3A_333 = arith.constant 16 : i32
      %mul3A_334 = arith.muli %add3A_332, %mul3A_333 : i32
      %get3A_335 = arith.index_cast %mul3A_334 : i32 to index
      %get3A_336 = tpu.vector_load %arg4[%get3A_335] {strides = array<i32>} : memref<16384xf32, #tpu.memory_space<vmem>>, vector<16xf32>,
      %bitcast3A_337 = vector.bitcast %get3A_336 : vector<16xf32> to vector<16xi32>
      %shift_right_logical3A_338 = arith.constant 0 : i32
      %shift_right_logical3A_339 = vector.broadcast %shift_right_logical3A_338 : i32 to vector<16xi32>
      %shift_right_logical3A_340 = arith.shrui %bitcast3A_337, %shift_right_logical3A_339 : vector<16xi32>
      %and3A_341 = arith.constant 255 : i32
      %and3A_342 = vector.broadcast %and3A_341 : i32 to vector<16xi32>
      %and3A_343 = arith.andi %shift_right_logical3A_340, %and3A_342 : vector<16xi32>
      %mul3A_344 = arith.constant 16 : i32
      %mul3A_345 = vector.broadcast %mul3A_344 : i32 to vector<16xi32>
      %mul3A_346 = arith.muli %and3A_343, %mul3A_345 : vector<16xi32>
      %add3A_347 = arith.addi %mul3A_346, %iota3A : vector<16xi32>
      tpu.vector_store_idx %arg9[%add3A_347], %broadcast_in_dim3A_1 {add = true} : memref<4096xi32, #tpu.memory_space<vmem>>[vector<16xi32>], vector<16xi32>,
      %mul3A_348 = arith.constant 16 : i32
      %mul3A_349 = arith.muli %scan3A_122, %mul3A_348 : i32
      %add3A_350 = arith.constant 12 : i32
      %add3A_351 = arith.addi %mul3A_349, %add3A_350 : i32
      %mul3A_352 = arith.constant 16 : i32
      %mul3A_353 = arith.muli %add3A_351, %mul3A_352 : i32
      %get3A_354 = arith.index_cast %mul3A_353 : i32 to index
      %get3A_355 = tpu.vector_load %arg4[%get3A_354] {strides = array<i32>} : memref<16384xf32, #tpu.memory_space<vmem>>, vector<16xf32>,
      %bitcast3A_356 = vector.bitcast %get3A_355 : vector<16xf32> to vector<16xi32>
      %shift_right_logical3A_357 = arith.constant 0 : i32
      %shift_right_logical3A_358 = vector.broadcast %shift_right_logical3A_357 : i32 to vector<16xi32>
      %shift_right_logical3A_359 = arith.shrui %bitcast3A_356, %shift_right_logical3A_358 : vector<16xi32>
      %and3A_360 = arith.constant 255 : i32
      %and3A_361 = vector.broadcast %and3A_360 : i32 to vector<16xi32>
      %and3A_362 = arith.andi %shift_right_logical3A_359, %and3A_361 : vector<16xi32>
      %mul3A_363 = arith.constant 16 : i32
      %mul3A_364 = vector.broadcast %mul3A_363 : i32 to vector<16xi32>
      %mul3A_365 = arith.muli %and3A_362, %mul3A_364 : vector<16xi32>
      %add3A_366 = arith.addi %mul3A_365, %iota3A : vector<16xi32>
      tpu.vector_store_idx %arg9[%add3A_366], %broadcast_in_dim3A_1 {add = true} : memref<4096xi32, #tpu.memory_space<vmem>>[vector<16xi32>], vector<16xi32>,
      %mul3A_367 = arith.constant 16 : i32
      %mul3A_368 = arith.muli %scan3A_122, %mul3A_367 : i32
      %add3A_369 = arith.constant 13 : i32
      %add3A_370 = arith.addi %mul3A_368, %add3A_369 : i32
      %mul3A_371 = arith.constant 16 : i32
      %mul3A_372 = arith.muli %add3A_370, %mul3A_371 : i32
      %get3A_373 = arith.index_cast %mul3A_372 : i32 to index
      %get3A_374 = tpu.vector_load %arg4[%get3A_373] {strides = array<i32>} : memref<16384xf32, #tpu.memory_space<vmem>>, vector<16xf32>,
      %bitcast3A_375 = vector.bitcast %get3A_374 : vector<16xf32> to vector<16xi32>
      %shift_right_logical3A_376 = arith.constant 0 : i32
      %shift_right_logical3A_377 = vector.broadcast %shift_right_logical3A_376 : i32 to vector<16xi32>
      %shift_right_logical3A_378 = arith.shrui %bitcast3A_375, %shift_right_logical3A_377 : vector<16xi32>
      %and3A_379 = arith.constant 255 : i32
      %and3A_380 = vector.broadcast %and3A_379 : i32 to vector<16xi32>
      %and3A_381 = arith.andi %shift_right_logical3A_378, %and3A_380 : vector<16xi32>
      %mul3A_382 = arith.constant 16 : i32
      %mul3A_383 = vector.broadcast %mul3A_382 : i32 to vector<16xi32>
      %mul3A_384 = arith.muli %and3A_381, %mul3A_383 : vector<16xi32>
      %add3A_385 = arith.addi %mul3A_384, %iota3A : vector<16xi32>
      tpu.vector_store_idx %arg9[%add3A_385], %broadcast_in_dim3A_1 {add = true} : memref<4096xi32, #tpu.memory_space<vmem>>[vector<16xi32>], vector<16xi32>,
      %mul3A_386 = arith.constant 16 : i32
      %mul3A_387 = arith.muli %scan3A_122, %mul3A_386 : i32
      %add3A_388 = arith.constant 14 : i32
      %add3A_389 = arith.addi %mul3A_387, %add3A_388 : i32
      %mul3A_390 = arith.constant 16 : i32
      %mul3A_391 = arith.muli %add3A_389, %mul3A_390 : i32
      %get3A_392 = arith.index_cast %mul3A_391 : i32 to index
      %get3A_393 = tpu.vector_load %arg4[%get3A_392] {strides = array<i32>} : memref<16384xf32, #tpu.memory_space<vmem>>, vector<16xf32>,
      %bitcast3A_394 = vector.bitcast %get3A_393 : vector<16xf32> to vector<16xi32>
      %shift_right_logical3A_395 = arith.constant 0 : i32
      %shift_right_logical3A_396 = vector.broadcast %shift_right_logical3A_395 : i32 to vector<16xi32>
      %shift_right_logical3A_397 = arith.shrui %bitcast3A_394, %shift_right_logical3A_396 : vector<16xi32>
      %and3A_398 = arith.constant 255 : i32
      %and3A_399 = vector.broadcast %and3A_398 : i32 to vector<16xi32>
      %and3A_400 = arith.andi %shift_right_logical3A_397, %and3A_399 : vector<16xi32>
      %mul3A_401 = arith.constant 16 : i32
      %mul3A_402 = vector.broadcast %mul3A_401 : i32 to vector<16xi32>
      %mul3A_403 = arith.muli %and3A_400, %mul3A_402 : vector<16xi32>
      %add3A_404 = arith.addi %mul3A_403, %iota3A : vector<16xi32>
      tpu.vector_store_idx %arg9[%add3A_404], %broadcast_in_dim3A_1 {add = true} : memref<4096xi32, #tpu.memory_space<vmem>>[vector<16xi32>], vector<16xi32>,
      %mul3A_405 = arith.constant 16 : i32
      %mul3A_406 = arith.muli %scan3A_122, %mul3A_405 : i32
      %add3A_407 = arith.constant 15 : i32
      %add3A_408 = arith.addi %mul3A_406, %add3A_407 : i32
      %mul3A_409 = arith.constant 16 : i32
      %mul3A_410 = arith.muli %add3A_408, %mul3A_409 : i32
      %get3A_411 = arith.index_cast %mul3A_410 : i32 to index
      %get3A_412 = tpu.vector_load %arg4[%get3A_411] {strides = array<i32>} : memref<16384xf32, #tpu.memory_space<vmem>>, vector<16xf32>,
      %bitcast3A_413 = vector.bitcast %get3A_412 : vector<16xf32> to vector<16xi32>
      %shift_right_logical3A_414 = arith.constant 0 : i32
      %shift_right_logical3A_415 = vector.broadcast %shift_right_logical3A_414 : i32 to vector<16xi32>
      %shift_right_logical3A_416 = arith.shrui %bitcast3A_413, %shift_right_logical3A_415 : vector<16xi32>
      %and3A_417 = arith.constant 255 : i32
      %and3A_418 = vector.broadcast %and3A_417 : i32 to vector<16xi32>
      %and3A_419 = arith.andi %shift_right_logical3A_416, %and3A_418 : vector<16xi32>
      %mul3A_420 = arith.constant 16 : i32
      %mul3A_421 = vector.broadcast %mul3A_420 : i32 to vector<16xi32>
      %mul3A_422 = arith.muli %and3A_419, %mul3A_421 : vector<16xi32>
      %add3A_423 = arith.addi %mul3A_422, %iota3A : vector<16xi32>
      tpu.vector_store_idx %arg9[%add3A_423], %broadcast_in_dim3A_1 {add = true} : memref<4096xi32, #tpu.memory_space<vmem>>[vector<16xi32>], vector<16xi32>,
      %scan3A_424 = arith.constant 0 : i32
      scf.yield %scan3A_424 : i32
    }
    %scan3A_19 = arith.constant 64 : i32
    %scan3A_20 = arith.constant 0 : i32
    %scan3A_21 = arith.constant 256 : i32
    %scan3A_22 = arith.addi %scan3A_20, %scan3A_21 : i32
    %scan3A_23 = arith.constant 1 : i32
    %scan3A_24 = scf.for %scan3A_122 = %scan3A_20 to %scan3A_22 step %scan3A_23 iter_args(%scan3A_123 = %broadcast_in_dim3A_3) -> (vector<16xi32>)  : i32 {
      %mul3A_124 = arith.constant 16 : i32
      %mul3A_125 = arith.muli %scan3A_122, %mul3A_124 : i32
      %get3A = arith.index_cast %mul3A_125 : i32 to index
      %get3A_126 = tpu.vector_load %arg9[%get3A] {strides = array<i32>} : memref<4096xi32, #tpu.memory_space<vmem>>, vector<16xi32>,
      %broadcast_in_dim3A_127 = arith.constant true
      %broadcast_in_dim3A_128 = vector.broadcast %broadcast_in_dim3A_127 : i1 to vector<16xi1>
      %masked_cumsum3A = tpu.scan <sum>, %get3A_126 masked %broadcast_in_dim3A_128 : vector<16xi32>, vector<16xi1> -> vector<16xi32>
      %swap3A_129 = arith.constant 16 : index
      %swap3A_130 = tpu.vector_load %arg12[%swap3A_129] {strides = array<i32>} : memref<32xi32, #tpu.memory_space<vmem>>, vector<16xi32>,
      tpu.vector_store %arg12[%swap3A_129], %masked_cumsum3A {strides = array<i32>} : memref<32xi32, #tpu.memory_space<vmem>>, vector<16xi32>,
      %add3A_131 = arith.constant 15 : i32
      %add3A_132 = vector.broadcast %add3A_131 : i32 to vector<16xi32>
      %add3A_133 = arith.addi %iota3A, %add3A_132 : vector<16xi32>
      %gather3A = tpu.vector_load_idx %arg12[%add3A_133] : memref<32xi32, #tpu.memory_space<vmem>>[vector<16xi32>], vector<16xi32>,
      %add3A_134 = arith.addi %scan3A_123, %gather3A : vector<16xi32>
      %mul3A_135 = arith.constant 16 : i32
      %mul3A_136 = arith.muli %scan3A_122, %mul3A_135 : i32
      %swap3A_137 = arith.index_cast %mul3A_136 : i32 to index
      %swap3A_138 = tpu.vector_load %arg10[%swap3A_137] {strides = array<i32>} : memref<4096xi32, #tpu.memory_space<vmem>>, vector<16xi32>,
      tpu.vector_store %arg10[%swap3A_137], %add3A_134 {strides = array<i32>} : memref<4096xi32, #tpu.memory_space<vmem>>, vector<16xi32>,
      %gather3A_139 = tpu.vector_load_idx %arg12[%broadcast_in_dim3A_6] : memref<32xi32, #tpu.memory_space<vmem>>[vector<16xi32>], vector<16xi32>,
      %add3A_140 = arith.addi %scan3A_123, %gather3A_139 : vector<16xi32>
      scf.yield %add3A_140 : vector<16xi32>
    }
    %scan3A_25 = arith.constant 256 : i32
    %scan3A_26 = arith.constant 0 : i32
    %scan3A_27 = arith.constant 0 : i32
    %scan3A_28 = arith.constant 128 : i32
    %scan3A_29 = arith.addi %scan3A_27, %scan3A_28 : i32
    %scan3A_30 = arith.constant 1 : i32
    %scan3A_31 = scf.for %scan3A_122 = %scan3A_27 to %scan3A_29 step %scan3A_30 iter_args(%scan3A_123 = %scan3A_26) -> (i32)  : i32 {
      %mul3A_124 = arith.constant 8 : i32
      %mul3A_125 = arith.muli %scan3A_122, %mul3A_124 : i32
      %add3A_126 = arith.constant 0 : i32
      %add3A_127 = arith.addi %mul3A_125, %add3A_126 : i32
      %mul3A_128 = arith.constant 16 : i32
      %mul3A_129 = arith.muli %add3A_127, %mul3A_128 : i32
      %get3A = arith.index_cast %mul3A_129 : i32 to index
      %get3A_130 = tpu.vector_load %arg4[%get3A] {strides = array<i32>} : memref<16384xf32, #tpu.memory_space<vmem>>, vector<16xf32>,
      %mul3A_131 = arith.constant 16 : i32
      %mul3A_132 = arith.muli %add3A_127, %mul3A_131 : i32
      %add3A_133 = vector.broadcast %mul3A_132 : i32 to vector<16xi32>
      %add3A_134 = arith.addi %add3A_133, %iota3A : vector<16xi32>
      %bitcast3A = vector.bitcast %get3A_130 : vector<16xf32> to vector<16xi32>
      %shift_right_logical3A = arith.constant 0 : i32
      %shift_right_logical3A_135 = vector.broadcast %shift_right_logical3A : i32 to vector<16xi32>
      %shift_right_logical3A_136 = arith.shrui %bitcast3A, %shift_right_logical3A_135 : vector<16xi32>
      %and3A = arith.constant 255 : i32
      %and3A_137 = vector.broadcast %and3A : i32 to vector<16xi32>
      %and3A_138 = arith.andi %shift_right_logical3A_136, %and3A_137 : vector<16xi32>
      %mul3A_139 = arith.constant 16 : i32
      %mul3A_140 = vector.broadcast %mul3A_139 : i32 to vector<16xi32>
      %mul3A_141 = arith.muli %and3A_138, %mul3A_140 : vector<16xi32>
      %add3A_142 = arith.addi %mul3A_141, %iota3A : vector<16xi32>
      %gather3A = tpu.vector_load_idx %arg10[%add3A_142] : memref<4096xi32, #tpu.memory_space<vmem>>[vector<16xi32>], vector<16xi32>,
      %and3A_143 = arith.constant 1023 : i32
      %and3A_144 = vector.broadcast %and3A_143 : i32 to vector<16xi32>
      %and3A_145 = arith.andi %gather3A, %and3A_144 : vector<16xi32>
      %shift_left3A = arith.constant 4 : i32
      %shift_left3A_146 = vector.broadcast %shift_left3A : i32 to vector<16xi32>
      %shift_left3A_147 = arith.shli %and3A_145, %shift_left3A_146 : vector<16xi32>
      %shift_right_logical3A_148 = arith.constant 10 : i32
      %shift_right_logical3A_149 = vector.broadcast %shift_right_logical3A_148 : i32 to vector<16xi32>
      %shift_right_logical3A_150 = arith.shrui %gather3A, %shift_right_logical3A_149 : vector<16xi32>
      %or3A = arith.ori %shift_left3A_147, %shift_right_logical3A_150 : vector<16xi32>
      tpu.vector_store_idx %arg5[%or3A], %get3A_130 : memref<16384xf32, #tpu.memory_space<vmem>>[vector<16xi32>], vector<16xf32>,
      tpu.vector_store_idx %arg7[%or3A], %add3A_134 : memref<16384xi32, #tpu.memory_space<vmem>>[vector<16xi32>], vector<16xi32>,
      tpu.vector_store_idx %arg10[%add3A_142], %broadcast_in_dim3A_1 {add = true} : memref<4096xi32, #tpu.memory_space<vmem>>[vector<16xi32>], vector<16xi32>,
      %mul3A_151 = arith.constant 8 : i32
      %mul3A_152 = arith.muli %scan3A_122, %mul3A_151 : i32
      %add3A_153 = arith.constant 1 : i32
      %add3A_154 = arith.addi %mul3A_152, %add3A_153 : i32
      %mul3A_155 = arith.constant 16 : i32
      %mul3A_156 = arith.muli %add3A_154, %mul3A_155 : i32
      %get3A_157 = arith.index_cast %mul3A_156 : i32 to index
      %get3A_158 = tpu.vector_load %arg4[%get3A_157] {strides = array<i32>} : memref<16384xf32, #tpu.memory_space<vmem>>, vector<16xf32>,
      %mul3A_159 = arith.constant 16 : i32
      %mul3A_160 = arith.muli %add3A_154, %mul3A_159 : i32
      %add3A_161 = vector.broadcast %mul3A_160 : i32 to vector<16xi32>
      %add3A_162 = arith.addi %add3A_161, %iota3A : vector<16xi32>
      %bitcast3A_163 = vector.bitcast %get3A_158 : vector<16xf32> to vector<16xi32>
      %shift_right_logical3A_164 = arith.constant 0 : i32
      %shift_right_logical3A_165 = vector.broadcast %shift_right_logical3A_164 : i32 to vector<16xi32>
      %shift_right_logical3A_166 = arith.shrui %bitcast3A_163, %shift_right_logical3A_165 : vector<16xi32>
      %and3A_167 = arith.constant 255 : i32
      %and3A_168 = vector.broadcast %and3A_167 : i32 to vector<16xi32>
      %and3A_169 = arith.andi %shift_right_logical3A_166, %and3A_168 : vector<16xi32>
      %mul3A_170 = arith.constant 16 : i32
      %mul3A_171 = vector.broadcast %mul3A_170 : i32 to vector<16xi32>
      %mul3A_172 = arith.muli %and3A_169, %mul3A_171 : vector<16xi32>
      %add3A_173 = arith.addi %mul3A_172, %iota3A : vector<16xi32>
      %gather3A_174 = tpu.vector_load_idx %arg10[%add3A_173] : memref<4096xi32, #tpu.memory_space<vmem>>[vector<16xi32>], vector<16xi32>,
      %and3A_175 = arith.constant 1023 : i32
      %and3A_176 = vector.broadcast %and3A_175 : i32 to vector<16xi32>
      %and3A_177 = arith.andi %gather3A_174, %and3A_176 : vector<16xi32>
      %shift_left3A_178 = arith.constant 4 : i32
      %shift_left3A_179 = vector.broadcast %shift_left3A_178 : i32 to vector<16xi32>
      %shift_left3A_180 = arith.shli %and3A_177, %shift_left3A_179 : vector<16xi32>
      %shift_right_logical3A_181 = arith.constant 10 : i32
      %shift_right_logical3A_182 = vector.broadcast %shift_right_logical3A_181 : i32 to vector<16xi32>
      %shift_right_logical3A_183 = arith.shrui %gather3A_174, %shift_right_logical3A_182 : vector<16xi32>
      %or3A_184 = arith.ori %shift_left3A_180, %shift_right_logical3A_183 : vector<16xi32>
      tpu.vector_store_idx %arg5[%or3A_184], %get3A_158 : memref<16384xf32, #tpu.memory_space<vmem>>[vector<16xi32>], vector<16xf32>,
      tpu.vector_store_idx %arg7[%or3A_184], %add3A_162 : memref<16384xi32, #tpu.memory_space<vmem>>[vector<16xi32>], vector<16xi32>,
      tpu.vector_store_idx %arg10[%add3A_173], %broadcast_in_dim3A_1 {add = true} : memref<4096xi32, #tpu.memory_space<vmem>>[vector<16xi32>], vector<16xi32>,
      %mul3A_185 = arith.constant 8 : i32
      %mul3A_186 = arith.muli %scan3A_122, %mul3A_185 : i32
      %add3A_187 = arith.constant 2 : i32
      %add3A_188 = arith.addi %mul3A_186, %add3A_187 : i32
      %mul3A_189 = arith.constant 16 : i32
      %mul3A_190 = arith.muli %add3A_188, %mul3A_189 : i32
      %get3A_191 = arith.index_cast %mul3A_190 : i32 to index
      %get3A_192 = tpu.vector_load %arg4[%get3A_191] {strides = array<i32>} : memref<16384xf32, #tpu.memory_space<vmem>>, vector<16xf32>,
      %mul3A_193 = arith.constant 16 : i32
      %mul3A_194 = arith.muli %add3A_188, %mul3A_193 : i32
      %add3A_195 = vector.broadcast %mul3A_194 : i32 to vector<16xi32>
      %add3A_196 = arith.addi %add3A_195, %iota3A : vector<16xi32>
      %bitcast3A_197 = vector.bitcast %get3A_192 : vector<16xf32> to vector<16xi32>
      %shift_right_logical3A_198 = arith.constant 0 : i32
      %shift_right_logical3A_199 = vector.broadcast %shift_right_logical3A_198 : i32 to vector<16xi32>
      %shift_right_logical3A_200 = arith.shrui %bitcast3A_197, %shift_right_logical3A_199 : vector<16xi32>
      %and3A_201 = arith.constant 255 : i32
      %and3A_202 = vector.broadcast %and3A_201 : i32 to vector<16xi32>
      %and3A_203 = arith.andi %shift_right_logical3A_200, %and3A_202 : vector<16xi32>
      %mul3A_204 = arith.constant 16 : i32
      %mul3A_205 = vector.broadcast %mul3A_204 : i32 to vector<16xi32>
      %mul3A_206 = arith.muli %and3A_203, %mul3A_205 : vector<16xi32>
      %add3A_207 = arith.addi %mul3A_206, %iota3A : vector<16xi32>
      %gather3A_208 = tpu.vector_load_idx %arg10[%add3A_207] : memref<4096xi32, #tpu.memory_space<vmem>>[vector<16xi32>], vector<16xi32>,
      %and3A_209 = arith.constant 1023 : i32
      %and3A_210 = vector.broadcast %and3A_209 : i32 to vector<16xi32>
      %and3A_211 = arith.andi %gather3A_208, %and3A_210 : vector<16xi32>
      %shift_left3A_212 = arith.constant 4 : i32
      %shift_left3A_213 = vector.broadcast %shift_left3A_212 : i32 to vector<16xi32>
      %shift_left3A_214 = arith.shli %and3A_211, %shift_left3A_213 : vector<16xi32>
      %shift_right_logical3A_215 = arith.constant 10 : i32
      %shift_right_logical3A_216 = vector.broadcast %shift_right_logical3A_215 : i32 to vector<16xi32>
      %shift_right_logical3A_217 = arith.shrui %gather3A_208, %shift_right_logical3A_216 : vector<16xi32>
      %or3A_218 = arith.ori %shift_left3A_214, %shift_right_logical3A_217 : vector<16xi32>
      tpu.vector_store_idx %arg5[%or3A_218], %get3A_192 : memref<16384xf32, #tpu.memory_space<vmem>>[vector<16xi32>], vector<16xf32>,
      tpu.vector_store_idx %arg7[%or3A_218], %add3A_196 : memref<16384xi32, #tpu.memory_space<vmem>>[vector<16xi32>], vector<16xi32>,
      tpu.vector_store_idx %arg10[%add3A_207], %broadcast_in_dim3A_1 {add = true} : memref<4096xi32, #tpu.memory_space<vmem>>[vector<16xi32>], vector<16xi32>,
      %mul3A_219 = arith.constant 8 : i32
      %mul3A_220 = arith.muli %scan3A_122, %mul3A_219 : i32
      %add3A_221 = arith.constant 3 : i32
      %add3A_222 = arith.addi %mul3A_220, %add3A_221 : i32
      %mul3A_223 = arith.constant 16 : i32
      %mul3A_224 = arith.muli %add3A_222, %mul3A_223 : i32
      %get3A_225 = arith.index_cast %mul3A_224 : i32 to index
      %get3A_226 = tpu.vector_load %arg4[%get3A_225] {strides = array<i32>} : memref<16384xf32, #tpu.memory_space<vmem>>, vector<16xf32>,
      %mul3A_227 = arith.constant 16 : i32
      %mul3A_228 = arith.muli %add3A_222, %mul3A_227 : i32
      %add3A_229 = vector.broadcast %mul3A_228 : i32 to vector<16xi32>
      %add3A_230 = arith.addi %add3A_229, %iota3A : vector<16xi32>
      %bitcast3A_231 = vector.bitcast %get3A_226 : vector<16xf32> to vector<16xi32>
      %shift_right_logical3A_232 = arith.constant 0 : i32
      %shift_right_logical3A_233 = vector.broadcast %shift_right_logical3A_232 : i32 to vector<16xi32>
      %shift_right_logical3A_234 = arith.shrui %bitcast3A_231, %shift_right_logical3A_233 : vector<16xi32>
      %and3A_235 = arith.constant 255 : i32
      %and3A_236 = vector.broadcast %and3A_235 : i32 to vector<16xi32>
      %and3A_237 = arith.andi %shift_right_logical3A_234, %and3A_236 : vector<16xi32>
      %mul3A_238 = arith.constant 16 : i32
      %mul3A_239 = vector.broadcast %mul3A_238 : i32 to vector<16xi32>
      %mul3A_240 = arith.muli %and3A_237, %mul3A_239 : vector<16xi32>
      %add3A_241 = arith.addi %mul3A_240, %iota3A : vector<16xi32>
      %gather3A_242 = tpu.vector_load_idx %arg10[%add3A_241] : memref<4096xi32, #tpu.memory_space<vmem>>[vector<16xi32>], vector<16xi32>,
      %and3A_243 = arith.constant 1023 : i32
      %and3A_244 = vector.broadcast %and3A_243 : i32 to vector<16xi32>
      %and3A_245 = arith.andi %gather3A_242, %and3A_244 : vector<16xi32>
      %shift_left3A_246 = arith.constant 4 : i32
      %shift_left3A_247 = vector.broadcast %shift_left3A_246 : i32 to vector<16xi32>
      %shift_left3A_248 = arith.shli %and3A_245, %shift_left3A_247 : vector<16xi32>
      %shift_right_logical3A_249 = arith.constant 10 : i32
      %shift_right_logical3A_250 = vector.broadcast %shift_right_logical3A_249 : i32 to vector<16xi32>
      %shift_right_logical3A_251 = arith.shrui %gather3A_242, %shift_right_logical3A_250 : vector<16xi32>
      %or3A_252 = arith.ori %shift_left3A_248, %shift_right_logical3A_251 : vector<16xi32>
      tpu.vector_store_idx %arg5[%or3A_252], %get3A_226 : memref<16384xf32, #tpu.memory_space<vmem>>[vector<16xi32>], vector<16xf32>,
      tpu.vector_store_idx %arg7[%or3A_252], %add3A_230 : memref<16384xi32, #tpu.memory_space<vmem>>[vector<16xi32>], vector<16xi32>,
      tpu.vector_store_idx %arg10[%add3A_241], %broadcast_in_dim3A_1 {add = true} : memref<4096xi32, #tpu.memory_space<vmem>>[vector<16xi32>], vector<16xi32>,
      %mul3A_253 = arith.constant 8 : i32
      %mul3A_254 = arith.muli %scan3A_122, %mul3A_253 : i32
      %add3A_255 = arith.constant 4 : i32
      %add3A_256 = arith.addi %mul3A_254, %add3A_255 : i32
      %mul3A_257 = arith.constant 16 : i32
      %mul3A_258 = arith.muli %add3A_256, %mul3A_257 : i32
      %get3A_259 = arith.index_cast %mul3A_258 : i32 to index
      %get3A_260 = tpu.vector_load %arg4[%get3A_259] {strides = array<i32>} : memref<16384xf32, #tpu.memory_space<vmem>>, vector<16xf32>,
      %mul3A_261 = arith.constant 16 : i32
      %mul3A_262 = arith.muli %add3A_256, %mul3A_261 : i32
      %add3A_263 = vector.broadcast %mul3A_262 : i32 to vector<16xi32>
      %add3A_264 = arith.addi %add3A_263, %iota3A : vector<16xi32>
      %bitcast3A_265 = vector.bitcast %get3A_260 : vector<16xf32> to vector<16xi32>
      %shift_right_logical3A_266 = arith.constant 0 : i32
      %shift_right_logical3A_267 = vector.broadcast %shift_right_logical3A_266 : i32 to vector<16xi32>
      %shift_right_logical3A_268 = arith.shrui %bitcast3A_265, %shift_right_logical3A_267 : vector<16xi32>
      %and3A_269 = arith.constant 255 : i32
      %and3A_270 = vector.broadcast %and3A_269 : i32 to vector<16xi32>
      %and3A_271 = arith.andi %shift_right_logical3A_268, %and3A_270 : vector<16xi32>
      %mul3A_272 = arith.constant 16 : i32
      %mul3A_273 = vector.broadcast %mul3A_272 : i32 to vector<16xi32>
      %mul3A_274 = arith.muli %and3A_271, %mul3A_273 : vector<16xi32>
      %add3A_275 = arith.addi %mul3A_274, %iota3A : vector<16xi32>
      %gather3A_276 = tpu.vector_load_idx %arg10[%add3A_275] : memref<4096xi32, #tpu.memory_space<vmem>>[vector<16xi32>], vector<16xi32>,
      %and3A_277 = arith.constant 1023 : i32
      %and3A_278 = vector.broadcast %and3A_277 : i32 to vector<16xi32>
      %and3A_279 = arith.andi %gather3A_276, %and3A_278 : vector<16xi32>
      %shift_left3A_280 = arith.constant 4 : i32
      %shift_left3A_281 = vector.broadcast %shift_left3A_280 : i32 to vector<16xi32>
      %shift_left3A_282 = arith.shli %and3A_279, %shift_left3A_281 : vector<16xi32>
      %shift_right_logical3A_283 = arith.constant 10 : i32
      %shift_right_logical3A_284 = vector.broadcast %shift_right_logical3A_283 : i32 to vector<16xi32>
      %shift_right_logical3A_285 = arith.shrui %gather3A_276, %shift_right_logical3A_284 : vector<16xi32>
      %or3A_286 = arith.ori %shift_left3A_282, %shift_right_logical3A_285 : vector<16xi32>
      tpu.vector_store_idx %arg5[%or3A_286], %get3A_260 : memref<16384xf32, #tpu.memory_space<vmem>>[vector<16xi32>], vector<16xf32>,
      tpu.vector_store_idx %arg7[%or3A_286], %add3A_264 : memref<16384xi32, #tpu.memory_space<vmem>>[vector<16xi32>], vector<16xi32>,
      tpu.vector_store_idx %arg10[%add3A_275], %broadcast_in_dim3A_1 {add = true} : memref<4096xi32, #tpu.memory_space<vmem>>[vector<16xi32>], vector<16xi32>,
      %mul3A_287 = arith.constant 8 : i32
      %mul3A_288 = arith.muli %scan3A_122, %mul3A_287 : i32
      %add3A_289 = arith.constant 5 : i32
      %add3A_290 = arith.addi %mul3A_288, %add3A_289 : i32
      %mul3A_291 = arith.constant 16 : i32
      %mul3A_292 = arith.muli %add3A_290, %mul3A_291 : i32
      %get3A_293 = arith.index_cast %mul3A_292 : i32 to index
      %get3A_294 = tpu.vector_load %arg4[%get3A_293] {strides = array<i32>} : memref<16384xf32, #tpu.memory_space<vmem>>, vector<16xf32>,
      %mul3A_295 = arith.constant 16 : i32
      %mul3A_296 = arith.muli %add3A_290, %mul3A_295 : i32
      %add3A_297 = vector.broadcast %mul3A_296 : i32 to vector<16xi32>
      %add3A_298 = arith.addi %add3A_297, %iota3A : vector<16xi32>
      %bitcast3A_299 = vector.bitcast %get3A_294 : vector<16xf32> to vector<16xi32>
      %shift_right_logical3A_300 = arith.constant 0 : i32
      %shift_right_logical3A_301 = vector.broadcast %shift_right_logical3A_300 : i32 to vector<16xi32>
      %shift_right_logical3A_302 = arith.shrui %bitcast3A_299, %shift_right_logical3A_301 : vector<16xi32>
      %and3A_303 = arith.constant 255 : i32
      %and3A_304 = vector.broadcast %and3A_303 : i32 to vector<16xi32>
      %and3A_305 = arith.andi %shift_right_logical3A_302, %and3A_304 : vector<16xi32>
      %mul3A_306 = arith.constant 16 : i32
      %mul3A_307 = vector.broadcast %mul3A_306 : i32 to vector<16xi32>
      %mul3A_308 = arith.muli %and3A_305, %mul3A_307 : vector<16xi32>
      %add3A_309 = arith.addi %mul3A_308, %iota3A : vector<16xi32>
      %gather3A_310 = tpu.vector_load_idx %arg10[%add3A_309] : memref<4096xi32, #tpu.memory_space<vmem>>[vector<16xi32>], vector<16xi32>,
      %and3A_311 = arith.constant 1023 : i32
      %and3A_312 = vector.broadcast %and3A_311 : i32 to vector<16xi32>
      %and3A_313 = arith.andi %gather3A_310, %and3A_312 : vector<16xi32>
      %shift_left3A_314 = arith.constant 4 : i32
      %shift_left3A_315 = vector.broadcast %shift_left3A_314 : i32 to vector<16xi32>
      %shift_left3A_316 = arith.shli %and3A_313, %shift_left3A_315 : vector<16xi32>
      %shift_right_logical3A_317 = arith.constant 10 : i32
      %shift_right_logical3A_318 = vector.broadcast %shift_right_logical3A_317 : i32 to vector<16xi32>
      %shift_right_logical3A_319 = arith.shrui %gather3A_310, %shift_right_logical3A_318 : vector<16xi32>
      %or3A_320 = arith.ori %shift_left3A_316, %shift_right_logical3A_319 : vector<16xi32>
      tpu.vector_store_idx %arg5[%or3A_320], %get3A_294 : memref<16384xf32, #tpu.memory_space<vmem>>[vector<16xi32>], vector<16xf32>,
      tpu.vector_store_idx %arg7[%or3A_320], %add3A_298 : memref<16384xi32, #tpu.memory_space<vmem>>[vector<16xi32>], vector<16xi32>,
      tpu.vector_store_idx %arg10[%add3A_309], %broadcast_in_dim3A_1 {add = true} : memref<4096xi32, #tpu.memory_space<vmem>>[vector<16xi32>], vector<16xi32>,
      %mul3A_321 = arith.constant 8 : i32
      %mul3A_322 = arith.muli %scan3A_122, %mul3A_321 : i32
      %add3A_323 = arith.constant 6 : i32
      %add3A_324 = arith.addi %mul3A_322, %add3A_323 : i32
      %mul3A_325 = arith.constant 16 : i32
      %mul3A_326 = arith.muli %add3A_324, %mul3A_325 : i32
      %get3A_327 = arith.index_cast %mul3A_326 : i32 to index
      %get3A_328 = tpu.vector_load %arg4[%get3A_327] {strides = array<i32>} : memref<16384xf32, #tpu.memory_space<vmem>>, vector<16xf32>,
      %mul3A_329 = arith.constant 16 : i32
      %mul3A_330 = arith.muli %add3A_324, %mul3A_329 : i32
      %add3A_331 = vector.broadcast %mul3A_330 : i32 to vector<16xi32>
      %add3A_332 = arith.addi %add3A_331, %iota3A : vector<16xi32>
      %bitcast3A_333 = vector.bitcast %get3A_328 : vector<16xf32> to vector<16xi32>
      %shift_right_logical3A_334 = arith.constant 0 : i32
      %shift_right_logical3A_335 = vector.broadcast %shift_right_logical3A_334 : i32 to vector<16xi32>
      %shift_right_logical3A_336 = arith.shrui %bitcast3A_333, %shift_right_logical3A_335 : vector<16xi32>
      %and3A_337 = arith.constant 255 : i32
      %and3A_338 = vector.broadcast %and3A_337 : i32 to vector<16xi32>
      %and3A_339 = arith.andi %shift_right_logical3A_336, %and3A_338 : vector<16xi32>
      %mul3A_340 = arith.constant 16 : i32
      %mul3A_341 = vector.broadcast %mul3A_340 : i32 to vector<16xi32>
      %mul3A_342 = arith.muli %and3A_339, %mul3A_341 : vector<16xi32>
      %add3A_343 = arith.addi %mul3A_342, %iota3A : vector<16xi32>
      %gather3A_344 = tpu.vector_load_idx %arg10[%add3A_343] : memref<4096xi32, #tpu.memory_space<vmem>>[vector<16xi32>], vector<16xi32>,
      %and3A_345 = arith.constant 1023 : i32
      %and3A_346 = vector.broadcast %and3A_345 : i32 to vector<16xi32>
      %and3A_347 = arith.andi %gather3A_344, %and3A_346 : vector<16xi32>
      %shift_left3A_348 = arith.constant 4 : i32
      %shift_left3A_349 = vector.broadcast %shift_left3A_348 : i32 to vector<16xi32>
      %shift_left3A_350 = arith.shli %and3A_347, %shift_left3A_349 : vector<16xi32>
      %shift_right_logical3A_351 = arith.constant 10 : i32
      %shift_right_logical3A_352 = vector.broadcast %shift_right_logical3A_351 : i32 to vector<16xi32>
      %shift_right_logical3A_353 = arith.shrui %gather3A_344, %shift_right_logical3A_352 : vector<16xi32>
      %or3A_354 = arith.ori %shift_left3A_350, %shift_right_logical3A_353 : vector<16xi32>
      tpu.vector_store_idx %arg5[%or3A_354], %get3A_328 : memref<16384xf32, #tpu.memory_space<vmem>>[vector<16xi32>], vector<16xf32>,
      tpu.vector_store_idx %arg7[%or3A_354], %add3A_332 : memref<16384xi32, #tpu.memory_space<vmem>>[vector<16xi32>], vector<16xi32>,
      tpu.vector_store_idx %arg10[%add3A_343], %broadcast_in_dim3A_1 {add = true} : memref<4096xi32, #tpu.memory_space<vmem>>[vector<16xi32>], vector<16xi32>,
      %mul3A_355 = arith.constant 8 : i32
      %mul3A_356 = arith.muli %scan3A_122, %mul3A_355 : i32
      %add3A_357 = arith.constant 7 : i32
      %add3A_358 = arith.addi %mul3A_356, %add3A_357 : i32
      %mul3A_359 = arith.constant 16 : i32
      %mul3A_360 = arith.muli %add3A_358, %mul3A_359 : i32
      %get3A_361 = arith.index_cast %mul3A_360 : i32 to index
      %get3A_362 = tpu.vector_load %arg4[%get3A_361] {strides = array<i32>} : memref<16384xf32, #tpu.memory_space<vmem>>, vector<16xf32>,
      %mul3A_363 = arith.constant 16 : i32
      %mul3A_364 = arith.muli %add3A_358, %mul3A_363 : i32
      %add3A_365 = vector.broadcast %mul3A_364 : i32 to vector<16xi32>
      %add3A_366 = arith.addi %add3A_365, %iota3A : vector<16xi32>
      %bitcast3A_367 = vector.bitcast %get3A_362 : vector<16xf32> to vector<16xi32>
      %shift_right_logical3A_368 = arith.constant 0 : i32
      %shift_right_logical3A_369 = vector.broadcast %shift_right_logical3A_368 : i32 to vector<16xi32>
      %shift_right_logical3A_370 = arith.shrui %bitcast3A_367, %shift_right_logical3A_369 : vector<16xi32>
      %and3A_371 = arith.constant 255 : i32
      %and3A_372 = vector.broadcast %and3A_371 : i32 to vector<16xi32>
      %and3A_373 = arith.andi %shift_right_logical3A_370, %and3A_372 : vector<16xi32>
      %mul3A_374 = arith.constant 16 : i32
      %mul3A_375 = vector.broadcast %mul3A_374 : i32 to vector<16xi32>
      %mul3A_376 = arith.muli %and3A_373, %mul3A_375 : vector<16xi32>
      %add3A_377 = arith.addi %mul3A_376, %iota3A : vector<16xi32>
      %gather3A_378 = tpu.vector_load_idx %arg10[%add3A_377] : memref<4096xi32, #tpu.memory_space<vmem>>[vector<16xi32>], vector<16xi32>,
      %and3A_379 = arith.constant 1023 : i32
      %and3A_380 = vector.broadcast %and3A_379 : i32 to vector<16xi32>
      %and3A_381 = arith.andi %gather3A_378, %and3A_380 : vector<16xi32>
      %shift_left3A_382 = arith.constant 4 : i32
      %shift_left3A_383 = vector.broadcast %shift_left3A_382 : i32 to vector<16xi32>
      %shift_left3A_384 = arith.shli %and3A_381, %shift_left3A_383 : vector<16xi32>
      %shift_right_logical3A_385 = arith.constant 10 : i32
      %shift_right_logical3A_386 = vector.broadcast %shift_right_logical3A_385 : i32 to vector<16xi32>
      %shift_right_logical3A_387 = arith.shrui %gather3A_378, %shift_right_logical3A_386 : vector<16xi32>
      %or3A_388 = arith.ori %shift_left3A_384, %shift_right_logical3A_387 : vector<16xi32>
      tpu.vector_store_idx %arg5[%or3A_388], %get3A_362 : memref<16384xf32, #tpu.memory_space<vmem>>[vector<16xi32>], vector<16xf32>,
      tpu.vector_store_idx %arg7[%or3A_388], %add3A_366 : memref<16384xi32, #tpu.memory_space<vmem>>[vector<16xi32>], vector<16xi32>,
      tpu.vector_store_idx %arg10[%add3A_377], %broadcast_in_dim3A_1 {add = true} : memref<4096xi32, #tpu.memory_space<vmem>>[vector<16xi32>], vector<16xi32>,
      %scan3A_389 = arith.constant 0 : i32
      scf.yield %scan3A_389 : i32
    }
    %scan3A_32 = arith.constant 128 : i32
    %scan3A_33 = arith.constant 0 : i32
    %scan3A_34 = arith.constant 0 : i32
    %scan3A_35 = arith.constant 64 : i32
    %scan3A_36 = arith.addi %scan3A_34, %scan3A_35 : i32
    %scan3A_37 = arith.constant 1 : i32
    %scan3A_38 = scf.for %scan3A_122 = %scan3A_34 to %scan3A_36 step %scan3A_37 iter_args(%scan3A_123 = %scan3A_33) -> (i32)  : i32 {
      %mul3A_124 = arith.constant 4 : i32
      %mul3A_125 = arith.muli %scan3A_122, %mul3A_124 : i32
      %add3A_126 = arith.constant 0 : i32
      %add3A_127 = arith.addi %mul3A_125, %add3A_126 : i32
      %mul3A_128 = arith.constant 16 : i32
      %mul3A_129 = arith.muli %add3A_127, %mul3A_128 : i32
      %swap3A_130 = arith.index_cast %mul3A_129 : i32 to index
      %swap3A_131 = tpu.vector_load %arg9[%swap3A_130] {strides = array<i32>} : memref<4096xi32, #tpu.memory_space<vmem>>, vector<16xi32>,
      tpu.vector_store %arg9[%swap3A_130], %broadcast_in_dim3A_3 {strides = array<i32>} : memref<4096xi32, #tpu.memory_space<vmem>>, vector<16xi32>,
      %mul3A_132 = arith.constant 4 : i32
      %mul3A_133 = arith.muli %scan3A_122, %mul3A_132 : i32
      %add3A_134 = arith.constant 1 : i32
      %add3A_135 = arith.addi %mul3A_133, %add3A_134 : i32
      %mul3A_136 = arith.constant 16 : i32
      %mul3A_137 = arith.muli %add3A_135, %mul3A_136 : i32
      %swap3A_138 = arith.index_cast %mul3A_137 : i32 to index
      %swap3A_139 = tpu.vector_load %arg9[%swap3A_138] {strides = array<i32>} : memref<4096xi32, #tpu.memory_space<vmem>>, vector<16xi32>,
      tpu.vector_store %arg9[%swap3A_138], %broadcast_in_dim3A_3 {strides = array<i32>} : memref<4096xi32, #tpu.memory_space<vmem>>, vector<16xi32>,
      %mul3A_140 = arith.constant 4 : i32
      %mul3A_141 = arith.muli %scan3A_122, %mul3A_140 : i32
      %add3A_142 = arith.constant 2 : i32
      %add3A_143 = arith.addi %mul3A_141, %add3A_142 : i32
      %mul3A_144 = arith.constant 16 : i32
      %mul3A_145 = arith.muli %add3A_143, %mul3A_144 : i32
      %swap3A_146 = arith.index_cast %mul3A_145 : i32 to index
      %swap3A_147 = tpu.vector_load %arg9[%swap3A_146] {strides = array<i32>} : memref<4096xi32, #tpu.memory_space<vmem>>, vector<16xi32>,
      tpu.vector_store %arg9[%swap3A_146], %broadcast_in_dim3A_3 {strides = array<i32>} : memref<4096xi32, #tpu.memory_space<vmem>>, vector<16xi32>,
      %mul3A_148 = arith.constant 4 : i32
      %mul3A_149 = arith.muli %scan3A_122, %mul3A_148 : i32
      %add3A_150 = arith.constant 3 : i32
      %add3A_151 = arith.addi %mul3A_149, %add3A_150 : i32
      %mul3A_152 = arith.constant 16 : i32
      %mul3A_153 = arith.muli %add3A_151, %mul3A_152 : i32
      %swap3A_154 = arith.index_cast %mul3A_153 : i32 to index
      %swap3A_155 = tpu.vector_load %arg9[%swap3A_154] {strides = array<i32>} : memref<4096xi32, #tpu.memory_space<vmem>>, vector<16xi32>,
      tpu.vector_store %arg9[%swap3A_154], %broadcast_in_dim3A_3 {strides = array<i32>} : memref<4096xi32, #tpu.memory_space<vmem>>, vector<16xi32>,
      %scan3A_156 = arith.constant 0 : i32
      scf.yield %scan3A_156 : i32
    }
    %scan3A_39 = arith.constant 64 : i32
    %scan3A_40 = arith.constant 0 : i32
    %scan3A_41 = arith.constant 0 : i32
    %scan3A_42 = arith.constant 64 : i32
    %scan3A_43 = arith.addi %scan3A_41, %scan3A_42 : i32
    %scan3A_44 = arith.constant 1 : i32
    %scan3A_45 = scf.for %scan3A_122 = %scan3A_41 to %scan3A_43 step %scan3A_44 iter_args(%scan3A_123 = %scan3A_40) -> (i32)  : i32 {
      %mul3A_124 = arith.constant 16 : i32
      %mul3A_125 = arith.muli %scan3A_122, %mul3A_124 : i32
      %add3A_126 = arith.constant 0 : i32
      %add3A_127 = arith.addi %mul3A_125, %add3A_126 : i32
      %mul3A_128 = arith.constant 16 : i32
      %mul3A_129 = arith.muli %add3A_127, %mul3A_128 : i32
      %get3A = arith.index_cast %mul3A_129 : i32 to index
      %get3A_130 = tpu.vector_load %arg5[%get3A] {strides = array<i32>} : memref<16384xf32, #tpu.memory_space<vmem>>, vector<16xf32>,
      %bitcast3A = vector.bitcast %get3A_130 : vector<16xf32> to vector<16xi32>
      %shift_right_logical3A = arith.constant 8 : i32
      %shift_right_logical3A_131 = vector.broadcast %shift_right_logical3A : i32 to vector<16xi32>
      %shift_right_logical3A_132 = arith.shrui %bitcast3A, %shift_right_logical3A_131 : vector<16xi32>
      %and3A = arith.constant 255 : i32
      %and3A_133 = vector.broadcast %and3A : i32 to vector<16xi32>
      %and3A_134 = arith.andi %shift_right_logical3A_132, %and3A_133 : vector<16xi32>
      %mul3A_135 = arith.constant 16 : i32
      %mul3A_136 = vector.broadcast %mul3A_135 : i32 to vector<16xi32>
      %mul3A_137 = arith.muli %and3A_134, %mul3A_136 : vector<16xi32>
      %add3A_138 = arith.addi %mul3A_137, %iota3A : vector<16xi32>
      tpu.vector_store_idx %arg9[%add3A_138], %broadcast_in_dim3A_1 {add = true} : memref<4096xi32, #tpu.memory_space<vmem>>[vector<16xi32>], vector<16xi32>,
      %mul3A_139 = arith.constant 16 : i32
      %mul3A_140 = arith.muli %scan3A_122, %mul3A_139 : i32
      %add3A_141 = arith.constant 1 : i32
      %add3A_142 = arith.addi %mul3A_140, %add3A_141 : i32
      %mul3A_143 = arith.constant 16 : i32
      %mul3A_144 = arith.muli %add3A_142, %mul3A_143 : i32
      %get3A_145 = arith.index_cast %mul3A_144 : i32 to index
      %get3A_146 = tpu.vector_load %arg5[%get3A_145] {strides = array<i32>} : memref<16384xf32, #tpu.memory_space<vmem>>, vector<16xf32>,
      %bitcast3A_147 = vector.bitcast %get3A_146 : vector<16xf32> to vector<16xi32>
      %shift_right_logical3A_148 = arith.constant 8 : i32
      %shift_right_logical3A_149 = vector.broadcast %shift_right_logical3A_148 : i32 to vector<16xi32>
      %shift_right_logical3A_150 = arith.shrui %bitcast3A_147, %shift_right_logical3A_149 : vector<16xi32>
      %and3A_151 = arith.constant 255 : i32
      %and3A_152 = vector.broadcast %and3A_151 : i32 to vector<16xi32>
      %and3A_153 = arith.andi %shift_right_logical3A_150, %and3A_152 : vector<16xi32>
      %mul3A_154 = arith.constant 16 : i32
      %mul3A_155 = vector.broadcast %mul3A_154 : i32 to vector<16xi32>
      %mul3A_156 = arith.muli %and3A_153, %mul3A_155 : vector<16xi32>
      %add3A_157 = arith.addi %mul3A_156, %iota3A : vector<16xi32>
      tpu.vector_store_idx %arg9[%add3A_157], %broadcast_in_dim3A_1 {add = true} : memref<4096xi32, #tpu.memory_space<vmem>>[vector<16xi32>], vector<16xi32>,
      %mul3A_158 = arith.constant 16 : i32
      %mul3A_159 = arith.muli %scan3A_122, %mul3A_158 : i32
      %add3A_160 = arith.constant 2 : i32
      %add3A_161 = arith.addi %mul3A_159, %add3A_160 : i32
      %mul3A_162 = arith.constant 16 : i32
      %mul3A_163 = arith.muli %add3A_161, %mul3A_162 : i32
      %get3A_164 = arith.index_cast %mul3A_163 : i32 to index
      %get3A_165 = tpu.vector_load %arg5[%get3A_164] {strides = array<i32>} : memref<16384xf32, #tpu.memory_space<vmem>>, vector<16xf32>,
      %bitcast3A_166 = vector.bitcast %get3A_165 : vector<16xf32> to vector<16xi32>
      %shift_right_logical3A_167 = arith.constant 8 : i32
      %shift_right_logical3A_168 = vector.broadcast %shift_right_logical3A_167 : i32 to vector<16xi32>
      %shift_right_logical3A_169 = arith.shrui %bitcast3A_166, %shift_right_logical3A_168 : vector<16xi32>
      %and3A_170 = arith.constant 255 : i32
      %and3A_171 = vector.broadcast %and3A_170 : i32 to vector<16xi32>
      %and3A_172 = arith.andi %shift_right_logical3A_169, %and3A_171 : vector<16xi32>
      %mul3A_173 = arith.constant 16 : i32
      %mul3A_174 = vector.broadcast %mul3A_173 : i32 to vector<16xi32>
      %mul3A_175 = arith.muli %and3A_172, %mul3A_174 : vector<16xi32>
      %add3A_176 = arith.addi %mul3A_175, %iota3A : vector<16xi32>
      tpu.vector_store_idx %arg9[%add3A_176], %broadcast_in_dim3A_1 {add = true} : memref<4096xi32, #tpu.memory_space<vmem>>[vector<16xi32>], vector<16xi32>,
      %mul3A_177 = arith.constant 16 : i32
      %mul3A_178 = arith.muli %scan3A_122, %mul3A_177 : i32
      %add3A_179 = arith.constant 3 : i32
      %add3A_180 = arith.addi %mul3A_178, %add3A_179 : i32
      %mul3A_181 = arith.constant 16 : i32
      %mul3A_182 = arith.muli %add3A_180, %mul3A_181 : i32
      %get3A_183 = arith.index_cast %mul3A_182 : i32 to index
      %get3A_184 = tpu.vector_load %arg5[%get3A_183] {strides = array<i32>} : memref<16384xf32, #tpu.memory_space<vmem>>, vector<16xf32>,
      %bitcast3A_185 = vector.bitcast %get3A_184 : vector<16xf32> to vector<16xi32>
      %shift_right_logical3A_186 = arith.constant 8 : i32
      %shift_right_logical3A_187 = vector.broadcast %shift_right_logical3A_186 : i32 to vector<16xi32>
      %shift_right_logical3A_188 = arith.shrui %bitcast3A_185, %shift_right_logical3A_187 : vector<16xi32>
      %and3A_189 = arith.constant 255 : i32
      %and3A_190 = vector.broadcast %and3A_189 : i32 to vector<16xi32>
      %and3A_191 = arith.andi %shift_right_logical3A_188, %and3A_190 : vector<16xi32>
      %mul3A_192 = arith.constant 16 : i32
      %mul3A_193 = vector.broadcast %mul3A_192 : i32 to vector<16xi32>
      %mul3A_194 = arith.muli %and3A_191, %mul3A_193 : vector<16xi32>
      %add3A_195 = arith.addi %mul3A_194, %iota3A : vector<16xi32>
      tpu.vector_store_idx %arg9[%add3A_195], %broadcast_in_dim3A_1 {add = true} : memref<4096xi32, #tpu.memory_space<vmem>>[vector<16xi32>], vector<16xi32>,
      %mul3A_196 = arith.constant 16 : i32
      %mul3A_197 = arith.muli %scan3A_122, %mul3A_196 : i32
      %add3A_198 = arith.constant 4 : i32
      %add3A_199 = arith.addi %mul3A_197, %add3A_198 : i32
      %mul3A_200 = arith.constant 16 : i32
      %mul3A_201 = arith.muli %add3A_199, %mul3A_200 : i32
      %get3A_202 = arith.index_cast %mul3A_201 : i32 to index
      %get3A_203 = tpu.vector_load %arg5[%get3A_202] {strides = array<i32>} : memref<16384xf32, #tpu.memory_space<vmem>>, vector<16xf32>,
      %bitcast3A_204 = vector.bitcast %get3A_203 : vector<16xf32> to vector<16xi32>
      %shift_right_logical3A_205 = arith.constant 8 : i32
      %shift_right_logical3A_206 = vector.broadcast %shift_right_logical3A_205 : i32 to vector<16xi32>
      %shift_right_logical3A_207 = arith.shrui %bitcast3A_204, %shift_right_logical3A_206 : vector<16xi32>
      %and3A_208 = arith.constant 255 : i32
      %and3A_209 = vector.broadcast %and3A_208 : i32 to vector<16xi32>
      %and3A_210 = arith.andi %shift_right_logical3A_207, %and3A_209 : vector<16xi32>
      %mul3A_211 = arith.constant 16 : i32
      %mul3A_212 = vector.broadcast %mul3A_211 : i32 to vector<16xi32>
      %mul3A_213 = arith.muli %and3A_210, %mul3A_212 : vector<16xi32>
      %add3A_214 = arith.addi %mul3A_213, %iota3A : vector<16xi32>
      tpu.vector_store_idx %arg9[%add3A_214], %broadcast_in_dim3A_1 {add = true} : memref<4096xi32, #tpu.memory_space<vmem>>[vector<16xi32>], vector<16xi32>,
      %mul3A_215 = arith.constant 16 : i32
      %mul3A_216 = arith.muli %scan3A_122, %mul3A_215 : i32
      %add3A_217 = arith.constant 5 : i32
      %add3A_218 = arith.addi %mul3A_216, %add3A_217 : i32
      %mul3A_219 = arith.constant 16 : i32
      %mul3A_220 = arith.muli %add3A_218, %mul3A_219 : i32
      %get3A_221 = arith.index_cast %mul3A_220 : i32 to index
      %get3A_222 = tpu.vector_load %arg5[%get3A_221] {strides = array<i32>} : memref<16384xf32, #tpu.memory_space<vmem>>, vector<16xf32>,
      %bitcast3A_223 = vector.bitcast %get3A_222 : vector<16xf32> to vector<16xi32>
      %shift_right_logical3A_224 = arith.constant 8 : i32
      %shift_right_logical3A_225 = vector.broadcast %shift_right_logical3A_224 : i32 to vector<16xi32>
      %shift_right_logical3A_226 = arith.shrui %bitcast3A_223, %shift_right_logical3A_225 : vector<16xi32>
      %and3A_227 = arith.constant 255 : i32
      %and3A_228 = vector.broadcast %and3A_227 : i32 to vector<16xi32>
      %and3A_229 = arith.andi %shift_right_logical3A_226, %and3A_228 : vector<16xi32>
      %mul3A_230 = arith.constant 16 : i32
      %mul3A_231 = vector.broadcast %mul3A_230 : i32 to vector<16xi32>
      %mul3A_232 = arith.muli %and3A_229, %mul3A_231 : vector<16xi32>
      %add3A_233 = arith.addi %mul3A_232, %iota3A : vector<16xi32>
      tpu.vector_store_idx %arg9[%add3A_233], %broadcast_in_dim3A_1 {add = true} : memref<4096xi32, #tpu.memory_space<vmem>>[vector<16xi32>], vector<16xi32>,
      %mul3A_234 = arith.constant 16 : i32
      %mul3A_235 = arith.muli %scan3A_122, %mul3A_234 : i32
      %add3A_236 = arith.constant 6 : i32
      %add3A_237 = arith.addi %mul3A_235, %add3A_236 : i32
      %mul3A_238 = arith.constant 16 : i32
      %mul3A_239 = arith.muli %add3A_237, %mul3A_238 : i32
      %get3A_240 = arith.index_cast %mul3A_239 : i32 to index
      %get3A_241 = tpu.vector_load %arg5[%get3A_240] {strides = array<i32>} : memref<16384xf32, #tpu.memory_space<vmem>>, vector<16xf32>,
      %bitcast3A_242 = vector.bitcast %get3A_241 : vector<16xf32> to vector<16xi32>
      %shift_right_logical3A_243 = arith.constant 8 : i32
      %shift_right_logical3A_244 = vector.broadcast %shift_right_logical3A_243 : i32 to vector<16xi32>
      %shift_right_logical3A_245 = arith.shrui %bitcast3A_242, %shift_right_logical3A_244 : vector<16xi32>
      %and3A_246 = arith.constant 255 : i32
      %and3A_247 = vector.broadcast %and3A_246 : i32 to vector<16xi32>
      %and3A_248 = arith.andi %shift_right_logical3A_245, %and3A_247 : vector<16xi32>
      %mul3A_249 = arith.constant 16 : i32
      %mul3A_250 = vector.broadcast %mul3A_249 : i32 to vector<16xi32>
      %mul3A_251 = arith.muli %and3A_248, %mul3A_250 : vector<16xi32>
      %add3A_252 = arith.addi %mul3A_251, %iota3A : vector<16xi32>
      tpu.vector_store_idx %arg9[%add3A_252], %broadcast_in_dim3A_1 {add = true} : memref<4096xi32, #tpu.memory_space<vmem>>[vector<16xi32>], vector<16xi32>,
      %mul3A_253 = arith.constant 16 : i32
      %mul3A_254 = arith.muli %scan3A_122, %mul3A_253 : i32
      %add3A_255 = arith.constant 7 : i32
      %add3A_256 = arith.addi %mul3A_254, %add3A_255 : i32
      %mul3A_257 = arith.constant 16 : i32
      %mul3A_258 = arith.muli %add3A_256, %mul3A_257 : i32
      %get3A_259 = arith.index_cast %mul3A_258 : i32 to index
      %get3A_260 = tpu.vector_load %arg5[%get3A_259] {strides = array<i32>} : memref<16384xf32, #tpu.memory_space<vmem>>, vector<16xf32>,
      %bitcast3A_261 = vector.bitcast %get3A_260 : vector<16xf32> to vector<16xi32>
      %shift_right_logical3A_262 = arith.constant 8 : i32
      %shift_right_logical3A_263 = vector.broadcast %shift_right_logical3A_262 : i32 to vector<16xi32>
      %shift_right_logical3A_264 = arith.shrui %bitcast3A_261, %shift_right_logical3A_263 : vector<16xi32>
      %and3A_265 = arith.constant 255 : i32
      %and3A_266 = vector.broadcast %and3A_265 : i32 to vector<16xi32>
      %and3A_267 = arith.andi %shift_right_logical3A_264, %and3A_266 : vector<16xi32>
      %mul3A_268 = arith.constant 16 : i32
      %mul3A_269 = vector.broadcast %mul3A_268 : i32 to vector<16xi32>
      %mul3A_270 = arith.muli %and3A_267, %mul3A_269 : vector<16xi32>
      %add3A_271 = arith.addi %mul3A_270, %iota3A : vector<16xi32>
      tpu.vector_store_idx %arg9[%add3A_271], %broadcast_in_dim3A_1 {add = true} : memref<4096xi32, #tpu.memory_space<vmem>>[vector<16xi32>], vector<16xi32>,
      %mul3A_272 = arith.constant 16 : i32
      %mul3A_273 = arith.muli %scan3A_122, %mul3A_272 : i32
      %add3A_274 = arith.constant 8 : i32
      %add3A_275 = arith.addi %mul3A_273, %add3A_274 : i32
      %mul3A_276 = arith.constant 16 : i32
      %mul3A_277 = arith.muli %add3A_275, %mul3A_276 : i32
      %get3A_278 = arith.index_cast %mul3A_277 : i32 to index
      %get3A_279 = tpu.vector_load %arg5[%get3A_278] {strides = array<i32>} : memref<16384xf32, #tpu.memory_space<vmem>>, vector<16xf32>,
      %bitcast3A_280 = vector.bitcast %get3A_279 : vector<16xf32> to vector<16xi32>
      %shift_right_logical3A_281 = arith.constant 8 : i32
      %shift_right_logical3A_282 = vector.broadcast %shift_right_logical3A_281 : i32 to vector<16xi32>
      %shift_right_logical3A_283 = arith.shrui %bitcast3A_280, %shift_right_logical3A_282 : vector<16xi32>
      %and3A_284 = arith.constant 255 : i32
      %and3A_285 = vector.broadcast %and3A_284 : i32 to vector<16xi32>
      %and3A_286 = arith.andi %shift_right_logical3A_283, %and3A_285 : vector<16xi32>
      %mul3A_287 = arith.constant 16 : i32
      %mul3A_288 = vector.broadcast %mul3A_287 : i32 to vector<16xi32>
      %mul3A_289 = arith.muli %and3A_286, %mul3A_288 : vector<16xi32>
      %add3A_290 = arith.addi %mul3A_289, %iota3A : vector<16xi32>
      tpu.vector_store_idx %arg9[%add3A_290], %broadcast_in_dim3A_1 {add = true} : memref<4096xi32, #tpu.memory_space<vmem>>[vector<16xi32>], vector<16xi32>,
      %mul3A_291 = arith.constant 16 : i32
      %mul3A_292 = arith.muli %scan3A_122, %mul3A_291 : i32
      %add3A_293 = arith.constant 9 : i32
      %add3A_294 = arith.addi %mul3A_292, %add3A_293 : i32
      %mul3A_295 = arith.constant 16 : i32
      %mul3A_296 = arith.muli %add3A_294, %mul3A_295 : i32
      %get3A_297 = arith.index_cast %mul3A_296 : i32 to index
      %get3A_298 = tpu.vector_load %arg5[%get3A_297] {strides = array<i32>} : memref<16384xf32, #tpu.memory_space<vmem>>, vector<16xf32>,
      %bitcast3A_299 = vector.bitcast %get3A_298 : vector<16xf32> to vector<16xi32>
      %shift_right_logical3A_300 = arith.constant 8 : i32
      %shift_right_logical3A_301 = vector.broadcast %shift_right_logical3A_300 : i32 to vector<16xi32>
      %shift_right_logical3A_302 = arith.shrui %bitcast3A_299, %shift_right_logical3A_301 : vector<16xi32>
      %and3A_303 = arith.constant 255 : i32
      %and3A_304 = vector.broadcast %and3A_303 : i32 to vector<16xi32>
      %and3A_305 = arith.andi %shift_right_logical3A_302, %and3A_304 : vector<16xi32>
      %mul3A_306 = arith.constant 16 : i32
      %mul3A_307 = vector.broadcast %mul3A_306 : i32 to vector<16xi32>
      %mul3A_308 = arith.muli %and3A_305, %mul3A_307 : vector<16xi32>
      %add3A_309 = arith.addi %mul3A_308, %iota3A : vector<16xi32>
      tpu.vector_store_idx %arg9[%add3A_309], %broadcast_in_dim3A_1 {add = true} : memref<4096xi32, #tpu.memory_space<vmem>>[vector<16xi32>], vector<16xi32>,
      %mul3A_310 = arith.constant 16 : i32
      %mul3A_311 = arith.muli %scan3A_122, %mul3A_310 : i32
      %add3A_312 = arith.constant 10 : i32
      %add3A_313 = arith.addi %mul3A_311, %add3A_312 : i32
      %mul3A_314 = arith.constant 16 : i32
      %mul3A_315 = arith.muli %add3A_313, %mul3A_314 : i32
      %get3A_316 = arith.index_cast %mul3A_315 : i32 to index
      %get3A_317 = tpu.vector_load %arg5[%get3A_316] {strides = array<i32>} : memref<16384xf32, #tpu.memory_space<vmem>>, vector<16xf32>,
      %bitcast3A_318 = vector.bitcast %get3A_317 : vector<16xf32> to vector<16xi32>
      %shift_right_logical3A_319 = arith.constant 8 : i32
      %shift_right_logical3A_320 = vector.broadcast %shift_right_logical3A_319 : i32 to vector<16xi32>
      %shift_right_logical3A_321 = arith.shrui %bitcast3A_318, %shift_right_logical3A_320 : vector<16xi32>
      %and3A_322 = arith.constant 255 : i32
      %and3A_323 = vector.broadcast %and3A_322 : i32 to vector<16xi32>
      %and3A_324 = arith.andi %shift_right_logical3A_321, %and3A_323 : vector<16xi32>
      %mul3A_325 = arith.constant 16 : i32
      %mul3A_326 = vector.broadcast %mul3A_325 : i32 to vector<16xi32>
      %mul3A_327 = arith.muli %and3A_324, %mul3A_326 : vector<16xi32>
      %add3A_328 = arith.addi %mul3A_327, %iota3A : vector<16xi32>
      tpu.vector_store_idx %arg9[%add3A_328], %broadcast_in_dim3A_1 {add = true} : memref<4096xi32, #tpu.memory_space<vmem>>[vector<16xi32>], vector<16xi32>,
      %mul3A_329 = arith.constant 16 : i32
      %mul3A_330 = arith.muli %scan3A_122, %mul3A_329 : i32
      %add3A_331 = arith.constant 11 : i32
      %add3A_332 = arith.addi %mul3A_330, %add3A_331 : i32
      %mul3A_333 = arith.constant 16 : i32
      %mul3A_334 = arith.muli %add3A_332, %mul3A_333 : i32
      %get3A_335 = arith.index_cast %mul3A_334 : i32 to index
      %get3A_336 = tpu.vector_load %arg5[%get3A_335] {strides = array<i32>} : memref<16384xf32, #tpu.memory_space<vmem>>, vector<16xf32>,
      %bitcast3A_337 = vector.bitcast %get3A_336 : vector<16xf32> to vector<16xi32>
      %shift_right_logical3A_338 = arith.constant 8 : i32
      %shift_right_logical3A_339 = vector.broadcast %shift_right_logical3A_338 : i32 to vector<16xi32>
      %shift_right_logical3A_340 = arith.shrui %bitcast3A_337, %shift_right_logical3A_339 : vector<16xi32>
      %and3A_341 = arith.constant 255 : i32
      %and3A_342 = vector.broadcast %and3A_341 : i32 to vector<16xi32>
      %and3A_343 = arith.andi %shift_right_logical3A_340, %and3A_342 : vector<16xi32>
      %mul3A_344 = arith.constant 16 : i32
      %mul3A_345 = vector.broadcast %mul3A_344 : i32 to vector<16xi32>
      %mul3A_346 = arith.muli %and3A_343, %mul3A_345 : vector<16xi32>
      %add3A_347 = arith.addi %mul3A_346, %iota3A : vector<16xi32>
      tpu.vector_store_idx %arg9[%add3A_347], %broadcast_in_dim3A_1 {add = true} : memref<4096xi32, #tpu.memory_space<vmem>>[vector<16xi32>], vector<16xi32>,
      %mul3A_348 = arith.constant 16 : i32
      %mul3A_349 = arith.muli %scan3A_122, %mul3A_348 : i32
      %add3A_350 = arith.constant 12 : i32
      %add3A_351 = arith.addi %mul3A_349, %add3A_350 : i32
      %mul3A_352 = arith.constant 16 : i32
      %mul3A_353 = arith.muli %add3A_351, %mul3A_352 : i32
      %get3A_354 = arith.index_cast %mul3A_353 : i32 to index
      %get3A_355 = tpu.vector_load %arg5[%get3A_354] {strides = array<i32>} : memref<16384xf32, #tpu.memory_space<vmem>>, vector<16xf32>,
      %bitcast3A_356 = vector.bitcast %get3A_355 : vector<16xf32> to vector<16xi32>
      %shift_right_logical3A_357 = arith.constant 8 : i32
      %shift_right_logical3A_358 = vector.broadcast %shift_right_logical3A_357 : i32 to vector<16xi32>
      %shift_right_logical3A_359 = arith.shrui %bitcast3A_356, %shift_right_logical3A_358 : vector<16xi32>
      %and3A_360 = arith.constant 255 : i32
      %and3A_361 = vector.broadcast %and3A_360 : i32 to vector<16xi32>
      %and3A_362 = arith.andi %shift_right_logical3A_359, %and3A_361 : vector<16xi32>
      %mul3A_363 = arith.constant 16 : i32
      %mul3A_364 = vector.broadcast %mul3A_363 : i32 to vector<16xi32>
      %mul3A_365 = arith.muli %and3A_362, %mul3A_364 : vector<16xi32>
      %add3A_366 = arith.addi %mul3A_365, %iota3A : vector<16xi32>
      tpu.vector_store_idx %arg9[%add3A_366], %broadcast_in_dim3A_1 {add = true} : memref<4096xi32, #tpu.memory_space<vmem>>[vector<16xi32>], vector<16xi32>,
      %mul3A_367 = arith.constant 16 : i32
      %mul3A_368 = arith.muli %scan3A_122, %mul3A_367 : i32
      %add3A_369 = arith.constant 13 : i32
      %add3A_370 = arith.addi %mul3A_368, %add3A_369 : i32
      %mul3A_371 = arith.constant 16 : i32
      %mul3A_372 = arith.muli %add3A_370, %mul3A_371 : i32
      %get3A_373 = arith.index_cast %mul3A_372 : i32 to index
      %get3A_374 = tpu.vector_load %arg5[%get3A_373] {strides = array<i32>} : memref<16384xf32, #tpu.memory_space<vmem>>, vector<16xf32>,
      %bitcast3A_375 = vector.bitcast %get3A_374 : vector<16xf32> to vector<16xi32>
      %shift_right_logical3A_376 = arith.constant 8 : i32
      %shift_right_logical3A_377 = vector.broadcast %shift_right_logical3A_376 : i32 to vector<16xi32>
      %shift_right_logical3A_378 = arith.shrui %bitcast3A_375, %shift_right_logical3A_377 : vector<16xi32>
      %and3A_379 = arith.constant 255 : i32
      %and3A_380 = vector.broadcast %and3A_379 : i32 to vector<16xi32>
      %and3A_381 = arith.andi %shift_right_logical3A_378, %and3A_380 : vector<16xi32>
      %mul3A_382 = arith.constant 16 : i32
      %mul3A_383 = vector.broadcast %mul3A_382 : i32 to vector<16xi32>
      %mul3A_384 = arith.muli %and3A_381, %mul3A_383 : vector<16xi32>
      %add3A_385 = arith.addi %mul3A_384, %iota3A : vector<16xi32>
      tpu.vector_store_idx %arg9[%add3A_385], %broadcast_in_dim3A_1 {add = true} : memref<4096xi32, #tpu.memory_space<vmem>>[vector<16xi32>], vector<16xi32>,
      %mul3A_386 = arith.constant 16 : i32
      %mul3A_387 = arith.muli %scan3A_122, %mul3A_386 : i32
      %add3A_388 = arith.constant 14 : i32
      %add3A_389 = arith.addi %mul3A_387, %add3A_388 : i32
      %mul3A_390 = arith.constant 16 : i32
      %mul3A_391 = arith.muli %add3A_389, %mul3A_390 : i32
      %get3A_392 = arith.index_cast %mul3A_391 : i32 to index
      %get3A_393 = tpu.vector_load %arg5[%get3A_392] {strides = array<i32>} : memref<16384xf32, #tpu.memory_space<vmem>>, vector<16xf32>,
      %bitcast3A_394 = vector.bitcast %get3A_393 : vector<16xf32> to vector<16xi32>
      %shift_right_logical3A_395 = arith.constant 8 : i32
      %shift_right_logical3A_396 = vector.broadcast %shift_right_logical3A_395 : i32 to vector<16xi32>
      %shift_right_logical3A_397 = arith.shrui %bitcast3A_394, %shift_right_logical3A_396 : vector<16xi32>
      %and3A_398 = arith.constant 255 : i32
      %and3A_399 = vector.broadcast %and3A_398 : i32 to vector<16xi32>
      %and3A_400 = arith.andi %shift_right_logical3A_397, %and3A_399 : vector<16xi32>
      %mul3A_401 = arith.constant 16 : i32
      %mul3A_402 = vector.broadcast %mul3A_401 : i32 to vector<16xi32>
      %mul3A_403 = arith.muli %and3A_400, %mul3A_402 : vector<16xi32>
      %add3A_404 = arith.addi %mul3A_403, %iota3A : vector<16xi32>
      tpu.vector_store_idx %arg9[%add3A_404], %broadcast_in_dim3A_1 {add = true} : memref<4096xi32, #tpu.memory_space<vmem>>[vector<16xi32>], vector<16xi32>,
      %mul3A_405 = arith.constant 16 : i32
      %mul3A_406 = arith.muli %scan3A_122, %mul3A_405 : i32
      %add3A_407 = arith.constant 15 : i32
      %add3A_408 = arith.addi %mul3A_406, %add3A_407 : i32
      %mul3A_409 = arith.constant 16 : i32
      %mul3A_410 = arith.muli %add3A_408, %mul3A_409 : i32
      %get3A_411 = arith.index_cast %mul3A_410 : i32 to index
      %get3A_412 = tpu.vector_load %arg5[%get3A_411] {strides = array<i32>} : memref<16384xf32, #tpu.memory_space<vmem>>, vector<16xf32>,
      %bitcast3A_413 = vector.bitcast %get3A_412 : vector<16xf32> to vector<16xi32>
      %shift_right_logical3A_414 = arith.constant 8 : i32
      %shift_right_logical3A_415 = vector.broadcast %shift_right_logical3A_414 : i32 to vector<16xi32>
      %shift_right_logical3A_416 = arith.shrui %bitcast3A_413, %shift_right_logical3A_415 : vector<16xi32>
      %and3A_417 = arith.constant 255 : i32
      %and3A_418 = vector.broadcast %and3A_417 : i32 to vector<16xi32>
      %and3A_419 = arith.andi %shift_right_logical3A_416, %and3A_418 : vector<16xi32>
      %mul3A_420 = arith.constant 16 : i32
      %mul3A_421 = vector.broadcast %mul3A_420 : i32 to vector<16xi32>
      %mul3A_422 = arith.muli %and3A_419, %mul3A_421 : vector<16xi32>
      %add3A_423 = arith.addi %mul3A_422, %iota3A : vector<16xi32>
      tpu.vector_store_idx %arg9[%add3A_423], %broadcast_in_dim3A_1 {add = true} : memref<4096xi32, #tpu.memory_space<vmem>>[vector<16xi32>], vector<16xi32>,
      %scan3A_424 = arith.constant 0 : i32
      scf.yield %scan3A_424 : i32
    }
    %scan3A_46 = arith.constant 64 : i32
    %scan3A_47 = arith.constant 0 : i32
    %scan3A_48 = arith.constant 256 : i32
    %scan3A_49 = arith.addi %scan3A_47, %scan3A_48 : i32
    %scan3A_50 = arith.constant 1 : i32
    %scan3A_51 = scf.for %scan3A_122 = %scan3A_47 to %scan3A_49 step %scan3A_50 iter_args(%scan3A_123 = %broadcast_in_dim3A_3) -> (vector<16xi32>)  : i32 {
      %mul3A_124 = arith.constant 16 : i32
      %mul3A_125 = arith.muli %scan3A_122, %mul3A_124 : i32
      %get3A = arith.index_cast %mul3A_125 : i32 to index
      %get3A_126 = tpu.vector_load %arg9[%get3A] {strides = array<i32>} : memref<4096xi32, #tpu.memory_space<vmem>>, vector<16xi32>,
      %broadcast_in_dim3A_127 = arith.constant true
      %broadcast_in_dim3A_128 = vector.broadcast %broadcast_in_dim3A_127 : i1 to vector<16xi1>
      %masked_cumsum3A = tpu.scan <sum>, %get3A_126 masked %broadcast_in_dim3A_128 : vector<16xi32>, vector<16xi1> -> vector<16xi32>
      %swap3A_129 = arith.constant 16 : index
      %swap3A_130 = tpu.vector_load %arg12[%swap3A_129] {strides = array<i32>} : memref<32xi32, #tpu.memory_space<vmem>>, vector<16xi32>,
      tpu.vector_store %arg12[%swap3A_129], %masked_cumsum3A {strides = array<i32>} : memref<32xi32, #tpu.memory_space<vmem>>, vector<16xi32>,
      %add3A_131 = arith.constant 15 : i32
      %add3A_132 = vector.broadcast %add3A_131 : i32 to vector<16xi32>
      %add3A_133 = arith.addi %iota3A, %add3A_132 : vector<16xi32>
      %gather3A = tpu.vector_load_idx %arg12[%add3A_133] : memref<32xi32, #tpu.memory_space<vmem>>[vector<16xi32>], vector<16xi32>,
      %add3A_134 = arith.addi %scan3A_123, %gather3A : vector<16xi32>
      %mul3A_135 = arith.constant 16 : i32
      %mul3A_136 = arith.muli %scan3A_122, %mul3A_135 : i32
      %swap3A_137 = arith.index_cast %mul3A_136 : i32 to index
      %swap3A_138 = tpu.vector_load %arg10[%swap3A_137] {strides = array<i32>} : memref<4096xi32, #tpu.memory_space<vmem>>, vector<16xi32>,
      tpu.vector_store %arg10[%swap3A_137], %add3A_134 {strides = array<i32>} : memref<4096xi32, #tpu.memory_space<vmem>>, vector<16xi32>,
      %gather3A_139 = tpu.vector_load_idx %arg12[%broadcast_in_dim3A_6] : memref<32xi32, #tpu.memory_space<vmem>>[vector<16xi32>], vector<16xi32>,
      %add3A_140 = arith.addi %scan3A_123, %gather3A_139 : vector<16xi32>
      scf.yield %add3A_140 : vector<16xi32>
    }
    %scan3A_52 = arith.constant 256 : i32
    %scan3A_53 = arith.constant 0 : i32
    %scan3A_54 = arith.constant 0 : i32
    %scan3A_55 = arith.constant 128 : i32
    %scan3A_56 = arith.addi %scan3A_54, %scan3A_55 : i32
    %scan3A_57 = arith.constant 1 : i32
    %scan3A_58 = scf.for %scan3A_122 = %scan3A_54 to %scan3A_56 step %scan3A_57 iter_args(%scan3A_123 = %scan3A_53) -> (i32)  : i32 {
      %mul3A_124 = arith.constant 8 : i32
      %mul3A_125 = arith.muli %scan3A_122, %mul3A_124 : i32
      %add3A_126 = arith.constant 0 : i32
      %add3A_127 = arith.addi %mul3A_125, %add3A_126 : i32
      %mul3A_128 = arith.constant 16 : i32
      %mul3A_129 = arith.muli %add3A_127, %mul3A_128 : i32
      %get3A = arith.index_cast %mul3A_129 : i32 to index
      %get3A_130 = tpu.vector_load %arg5[%get3A] {strides = array<i32>} : memref<16384xf32, #tpu.memory_space<vmem>>, vector<16xf32>,
      %mul3A_131 = arith.constant 16 : i32
      %mul3A_132 = arith.muli %add3A_127, %mul3A_131 : i32
      %get3A_133 = arith.index_cast %mul3A_132 : i32 to index
      %get3A_134 = tpu.vector_load %arg7[%get3A_133] {strides = array<i32>} : memref<16384xi32, #tpu.memory_space<vmem>>, vector<16xi32>,
      %bitcast3A = vector.bitcast %get3A_130 : vector<16xf32> to vector<16xi32>
      %shift_right_logical3A = arith.constant 8 : i32
      %shift_right_logical3A_135 = vector.broadcast %shift_right_logical3A : i32 to vector<16xi32>
      %shift_right_logical3A_136 = arith.shrui %bitcast3A, %shift_right_logical3A_135 : vector<16xi32>
      %and3A = arith.constant 255 : i32
      %and3A_137 = vector.broadcast %and3A : i32 to vector<16xi32>
      %and3A_138 = arith.andi %shift_right_logical3A_136, %and3A_137 : vector<16xi32>
      %mul3A_139 = arith.constant 16 : i32
      %mul3A_140 = vector.broadcast %mul3A_139 : i32 to vector<16xi32>
      %mul3A_141 = arith.muli %and3A_138, %mul3A_140 : vector<16xi32>
      %add3A_142 = arith.addi %mul3A_141, %iota3A : vector<16xi32>
      %gather3A = tpu.vector_load_idx %arg10[%add3A_142] : memref<4096xi32, #tpu.memory_space<vmem>>[vector<16xi32>], vector<16xi32>,
      %and3A_143 = arith.constant 1023 : i32
      %and3A_144 = vector.broadcast %and3A_143 : i32 to vector<16xi32>
      %and3A_145 = arith.andi %gather3A, %and3A_144 : vector<16xi32>
      %shift_left3A = arith.constant 4 : i32
      %shift_left3A_146 = vector.broadcast %shift_left3A : i32 to vector<16xi32>
      %shift_left3A_147 = arith.shli %and3A_145, %shift_left3A_146 : vector<16xi32>
      %shift_right_logical3A_148 = arith.constant 10 : i32
      %shift_right_logical3A_149 = vector.broadcast %shift_right_logical3A_148 : i32 to vector<16xi32>
      %shift_right_logical3A_150 = arith.shrui %gather3A, %shift_right_logical3A_149 : vector<16xi32>
      %or3A = arith.ori %shift_left3A_147, %shift_right_logical3A_150 : vector<16xi32>
      tpu.vector_store_idx %arg4[%or3A], %get3A_130 : memref<16384xf32, #tpu.memory_space<vmem>>[vector<16xi32>], vector<16xf32>,
      tpu.vector_store_idx %arg6[%or3A], %get3A_134 : memref<16384xi32, #tpu.memory_space<vmem>>[vector<16xi32>], vector<16xi32>,
      tpu.vector_store_idx %arg10[%add3A_142], %broadcast_in_dim3A_1 {add = true} : memref<4096xi32, #tpu.memory_space<vmem>>[vector<16xi32>], vector<16xi32>,
      %mul3A_151 = arith.constant 8 : i32
      %mul3A_152 = arith.muli %scan3A_122, %mul3A_151 : i32
      %add3A_153 = arith.constant 1 : i32
      %add3A_154 = arith.addi %mul3A_152, %add3A_153 : i32
      %mul3A_155 = arith.constant 16 : i32
      %mul3A_156 = arith.muli %add3A_154, %mul3A_155 : i32
      %get3A_157 = arith.index_cast %mul3A_156 : i32 to index
      %get3A_158 = tpu.vector_load %arg5[%get3A_157] {strides = array<i32>} : memref<16384xf32, #tpu.memory_space<vmem>>, vector<16xf32>,
      %mul3A_159 = arith.constant 16 : i32
      %mul3A_160 = arith.muli %add3A_154, %mul3A_159 : i32
      %get3A_161 = arith.index_cast %mul3A_160 : i32 to index
      %get3A_162 = tpu.vector_load %arg7[%get3A_161] {strides = array<i32>} : memref<16384xi32, #tpu.memory_space<vmem>>, vector<16xi32>,
      %bitcast3A_163 = vector.bitcast %get3A_158 : vector<16xf32> to vector<16xi32>
      %shift_right_logical3A_164 = arith.constant 8 : i32
      %shift_right_logical3A_165 = vector.broadcast %shift_right_logical3A_164 : i32 to vector<16xi32>
      %shift_right_logical3A_166 = arith.shrui %bitcast3A_163, %shift_right_logical3A_165 : vector<16xi32>
      %and3A_167 = arith.constant 255 : i32
      %and3A_168 = vector.broadcast %and3A_167 : i32 to vector<16xi32>
      %and3A_169 = arith.andi %shift_right_logical3A_166, %and3A_168 : vector<16xi32>
      %mul3A_170 = arith.constant 16 : i32
      %mul3A_171 = vector.broadcast %mul3A_170 : i32 to vector<16xi32>
      %mul3A_172 = arith.muli %and3A_169, %mul3A_171 : vector<16xi32>
      %add3A_173 = arith.addi %mul3A_172, %iota3A : vector<16xi32>
      %gather3A_174 = tpu.vector_load_idx %arg10[%add3A_173] : memref<4096xi32, #tpu.memory_space<vmem>>[vector<16xi32>], vector<16xi32>,
      %and3A_175 = arith.constant 1023 : i32
      %and3A_176 = vector.broadcast %and3A_175 : i32 to vector<16xi32>
      %and3A_177 = arith.andi %gather3A_174, %and3A_176 : vector<16xi32>
      %shift_left3A_178 = arith.constant 4 : i32
      %shift_left3A_179 = vector.broadcast %shift_left3A_178 : i32 to vector<16xi32>
      %shift_left3A_180 = arith.shli %and3A_177, %shift_left3A_179 : vector<16xi32>
      %shift_right_logical3A_181 = arith.constant 10 : i32
      %shift_right_logical3A_182 = vector.broadcast %shift_right_logical3A_181 : i32 to vector<16xi32>
      %shift_right_logical3A_183 = arith.shrui %gather3A_174, %shift_right_logical3A_182 : vector<16xi32>
      %or3A_184 = arith.ori %shift_left3A_180, %shift_right_logical3A_183 : vector<16xi32>
      tpu.vector_store_idx %arg4[%or3A_184], %get3A_158 : memref<16384xf32, #tpu.memory_space<vmem>>[vector<16xi32>], vector<16xf32>,
      tpu.vector_store_idx %arg6[%or3A_184], %get3A_162 : memref<16384xi32, #tpu.memory_space<vmem>>[vector<16xi32>], vector<16xi32>,
      tpu.vector_store_idx %arg10[%add3A_173], %broadcast_in_dim3A_1 {add = true} : memref<4096xi32, #tpu.memory_space<vmem>>[vector<16xi32>], vector<16xi32>,
      %mul3A_185 = arith.constant 8 : i32
      %mul3A_186 = arith.muli %scan3A_122, %mul3A_185 : i32
      %add3A_187 = arith.constant 2 : i32
      %add3A_188 = arith.addi %mul3A_186, %add3A_187 : i32
      %mul3A_189 = arith.constant 16 : i32
      %mul3A_190 = arith.muli %add3A_188, %mul3A_189 : i32
      %get3A_191 = arith.index_cast %mul3A_190 : i32 to index
      %get3A_192 = tpu.vector_load %arg5[%get3A_191] {strides = array<i32>} : memref<16384xf32, #tpu.memory_space<vmem>>, vector<16xf32>,
      %mul3A_193 = arith.constant 16 : i32
      %mul3A_194 = arith.muli %add3A_188, %mul3A_193 : i32
      %get3A_195 = arith.index_cast %mul3A_194 : i32 to index
      %get3A_196 = tpu.vector_load %arg7[%get3A_195] {strides = array<i32>} : memref<16384xi32, #tpu.memory_space<vmem>>, vector<16xi32>,
      %bitcast3A_197 = vector.bitcast %get3A_192 : vector<16xf32> to vector<16xi32>
      %shift_right_logical3A_198 = arith.constant 8 : i32
      %shift_right_logical3A_199 = vector.broadcast %shift_right_logical3A_198 : i32 to vector<16xi32>
      %shift_right_logical3A_200 = arith.shrui %bitcast3A_197, %shift_right_logical3A_199 : vector<16xi32>
      %and3A_201 = arith.constant 255 : i32
      %and3A_202 = vector.broadcast %and3A_201 : i32 to vector<16xi32>
      %and3A_203 = arith.andi %shift_right_logical3A_200, %and3A_202 : vector<16xi32>
      %mul3A_204 = arith.constant 16 : i32
      %mul3A_205 = vector.broadcast %mul3A_204 : i32 to vector<16xi32>
      %mul3A_206 = arith.muli %and3A_203, %mul3A_205 : vector<16xi32>
      %add3A_207 = arith.addi %mul3A_206, %iota3A : vector<16xi32>
      %gather3A_208 = tpu.vector_load_idx %arg10[%add3A_207] : memref<4096xi32, #tpu.memory_space<vmem>>[vector<16xi32>], vector<16xi32>,
      %and3A_209 = arith.constant 1023 : i32
      %and3A_210 = vector.broadcast %and3A_209 : i32 to vector<16xi32>
      %and3A_211 = arith.andi %gather3A_208, %and3A_210 : vector<16xi32>
      %shift_left3A_212 = arith.constant 4 : i32
      %shift_left3A_213 = vector.broadcast %shift_left3A_212 : i32 to vector<16xi32>
      %shift_left3A_214 = arith.shli %and3A_211, %shift_left3A_213 : vector<16xi32>
      %shift_right_logical3A_215 = arith.constant 10 : i32
      %shift_right_logical3A_216 = vector.broadcast %shift_right_logical3A_215 : i32 to vector<16xi32>
      %shift_right_logical3A_217 = arith.shrui %gather3A_208, %shift_right_logical3A_216 : vector<16xi32>
      %or3A_218 = arith.ori %shift_left3A_214, %shift_right_logical3A_217 : vector<16xi32>
      tpu.vector_store_idx %arg4[%or3A_218], %get3A_192 : memref<16384xf32, #tpu.memory_space<vmem>>[vector<16xi32>], vector<16xf32>,
      tpu.vector_store_idx %arg6[%or3A_218], %get3A_196 : memref<16384xi32, #tpu.memory_space<vmem>>[vector<16xi32>], vector<16xi32>,
      tpu.vector_store_idx %arg10[%add3A_207], %broadcast_in_dim3A_1 {add = true} : memref<4096xi32, #tpu.memory_space<vmem>>[vector<16xi32>], vector<16xi32>,
      %mul3A_219 = arith.constant 8 : i32
      %mul3A_220 = arith.muli %scan3A_122, %mul3A_219 : i32
      %add3A_221 = arith.constant 3 : i32
      %add3A_222 = arith.addi %mul3A_220, %add3A_221 : i32
      %mul3A_223 = arith.constant 16 : i32
      %mul3A_224 = arith.muli %add3A_222, %mul3A_223 : i32
      %get3A_225 = arith.index_cast %mul3A_224 : i32 to index
      %get3A_226 = tpu.vector_load %arg5[%get3A_225] {strides = array<i32>} : memref<16384xf32, #tpu.memory_space<vmem>>, vector<16xf32>,
      %mul3A_227 = arith.constant 16 : i32
      %mul3A_228 = arith.muli %add3A_222, %mul3A_227 : i32
      %get3A_229 = arith.index_cast %mul3A_228 : i32 to index
      %get3A_230 = tpu.vector_load %arg7[%get3A_229] {strides = array<i32>} : memref<16384xi32, #tpu.memory_space<vmem>>, vector<16xi32>,
      %bitcast3A_231 = vector.bitcast %get3A_226 : vector<16xf32> to vector<16xi32>
      %shift_right_logical3A_232 = arith.constant 8 : i32
      %shift_right_logical3A_233 = vector.broadcast %shift_right_logical3A_232 : i32 to vector<16xi32>
      %shift_right_logical3A_234 = arith.shrui %bitcast3A_231, %shift_right_logical3A_233 : vector<16xi32>
      %and3A_235 = arith.constant 255 : i32
      %and3A_236 = vector.broadcast %and3A_235 : i32 to vector<16xi32>
      %and3A_237 = arith.andi %shift_right_logical3A_234, %and3A_236 : vector<16xi32>
      %mul3A_238 = arith.constant 16 : i32
      %mul3A_239 = vector.broadcast %mul3A_238 : i32 to vector<16xi32>
      %mul3A_240 = arith.muli %and3A_237, %mul3A_239 : vector<16xi32>
      %add3A_241 = arith.addi %mul3A_240, %iota3A : vector<16xi32>
      %gather3A_242 = tpu.vector_load_idx %arg10[%add3A_241] : memref<4096xi32, #tpu.memory_space<vmem>>[vector<16xi32>], vector<16xi32>,
      %and3A_243 = arith.constant 1023 : i32
      %and3A_244 = vector.broadcast %and3A_243 : i32 to vector<16xi32>
      %and3A_245 = arith.andi %gather3A_242, %and3A_244 : vector<16xi32>
      %shift_left3A_246 = arith.constant 4 : i32
      %shift_left3A_247 = vector.broadcast %shift_left3A_246 : i32 to vector<16xi32>
      %shift_left3A_248 = arith.shli %and3A_245, %shift_left3A_247 : vector<16xi32>
      %shift_right_logical3A_249 = arith.constant 10 : i32
      %shift_right_logical3A_250 = vector.broadcast %shift_right_logical3A_249 : i32 to vector<16xi32>
      %shift_right_logical3A_251 = arith.shrui %gather3A_242, %shift_right_logical3A_250 : vector<16xi32>
      %or3A_252 = arith.ori %shift_left3A_248, %shift_right_logical3A_251 : vector<16xi32>
      tpu.vector_store_idx %arg4[%or3A_252], %get3A_226 : memref<16384xf32, #tpu.memory_space<vmem>>[vector<16xi32>], vector<16xf32>,
      tpu.vector_store_idx %arg6[%or3A_252], %get3A_230 : memref<16384xi32, #tpu.memory_space<vmem>>[vector<16xi32>], vector<16xi32>,
      tpu.vector_store_idx %arg10[%add3A_241], %broadcast_in_dim3A_1 {add = true} : memref<4096xi32, #tpu.memory_space<vmem>>[vector<16xi32>], vector<16xi32>,
      %mul3A_253 = arith.constant 8 : i32
      %mul3A_254 = arith.muli %scan3A_122, %mul3A_253 : i32
      %add3A_255 = arith.constant 4 : i32
      %add3A_256 = arith.addi %mul3A_254, %add3A_255 : i32
      %mul3A_257 = arith.constant 16 : i32
      %mul3A_258 = arith.muli %add3A_256, %mul3A_257 : i32
      %get3A_259 = arith.index_cast %mul3A_258 : i32 to index
      %get3A_260 = tpu.vector_load %arg5[%get3A_259] {strides = array<i32>} : memref<16384xf32, #tpu.memory_space<vmem>>, vector<16xf32>,
      %mul3A_261 = arith.constant 16 : i32
      %mul3A_262 = arith.muli %add3A_256, %mul3A_261 : i32
      %get3A_263 = arith.index_cast %mul3A_262 : i32 to index
      %get3A_264 = tpu.vector_load %arg7[%get3A_263] {strides = array<i32>} : memref<16384xi32, #tpu.memory_space<vmem>>, vector<16xi32>,
      %bitcast3A_265 = vector.bitcast %get3A_260 : vector<16xf32> to vector<16xi32>
      %shift_right_logical3A_266 = arith.constant 8 : i32
      %shift_right_logical3A_267 = vector.broadcast %shift_right_logical3A_266 : i32 to vector<16xi32>
      %shift_right_logical3A_268 = arith.shrui %bitcast3A_265, %shift_right_logical3A_267 : vector<16xi32>
      %and3A_269 = arith.constant 255 : i32
      %and3A_270 = vector.broadcast %and3A_269 : i32 to vector<16xi32>
      %and3A_271 = arith.andi %shift_right_logical3A_268, %and3A_270 : vector<16xi32>
      %mul3A_272 = arith.constant 16 : i32
      %mul3A_273 = vector.broadcast %mul3A_272 : i32 to vector<16xi32>
      %mul3A_274 = arith.muli %and3A_271, %mul3A_273 : vector<16xi32>
      %add3A_275 = arith.addi %mul3A_274, %iota3A : vector<16xi32>
      %gather3A_276 = tpu.vector_load_idx %arg10[%add3A_275] : memref<4096xi32, #tpu.memory_space<vmem>>[vector<16xi32>], vector<16xi32>,
      %and3A_277 = arith.constant 1023 : i32
      %and3A_278 = vector.broadcast %and3A_277 : i32 to vector<16xi32>
      %and3A_279 = arith.andi %gather3A_276, %and3A_278 : vector<16xi32>
      %shift_left3A_280 = arith.constant 4 : i32
      %shift_left3A_281 = vector.broadcast %shift_left3A_280 : i32 to vector<16xi32>
      %shift_left3A_282 = arith.shli %and3A_279, %shift_left3A_281 : vector<16xi32>
      %shift_right_logical3A_283 = arith.constant 10 : i32
      %shift_right_logical3A_284 = vector.broadcast %shift_right_logical3A_283 : i32 to vector<16xi32>
      %shift_right_logical3A_285 = arith.shrui %gather3A_276, %shift_right_logical3A_284 : vector<16xi32>
      %or3A_286 = arith.ori %shift_left3A_282, %shift_right_logical3A_285 : vector<16xi32>
      tpu.vector_store_idx %arg4[%or3A_286], %get3A_260 : memref<16384xf32, #tpu.memory_space<vmem>>[vector<16xi32>], vector<16xf32>,
      tpu.vector_store_idx %arg6[%or3A_286], %get3A_264 : memref<16384xi32, #tpu.memory_space<vmem>>[vector<16xi32>], vector<16xi32>,
      tpu.vector_store_idx %arg10[%add3A_275], %broadcast_in_dim3A_1 {add = true} : memref<4096xi32, #tpu.memory_space<vmem>>[vector<16xi32>], vector<16xi32>,
      %mul3A_287 = arith.constant 8 : i32
      %mul3A_288 = arith.muli %scan3A_122, %mul3A_287 : i32
      %add3A_289 = arith.constant 5 : i32
      %add3A_290 = arith.addi %mul3A_288, %add3A_289 : i32
      %mul3A_291 = arith.constant 16 : i32
      %mul3A_292 = arith.muli %add3A_290, %mul3A_291 : i32
      %get3A_293 = arith.index_cast %mul3A_292 : i32 to index
      %get3A_294 = tpu.vector_load %arg5[%get3A_293] {strides = array<i32>} : memref<16384xf32, #tpu.memory_space<vmem>>, vector<16xf32>,
      %mul3A_295 = arith.constant 16 : i32
      %mul3A_296 = arith.muli %add3A_290, %mul3A_295 : i32
      %get3A_297 = arith.index_cast %mul3A_296 : i32 to index
      %get3A_298 = tpu.vector_load %arg7[%get3A_297] {strides = array<i32>} : memref<16384xi32, #tpu.memory_space<vmem>>, vector<16xi32>,
      %bitcast3A_299 = vector.bitcast %get3A_294 : vector<16xf32> to vector<16xi32>
      %shift_right_logical3A_300 = arith.constant 8 : i32
      %shift_right_logical3A_301 = vector.broadcast %shift_right_logical3A_300 : i32 to vector<16xi32>
      %shift_right_logical3A_302 = arith.shrui %bitcast3A_299, %shift_right_logical3A_301 : vector<16xi32>
      %and3A_303 = arith.constant 255 : i32
      %and3A_304 = vector.broadcast %and3A_303 : i32 to vector<16xi32>
      %and3A_305 = arith.andi %shift_right_logical3A_302, %and3A_304 : vector<16xi32>
      %mul3A_306 = arith.constant 16 : i32
      %mul3A_307 = vector.broadcast %mul3A_306 : i32 to vector<16xi32>
      %mul3A_308 = arith.muli %and3A_305, %mul3A_307 : vector<16xi32>
      %add3A_309 = arith.addi %mul3A_308, %iota3A : vector<16xi32>
      %gather3A_310 = tpu.vector_load_idx %arg10[%add3A_309] : memref<4096xi32, #tpu.memory_space<vmem>>[vector<16xi32>], vector<16xi32>,
      %and3A_311 = arith.constant 1023 : i32
      %and3A_312 = vector.broadcast %and3A_311 : i32 to vector<16xi32>
      %and3A_313 = arith.andi %gather3A_310, %and3A_312 : vector<16xi32>
      %shift_left3A_314 = arith.constant 4 : i32
      %shift_left3A_315 = vector.broadcast %shift_left3A_314 : i32 to vector<16xi32>
      %shift_left3A_316 = arith.shli %and3A_313, %shift_left3A_315 : vector<16xi32>
      %shift_right_logical3A_317 = arith.constant 10 : i32
      %shift_right_logical3A_318 = vector.broadcast %shift_right_logical3A_317 : i32 to vector<16xi32>
      %shift_right_logical3A_319 = arith.shrui %gather3A_310, %shift_right_logical3A_318 : vector<16xi32>
      %or3A_320 = arith.ori %shift_left3A_316, %shift_right_logical3A_319 : vector<16xi32>
      tpu.vector_store_idx %arg4[%or3A_320], %get3A_294 : memref<16384xf32, #tpu.memory_space<vmem>>[vector<16xi32>], vector<16xf32>,
      tpu.vector_store_idx %arg6[%or3A_320], %get3A_298 : memref<16384xi32, #tpu.memory_space<vmem>>[vector<16xi32>], vector<16xi32>,
      tpu.vector_store_idx %arg10[%add3A_309], %broadcast_in_dim3A_1 {add = true} : memref<4096xi32, #tpu.memory_space<vmem>>[vector<16xi32>], vector<16xi32>,
      %mul3A_321 = arith.constant 8 : i32
      %mul3A_322 = arith.muli %scan3A_122, %mul3A_321 : i32
      %add3A_323 = arith.constant 6 : i32
      %add3A_324 = arith.addi %mul3A_322, %add3A_323 : i32
      %mul3A_325 = arith.constant 16 : i32
      %mul3A_326 = arith.muli %add3A_324, %mul3A_325 : i32
      %get3A_327 = arith.index_cast %mul3A_326 : i32 to index
      %get3A_328 = tpu.vector_load %arg5[%get3A_327] {strides = array<i32>} : memref<16384xf32, #tpu.memory_space<vmem>>, vector<16xf32>,
      %mul3A_329 = arith.constant 16 : i32
      %mul3A_330 = arith.muli %add3A_324, %mul3A_329 : i32
      %get3A_331 = arith.index_cast %mul3A_330 : i32 to index
      %get3A_332 = tpu.vector_load %arg7[%get3A_331] {strides = array<i32>} : memref<16384xi32, #tpu.memory_space<vmem>>, vector<16xi32>,
      %bitcast3A_333 = vector.bitcast %get3A_328 : vector<16xf32> to vector<16xi32>
      %shift_right_logical3A_334 = arith.constant 8 : i32
      %shift_right_logical3A_335 = vector.broadcast %shift_right_logical3A_334 : i32 to vector<16xi32>
      %shift_right_logical3A_336 = arith.shrui %bitcast3A_333, %shift_right_logical3A_335 : vector<16xi32>
      %and3A_337 = arith.constant 255 : i32
      %and3A_338 = vector.broadcast %and3A_337 : i32 to vector<16xi32>
      %and3A_339 = arith.andi %shift_right_logical3A_336, %and3A_338 : vector<16xi32>
      %mul3A_340 = arith.constant 16 : i32
      %mul3A_341 = vector.broadcast %mul3A_340 : i32 to vector<16xi32>
      %mul3A_342 = arith.muli %and3A_339, %mul3A_341 : vector<16xi32>
      %add3A_343 = arith.addi %mul3A_342, %iota3A : vector<16xi32>
      %gather3A_344 = tpu.vector_load_idx %arg10[%add3A_343] : memref<4096xi32, #tpu.memory_space<vmem>>[vector<16xi32>], vector<16xi32>,
      %and3A_345 = arith.constant 1023 : i32
      %and3A_346 = vector.broadcast %and3A_345 : i32 to vector<16xi32>
      %and3A_347 = arith.andi %gather3A_344, %and3A_346 : vector<16xi32>
      %shift_left3A_348 = arith.constant 4 : i32
      %shift_left3A_349 = vector.broadcast %shift_left3A_348 : i32 to vector<16xi32>
      %shift_left3A_350 = arith.shli %and3A_347, %shift_left3A_349 : vector<16xi32>
      %shift_right_logical3A_351 = arith.constant 10 : i32
      %shift_right_logical3A_352 = vector.broadcast %shift_right_logical3A_351 : i32 to vector<16xi32>
      %shift_right_logical3A_353 = arith.shrui %gather3A_344, %shift_right_logical3A_352 : vector<16xi32>
      %or3A_354 = arith.ori %shift_left3A_350, %shift_right_logical3A_353 : vector<16xi32>
      tpu.vector_store_idx %arg4[%or3A_354], %get3A_328 : memref<16384xf32, #tpu.memory_space<vmem>>[vector<16xi32>], vector<16xf32>,
      tpu.vector_store_idx %arg6[%or3A_354], %get3A_332 : memref<16384xi32, #tpu.memory_space<vmem>>[vector<16xi32>], vector<16xi32>,
      tpu.vector_store_idx %arg10[%add3A_343], %broadcast_in_dim3A_1 {add = true} : memref<4096xi32, #tpu.memory_space<vmem>>[vector<16xi32>], vector<16xi32>,
      %mul3A_355 = arith.constant 8 : i32
      %mul3A_356 = arith.muli %scan3A_122, %mul3A_355 : i32
      %add3A_357 = arith.constant 7 : i32
      %add3A_358 = arith.addi %mul3A_356, %add3A_357 : i32
      %mul3A_359 = arith.constant 16 : i32
      %mul3A_360 = arith.muli %add3A_358, %mul3A_359 : i32
      %get3A_361 = arith.index_cast %mul3A_360 : i32 to index
      %get3A_362 = tpu.vector_load %arg5[%get3A_361] {strides = array<i32>} : memref<16384xf32, #tpu.memory_space<vmem>>, vector<16xf32>,
      %mul3A_363 = arith.constant 16 : i32
      %mul3A_364 = arith.muli %add3A_358, %mul3A_363 : i32
      %get3A_365 = arith.index_cast %mul3A_364 : i32 to index
      %get3A_366 = tpu.vector_load %arg7[%get3A_365] {strides = array<i32>} : memref<16384xi32, #tpu.memory_space<vmem>>, vector<16xi32>,
      %bitcast3A_367 = vector.bitcast %get3A_362 : vector<16xf32> to vector<16xi32>
      %shift_right_logical3A_368 = arith.constant 8 : i32
      %shift_right_logical3A_369 = vector.broadcast %shift_right_logical3A_368 : i32 to vector<16xi32>
      %shift_right_logical3A_370 = arith.shrui %bitcast3A_367, %shift_right_logical3A_369 : vector<16xi32>
      %and3A_371 = arith.constant 255 : i32
      %and3A_372 = vector.broadcast %and3A_371 : i32 to vector<16xi32>
      %and3A_373 = arith.andi %shift_right_logical3A_370, %and3A_372 : vector<16xi32>
      %mul3A_374 = arith.constant 16 : i32
      %mul3A_375 = vector.broadcast %mul3A_374 : i32 to vector<16xi32>
      %mul3A_376 = arith.muli %and3A_373, %mul3A_375 : vector<16xi32>
      %add3A_377 = arith.addi %mul3A_376, %iota3A : vector<16xi32>
      %gather3A_378 = tpu.vector_load_idx %arg10[%add3A_377] : memref<4096xi32, #tpu.memory_space<vmem>>[vector<16xi32>], vector<16xi32>,
      %and3A_379 = arith.constant 1023 : i32
      %and3A_380 = vector.broadcast %and3A_379 : i32 to vector<16xi32>
      %and3A_381 = arith.andi %gather3A_378, %and3A_380 : vector<16xi32>
      %shift_left3A_382 = arith.constant 4 : i32
      %shift_left3A_383 = vector.broadcast %shift_left3A_382 : i32 to vector<16xi32>
      %shift_left3A_384 = arith.shli %and3A_381, %shift_left3A_383 : vector<16xi32>
      %shift_right_logical3A_385 = arith.constant 10 : i32
      %shift_right_logical3A_386 = vector.broadcast %shift_right_logical3A_385 : i32 to vector<16xi32>
      %shift_right_logical3A_387 = arith.shrui %gather3A_378, %shift_right_logical3A_386 : vector<16xi32>
      %or3A_388 = arith.ori %shift_left3A_384, %shift_right_logical3A_387 : vector<16xi32>
      tpu.vector_store_idx %arg4[%or3A_388], %get3A_362 : memref<16384xf32, #tpu.memory_space<vmem>>[vector<16xi32>], vector<16xf32>,
      tpu.vector_store_idx %arg6[%or3A_388], %get3A_366 : memref<16384xi32, #tpu.memory_space<vmem>>[vector<16xi32>], vector<16xi32>,
      tpu.vector_store_idx %arg10[%add3A_377], %broadcast_in_dim3A_1 {add = true} : memref<4096xi32, #tpu.memory_space<vmem>>[vector<16xi32>], vector<16xi32>,
      %scan3A_389 = arith.constant 0 : i32
      scf.yield %scan3A_389 : i32
    }
    %scan3A_59 = arith.constant 128 : i32
    %scan3A_60 = arith.constant 0 : i32
    %scan3A_61 = arith.constant 0 : i32
    %scan3A_62 = arith.constant 64 : i32
    %scan3A_63 = arith.addi %scan3A_61, %scan3A_62 : i32
    %scan3A_64 = arith.constant 1 : i32
    %scan3A_65 = scf.for %scan3A_122 = %scan3A_61 to %scan3A_63 step %scan3A_64 iter_args(%scan3A_123 = %scan3A_60) -> (i32)  : i32 {
      %mul3A_124 = arith.constant 4 : i32
      %mul3A_125 = arith.muli %scan3A_122, %mul3A_124 : i32
      %add3A_126 = arith.constant 0 : i32
      %add3A_127 = arith.addi %mul3A_125, %add3A_126 : i32
      %mul3A_128 = arith.constant 16 : i32
      %mul3A_129 = arith.muli %add3A_127, %mul3A_128 : i32
      %swap3A_130 = arith.index_cast %mul3A_129 : i32 to index
      %swap3A_131 = tpu.vector_load %arg9[%swap3A_130] {strides = array<i32>} : memref<4096xi32, #tpu.memory_space<vmem>>, vector<16xi32>,
      tpu.vector_store %arg9[%swap3A_130], %broadcast_in_dim3A_3 {strides = array<i32>} : memref<4096xi32, #tpu.memory_space<vmem>>, vector<16xi32>,
      %mul3A_132 = arith.constant 4 : i32
      %mul3A_133 = arith.muli %scan3A_122, %mul3A_132 : i32
      %add3A_134 = arith.constant 1 : i32
      %add3A_135 = arith.addi %mul3A_133, %add3A_134 : i32
      %mul3A_136 = arith.constant 16 : i32
      %mul3A_137 = arith.muli %add3A_135, %mul3A_136 : i32
      %swap3A_138 = arith.index_cast %mul3A_137 : i32 to index
      %swap3A_139 = tpu.vector_load %arg9[%swap3A_138] {strides = array<i32>} : memref<4096xi32, #tpu.memory_space<vmem>>, vector<16xi32>,
      tpu.vector_store %arg9[%swap3A_138], %broadcast_in_dim3A_3 {strides = array<i32>} : memref<4096xi32, #tpu.memory_space<vmem>>, vector<16xi32>,
      %mul3A_140 = arith.constant 4 : i32
      %mul3A_141 = arith.muli %scan3A_122, %mul3A_140 : i32
      %add3A_142 = arith.constant 2 : i32
      %add3A_143 = arith.addi %mul3A_141, %add3A_142 : i32
      %mul3A_144 = arith.constant 16 : i32
      %mul3A_145 = arith.muli %add3A_143, %mul3A_144 : i32
      %swap3A_146 = arith.index_cast %mul3A_145 : i32 to index
      %swap3A_147 = tpu.vector_load %arg9[%swap3A_146] {strides = array<i32>} : memref<4096xi32, #tpu.memory_space<vmem>>, vector<16xi32>,
      tpu.vector_store %arg9[%swap3A_146], %broadcast_in_dim3A_3 {strides = array<i32>} : memref<4096xi32, #tpu.memory_space<vmem>>, vector<16xi32>,
      %mul3A_148 = arith.constant 4 : i32
      %mul3A_149 = arith.muli %scan3A_122, %mul3A_148 : i32
      %add3A_150 = arith.constant 3 : i32
      %add3A_151 = arith.addi %mul3A_149, %add3A_150 : i32
      %mul3A_152 = arith.constant 16 : i32
      %mul3A_153 = arith.muli %add3A_151, %mul3A_152 : i32
      %swap3A_154 = arith.index_cast %mul3A_153 : i32 to index
      %swap3A_155 = tpu.vector_load %arg9[%swap3A_154] {strides = array<i32>} : memref<4096xi32, #tpu.memory_space<vmem>>, vector<16xi32>,
      tpu.vector_store %arg9[%swap3A_154], %broadcast_in_dim3A_3 {strides = array<i32>} : memref<4096xi32, #tpu.memory_space<vmem>>, vector<16xi32>,
      %scan3A_156 = arith.constant 0 : i32
      scf.yield %scan3A_156 : i32
    }
    %scan3A_66 = arith.constant 64 : i32
    %scan3A_67 = arith.constant 0 : i32
    %scan3A_68 = arith.constant 0 : i32
    %scan3A_69 = arith.constant 64 : i32
    %scan3A_70 = arith.addi %scan3A_68, %scan3A_69 : i32
    %scan3A_71 = arith.constant 1 : i32
    %scan3A_72 = scf.for %scan3A_122 = %scan3A_68 to %scan3A_70 step %scan3A_71 iter_args(%scan3A_123 = %scan3A_67) -> (i32)  : i32 {
      %mul3A_124 = arith.constant 16 : i32
      %mul3A_125 = arith.muli %scan3A_122, %mul3A_124 : i32
      %add3A_126 = arith.constant 0 : i32
      %add3A_127 = arith.addi %mul3A_125, %add3A_126 : i32
      %mul3A_128 = arith.constant 16 : i32
      %mul3A_129 = arith.muli %add3A_127, %mul3A_128 : i32
      %get3A = arith.index_cast %mul3A_129 : i32 to index
      %get3A_130 = tpu.vector_load %arg4[%get3A] {strides = array<i32>} : memref<16384xf32, #tpu.memory_space<vmem>>, vector<16xf32>,
      %bitcast3A = vector.bitcast %get3A_130 : vector<16xf32> to vector<16xi32>
      %shift_right_logical3A = arith.constant 16 : i32
      %shift_right_logical3A_131 = vector.broadcast %shift_right_logical3A : i32 to vector<16xi32>
      %shift_right_logical3A_132 = arith.shrui %bitcast3A, %shift_right_logical3A_131 : vector<16xi32>
      %and3A = arith.constant 255 : i32
      %and3A_133 = vector.broadcast %and3A : i32 to vector<16xi32>
      %and3A_134 = arith.andi %shift_right_logical3A_132, %and3A_133 : vector<16xi32>
      %mul3A_135 = arith.constant 16 : i32
      %mul3A_136 = vector.broadcast %mul3A_135 : i32 to vector<16xi32>
      %mul3A_137 = arith.muli %and3A_134, %mul3A_136 : vector<16xi32>
      %add3A_138 = arith.addi %mul3A_137, %iota3A : vector<16xi32>
      tpu.vector_store_idx %arg9[%add3A_138], %broadcast_in_dim3A_1 {add = true} : memref<4096xi32, #tpu.memory_space<vmem>>[vector<16xi32>], vector<16xi32>,
      %mul3A_139 = arith.constant 16 : i32
      %mul3A_140 = arith.muli %scan3A_122, %mul3A_139 : i32
      %add3A_141 = arith.constant 1 : i32
      %add3A_142 = arith.addi %mul3A_140, %add3A_141 : i32
      %mul3A_143 = arith.constant 16 : i32
      %mul3A_144 = arith.muli %add3A_142, %mul3A_143 : i32
      %get3A_145 = arith.index_cast %mul3A_144 : i32 to index
      %get3A_146 = tpu.vector_load %arg4[%get3A_145] {strides = array<i32>} : memref<16384xf32, #tpu.memory_space<vmem>>, vector<16xf32>,
      %bitcast3A_147 = vector.bitcast %get3A_146 : vector<16xf32> to vector<16xi32>
      %shift_right_logical3A_148 = arith.constant 16 : i32
      %shift_right_logical3A_149 = vector.broadcast %shift_right_logical3A_148 : i32 to vector<16xi32>
      %shift_right_logical3A_150 = arith.shrui %bitcast3A_147, %shift_right_logical3A_149 : vector<16xi32>
      %and3A_151 = arith.constant 255 : i32
      %and3A_152 = vector.broadcast %and3A_151 : i32 to vector<16xi32>
      %and3A_153 = arith.andi %shift_right_logical3A_150, %and3A_152 : vector<16xi32>
      %mul3A_154 = arith.constant 16 : i32
      %mul3A_155 = vector.broadcast %mul3A_154 : i32 to vector<16xi32>
      %mul3A_156 = arith.muli %and3A_153, %mul3A_155 : vector<16xi32>
      %add3A_157 = arith.addi %mul3A_156, %iota3A : vector<16xi32>
      tpu.vector_store_idx %arg9[%add3A_157], %broadcast_in_dim3A_1 {add = true} : memref<4096xi32, #tpu.memory_space<vmem>>[vector<16xi32>], vector<16xi32>,
      %mul3A_158 = arith.constant 16 : i32
      %mul3A_159 = arith.muli %scan3A_122, %mul3A_158 : i32
      %add3A_160 = arith.constant 2 : i32
      %add3A_161 = arith.addi %mul3A_159, %add3A_160 : i32
      %mul3A_162 = arith.constant 16 : i32
      %mul3A_163 = arith.muli %add3A_161, %mul3A_162 : i32
      %get3A_164 = arith.index_cast %mul3A_163 : i32 to index
      %get3A_165 = tpu.vector_load %arg4[%get3A_164] {strides = array<i32>} : memref<16384xf32, #tpu.memory_space<vmem>>, vector<16xf32>,
      %bitcast3A_166 = vector.bitcast %get3A_165 : vector<16xf32> to vector<16xi32>
      %shift_right_logical3A_167 = arith.constant 16 : i32
      %shift_right_logical3A_168 = vector.broadcast %shift_right_logical3A_167 : i32 to vector<16xi32>
      %shift_right_logical3A_169 = arith.shrui %bitcast3A_166, %shift_right_logical3A_168 : vector<16xi32>
      %and3A_170 = arith.constant 255 : i32
      %and3A_171 = vector.broadcast %and3A_170 : i32 to vector<16xi32>
      %and3A_172 = arith.andi %shift_right_logical3A_169, %and3A_171 : vector<16xi32>
      %mul3A_173 = arith.constant 16 : i32
      %mul3A_174 = vector.broadcast %mul3A_173 : i32 to vector<16xi32>
      %mul3A_175 = arith.muli %and3A_172, %mul3A_174 : vector<16xi32>
      %add3A_176 = arith.addi %mul3A_175, %iota3A : vector<16xi32>
      tpu.vector_store_idx %arg9[%add3A_176], %broadcast_in_dim3A_1 {add = true} : memref<4096xi32, #tpu.memory_space<vmem>>[vector<16xi32>], vector<16xi32>,
      %mul3A_177 = arith.constant 16 : i32
      %mul3A_178 = arith.muli %scan3A_122, %mul3A_177 : i32
      %add3A_179 = arith.constant 3 : i32
      %add3A_180 = arith.addi %mul3A_178, %add3A_179 : i32
      %mul3A_181 = arith.constant 16 : i32
      %mul3A_182 = arith.muli %add3A_180, %mul3A_181 : i32
      %get3A_183 = arith.index_cast %mul3A_182 : i32 to index
      %get3A_184 = tpu.vector_load %arg4[%get3A_183] {strides = array<i32>} : memref<16384xf32, #tpu.memory_space<vmem>>, vector<16xf32>,
      %bitcast3A_185 = vector.bitcast %get3A_184 : vector<16xf32> to vector<16xi32>
      %shift_right_logical3A_186 = arith.constant 16 : i32
      %shift_right_logical3A_187 = vector.broadcast %shift_right_logical3A_186 : i32 to vector<16xi32>
      %shift_right_logical3A_188 = arith.shrui %bitcast3A_185, %shift_right_logical3A_187 : vector<16xi32>
      %and3A_189 = arith.constant 255 : i32
      %and3A_190 = vector.broadcast %and3A_189 : i32 to vector<16xi32>
      %and3A_191 = arith.andi %shift_right_logical3A_188, %and3A_190 : vector<16xi32>
      %mul3A_192 = arith.constant 16 : i32
      %mul3A_193 = vector.broadcast %mul3A_192 : i32 to vector<16xi32>
      %mul3A_194 = arith.muli %and3A_191, %mul3A_193 : vector<16xi32>
      %add3A_195 = arith.addi %mul3A_194, %iota3A : vector<16xi32>
      tpu.vector_store_idx %arg9[%add3A_195], %broadcast_in_dim3A_1 {add = true} : memref<4096xi32, #tpu.memory_space<vmem>>[vector<16xi32>], vector<16xi32>,
      %mul3A_196 = arith.constant 16 : i32
      %mul3A_197 = arith.muli %scan3A_122, %mul3A_196 : i32
      %add3A_198 = arith.constant 4 : i32
      %add3A_199 = arith.addi %mul3A_197, %add3A_198 : i32
      %mul3A_200 = arith.constant 16 : i32
      %mul3A_201 = arith.muli %add3A_199, %mul3A_200 : i32
      %get3A_202 = arith.index_cast %mul3A_201 : i32 to index
      %get3A_203 = tpu.vector_load %arg4[%get3A_202] {strides = array<i32>} : memref<16384xf32, #tpu.memory_space<vmem>>, vector<16xf32>,
      %bitcast3A_204 = vector.bitcast %get3A_203 : vector<16xf32> to vector<16xi32>
      %shift_right_logical3A_205 = arith.constant 16 : i32
      %shift_right_logical3A_206 = vector.broadcast %shift_right_logical3A_205 : i32 to vector<16xi32>
      %shift_right_logical3A_207 = arith.shrui %bitcast3A_204, %shift_right_logical3A_206 : vector<16xi32>
      %and3A_208 = arith.constant 255 : i32
      %and3A_209 = vector.broadcast %and3A_208 : i32 to vector<16xi32>
      %and3A_210 = arith.andi %shift_right_logical3A_207, %and3A_209 : vector<16xi32>
      %mul3A_211 = arith.constant 16 : i32
      %mul3A_212 = vector.broadcast %mul3A_211 : i32 to vector<16xi32>
      %mul3A_213 = arith.muli %and3A_210, %mul3A_212 : vector<16xi32>
      %add3A_214 = arith.addi %mul3A_213, %iota3A : vector<16xi32>
      tpu.vector_store_idx %arg9[%add3A_214], %broadcast_in_dim3A_1 {add = true} : memref<4096xi32, #tpu.memory_space<vmem>>[vector<16xi32>], vector<16xi32>,
      %mul3A_215 = arith.constant 16 : i32
      %mul3A_216 = arith.muli %scan3A_122, %mul3A_215 : i32
      %add3A_217 = arith.constant 5 : i32
      %add3A_218 = arith.addi %mul3A_216, %add3A_217 : i32
      %mul3A_219 = arith.constant 16 : i32
      %mul3A_220 = arith.muli %add3A_218, %mul3A_219 : i32
      %get3A_221 = arith.index_cast %mul3A_220 : i32 to index
      %get3A_222 = tpu.vector_load %arg4[%get3A_221] {strides = array<i32>} : memref<16384xf32, #tpu.memory_space<vmem>>, vector<16xf32>,
      %bitcast3A_223 = vector.bitcast %get3A_222 : vector<16xf32> to vector<16xi32>
      %shift_right_logical3A_224 = arith.constant 16 : i32
      %shift_right_logical3A_225 = vector.broadcast %shift_right_logical3A_224 : i32 to vector<16xi32>
      %shift_right_logical3A_226 = arith.shrui %bitcast3A_223, %shift_right_logical3A_225 : vector<16xi32>
      %and3A_227 = arith.constant 255 : i32
      %and3A_228 = vector.broadcast %and3A_227 : i32 to vector<16xi32>
      %and3A_229 = arith.andi %shift_right_logical3A_226, %and3A_228 : vector<16xi32>
      %mul3A_230 = arith.constant 16 : i32
      %mul3A_231 = vector.broadcast %mul3A_230 : i32 to vector<16xi32>
      %mul3A_232 = arith.muli %and3A_229, %mul3A_231 : vector<16xi32>
      %add3A_233 = arith.addi %mul3A_232, %iota3A : vector<16xi32>
      tpu.vector_store_idx %arg9[%add3A_233], %broadcast_in_dim3A_1 {add = true} : memref<4096xi32, #tpu.memory_space<vmem>>[vector<16xi32>], vector<16xi32>,
      %mul3A_234 = arith.constant 16 : i32
      %mul3A_235 = arith.muli %scan3A_122, %mul3A_234 : i32
      %add3A_236 = arith.constant 6 : i32
      %add3A_237 = arith.addi %mul3A_235, %add3A_236 : i32
      %mul3A_238 = arith.constant 16 : i32
      %mul3A_239 = arith.muli %add3A_237, %mul3A_238 : i32
      %get3A_240 = arith.index_cast %mul3A_239 : i32 to index
      %get3A_241 = tpu.vector_load %arg4[%get3A_240] {strides = array<i32>} : memref<16384xf32, #tpu.memory_space<vmem>>, vector<16xf32>,
      %bitcast3A_242 = vector.bitcast %get3A_241 : vector<16xf32> to vector<16xi32>
      %shift_right_logical3A_243 = arith.constant 16 : i32
      %shift_right_logical3A_244 = vector.broadcast %shift_right_logical3A_243 : i32 to vector<16xi32>
      %shift_right_logical3A_245 = arith.shrui %bitcast3A_242, %shift_right_logical3A_244 : vector<16xi32>
      %and3A_246 = arith.constant 255 : i32
      %and3A_247 = vector.broadcast %and3A_246 : i32 to vector<16xi32>
      %and3A_248 = arith.andi %shift_right_logical3A_245, %and3A_247 : vector<16xi32>
      %mul3A_249 = arith.constant 16 : i32
      %mul3A_250 = vector.broadcast %mul3A_249 : i32 to vector<16xi32>
      %mul3A_251 = arith.muli %and3A_248, %mul3A_250 : vector<16xi32>
      %add3A_252 = arith.addi %mul3A_251, %iota3A : vector<16xi32>
      tpu.vector_store_idx %arg9[%add3A_252], %broadcast_in_dim3A_1 {add = true} : memref<4096xi32, #tpu.memory_space<vmem>>[vector<16xi32>], vector<16xi32>,
      %mul3A_253 = arith.constant 16 : i32
      %mul3A_254 = arith.muli %scan3A_122, %mul3A_253 : i32
      %add3A_255 = arith.constant 7 : i32
      %add3A_256 = arith.addi %mul3A_254, %add3A_255 : i32
      %mul3A_257 = arith.constant 16 : i32
      %mul3A_258 = arith.muli %add3A_256, %mul3A_257 : i32
      %get3A_259 = arith.index_cast %mul3A_258 : i32 to index
      %get3A_260 = tpu.vector_load %arg4[%get3A_259] {strides = array<i32>} : memref<16384xf32, #tpu.memory_space<vmem>>, vector<16xf32>,
      %bitcast3A_261 = vector.bitcast %get3A_260 : vector<16xf32> to vector<16xi32>
      %shift_right_logical3A_262 = arith.constant 16 : i32
      %shift_right_logical3A_263 = vector.broadcast %shift_right_logical3A_262 : i32 to vector<16xi32>
      %shift_right_logical3A_264 = arith.shrui %bitcast3A_261, %shift_right_logical3A_263 : vector<16xi32>
      %and3A_265 = arith.constant 255 : i32
      %and3A_266 = vector.broadcast %and3A_265 : i32 to vector<16xi32>
      %and3A_267 = arith.andi %shift_right_logical3A_264, %and3A_266 : vector<16xi32>
      %mul3A_268 = arith.constant 16 : i32
      %mul3A_269 = vector.broadcast %mul3A_268 : i32 to vector<16xi32>
      %mul3A_270 = arith.muli %and3A_267, %mul3A_269 : vector<16xi32>
      %add3A_271 = arith.addi %mul3A_270, %iota3A : vector<16xi32>
      tpu.vector_store_idx %arg9[%add3A_271], %broadcast_in_dim3A_1 {add = true} : memref<4096xi32, #tpu.memory_space<vmem>>[vector<16xi32>], vector<16xi32>,
      %mul3A_272 = arith.constant 16 : i32
      %mul3A_273 = arith.muli %scan3A_122, %mul3A_272 : i32
      %add3A_274 = arith.constant 8 : i32
      %add3A_275 = arith.addi %mul3A_273, %add3A_274 : i32
      %mul3A_276 = arith.constant 16 : i32
      %mul3A_277 = arith.muli %add3A_275, %mul3A_276 : i32
      %get3A_278 = arith.index_cast %mul3A_277 : i32 to index
      %get3A_279 = tpu.vector_load %arg4[%get3A_278] {strides = array<i32>} : memref<16384xf32, #tpu.memory_space<vmem>>, vector<16xf32>,
      %bitcast3A_280 = vector.bitcast %get3A_279 : vector<16xf32> to vector<16xi32>
      %shift_right_logical3A_281 = arith.constant 16 : i32
      %shift_right_logical3A_282 = vector.broadcast %shift_right_logical3A_281 : i32 to vector<16xi32>
      %shift_right_logical3A_283 = arith.shrui %bitcast3A_280, %shift_right_logical3A_282 : vector<16xi32>
      %and3A_284 = arith.constant 255 : i32
      %and3A_285 = vector.broadcast %and3A_284 : i32 to vector<16xi32>
      %and3A_286 = arith.andi %shift_right_logical3A_283, %and3A_285 : vector<16xi32>
      %mul3A_287 = arith.constant 16 : i32
      %mul3A_288 = vector.broadcast %mul3A_287 : i32 to vector<16xi32>
      %mul3A_289 = arith.muli %and3A_286, %mul3A_288 : vector<16xi32>
      %add3A_290 = arith.addi %mul3A_289, %iota3A : vector<16xi32>
      tpu.vector_store_idx %arg9[%add3A_290], %broadcast_in_dim3A_1 {add = true} : memref<4096xi32, #tpu.memory_space<vmem>>[vector<16xi32>], vector<16xi32>,
      %mul3A_291 = arith.constant 16 : i32
      %mul3A_292 = arith.muli %scan3A_122, %mul3A_291 : i32
      %add3A_293 = arith.constant 9 : i32
      %add3A_294 = arith.addi %mul3A_292, %add3A_293 : i32
      %mul3A_295 = arith.constant 16 : i32
      %mul3A_296 = arith.muli %add3A_294, %mul3A_295 : i32
      %get3A_297 = arith.index_cast %mul3A_296 : i32 to index
      %get3A_298 = tpu.vector_load %arg4[%get3A_297] {strides = array<i32>} : memref<16384xf32, #tpu.memory_space<vmem>>, vector<16xf32>,
      %bitcast3A_299 = vector.bitcast %get3A_298 : vector<16xf32> to vector<16xi32>
      %shift_right_logical3A_300 = arith.constant 16 : i32
      %shift_right_logical3A_301 = vector.broadcast %shift_right_logical3A_300 : i32 to vector<16xi32>
      %shift_right_logical3A_302 = arith.shrui %bitcast3A_299, %shift_right_logical3A_301 : vector<16xi32>
      %and3A_303 = arith.constant 255 : i32
      %and3A_304 = vector.broadcast %and3A_303 : i32 to vector<16xi32>
      %and3A_305 = arith.andi %shift_right_logical3A_302, %and3A_304 : vector<16xi32>
      %mul3A_306 = arith.constant 16 : i32
      %mul3A_307 = vector.broadcast %mul3A_306 : i32 to vector<16xi32>
      %mul3A_308 = arith.muli %and3A_305, %mul3A_307 : vector<16xi32>
      %add3A_309 = arith.addi %mul3A_308, %iota3A : vector<16xi32>
      tpu.vector_store_idx %arg9[%add3A_309], %broadcast_in_dim3A_1 {add = true} : memref<4096xi32, #tpu.memory_space<vmem>>[vector<16xi32>], vector<16xi32>,
      %mul3A_310 = arith.constant 16 : i32
      %mul3A_311 = arith.muli %scan3A_122, %mul3A_310 : i32
      %add3A_312 = arith.constant 10 : i32
      %add3A_313 = arith.addi %mul3A_311, %add3A_312 : i32
      %mul3A_314 = arith.constant 16 : i32
      %mul3A_315 = arith.muli %add3A_313, %mul3A_314 : i32
      %get3A_316 = arith.index_cast %mul3A_315 : i32 to index
      %get3A_317 = tpu.vector_load %arg4[%get3A_316] {strides = array<i32>} : memref<16384xf32, #tpu.memory_space<vmem>>, vector<16xf32>,
      %bitcast3A_318 = vector.bitcast %get3A_317 : vector<16xf32> to vector<16xi32>
      %shift_right_logical3A_319 = arith.constant 16 : i32
      %shift_right_logical3A_320 = vector.broadcast %shift_right_logical3A_319 : i32 to vector<16xi32>
      %shift_right_logical3A_321 = arith.shrui %bitcast3A_318, %shift_right_logical3A_320 : vector<16xi32>
      %and3A_322 = arith.constant 255 : i32
      %and3A_323 = vector.broadcast %and3A_322 : i32 to vector<16xi32>
      %and3A_324 = arith.andi %shift_right_logical3A_321, %and3A_323 : vector<16xi32>
      %mul3A_325 = arith.constant 16 : i32
      %mul3A_326 = vector.broadcast %mul3A_325 : i32 to vector<16xi32>
      %mul3A_327 = arith.muli %and3A_324, %mul3A_326 : vector<16xi32>
      %add3A_328 = arith.addi %mul3A_327, %iota3A : vector<16xi32>
      tpu.vector_store_idx %arg9[%add3A_328], %broadcast_in_dim3A_1 {add = true} : memref<4096xi32, #tpu.memory_space<vmem>>[vector<16xi32>], vector<16xi32>,
      %mul3A_329 = arith.constant 16 : i32
      %mul3A_330 = arith.muli %scan3A_122, %mul3A_329 : i32
      %add3A_331 = arith.constant 11 : i32
      %add3A_332 = arith.addi %mul3A_330, %add3A_331 : i32
      %mul3A_333 = arith.constant 16 : i32
      %mul3A_334 = arith.muli %add3A_332, %mul3A_333 : i32
      %get3A_335 = arith.index_cast %mul3A_334 : i32 to index
      %get3A_336 = tpu.vector_load %arg4[%get3A_335] {strides = array<i32>} : memref<16384xf32, #tpu.memory_space<vmem>>, vector<16xf32>,
      %bitcast3A_337 = vector.bitcast %get3A_336 : vector<16xf32> to vector<16xi32>
      %shift_right_logical3A_338 = arith.constant 16 : i32
      %shift_right_logical3A_339 = vector.broadcast %shift_right_logical3A_338 : i32 to vector<16xi32>
      %shift_right_logical3A_340 = arith.shrui %bitcast3A_337, %shift_right_logical3A_339 : vector<16xi32>
      %and3A_341 = arith.constant 255 : i32
      %and3A_342 = vector.broadcast %and3A_341 : i32 to vector<16xi32>
      %and3A_343 = arith.andi %shift_right_logical3A_340, %and3A_342 : vector<16xi32>
      %mul3A_344 = arith.constant 16 : i32
      %mul3A_345 = vector.broadcast %mul3A_344 : i32 to vector<16xi32>
      %mul3A_346 = arith.muli %and3A_343, %mul3A_345 : vector<16xi32>
      %add3A_347 = arith.addi %mul3A_346, %iota3A : vector<16xi32>
      tpu.vector_store_idx %arg9[%add3A_347], %broadcast_in_dim3A_1 {add = true} : memref<4096xi32, #tpu.memory_space<vmem>>[vector<16xi32>], vector<16xi32>,
      %mul3A_348 = arith.constant 16 : i32
      %mul3A_349 = arith.muli %scan3A_122, %mul3A_348 : i32
      %add3A_350 = arith.constant 12 : i32
      %add3A_351 = arith.addi %mul3A_349, %add3A_350 : i32
      %mul3A_352 = arith.constant 16 : i32
      %mul3A_353 = arith.muli %add3A_351, %mul3A_352 : i32
      %get3A_354 = arith.index_cast %mul3A_353 : i32 to index
      %get3A_355 = tpu.vector_load %arg4[%get3A_354] {strides = array<i32>} : memref<16384xf32, #tpu.memory_space<vmem>>, vector<16xf32>,
      %bitcast3A_356 = vector.bitcast %get3A_355 : vector<16xf32> to vector<16xi32>
      %shift_right_logical3A_357 = arith.constant 16 : i32
      %shift_right_logical3A_358 = vector.broadcast %shift_right_logical3A_357 : i32 to vector<16xi32>
      %shift_right_logical3A_359 = arith.shrui %bitcast3A_356, %shift_right_logical3A_358 : vector<16xi32>
      %and3A_360 = arith.constant 255 : i32
      %and3A_361 = vector.broadcast %and3A_360 : i32 to vector<16xi32>
      %and3A_362 = arith.andi %shift_right_logical3A_359, %and3A_361 : vector<16xi32>
      %mul3A_363 = arith.constant 16 : i32
      %mul3A_364 = vector.broadcast %mul3A_363 : i32 to vector<16xi32>
      %mul3A_365 = arith.muli %and3A_362, %mul3A_364 : vector<16xi32>
      %add3A_366 = arith.addi %mul3A_365, %iota3A : vector<16xi32>
      tpu.vector_store_idx %arg9[%add3A_366], %broadcast_in_dim3A_1 {add = true} : memref<4096xi32, #tpu.memory_space<vmem>>[vector<16xi32>], vector<16xi32>,
      %mul3A_367 = arith.constant 16 : i32
      %mul3A_368 = arith.muli %scan3A_122, %mul3A_367 : i32
      %add3A_369 = arith.constant 13 : i32
      %add3A_370 = arith.addi %mul3A_368, %add3A_369 : i32
      %mul3A_371 = arith.constant 16 : i32
      %mul3A_372 = arith.muli %add3A_370, %mul3A_371 : i32
      %get3A_373 = arith.index_cast %mul3A_372 : i32 to index
      %get3A_374 = tpu.vector_load %arg4[%get3A_373] {strides = array<i32>} : memref<16384xf32, #tpu.memory_space<vmem>>, vector<16xf32>,
      %bitcast3A_375 = vector.bitcast %get3A_374 : vector<16xf32> to vector<16xi32>
      %shift_right_logical3A_376 = arith.constant 16 : i32
      %shift_right_logical3A_377 = vector.broadcast %shift_right_logical3A_376 : i32 to vector<16xi32>
      %shift_right_logical3A_378 = arith.shrui %bitcast3A_375, %shift_right_logical3A_377 : vector<16xi32>
      %and3A_379 = arith.constant 255 : i32
      %and3A_380 = vector.broadcast %and3A_379 : i32 to vector<16xi32>
      %and3A_381 = arith.andi %shift_right_logical3A_378, %and3A_380 : vector<16xi32>
      %mul3A_382 = arith.constant 16 : i32
      %mul3A_383 = vector.broadcast %mul3A_382 : i32 to vector<16xi32>
      %mul3A_384 = arith.muli %and3A_381, %mul3A_383 : vector<16xi32>
      %add3A_385 = arith.addi %mul3A_384, %iota3A : vector<16xi32>
      tpu.vector_store_idx %arg9[%add3A_385], %broadcast_in_dim3A_1 {add = true} : memref<4096xi32, #tpu.memory_space<vmem>>[vector<16xi32>], vector<16xi32>,
      %mul3A_386 = arith.constant 16 : i32
      %mul3A_387 = arith.muli %scan3A_122, %mul3A_386 : i32
      %add3A_388 = arith.constant 14 : i32
      %add3A_389 = arith.addi %mul3A_387, %add3A_388 : i32
      %mul3A_390 = arith.constant 16 : i32
      %mul3A_391 = arith.muli %add3A_389, %mul3A_390 : i32
      %get3A_392 = arith.index_cast %mul3A_391 : i32 to index
      %get3A_393 = tpu.vector_load %arg4[%get3A_392] {strides = array<i32>} : memref<16384xf32, #tpu.memory_space<vmem>>, vector<16xf32>,
      %bitcast3A_394 = vector.bitcast %get3A_393 : vector<16xf32> to vector<16xi32>
      %shift_right_logical3A_395 = arith.constant 16 : i32
      %shift_right_logical3A_396 = vector.broadcast %shift_right_logical3A_395 : i32 to vector<16xi32>
      %shift_right_logical3A_397 = arith.shrui %bitcast3A_394, %shift_right_logical3A_396 : vector<16xi32>
      %and3A_398 = arith.constant 255 : i32
      %and3A_399 = vector.broadcast %and3A_398 : i32 to vector<16xi32>
      %and3A_400 = arith.andi %shift_right_logical3A_397, %and3A_399 : vector<16xi32>
      %mul3A_401 = arith.constant 16 : i32
      %mul3A_402 = vector.broadcast %mul3A_401 : i32 to vector<16xi32>
      %mul3A_403 = arith.muli %and3A_400, %mul3A_402 : vector<16xi32>
      %add3A_404 = arith.addi %mul3A_403, %iota3A : vector<16xi32>
      tpu.vector_store_idx %arg9[%add3A_404], %broadcast_in_dim3A_1 {add = true} : memref<4096xi32, #tpu.memory_space<vmem>>[vector<16xi32>], vector<16xi32>,
      %mul3A_405 = arith.constant 16 : i32
      %mul3A_406 = arith.muli %scan3A_122, %mul3A_405 : i32
      %add3A_407 = arith.constant 15 : i32
      %add3A_408 = arith.addi %mul3A_406, %add3A_407 : i32
      %mul3A_409 = arith.constant 16 : i32
      %mul3A_410 = arith.muli %add3A_408, %mul3A_409 : i32
      %get3A_411 = arith.index_cast %mul3A_410 : i32 to index
      %get3A_412 = tpu.vector_load %arg4[%get3A_411] {strides = array<i32>} : memref<16384xf32, #tpu.memory_space<vmem>>, vector<16xf32>,
      %bitcast3A_413 = vector.bitcast %get3A_412 : vector<16xf32> to vector<16xi32>
      %shift_right_logical3A_414 = arith.constant 16 : i32
      %shift_right_logical3A_415 = vector.broadcast %shift_right_logical3A_414 : i32 to vector<16xi32>
      %shift_right_logical3A_416 = arith.shrui %bitcast3A_413, %shift_right_logical3A_415 : vector<16xi32>
      %and3A_417 = arith.constant 255 : i32
      %and3A_418 = vector.broadcast %and3A_417 : i32 to vector<16xi32>
      %and3A_419 = arith.andi %shift_right_logical3A_416, %and3A_418 : vector<16xi32>
      %mul3A_420 = arith.constant 16 : i32
      %mul3A_421 = vector.broadcast %mul3A_420 : i32 to vector<16xi32>
      %mul3A_422 = arith.muli %and3A_419, %mul3A_421 : vector<16xi32>
      %add3A_423 = arith.addi %mul3A_422, %iota3A : vector<16xi32>
      tpu.vector_store_idx %arg9[%add3A_423], %broadcast_in_dim3A_1 {add = true} : memref<4096xi32, #tpu.memory_space<vmem>>[vector<16xi32>], vector<16xi32>,
      %scan3A_424 = arith.constant 0 : i32
      scf.yield %scan3A_424 : i32
    }
    %scan3A_73 = arith.constant 64 : i32
    %scan3A_74 = arith.constant 0 : i32
    %scan3A_75 = arith.constant 256 : i32
    %scan3A_76 = arith.addi %scan3A_74, %scan3A_75 : i32
    %scan3A_77 = arith.constant 1 : i32
    %scan3A_78 = scf.for %scan3A_122 = %scan3A_74 to %scan3A_76 step %scan3A_77 iter_args(%scan3A_123 = %broadcast_in_dim3A_3) -> (vector<16xi32>)  : i32 {
      %mul3A_124 = arith.constant 16 : i32
      %mul3A_125 = arith.muli %scan3A_122, %mul3A_124 : i32
      %get3A = arith.index_cast %mul3A_125 : i32 to index
      %get3A_126 = tpu.vector_load %arg9[%get3A] {strides = array<i32>} : memref<4096xi32, #tpu.memory_space<vmem>>, vector<16xi32>,
      %broadcast_in_dim3A_127 = arith.constant true
      %broadcast_in_dim3A_128 = vector.broadcast %broadcast_in_dim3A_127 : i1 to vector<16xi1>
      %masked_cumsum3A = tpu.scan <sum>, %get3A_126 masked %broadcast_in_dim3A_128 : vector<16xi32>, vector<16xi1> -> vector<16xi32>
      %swap3A_129 = arith.constant 16 : index
      %swap3A_130 = tpu.vector_load %arg12[%swap3A_129] {strides = array<i32>} : memref<32xi32, #tpu.memory_space<vmem>>, vector<16xi32>,
      tpu.vector_store %arg12[%swap3A_129], %masked_cumsum3A {strides = array<i32>} : memref<32xi32, #tpu.memory_space<vmem>>, vector<16xi32>,
      %add3A_131 = arith.constant 15 : i32
      %add3A_132 = vector.broadcast %add3A_131 : i32 to vector<16xi32>
      %add3A_133 = arith.addi %iota3A, %add3A_132 : vector<16xi32>
      %gather3A = tpu.vector_load_idx %arg12[%add3A_133] : memref<32xi32, #tpu.memory_space<vmem>>[vector<16xi32>], vector<16xi32>,
      %add3A_134 = arith.addi %scan3A_123, %gather3A : vector<16xi32>
      %mul3A_135 = arith.constant 16 : i32
      %mul3A_136 = arith.muli %scan3A_122, %mul3A_135 : i32
      %swap3A_137 = arith.index_cast %mul3A_136 : i32 to index
      %swap3A_138 = tpu.vector_load %arg10[%swap3A_137] {strides = array<i32>} : memref<4096xi32, #tpu.memory_space<vmem>>, vector<16xi32>,
      tpu.vector_store %arg10[%swap3A_137], %add3A_134 {strides = array<i32>} : memref<4096xi32, #tpu.memory_space<vmem>>, vector<16xi32>,
      %gather3A_139 = tpu.vector_load_idx %arg12[%broadcast_in_dim3A_6] : memref<32xi32, #tpu.memory_space<vmem>>[vector<16xi32>], vector<16xi32>,
      %add3A_140 = arith.addi %scan3A_123, %gather3A_139 : vector<16xi32>
      scf.yield %add3A_140 : vector<16xi32>
    }
    %scan3A_79 = arith.constant 256 : i32
    %scan3A_80 = arith.constant 0 : i32
    %scan3A_81 = arith.constant 0 : i32
    %scan3A_82 = arith.constant 128 : i32
    %scan3A_83 = arith.addi %scan3A_81, %scan3A_82 : i32
    %scan3A_84 = arith.constant 1 : i32
    %scan3A_85 = scf.for %scan3A_122 = %scan3A_81 to %scan3A_83 step %scan3A_84 iter_args(%scan3A_123 = %scan3A_80) -> (i32)  : i32 {
      %mul3A_124 = arith.constant 8 : i32
      %mul3A_125 = arith.muli %scan3A_122, %mul3A_124 : i32
      %add3A_126 = arith.constant 0 : i32
      %add3A_127 = arith.addi %mul3A_125, %add3A_126 : i32
      %mul3A_128 = arith.constant 16 : i32
      %mul3A_129 = arith.muli %add3A_127, %mul3A_128 : i32
      %get3A = arith.index_cast %mul3A_129 : i32 to index
      %get3A_130 = tpu.vector_load %arg4[%get3A] {strides = array<i32>} : memref<16384xf32, #tpu.memory_space<vmem>>, vector<16xf32>,
      %mul3A_131 = arith.constant 16 : i32
      %mul3A_132 = arith.muli %add3A_127, %mul3A_131 : i32
      %get3A_133 = arith.index_cast %mul3A_132 : i32 to index
      %get3A_134 = tpu.vector_load %arg6[%get3A_133] {strides = array<i32>} : memref<16384xi32, #tpu.memory_space<vmem>>, vector<16xi32>,
      %bitcast3A = vector.bitcast %get3A_130 : vector<16xf32> to vector<16xi32>
      %shift_right_logical3A = arith.constant 16 : i32
      %shift_right_logical3A_135 = vector.broadcast %shift_right_logical3A : i32 to vector<16xi32>
      %shift_right_logical3A_136 = arith.shrui %bitcast3A, %shift_right_logical3A_135 : vector<16xi32>
      %and3A = arith.constant 255 : i32
      %and3A_137 = vector.broadcast %and3A : i32 to vector<16xi32>
      %and3A_138 = arith.andi %shift_right_logical3A_136, %and3A_137 : vector<16xi32>
      %mul3A_139 = arith.constant 16 : i32
      %mul3A_140 = vector.broadcast %mul3A_139 : i32 to vector<16xi32>
      %mul3A_141 = arith.muli %and3A_138, %mul3A_140 : vector<16xi32>
      %add3A_142 = arith.addi %mul3A_141, %iota3A : vector<16xi32>
      %gather3A = tpu.vector_load_idx %arg10[%add3A_142] : memref<4096xi32, #tpu.memory_space<vmem>>[vector<16xi32>], vector<16xi32>,
      %and3A_143 = arith.constant 1023 : i32
      %and3A_144 = vector.broadcast %and3A_143 : i32 to vector<16xi32>
      %and3A_145 = arith.andi %gather3A, %and3A_144 : vector<16xi32>
      %shift_left3A = arith.constant 4 : i32
      %shift_left3A_146 = vector.broadcast %shift_left3A : i32 to vector<16xi32>
      %shift_left3A_147 = arith.shli %and3A_145, %shift_left3A_146 : vector<16xi32>
      %shift_right_logical3A_148 = arith.constant 10 : i32
      %shift_right_logical3A_149 = vector.broadcast %shift_right_logical3A_148 : i32 to vector<16xi32>
      %shift_right_logical3A_150 = arith.shrui %gather3A, %shift_right_logical3A_149 : vector<16xi32>
      %or3A = arith.ori %shift_left3A_147, %shift_right_logical3A_150 : vector<16xi32>
      tpu.vector_store_idx %arg5[%or3A], %get3A_130 : memref<16384xf32, #tpu.memory_space<vmem>>[vector<16xi32>], vector<16xf32>,
      tpu.vector_store_idx %arg7[%or3A], %get3A_134 : memref<16384xi32, #tpu.memory_space<vmem>>[vector<16xi32>], vector<16xi32>,
      tpu.vector_store_idx %arg10[%add3A_142], %broadcast_in_dim3A_1 {add = true} : memref<4096xi32, #tpu.memory_space<vmem>>[vector<16xi32>], vector<16xi32>,
      %mul3A_151 = arith.constant 8 : i32
      %mul3A_152 = arith.muli %scan3A_122, %mul3A_151 : i32
      %add3A_153 = arith.constant 1 : i32
      %add3A_154 = arith.addi %mul3A_152, %add3A_153 : i32
      %mul3A_155 = arith.constant 16 : i32
      %mul3A_156 = arith.muli %add3A_154, %mul3A_155 : i32
      %get3A_157 = arith.index_cast %mul3A_156 : i32 to index
      %get3A_158 = tpu.vector_load %arg4[%get3A_157] {strides = array<i32>} : memref<16384xf32, #tpu.memory_space<vmem>>, vector<16xf32>,
      %mul3A_159 = arith.constant 16 : i32
      %mul3A_160 = arith.muli %add3A_154, %mul3A_159 : i32
      %get3A_161 = arith.index_cast %mul3A_160 : i32 to index
      %get3A_162 = tpu.vector_load %arg6[%get3A_161] {strides = array<i32>} : memref<16384xi32, #tpu.memory_space<vmem>>, vector<16xi32>,
      %bitcast3A_163 = vector.bitcast %get3A_158 : vector<16xf32> to vector<16xi32>
      %shift_right_logical3A_164 = arith.constant 16 : i32
      %shift_right_logical3A_165 = vector.broadcast %shift_right_logical3A_164 : i32 to vector<16xi32>
      %shift_right_logical3A_166 = arith.shrui %bitcast3A_163, %shift_right_logical3A_165 : vector<16xi32>
      %and3A_167 = arith.constant 255 : i32
      %and3A_168 = vector.broadcast %and3A_167 : i32 to vector<16xi32>
      %and3A_169 = arith.andi %shift_right_logical3A_166, %and3A_168 : vector<16xi32>
      %mul3A_170 = arith.constant 16 : i32
      %mul3A_171 = vector.broadcast %mul3A_170 : i32 to vector<16xi32>
      %mul3A_172 = arith.muli %and3A_169, %mul3A_171 : vector<16xi32>
      %add3A_173 = arith.addi %mul3A_172, %iota3A : vector<16xi32>
      %gather3A_174 = tpu.vector_load_idx %arg10[%add3A_173] : memref<4096xi32, #tpu.memory_space<vmem>>[vector<16xi32>], vector<16xi32>,
      %and3A_175 = arith.constant 1023 : i32
      %and3A_176 = vector.broadcast %and3A_175 : i32 to vector<16xi32>
      %and3A_177 = arith.andi %gather3A_174, %and3A_176 : vector<16xi32>
      %shift_left3A_178 = arith.constant 4 : i32
      %shift_left3A_179 = vector.broadcast %shift_left3A_178 : i32 to vector<16xi32>
      %shift_left3A_180 = arith.shli %and3A_177, %shift_left3A_179 : vector<16xi32>
      %shift_right_logical3A_181 = arith.constant 10 : i32
      %shift_right_logical3A_182 = vector.broadcast %shift_right_logical3A_181 : i32 to vector<16xi32>
      %shift_right_logical3A_183 = arith.shrui %gather3A_174, %shift_right_logical3A_182 : vector<16xi32>
      %or3A_184 = arith.ori %shift_left3A_180, %shift_right_logical3A_183 : vector<16xi32>
      tpu.vector_store_idx %arg5[%or3A_184], %get3A_158 : memref<16384xf32, #tpu.memory_space<vmem>>[vector<16xi32>], vector<16xf32>,
      tpu.vector_store_idx %arg7[%or3A_184], %get3A_162 : memref<16384xi32, #tpu.memory_space<vmem>>[vector<16xi32>], vector<16xi32>,
      tpu.vector_store_idx %arg10[%add3A_173], %broadcast_in_dim3A_1 {add = true} : memref<4096xi32, #tpu.memory_space<vmem>>[vector<16xi32>], vector<16xi32>,
      %mul3A_185 = arith.constant 8 : i32
      %mul3A_186 = arith.muli %scan3A_122, %mul3A_185 : i32
      %add3A_187 = arith.constant 2 : i32
      %add3A_188 = arith.addi %mul3A_186, %add3A_187 : i32
      %mul3A_189 = arith.constant 16 : i32
      %mul3A_190 = arith.muli %add3A_188, %mul3A_189 : i32
      %get3A_191 = arith.index_cast %mul3A_190 : i32 to index
      %get3A_192 = tpu.vector_load %arg4[%get3A_191] {strides = array<i32>} : memref<16384xf32, #tpu.memory_space<vmem>>, vector<16xf32>,
      %mul3A_193 = arith.constant 16 : i32
      %mul3A_194 = arith.muli %add3A_188, %mul3A_193 : i32
      %get3A_195 = arith.index_cast %mul3A_194 : i32 to index
      %get3A_196 = tpu.vector_load %arg6[%get3A_195] {strides = array<i32>} : memref<16384xi32, #tpu.memory_space<vmem>>, vector<16xi32>,
      %bitcast3A_197 = vector.bitcast %get3A_192 : vector<16xf32> to vector<16xi32>
      %shift_right_logical3A_198 = arith.constant 16 : i32
      %shift_right_logical3A_199 = vector.broadcast %shift_right_logical3A_198 : i32 to vector<16xi32>
      %shift_right_logical3A_200 = arith.shrui %bitcast3A_197, %shift_right_logical3A_199 : vector<16xi32>
      %and3A_201 = arith.constant 255 : i32
      %and3A_202 = vector.broadcast %and3A_201 : i32 to vector<16xi32>
      %and3A_203 = arith.andi %shift_right_logical3A_200, %and3A_202 : vector<16xi32>
      %mul3A_204 = arith.constant 16 : i32
      %mul3A_205 = vector.broadcast %mul3A_204 : i32 to vector<16xi32>
      %mul3A_206 = arith.muli %and3A_203, %mul3A_205 : vector<16xi32>
      %add3A_207 = arith.addi %mul3A_206, %iota3A : vector<16xi32>
      %gather3A_208 = tpu.vector_load_idx %arg10[%add3A_207] : memref<4096xi32, #tpu.memory_space<vmem>>[vector<16xi32>], vector<16xi32>,
      %and3A_209 = arith.constant 1023 : i32
      %and3A_210 = vector.broadcast %and3A_209 : i32 to vector<16xi32>
      %and3A_211 = arith.andi %gather3A_208, %and3A_210 : vector<16xi32>
      %shift_left3A_212 = arith.constant 4 : i32
      %shift_left3A_213 = vector.broadcast %shift_left3A_212 : i32 to vector<16xi32>
      %shift_left3A_214 = arith.shli %and3A_211, %shift_left3A_213 : vector<16xi32>
      %shift_right_logical3A_215 = arith.constant 10 : i32
      %shift_right_logical3A_216 = vector.broadcast %shift_right_logical3A_215 : i32 to vector<16xi32>
      %shift_right_logical3A_217 = arith.shrui %gather3A_208, %shift_right_logical3A_216 : vector<16xi32>
      %or3A_218 = arith.ori %shift_left3A_214, %shift_right_logical3A_217 : vector<16xi32>
      tpu.vector_store_idx %arg5[%or3A_218], %get3A_192 : memref<16384xf32, #tpu.memory_space<vmem>>[vector<16xi32>], vector<16xf32>,
      tpu.vector_store_idx %arg7[%or3A_218], %get3A_196 : memref<16384xi32, #tpu.memory_space<vmem>>[vector<16xi32>], vector<16xi32>,
      tpu.vector_store_idx %arg10[%add3A_207], %broadcast_in_dim3A_1 {add = true} : memref<4096xi32, #tpu.memory_space<vmem>>[vector<16xi32>], vector<16xi32>,
      %mul3A_219 = arith.constant 8 : i32
      %mul3A_220 = arith.muli %scan3A_122, %mul3A_219 : i32
      %add3A_221 = arith.constant 3 : i32
      %add3A_222 = arith.addi %mul3A_220, %add3A_221 : i32
      %mul3A_223 = arith.constant 16 : i32
      %mul3A_224 = arith.muli %add3A_222, %mul3A_223 : i32
      %get3A_225 = arith.index_cast %mul3A_224 : i32 to index
      %get3A_226 = tpu.vector_load %arg4[%get3A_225] {strides = array<i32>} : memref<16384xf32, #tpu.memory_space<vmem>>, vector<16xf32>,
      %mul3A_227 = arith.constant 16 : i32
      %mul3A_228 = arith.muli %add3A_222, %mul3A_227 : i32
      %get3A_229 = arith.index_cast %mul3A_228 : i32 to index
      %get3A_230 = tpu.vector_load %arg6[%get3A_229] {strides = array<i32>} : memref<16384xi32, #tpu.memory_space<vmem>>, vector<16xi32>,
      %bitcast3A_231 = vector.bitcast %get3A_226 : vector<16xf32> to vector<16xi32>
      %shift_right_logical3A_232 = arith.constant 16 : i32
      %shift_right_logical3A_233 = vector.broadcast %shift_right_logical3A_232 : i32 to vector<16xi32>
      %shift_right_logical3A_234 = arith.shrui %bitcast3A_231, %shift_right_logical3A_233 : vector<16xi32>
      %and3A_235 = arith.constant 255 : i32
      %and3A_236 = vector.broadcast %and3A_235 : i32 to vector<16xi32>
      %and3A_237 = arith.andi %shift_right_logical3A_234, %and3A_236 : vector<16xi32>
      %mul3A_238 = arith.constant 16 : i32
      %mul3A_239 = vector.broadcast %mul3A_238 : i32 to vector<16xi32>
      %mul3A_240 = arith.muli %and3A_237, %mul3A_239 : vector<16xi32>
      %add3A_241 = arith.addi %mul3A_240, %iota3A : vector<16xi32>
      %gather3A_242 = tpu.vector_load_idx %arg10[%add3A_241] : memref<4096xi32, #tpu.memory_space<vmem>>[vector<16xi32>], vector<16xi32>,
      %and3A_243 = arith.constant 1023 : i32
      %and3A_244 = vector.broadcast %and3A_243 : i32 to vector<16xi32>
      %and3A_245 = arith.andi %gather3A_242, %and3A_244 : vector<16xi32>
      %shift_left3A_246 = arith.constant 4 : i32
      %shift_left3A_247 = vector.broadcast %shift_left3A_246 : i32 to vector<16xi32>
      %shift_left3A_248 = arith.shli %and3A_245, %shift_left3A_247 : vector<16xi32>
      %shift_right_logical3A_249 = arith.constant 10 : i32
      %shift_right_logical3A_250 = vector.broadcast %shift_right_logical3A_249 : i32 to vector<16xi32>
      %shift_right_logical3A_251 = arith.shrui %gather3A_242, %shift_right_logical3A_250 : vector<16xi32>
      %or3A_252 = arith.ori %shift_left3A_248, %shift_right_logical3A_251 : vector<16xi32>
      tpu.vector_store_idx %arg5[%or3A_252], %get3A_226 : memref<16384xf32, #tpu.memory_space<vmem>>[vector<16xi32>], vector<16xf32>,
      tpu.vector_store_idx %arg7[%or3A_252], %get3A_230 : memref<16384xi32, #tpu.memory_space<vmem>>[vector<16xi32>], vector<16xi32>,
      tpu.vector_store_idx %arg10[%add3A_241], %broadcast_in_dim3A_1 {add = true} : memref<4096xi32, #tpu.memory_space<vmem>>[vector<16xi32>], vector<16xi32>,
      %mul3A_253 = arith.constant 8 : i32
      %mul3A_254 = arith.muli %scan3A_122, %mul3A_253 : i32
      %add3A_255 = arith.constant 4 : i32
      %add3A_256 = arith.addi %mul3A_254, %add3A_255 : i32
      %mul3A_257 = arith.constant 16 : i32
      %mul3A_258 = arith.muli %add3A_256, %mul3A_257 : i32
      %get3A_259 = arith.index_cast %mul3A_258 : i32 to index
      %get3A_260 = tpu.vector_load %arg4[%get3A_259] {strides = array<i32>} : memref<16384xf32, #tpu.memory_space<vmem>>, vector<16xf32>,
      %mul3A_261 = arith.constant 16 : i32
      %mul3A_262 = arith.muli %add3A_256, %mul3A_261 : i32
      %get3A_263 = arith.index_cast %mul3A_262 : i32 to index
      %get3A_264 = tpu.vector_load %arg6[%get3A_263] {strides = array<i32>} : memref<16384xi32, #tpu.memory_space<vmem>>, vector<16xi32>,
      %bitcast3A_265 = vector.bitcast %get3A_260 : vector<16xf32> to vector<16xi32>
      %shift_right_logical3A_266 = arith.constant 16 : i32
      %shift_right_logical3A_267 = vector.broadcast %shift_right_logical3A_266 : i32 to vector<16xi32>
      %shift_right_logical3A_268 = arith.shrui %bitcast3A_265, %shift_right_logical3A_267 : vector<16xi32>
      %and3A_269 = arith.constant 255 : i32
      %and3A_270 = vector.broadcast %and3A_269 : i32 to vector<16xi32>
      %and3A_271 = arith.andi %shift_right_logical3A_268, %and3A_270 : vector<16xi32>
      %mul3A_272 = arith.constant 16 : i32
      %mul3A_273 = vector.broadcast %mul3A_272 : i32 to vector<16xi32>
      %mul3A_274 = arith.muli %and3A_271, %mul3A_273 : vector<16xi32>
      %add3A_275 = arith.addi %mul3A_274, %iota3A : vector<16xi32>
      %gather3A_276 = tpu.vector_load_idx %arg10[%add3A_275] : memref<4096xi32, #tpu.memory_space<vmem>>[vector<16xi32>], vector<16xi32>,
      %and3A_277 = arith.constant 1023 : i32
      %and3A_278 = vector.broadcast %and3A_277 : i32 to vector<16xi32>
      %and3A_279 = arith.andi %gather3A_276, %and3A_278 : vector<16xi32>
      %shift_left3A_280 = arith.constant 4 : i32
      %shift_left3A_281 = vector.broadcast %shift_left3A_280 : i32 to vector<16xi32>
      %shift_left3A_282 = arith.shli %and3A_279, %shift_left3A_281 : vector<16xi32>
      %shift_right_logical3A_283 = arith.constant 10 : i32
      %shift_right_logical3A_284 = vector.broadcast %shift_right_logical3A_283 : i32 to vector<16xi32>
      %shift_right_logical3A_285 = arith.shrui %gather3A_276, %shift_right_logical3A_284 : vector<16xi32>
      %or3A_286 = arith.ori %shift_left3A_282, %shift_right_logical3A_285 : vector<16xi32>
      tpu.vector_store_idx %arg5[%or3A_286], %get3A_260 : memref<16384xf32, #tpu.memory_space<vmem>>[vector<16xi32>], vector<16xf32>,
      tpu.vector_store_idx %arg7[%or3A_286], %get3A_264 : memref<16384xi32, #tpu.memory_space<vmem>>[vector<16xi32>], vector<16xi32>,
      tpu.vector_store_idx %arg10[%add3A_275], %broadcast_in_dim3A_1 {add = true} : memref<4096xi32, #tpu.memory_space<vmem>>[vector<16xi32>], vector<16xi32>,
      %mul3A_287 = arith.constant 8 : i32
      %mul3A_288 = arith.muli %scan3A_122, %mul3A_287 : i32
      %add3A_289 = arith.constant 5 : i32
      %add3A_290 = arith.addi %mul3A_288, %add3A_289 : i32
      %mul3A_291 = arith.constant 16 : i32
      %mul3A_292 = arith.muli %add3A_290, %mul3A_291 : i32
      %get3A_293 = arith.index_cast %mul3A_292 : i32 to index
      %get3A_294 = tpu.vector_load %arg4[%get3A_293] {strides = array<i32>} : memref<16384xf32, #tpu.memory_space<vmem>>, vector<16xf32>,
      %mul3A_295 = arith.constant 16 : i32
      %mul3A_296 = arith.muli %add3A_290, %mul3A_295 : i32
      %get3A_297 = arith.index_cast %mul3A_296 : i32 to index
      %get3A_298 = tpu.vector_load %arg6[%get3A_297] {strides = array<i32>} : memref<16384xi32, #tpu.memory_space<vmem>>, vector<16xi32>,
      %bitcast3A_299 = vector.bitcast %get3A_294 : vector<16xf32> to vector<16xi32>
      %shift_right_logical3A_300 = arith.constant 16 : i32
      %shift_right_logical3A_301 = vector.broadcast %shift_right_logical3A_300 : i32 to vector<16xi32>
      %shift_right_logical3A_302 = arith.shrui %bitcast3A_299, %shift_right_logical3A_301 : vector<16xi32>
      %and3A_303 = arith.constant 255 : i32
      %and3A_304 = vector.broadcast %and3A_303 : i32 to vector<16xi32>
      %and3A_305 = arith.andi %shift_right_logical3A_302, %and3A_304 : vector<16xi32>
      %mul3A_306 = arith.constant 16 : i32
      %mul3A_307 = vector.broadcast %mul3A_306 : i32 to vector<16xi32>
      %mul3A_308 = arith.muli %and3A_305, %mul3A_307 : vector<16xi32>
      %add3A_309 = arith.addi %mul3A_308, %iota3A : vector<16xi32>
      %gather3A_310 = tpu.vector_load_idx %arg10[%add3A_309] : memref<4096xi32, #tpu.memory_space<vmem>>[vector<16xi32>], vector<16xi32>,
      %and3A_311 = arith.constant 1023 : i32
      %and3A_312 = vector.broadcast %and3A_311 : i32 to vector<16xi32>
      %and3A_313 = arith.andi %gather3A_310, %and3A_312 : vector<16xi32>
      %shift_left3A_314 = arith.constant 4 : i32
      %shift_left3A_315 = vector.broadcast %shift_left3A_314 : i32 to vector<16xi32>
      %shift_left3A_316 = arith.shli %and3A_313, %shift_left3A_315 : vector<16xi32>
      %shift_right_logical3A_317 = arith.constant 10 : i32
      %shift_right_logical3A_318 = vector.broadcast %shift_right_logical3A_317 : i32 to vector<16xi32>
      %shift_right_logical3A_319 = arith.shrui %gather3A_310, %shift_right_logical3A_318 : vector<16xi32>
      %or3A_320 = arith.ori %shift_left3A_316, %shift_right_logical3A_319 : vector<16xi32>
      tpu.vector_store_idx %arg5[%or3A_320], %get3A_294 : memref<16384xf32, #tpu.memory_space<vmem>>[vector<16xi32>], vector<16xf32>,
      tpu.vector_store_idx %arg7[%or3A_320], %get3A_298 : memref<16384xi32, #tpu.memory_space<vmem>>[vector<16xi32>], vector<16xi32>,
      tpu.vector_store_idx %arg10[%add3A_309], %broadcast_in_dim3A_1 {add = true} : memref<4096xi32, #tpu.memory_space<vmem>>[vector<16xi32>], vector<16xi32>,
      %mul3A_321 = arith.constant 8 : i32
      %mul3A_322 = arith.muli %scan3A_122, %mul3A_321 : i32
      %add3A_323 = arith.constant 6 : i32
      %add3A_324 = arith.addi %mul3A_322, %add3A_323 : i32
      %mul3A_325 = arith.constant 16 : i32
      %mul3A_326 = arith.muli %add3A_324, %mul3A_325 : i32
      %get3A_327 = arith.index_cast %mul3A_326 : i32 to index
      %get3A_328 = tpu.vector_load %arg4[%get3A_327] {strides = array<i32>} : memref<16384xf32, #tpu.memory_space<vmem>>, vector<16xf32>,
      %mul3A_329 = arith.constant 16 : i32
      %mul3A_330 = arith.muli %add3A_324, %mul3A_329 : i32
      %get3A_331 = arith.index_cast %mul3A_330 : i32 to index
      %get3A_332 = tpu.vector_load %arg6[%get3A_331] {strides = array<i32>} : memref<16384xi32, #tpu.memory_space<vmem>>, vector<16xi32>,
      %bitcast3A_333 = vector.bitcast %get3A_328 : vector<16xf32> to vector<16xi32>
      %shift_right_logical3A_334 = arith.constant 16 : i32
      %shift_right_logical3A_335 = vector.broadcast %shift_right_logical3A_334 : i32 to vector<16xi32>
      %shift_right_logical3A_336 = arith.shrui %bitcast3A_333, %shift_right_logical3A_335 : vector<16xi32>
      %and3A_337 = arith.constant 255 : i32
      %and3A_338 = vector.broadcast %and3A_337 : i32 to vector<16xi32>
      %and3A_339 = arith.andi %shift_right_logical3A_336, %and3A_338 : vector<16xi32>
      %mul3A_340 = arith.constant 16 : i32
      %mul3A_341 = vector.broadcast %mul3A_340 : i32 to vector<16xi32>
      %mul3A_342 = arith.muli %and3A_339, %mul3A_341 : vector<16xi32>
      %add3A_343 = arith.addi %mul3A_342, %iota3A : vector<16xi32>
      %gather3A_344 = tpu.vector_load_idx %arg10[%add3A_343] : memref<4096xi32, #tpu.memory_space<vmem>>[vector<16xi32>], vector<16xi32>,
      %and3A_345 = arith.constant 1023 : i32
      %and3A_346 = vector.broadcast %and3A_345 : i32 to vector<16xi32>
      %and3A_347 = arith.andi %gather3A_344, %and3A_346 : vector<16xi32>
      %shift_left3A_348 = arith.constant 4 : i32
      %shift_left3A_349 = vector.broadcast %shift_left3A_348 : i32 to vector<16xi32>
      %shift_left3A_350 = arith.shli %and3A_347, %shift_left3A_349 : vector<16xi32>
      %shift_right_logical3A_351 = arith.constant 10 : i32
      %shift_right_logical3A_352 = vector.broadcast %shift_right_logical3A_351 : i32 to vector<16xi32>
      %shift_right_logical3A_353 = arith.shrui %gather3A_344, %shift_right_logical3A_352 : vector<16xi32>
      %or3A_354 = arith.ori %shift_left3A_350, %shift_right_logical3A_353 : vector<16xi32>
      tpu.vector_store_idx %arg5[%or3A_354], %get3A_328 : memref<16384xf32, #tpu.memory_space<vmem>>[vector<16xi32>], vector<16xf32>,
      tpu.vector_store_idx %arg7[%or3A_354], %get3A_332 : memref<16384xi32, #tpu.memory_space<vmem>>[vector<16xi32>], vector<16xi32>,
      tpu.vector_store_idx %arg10[%add3A_343], %broadcast_in_dim3A_1 {add = true} : memref<4096xi32, #tpu.memory_space<vmem>>[vector<16xi32>], vector<16xi32>,
      %mul3A_355 = arith.constant 8 : i32
      %mul3A_356 = arith.muli %scan3A_122, %mul3A_355 : i32
      %add3A_357 = arith.constant 7 : i32
      %add3A_358 = arith.addi %mul3A_356, %add3A_357 : i32
      %mul3A_359 = arith.constant 16 : i32
      %mul3A_360 = arith.muli %add3A_358, %mul3A_359 : i32
      %get3A_361 = arith.index_cast %mul3A_360 : i32 to index
      %get3A_362 = tpu.vector_load %arg4[%get3A_361] {strides = array<i32>} : memref<16384xf32, #tpu.memory_space<vmem>>, vector<16xf32>,
      %mul3A_363 = arith.constant 16 : i32
      %mul3A_364 = arith.muli %add3A_358, %mul3A_363 : i32
      %get3A_365 = arith.index_cast %mul3A_364 : i32 to index
      %get3A_366 = tpu.vector_load %arg6[%get3A_365] {strides = array<i32>} : memref<16384xi32, #tpu.memory_space<vmem>>, vector<16xi32>,
      %bitcast3A_367 = vector.bitcast %get3A_362 : vector<16xf32> to vector<16xi32>
      %shift_right_logical3A_368 = arith.constant 16 : i32
      %shift_right_logical3A_369 = vector.broadcast %shift_right_logical3A_368 : i32 to vector<16xi32>
      %shift_right_logical3A_370 = arith.shrui %bitcast3A_367, %shift_right_logical3A_369 : vector<16xi32>
      %and3A_371 = arith.constant 255 : i32
      %and3A_372 = vector.broadcast %and3A_371 : i32 to vector<16xi32>
      %and3A_373 = arith.andi %shift_right_logical3A_370, %and3A_372 : vector<16xi32>
      %mul3A_374 = arith.constant 16 : i32
      %mul3A_375 = vector.broadcast %mul3A_374 : i32 to vector<16xi32>
      %mul3A_376 = arith.muli %and3A_373, %mul3A_375 : vector<16xi32>
      %add3A_377 = arith.addi %mul3A_376, %iota3A : vector<16xi32>
      %gather3A_378 = tpu.vector_load_idx %arg10[%add3A_377] : memref<4096xi32, #tpu.memory_space<vmem>>[vector<16xi32>], vector<16xi32>,
      %and3A_379 = arith.constant 1023 : i32
      %and3A_380 = vector.broadcast %and3A_379 : i32 to vector<16xi32>
      %and3A_381 = arith.andi %gather3A_378, %and3A_380 : vector<16xi32>
      %shift_left3A_382 = arith.constant 4 : i32
      %shift_left3A_383 = vector.broadcast %shift_left3A_382 : i32 to vector<16xi32>
      %shift_left3A_384 = arith.shli %and3A_381, %shift_left3A_383 : vector<16xi32>
      %shift_right_logical3A_385 = arith.constant 10 : i32
      %shift_right_logical3A_386 = vector.broadcast %shift_right_logical3A_385 : i32 to vector<16xi32>
      %shift_right_logical3A_387 = arith.shrui %gather3A_378, %shift_right_logical3A_386 : vector<16xi32>
      %or3A_388 = arith.ori %shift_left3A_384, %shift_right_logical3A_387 : vector<16xi32>
      tpu.vector_store_idx %arg5[%or3A_388], %get3A_362 : memref<16384xf32, #tpu.memory_space<vmem>>[vector<16xi32>], vector<16xf32>,
      tpu.vector_store_idx %arg7[%or3A_388], %get3A_366 : memref<16384xi32, #tpu.memory_space<vmem>>[vector<16xi32>], vector<16xi32>,
      tpu.vector_store_idx %arg10[%add3A_377], %broadcast_in_dim3A_1 {add = true} : memref<4096xi32, #tpu.memory_space<vmem>>[vector<16xi32>], vector<16xi32>,
      %scan3A_389 = arith.constant 0 : i32
      scf.yield %scan3A_389 : i32
    }
    %scan3A_86 = arith.constant 128 : i32
    %scan3A_87 = arith.constant 0 : i32
    %scan3A_88 = arith.constant 0 : i32
    %scan3A_89 = arith.constant 64 : i32
    %scan3A_90 = arith.addi %scan3A_88, %scan3A_89 : i32
    %scan3A_91 = arith.constant 1 : i32
    %scan3A_92 = scf.for %scan3A_122 = %scan3A_88 to %scan3A_90 step %scan3A_91 iter_args(%scan3A_123 = %scan3A_87) -> (i32)  : i32 {
      %mul3A_124 = arith.constant 4 : i32
      %mul3A_125 = arith.muli %scan3A_122, %mul3A_124 : i32
      %add3A_126 = arith.constant 0 : i32
      %add3A_127 = arith.addi %mul3A_125, %add3A_126 : i32
      %mul3A_128 = arith.constant 16 : i32
      %mul3A_129 = arith.muli %add3A_127, %mul3A_128 : i32
      %swap3A_130 = arith.index_cast %mul3A_129 : i32 to index
      %swap3A_131 = tpu.vector_load %arg9[%swap3A_130] {strides = array<i32>} : memref<4096xi32, #tpu.memory_space<vmem>>, vector<16xi32>,
      tpu.vector_store %arg9[%swap3A_130], %broadcast_in_dim3A_3 {strides = array<i32>} : memref<4096xi32, #tpu.memory_space<vmem>>, vector<16xi32>,
      %mul3A_132 = arith.constant 4 : i32
      %mul3A_133 = arith.muli %scan3A_122, %mul3A_132 : i32
      %add3A_134 = arith.constant 1 : i32
      %add3A_135 = arith.addi %mul3A_133, %add3A_134 : i32
      %mul3A_136 = arith.constant 16 : i32
      %mul3A_137 = arith.muli %add3A_135, %mul3A_136 : i32
      %swap3A_138 = arith.index_cast %mul3A_137 : i32 to index
      %swap3A_139 = tpu.vector_load %arg9[%swap3A_138] {strides = array<i32>} : memref<4096xi32, #tpu.memory_space<vmem>>, vector<16xi32>,
      tpu.vector_store %arg9[%swap3A_138], %broadcast_in_dim3A_3 {strides = array<i32>} : memref<4096xi32, #tpu.memory_space<vmem>>, vector<16xi32>,
      %mul3A_140 = arith.constant 4 : i32
      %mul3A_141 = arith.muli %scan3A_122, %mul3A_140 : i32
      %add3A_142 = arith.constant 2 : i32
      %add3A_143 = arith.addi %mul3A_141, %add3A_142 : i32
      %mul3A_144 = arith.constant 16 : i32
      %mul3A_145 = arith.muli %add3A_143, %mul3A_144 : i32
      %swap3A_146 = arith.index_cast %mul3A_145 : i32 to index
      %swap3A_147 = tpu.vector_load %arg9[%swap3A_146] {strides = array<i32>} : memref<4096xi32, #tpu.memory_space<vmem>>, vector<16xi32>,
      tpu.vector_store %arg9[%swap3A_146], %broadcast_in_dim3A_3 {strides = array<i32>} : memref<4096xi32, #tpu.memory_space<vmem>>, vector<16xi32>,
      %mul3A_148 = arith.constant 4 : i32
      %mul3A_149 = arith.muli %scan3A_122, %mul3A_148 : i32
      %add3A_150 = arith.constant 3 : i32
      %add3A_151 = arith.addi %mul3A_149, %add3A_150 : i32
      %mul3A_152 = arith.constant 16 : i32
      %mul3A_153 = arith.muli %add3A_151, %mul3A_152 : i32
      %swap3A_154 = arith.index_cast %mul3A_153 : i32 to index
      %swap3A_155 = tpu.vector_load %arg9[%swap3A_154] {strides = array<i32>} : memref<4096xi32, #tpu.memory_space<vmem>>, vector<16xi32>,
      tpu.vector_store %arg9[%swap3A_154], %broadcast_in_dim3A_3 {strides = array<i32>} : memref<4096xi32, #tpu.memory_space<vmem>>, vector<16xi32>,
      %scan3A_156 = arith.constant 0 : i32
      scf.yield %scan3A_156 : i32
    }
    %scan3A_93 = arith.constant 64 : i32
    %scan3A_94 = arith.constant 0 : i32
    %scan3A_95 = arith.constant 0 : i32
    %scan3A_96 = arith.constant 64 : i32
    %scan3A_97 = arith.addi %scan3A_95, %scan3A_96 : i32
    %scan3A_98 = arith.constant 1 : i32
    %scan3A_99 = scf.for %scan3A_122 = %scan3A_95 to %scan3A_97 step %scan3A_98 iter_args(%scan3A_123 = %scan3A_94) -> (i32)  : i32 {
      %mul3A_124 = arith.constant 16 : i32
      %mul3A_125 = arith.muli %scan3A_122, %mul3A_124 : i32
      %add3A_126 = arith.constant 0 : i32
      %add3A_127 = arith.addi %mul3A_125, %add3A_126 : i32
      %mul3A_128 = arith.constant 16 : i32
      %mul3A_129 = arith.muli %add3A_127, %mul3A_128 : i32
      %get3A = arith.index_cast %mul3A_129 : i32 to index
      %get3A_130 = tpu.vector_load %arg5[%get3A] {strides = array<i32>} : memref<16384xf32, #tpu.memory_space<vmem>>, vector<16xf32>,
      %bitcast3A = vector.bitcast %get3A_130 : vector<16xf32> to vector<16xi32>
      %shift_right_logical3A = arith.constant 24 : i32
      %shift_right_logical3A_131 = vector.broadcast %shift_right_logical3A : i32 to vector<16xi32>
      %shift_right_logical3A_132 = arith.shrui %bitcast3A, %shift_right_logical3A_131 : vector<16xi32>
      %and3A = arith.constant 255 : i32
      %and3A_133 = vector.broadcast %and3A : i32 to vector<16xi32>
      %and3A_134 = arith.andi %shift_right_logical3A_132, %and3A_133 : vector<16xi32>
      %mul3A_135 = arith.constant 16 : i32
      %mul3A_136 = vector.broadcast %mul3A_135 : i32 to vector<16xi32>
      %mul3A_137 = arith.muli %and3A_134, %mul3A_136 : vector<16xi32>
      %add3A_138 = arith.addi %mul3A_137, %iota3A : vector<16xi32>
      tpu.vector_store_idx %arg9[%add3A_138], %broadcast_in_dim3A_1 {add = true} : memref<4096xi32, #tpu.memory_space<vmem>>[vector<16xi32>], vector<16xi32>,
      %mul3A_139 = arith.constant 16 : i32
      %mul3A_140 = arith.muli %scan3A_122, %mul3A_139 : i32
      %add3A_141 = arith.constant 1 : i32
      %add3A_142 = arith.addi %mul3A_140, %add3A_141 : i32
      %mul3A_143 = arith.constant 16 : i32
      %mul3A_144 = arith.muli %add3A_142, %mul3A_143 : i32
      %get3A_145 = arith.index_cast %mul3A_144 : i32 to index
      %get3A_146 = tpu.vector_load %arg5[%get3A_145] {strides = array<i32>} : memref<16384xf32, #tpu.memory_space<vmem>>, vector<16xf32>,
      %bitcast3A_147 = vector.bitcast %get3A_146 : vector<16xf32> to vector<16xi32>
      %shift_right_logical3A_148 = arith.constant 24 : i32
      %shift_right_logical3A_149 = vector.broadcast %shift_right_logical3A_148 : i32 to vector<16xi32>
      %shift_right_logical3A_150 = arith.shrui %bitcast3A_147, %shift_right_logical3A_149 : vector<16xi32>
      %and3A_151 = arith.constant 255 : i32
      %and3A_152 = vector.broadcast %and3A_151 : i32 to vector<16xi32>
      %and3A_153 = arith.andi %shift_right_logical3A_150, %and3A_152 : vector<16xi32>
      %mul3A_154 = arith.constant 16 : i32
      %mul3A_155 = vector.broadcast %mul3A_154 : i32 to vector<16xi32>
      %mul3A_156 = arith.muli %and3A_153, %mul3A_155 : vector<16xi32>
      %add3A_157 = arith.addi %mul3A_156, %iota3A : vector<16xi32>
      tpu.vector_store_idx %arg9[%add3A_157], %broadcast_in_dim3A_1 {add = true} : memref<4096xi32, #tpu.memory_space<vmem>>[vector<16xi32>], vector<16xi32>,
      %mul3A_158 = arith.constant 16 : i32
      %mul3A_159 = arith.muli %scan3A_122, %mul3A_158 : i32
      %add3A_160 = arith.constant 2 : i32
      %add3A_161 = arith.addi %mul3A_159, %add3A_160 : i32
      %mul3A_162 = arith.constant 16 : i32
      %mul3A_163 = arith.muli %add3A_161, %mul3A_162 : i32
      %get3A_164 = arith.index_cast %mul3A_163 : i32 to index
      %get3A_165 = tpu.vector_load %arg5[%get3A_164] {strides = array<i32>} : memref<16384xf32, #tpu.memory_space<vmem>>, vector<16xf32>,
      %bitcast3A_166 = vector.bitcast %get3A_165 : vector<16xf32> to vector<16xi32>
      %shift_right_logical3A_167 = arith.constant 24 : i32
      %shift_right_logical3A_168 = vector.broadcast %shift_right_logical3A_167 : i32 to vector<16xi32>
      %shift_right_logical3A_169 = arith.shrui %bitcast3A_166, %shift_right_logical3A_168 : vector<16xi32>
      %and3A_170 = arith.constant 255 : i32
      %and3A_171 = vector.broadcast %and3A_170 : i32 to vector<16xi32>
      %and3A_172 = arith.andi %shift_right_logical3A_169, %and3A_171 : vector<16xi32>
      %mul3A_173 = arith.constant 16 : i32
      %mul3A_174 = vector.broadcast %mul3A_173 : i32 to vector<16xi32>
      %mul3A_175 = arith.muli %and3A_172, %mul3A_174 : vector<16xi32>
      %add3A_176 = arith.addi %mul3A_175, %iota3A : vector<16xi32>
      tpu.vector_store_idx %arg9[%add3A_176], %broadcast_in_dim3A_1 {add = true} : memref<4096xi32, #tpu.memory_space<vmem>>[vector<16xi32>], vector<16xi32>,
      %mul3A_177 = arith.constant 16 : i32
      %mul3A_178 = arith.muli %scan3A_122, %mul3A_177 : i32
      %add3A_179 = arith.constant 3 : i32
      %add3A_180 = arith.addi %mul3A_178, %add3A_179 : i32
      %mul3A_181 = arith.constant 16 : i32
      %mul3A_182 = arith.muli %add3A_180, %mul3A_181 : i32
      %get3A_183 = arith.index_cast %mul3A_182 : i32 to index
      %get3A_184 = tpu.vector_load %arg5[%get3A_183] {strides = array<i32>} : memref<16384xf32, #tpu.memory_space<vmem>>, vector<16xf32>,
      %bitcast3A_185 = vector.bitcast %get3A_184 : vector<16xf32> to vector<16xi32>
      %shift_right_logical3A_186 = arith.constant 24 : i32
      %shift_right_logical3A_187 = vector.broadcast %shift_right_logical3A_186 : i32 to vector<16xi32>
      %shift_right_logical3A_188 = arith.shrui %bitcast3A_185, %shift_right_logical3A_187 : vector<16xi32>
      %and3A_189 = arith.constant 255 : i32
      %and3A_190 = vector.broadcast %and3A_189 : i32 to vector<16xi32>
      %and3A_191 = arith.andi %shift_right_logical3A_188, %and3A_190 : vector<16xi32>
      %mul3A_192 = arith.constant 16 : i32
      %mul3A_193 = vector.broadcast %mul3A_192 : i32 to vector<16xi32>
      %mul3A_194 = arith.muli %and3A_191, %mul3A_193 : vector<16xi32>
      %add3A_195 = arith.addi %mul3A_194, %iota3A : vector<16xi32>
      tpu.vector_store_idx %arg9[%add3A_195], %broadcast_in_dim3A_1 {add = true} : memref<4096xi32, #tpu.memory_space<vmem>>[vector<16xi32>], vector<16xi32>,
      %mul3A_196 = arith.constant 16 : i32
      %mul3A_197 = arith.muli %scan3A_122, %mul3A_196 : i32
      %add3A_198 = arith.constant 4 : i32
      %add3A_199 = arith.addi %mul3A_197, %add3A_198 : i32
      %mul3A_200 = arith.constant 16 : i32
      %mul3A_201 = arith.muli %add3A_199, %mul3A_200 : i32
      %get3A_202 = arith.index_cast %mul3A_201 : i32 to index
      %get3A_203 = tpu.vector_load %arg5[%get3A_202] {strides = array<i32>} : memref<16384xf32, #tpu.memory_space<vmem>>, vector<16xf32>,
      %bitcast3A_204 = vector.bitcast %get3A_203 : vector<16xf32> to vector<16xi32>
      %shift_right_logical3A_205 = arith.constant 24 : i32
      %shift_right_logical3A_206 = vector.broadcast %shift_right_logical3A_205 : i32 to vector<16xi32>
      %shift_right_logical3A_207 = arith.shrui %bitcast3A_204, %shift_right_logical3A_206 : vector<16xi32>
      %and3A_208 = arith.constant 255 : i32
      %and3A_209 = vector.broadcast %and3A_208 : i32 to vector<16xi32>
      %and3A_210 = arith.andi %shift_right_logical3A_207, %and3A_209 : vector<16xi32>
      %mul3A_211 = arith.constant 16 : i32
      %mul3A_212 = vector.broadcast %mul3A_211 : i32 to vector<16xi32>
      %mul3A_213 = arith.muli %and3A_210, %mul3A_212 : vector<16xi32>
      %add3A_214 = arith.addi %mul3A_213, %iota3A : vector<16xi32>
      tpu.vector_store_idx %arg9[%add3A_214], %broadcast_in_dim3A_1 {add = true} : memref<4096xi32, #tpu.memory_space<vmem>>[vector<16xi32>], vector<16xi32>,
      %mul3A_215 = arith.constant 16 : i32
      %mul3A_216 = arith.muli %scan3A_122, %mul3A_215 : i32
      %add3A_217 = arith.constant 5 : i32
      %add3A_218 = arith.addi %mul3A_216, %add3A_217 : i32
      %mul3A_219 = arith.constant 16 : i32
      %mul3A_220 = arith.muli %add3A_218, %mul3A_219 : i32
      %get3A_221 = arith.index_cast %mul3A_220 : i32 to index
      %get3A_222 = tpu.vector_load %arg5[%get3A_221] {strides = array<i32>} : memref<16384xf32, #tpu.memory_space<vmem>>, vector<16xf32>,
      %bitcast3A_223 = vector.bitcast %get3A_222 : vector<16xf32> to vector<16xi32>
      %shift_right_logical3A_224 = arith.constant 24 : i32
      %shift_right_logical3A_225 = vector.broadcast %shift_right_logical3A_224 : i32 to vector<16xi32>
      %shift_right_logical3A_226 = arith.shrui %bitcast3A_223, %shift_right_logical3A_225 : vector<16xi32>
      %and3A_227 = arith.constant 255 : i32
      %and3A_228 = vector.broadcast %and3A_227 : i32 to vector<16xi32>
      %and3A_229 = arith.andi %shift_right_logical3A_226, %and3A_228 : vector<16xi32>
      %mul3A_230 = arith.constant 16 : i32
      %mul3A_231 = vector.broadcast %mul3A_230 : i32 to vector<16xi32>
      %mul3A_232 = arith.muli %and3A_229, %mul3A_231 : vector<16xi32>
      %add3A_233 = arith.addi %mul3A_232, %iota3A : vector<16xi32>
      tpu.vector_store_idx %arg9[%add3A_233], %broadcast_in_dim3A_1 {add = true} : memref<4096xi32, #tpu.memory_space<vmem>>[vector<16xi32>], vector<16xi32>,
      %mul3A_234 = arith.constant 16 : i32
      %mul3A_235 = arith.muli %scan3A_122, %mul3A_234 : i32
      %add3A_236 = arith.constant 6 : i32
      %add3A_237 = arith.addi %mul3A_235, %add3A_236 : i32
      %mul3A_238 = arith.constant 16 : i32
      %mul3A_239 = arith.muli %add3A_237, %mul3A_238 : i32
      %get3A_240 = arith.index_cast %mul3A_239 : i32 to index
      %get3A_241 = tpu.vector_load %arg5[%get3A_240] {strides = array<i32>} : memref<16384xf32, #tpu.memory_space<vmem>>, vector<16xf32>,
      %bitcast3A_242 = vector.bitcast %get3A_241 : vector<16xf32> to vector<16xi32>
      %shift_right_logical3A_243 = arith.constant 24 : i32
      %shift_right_logical3A_244 = vector.broadcast %shift_right_logical3A_243 : i32 to vector<16xi32>
      %shift_right_logical3A_245 = arith.shrui %bitcast3A_242, %shift_right_logical3A_244 : vector<16xi32>
      %and3A_246 = arith.constant 255 : i32
      %and3A_247 = vector.broadcast %and3A_246 : i32 to vector<16xi32>
      %and3A_248 = arith.andi %shift_right_logical3A_245, %and3A_247 : vector<16xi32>
      %mul3A_249 = arith.constant 16 : i32
      %mul3A_250 = vector.broadcast %mul3A_249 : i32 to vector<16xi32>
      %mul3A_251 = arith.muli %and3A_248, %mul3A_250 : vector<16xi32>
      %add3A_252 = arith.addi %mul3A_251, %iota3A : vector<16xi32>
      tpu.vector_store_idx %arg9[%add3A_252], %broadcast_in_dim3A_1 {add = true} : memref<4096xi32, #tpu.memory_space<vmem>>[vector<16xi32>], vector<16xi32>,
      %mul3A_253 = arith.constant 16 : i32
      %mul3A_254 = arith.muli %scan3A_122, %mul3A_253 : i32
      %add3A_255 = arith.constant 7 : i32
      %add3A_256 = arith.addi %mul3A_254, %add3A_255 : i32
      %mul3A_257 = arith.constant 16 : i32
      %mul3A_258 = arith.muli %add3A_256, %mul3A_257 : i32
      %get3A_259 = arith.index_cast %mul3A_258 : i32 to index
      %get3A_260 = tpu.vector_load %arg5[%get3A_259] {strides = array<i32>} : memref<16384xf32, #tpu.memory_space<vmem>>, vector<16xf32>,
      %bitcast3A_261 = vector.bitcast %get3A_260 : vector<16xf32> to vector<16xi32>
      %shift_right_logical3A_262 = arith.constant 24 : i32
      %shift_right_logical3A_263 = vector.broadcast %shift_right_logical3A_262 : i32 to vector<16xi32>
      %shift_right_logical3A_264 = arith.shrui %bitcast3A_261, %shift_right_logical3A_263 : vector<16xi32>
      %and3A_265 = arith.constant 255 : i32
      %and3A_266 = vector.broadcast %and3A_265 : i32 to vector<16xi32>
      %and3A_267 = arith.andi %shift_right_logical3A_264, %and3A_266 : vector<16xi32>
      %mul3A_268 = arith.constant 16 : i32
      %mul3A_269 = vector.broadcast %mul3A_268 : i32 to vector<16xi32>
      %mul3A_270 = arith.muli %and3A_267, %mul3A_269 : vector<16xi32>
      %add3A_271 = arith.addi %mul3A_270, %iota3A : vector<16xi32>
      tpu.vector_store_idx %arg9[%add3A_271], %broadcast_in_dim3A_1 {add = true} : memref<4096xi32, #tpu.memory_space<vmem>>[vector<16xi32>], vector<16xi32>,
      %mul3A_272 = arith.constant 16 : i32
      %mul3A_273 = arith.muli %scan3A_122, %mul3A_272 : i32
      %add3A_274 = arith.constant 8 : i32
      %add3A_275 = arith.addi %mul3A_273, %add3A_274 : i32
      %mul3A_276 = arith.constant 16 : i32
      %mul3A_277 = arith.muli %add3A_275, %mul3A_276 : i32
      %get3A_278 = arith.index_cast %mul3A_277 : i32 to index
      %get3A_279 = tpu.vector_load %arg5[%get3A_278] {strides = array<i32>} : memref<16384xf32, #tpu.memory_space<vmem>>, vector<16xf32>,
      %bitcast3A_280 = vector.bitcast %get3A_279 : vector<16xf32> to vector<16xi32>
      %shift_right_logical3A_281 = arith.constant 24 : i32
      %shift_right_logical3A_282 = vector.broadcast %shift_right_logical3A_281 : i32 to vector<16xi32>
      %shift_right_logical3A_283 = arith.shrui %bitcast3A_280, %shift_right_logical3A_282 : vector<16xi32>
      %and3A_284 = arith.constant 255 : i32
      %and3A_285 = vector.broadcast %and3A_284 : i32 to vector<16xi32>
      %and3A_286 = arith.andi %shift_right_logical3A_283, %and3A_285 : vector<16xi32>
      %mul3A_287 = arith.constant 16 : i32
      %mul3A_288 = vector.broadcast %mul3A_287 : i32 to vector<16xi32>
      %mul3A_289 = arith.muli %and3A_286, %mul3A_288 : vector<16xi32>
      %add3A_290 = arith.addi %mul3A_289, %iota3A : vector<16xi32>
      tpu.vector_store_idx %arg9[%add3A_290], %broadcast_in_dim3A_1 {add = true} : memref<4096xi32, #tpu.memory_space<vmem>>[vector<16xi32>], vector<16xi32>,
      %mul3A_291 = arith.constant 16 : i32
      %mul3A_292 = arith.muli %scan3A_122, %mul3A_291 : i32
      %add3A_293 = arith.constant 9 : i32
      %add3A_294 = arith.addi %mul3A_292, %add3A_293 : i32
      %mul3A_295 = arith.constant 16 : i32
      %mul3A_296 = arith.muli %add3A_294, %mul3A_295 : i32
      %get3A_297 = arith.index_cast %mul3A_296 : i32 to index
      %get3A_298 = tpu.vector_load %arg5[%get3A_297] {strides = array<i32>} : memref<16384xf32, #tpu.memory_space<vmem>>, vector<16xf32>,
      %bitcast3A_299 = vector.bitcast %get3A_298 : vector<16xf32> to vector<16xi32>
      %shift_right_logical3A_300 = arith.constant 24 : i32
      %shift_right_logical3A_301 = vector.broadcast %shift_right_logical3A_300 : i32 to vector<16xi32>
      %shift_right_logical3A_302 = arith.shrui %bitcast3A_299, %shift_right_logical3A_301 : vector<16xi32>
      %and3A_303 = arith.constant 255 : i32
      %and3A_304 = vector.broadcast %and3A_303 : i32 to vector<16xi32>
      %and3A_305 = arith.andi %shift_right_logical3A_302, %and3A_304 : vector<16xi32>
      %mul3A_306 = arith.constant 16 : i32
      %mul3A_307 = vector.broadcast %mul3A_306 : i32 to vector<16xi32>
      %mul3A_308 = arith.muli %and3A_305, %mul3A_307 : vector<16xi32>
      %add3A_309 = arith.addi %mul3A_308, %iota3A : vector<16xi32>
      tpu.vector_store_idx %arg9[%add3A_309], %broadcast_in_dim3A_1 {add = true} : memref<4096xi32, #tpu.memory_space<vmem>>[vector<16xi32>], vector<16xi32>,
      %mul3A_310 = arith.constant 16 : i32
      %mul3A_311 = arith.muli %scan3A_122, %mul3A_310 : i32
      %add3A_312 = arith.constant 10 : i32
      %add3A_313 = arith.addi %mul3A_311, %add3A_312 : i32
      %mul3A_314 = arith.constant 16 : i32
      %mul3A_315 = arith.muli %add3A_313, %mul3A_314 : i32
      %get3A_316 = arith.index_cast %mul3A_315 : i32 to index
      %get3A_317 = tpu.vector_load %arg5[%get3A_316] {strides = array<i32>} : memref<16384xf32, #tpu.memory_space<vmem>>, vector<16xf32>,
      %bitcast3A_318 = vector.bitcast %get3A_317 : vector<16xf32> to vector<16xi32>
      %shift_right_logical3A_319 = arith.constant 24 : i32
      %shift_right_logical3A_320 = vector.broadcast %shift_right_logical3A_319 : i32 to vector<16xi32>
      %shift_right_logical3A_321 = arith.shrui %bitcast3A_318, %shift_right_logical3A_320 : vector<16xi32>
      %and3A_322 = arith.constant 255 : i32
      %and3A_323 = vector.broadcast %and3A_322 : i32 to vector<16xi32>
      %and3A_324 = arith.andi %shift_right_logical3A_321, %and3A_323 : vector<16xi32>
      %mul3A_325 = arith.constant 16 : i32
      %mul3A_326 = vector.broadcast %mul3A_325 : i32 to vector<16xi32>
      %mul3A_327 = arith.muli %and3A_324, %mul3A_326 : vector<16xi32>
      %add3A_328 = arith.addi %mul3A_327, %iota3A : vector<16xi32>
      tpu.vector_store_idx %arg9[%add3A_328], %broadcast_in_dim3A_1 {add = true} : memref<4096xi32, #tpu.memory_space<vmem>>[vector<16xi32>], vector<16xi32>,
      %mul3A_329 = arith.constant 16 : i32
      %mul3A_330 = arith.muli %scan3A_122, %mul3A_329 : i32
      %add3A_331 = arith.constant 11 : i32
      %add3A_332 = arith.addi %mul3A_330, %add3A_331 : i32
      %mul3A_333 = arith.constant 16 : i32
      %mul3A_334 = arith.muli %add3A_332, %mul3A_333 : i32
      %get3A_335 = arith.index_cast %mul3A_334 : i32 to index
      %get3A_336 = tpu.vector_load %arg5[%get3A_335] {strides = array<i32>} : memref<16384xf32, #tpu.memory_space<vmem>>, vector<16xf32>,
      %bitcast3A_337 = vector.bitcast %get3A_336 : vector<16xf32> to vector<16xi32>
      %shift_right_logical3A_338 = arith.constant 24 : i32
      %shift_right_logical3A_339 = vector.broadcast %shift_right_logical3A_338 : i32 to vector<16xi32>
      %shift_right_logical3A_340 = arith.shrui %bitcast3A_337, %shift_right_logical3A_339 : vector<16xi32>
      %and3A_341 = arith.constant 255 : i32
      %and3A_342 = vector.broadcast %and3A_341 : i32 to vector<16xi32>
      %and3A_343 = arith.andi %shift_right_logical3A_340, %and3A_342 : vector<16xi32>
      %mul3A_344 = arith.constant 16 : i32
      %mul3A_345 = vector.broadcast %mul3A_344 : i32 to vector<16xi32>
      %mul3A_346 = arith.muli %and3A_343, %mul3A_345 : vector<16xi32>
      %add3A_347 = arith.addi %mul3A_346, %iota3A : vector<16xi32>
      tpu.vector_store_idx %arg9[%add3A_347], %broadcast_in_dim3A_1 {add = true} : memref<4096xi32, #tpu.memory_space<vmem>>[vector<16xi32>], vector<16xi32>,
      %mul3A_348 = arith.constant 16 : i32
      %mul3A_349 = arith.muli %scan3A_122, %mul3A_348 : i32
      %add3A_350 = arith.constant 12 : i32
      %add3A_351 = arith.addi %mul3A_349, %add3A_350 : i32
      %mul3A_352 = arith.constant 16 : i32
      %mul3A_353 = arith.muli %add3A_351, %mul3A_352 : i32
      %get3A_354 = arith.index_cast %mul3A_353 : i32 to index
      %get3A_355 = tpu.vector_load %arg5[%get3A_354] {strides = array<i32>} : memref<16384xf32, #tpu.memory_space<vmem>>, vector<16xf32>,
      %bitcast3A_356 = vector.bitcast %get3A_355 : vector<16xf32> to vector<16xi32>
      %shift_right_logical3A_357 = arith.constant 24 : i32
      %shift_right_logical3A_358 = vector.broadcast %shift_right_logical3A_357 : i32 to vector<16xi32>
      %shift_right_logical3A_359 = arith.shrui %bitcast3A_356, %shift_right_logical3A_358 : vector<16xi32>
      %and3A_360 = arith.constant 255 : i32
      %and3A_361 = vector.broadcast %and3A_360 : i32 to vector<16xi32>
      %and3A_362 = arith.andi %shift_right_logical3A_359, %and3A_361 : vector<16xi32>
      %mul3A_363 = arith.constant 16 : i32
      %mul3A_364 = vector.broadcast %mul3A_363 : i32 to vector<16xi32>
      %mul3A_365 = arith.muli %and3A_362, %mul3A_364 : vector<16xi32>
      %add3A_366 = arith.addi %mul3A_365, %iota3A : vector<16xi32>
      tpu.vector_store_idx %arg9[%add3A_366], %broadcast_in_dim3A_1 {add = true} : memref<4096xi32, #tpu.memory_space<vmem>>[vector<16xi32>], vector<16xi32>,
      %mul3A_367 = arith.constant 16 : i32
      %mul3A_368 = arith.muli %scan3A_122, %mul3A_367 : i32
      %add3A_369 = arith.constant 13 : i32
      %add3A_370 = arith.addi %mul3A_368, %add3A_369 : i32
      %mul3A_371 = arith.constant 16 : i32
      %mul3A_372 = arith.muli %add3A_370, %mul3A_371 : i32
      %get3A_373 = arith.index_cast %mul3A_372 : i32 to index
      %get3A_374 = tpu.vector_load %arg5[%get3A_373] {strides = array<i32>} : memref<16384xf32, #tpu.memory_space<vmem>>, vector<16xf32>,
      %bitcast3A_375 = vector.bitcast %get3A_374 : vector<16xf32> to vector<16xi32>
      %shift_right_logical3A_376 = arith.constant 24 : i32
      %shift_right_logical3A_377 = vector.broadcast %shift_right_logical3A_376 : i32 to vector<16xi32>
      %shift_right_logical3A_378 = arith.shrui %bitcast3A_375, %shift_right_logical3A_377 : vector<16xi32>
      %and3A_379 = arith.constant 255 : i32
      %and3A_380 = vector.broadcast %and3A_379 : i32 to vector<16xi32>
      %and3A_381 = arith.andi %shift_right_logical3A_378, %and3A_380 : vector<16xi32>
      %mul3A_382 = arith.constant 16 : i32
      %mul3A_383 = vector.broadcast %mul3A_382 : i32 to vector<16xi32>
      %mul3A_384 = arith.muli %and3A_381, %mul3A_383 : vector<16xi32>
      %add3A_385 = arith.addi %mul3A_384, %iota3A : vector<16xi32>
      tpu.vector_store_idx %arg9[%add3A_385], %broadcast_in_dim3A_1 {add = true} : memref<4096xi32, #tpu.memory_space<vmem>>[vector<16xi32>], vector<16xi32>,
      %mul3A_386 = arith.constant 16 : i32
      %mul3A_387 = arith.muli %scan3A_122, %mul3A_386 : i32
      %add3A_388 = arith.constant 14 : i32
      %add3A_389 = arith.addi %mul3A_387, %add3A_388 : i32
      %mul3A_390 = arith.constant 16 : i32
      %mul3A_391 = arith.muli %add3A_389, %mul3A_390 : i32
      %get3A_392 = arith.index_cast %mul3A_391 : i32 to index
      %get3A_393 = tpu.vector_load %arg5[%get3A_392] {strides = array<i32>} : memref<16384xf32, #tpu.memory_space<vmem>>, vector<16xf32>,
      %bitcast3A_394 = vector.bitcast %get3A_393 : vector<16xf32> to vector<16xi32>
      %shift_right_logical3A_395 = arith.constant 24 : i32
      %shift_right_logical3A_396 = vector.broadcast %shift_right_logical3A_395 : i32 to vector<16xi32>
      %shift_right_logical3A_397 = arith.shrui %bitcast3A_394, %shift_right_logical3A_396 : vector<16xi32>
      %and3A_398 = arith.constant 255 : i32
      %and3A_399 = vector.broadcast %and3A_398 : i32 to vector<16xi32>
      %and3A_400 = arith.andi %shift_right_logical3A_397, %and3A_399 : vector<16xi32>
      %mul3A_401 = arith.constant 16 : i32
      %mul3A_402 = vector.broadcast %mul3A_401 : i32 to vector<16xi32>
      %mul3A_403 = arith.muli %and3A_400, %mul3A_402 : vector<16xi32>
      %add3A_404 = arith.addi %mul3A_403, %iota3A : vector<16xi32>
      tpu.vector_store_idx %arg9[%add3A_404], %broadcast_in_dim3A_1 {add = true} : memref<4096xi32, #tpu.memory_space<vmem>>[vector<16xi32>], vector<16xi32>,
      %mul3A_405 = arith.constant 16 : i32
      %mul3A_406 = arith.muli %scan3A_122, %mul3A_405 : i32
      %add3A_407 = arith.constant 15 : i32
      %add3A_408 = arith.addi %mul3A_406, %add3A_407 : i32
      %mul3A_409 = arith.constant 16 : i32
      %mul3A_410 = arith.muli %add3A_408, %mul3A_409 : i32
      %get3A_411 = arith.index_cast %mul3A_410 : i32 to index
      %get3A_412 = tpu.vector_load %arg5[%get3A_411] {strides = array<i32>} : memref<16384xf32, #tpu.memory_space<vmem>>, vector<16xf32>,
      %bitcast3A_413 = vector.bitcast %get3A_412 : vector<16xf32> to vector<16xi32>
      %shift_right_logical3A_414 = arith.constant 24 : i32
      %shift_right_logical3A_415 = vector.broadcast %shift_right_logical3A_414 : i32 to vector<16xi32>
      %shift_right_logical3A_416 = arith.shrui %bitcast3A_413, %shift_right_logical3A_415 : vector<16xi32>
      %and3A_417 = arith.constant 255 : i32
      %and3A_418 = vector.broadcast %and3A_417 : i32 to vector<16xi32>
      %and3A_419 = arith.andi %shift_right_logical3A_416, %and3A_418 : vector<16xi32>
      %mul3A_420 = arith.constant 16 : i32
      %mul3A_421 = vector.broadcast %mul3A_420 : i32 to vector<16xi32>
      %mul3A_422 = arith.muli %and3A_419, %mul3A_421 : vector<16xi32>
      %add3A_423 = arith.addi %mul3A_422, %iota3A : vector<16xi32>
      tpu.vector_store_idx %arg9[%add3A_423], %broadcast_in_dim3A_1 {add = true} : memref<4096xi32, #tpu.memory_space<vmem>>[vector<16xi32>], vector<16xi32>,
      %scan3A_424 = arith.constant 0 : i32
      scf.yield %scan3A_424 : i32
    }
    %scan3A_100 = arith.constant 64 : i32
    %scan3A_101 = arith.constant 0 : i32
    %scan3A_102 = arith.constant 256 : i32
    %scan3A_103 = arith.addi %scan3A_101, %scan3A_102 : i32
    %scan3A_104 = arith.constant 1 : i32
    %scan3A_105 = scf.for %scan3A_122 = %scan3A_101 to %scan3A_103 step %scan3A_104 iter_args(%scan3A_123 = %broadcast_in_dim3A_3) -> (vector<16xi32>)  : i32 {
      %mul3A_124 = arith.constant 16 : i32
      %mul3A_125 = arith.muli %scan3A_122, %mul3A_124 : i32
      %get3A = arith.index_cast %mul3A_125 : i32 to index
      %get3A_126 = tpu.vector_load %arg9[%get3A] {strides = array<i32>} : memref<4096xi32, #tpu.memory_space<vmem>>, vector<16xi32>,
      %broadcast_in_dim3A_127 = arith.constant true
      %broadcast_in_dim3A_128 = vector.broadcast %broadcast_in_dim3A_127 : i1 to vector<16xi1>
      %masked_cumsum3A = tpu.scan <sum>, %get3A_126 masked %broadcast_in_dim3A_128 : vector<16xi32>, vector<16xi1> -> vector<16xi32>
      %swap3A_129 = arith.constant 16 : index
      %swap3A_130 = tpu.vector_load %arg12[%swap3A_129] {strides = array<i32>} : memref<32xi32, #tpu.memory_space<vmem>>, vector<16xi32>,
      tpu.vector_store %arg12[%swap3A_129], %masked_cumsum3A {strides = array<i32>} : memref<32xi32, #tpu.memory_space<vmem>>, vector<16xi32>,
      %add3A_131 = arith.constant 15 : i32
      %add3A_132 = vector.broadcast %add3A_131 : i32 to vector<16xi32>
      %add3A_133 = arith.addi %iota3A, %add3A_132 : vector<16xi32>
      %gather3A = tpu.vector_load_idx %arg12[%add3A_133] : memref<32xi32, #tpu.memory_space<vmem>>[vector<16xi32>], vector<16xi32>,
      %add3A_134 = arith.addi %scan3A_123, %gather3A : vector<16xi32>
      %mul3A_135 = arith.constant 16 : i32
      %mul3A_136 = arith.muli %scan3A_122, %mul3A_135 : i32
      %swap3A_137 = arith.index_cast %mul3A_136 : i32 to index
      %swap3A_138 = tpu.vector_load %arg10[%swap3A_137] {strides = array<i32>} : memref<4096xi32, #tpu.memory_space<vmem>>, vector<16xi32>,
      tpu.vector_store %arg10[%swap3A_137], %add3A_134 {strides = array<i32>} : memref<4096xi32, #tpu.memory_space<vmem>>, vector<16xi32>,
      %gather3A_139 = tpu.vector_load_idx %arg12[%broadcast_in_dim3A_6] : memref<32xi32, #tpu.memory_space<vmem>>[vector<16xi32>], vector<16xi32>,
      %add3A_140 = arith.addi %scan3A_123, %gather3A_139 : vector<16xi32>
      scf.yield %add3A_140 : vector<16xi32>
    }
    %scan3A_106 = arith.constant 256 : i32
    %scan3A_107 = arith.constant 0 : i32
    %scan3A_108 = arith.constant 0 : i32
    %scan3A_109 = arith.constant 128 : i32
    %scan3A_110 = arith.addi %scan3A_108, %scan3A_109 : i32
    %scan3A_111 = arith.constant 1 : i32
    %scan3A_112 = scf.for %scan3A_122 = %scan3A_108 to %scan3A_110 step %scan3A_111 iter_args(%scan3A_123 = %scan3A_107) -> (i32)  : i32 {
      %mul3A_124 = arith.constant 8 : i32
      %mul3A_125 = arith.muli %scan3A_122, %mul3A_124 : i32
      %add3A_126 = arith.constant 0 : i32
      %add3A_127 = arith.addi %mul3A_125, %add3A_126 : i32
      %mul3A_128 = arith.constant 16 : i32
      %mul3A_129 = arith.muli %add3A_127, %mul3A_128 : i32
      %get3A = arith.index_cast %mul3A_129 : i32 to index
      %get3A_130 = tpu.vector_load %arg5[%get3A] {strides = array<i32>} : memref<16384xf32, #tpu.memory_space<vmem>>, vector<16xf32>,
      %mul3A_131 = arith.constant 16 : i32
      %mul3A_132 = arith.muli %add3A_127, %mul3A_131 : i32
      %get3A_133 = arith.index_cast %mul3A_132 : i32 to index
      %get3A_134 = tpu.vector_load %arg7[%get3A_133] {strides = array<i32>} : memref<16384xi32, #tpu.memory_space<vmem>>, vector<16xi32>,
      %bitcast3A = vector.bitcast %get3A_130 : vector<16xf32> to vector<16xi32>
      %shift_right_logical3A = arith.constant 24 : i32
      %shift_right_logical3A_135 = vector.broadcast %shift_right_logical3A : i32 to vector<16xi32>
      %shift_right_logical3A_136 = arith.shrui %bitcast3A, %shift_right_logical3A_135 : vector<16xi32>
      %and3A = arith.constant 255 : i32
      %and3A_137 = vector.broadcast %and3A : i32 to vector<16xi32>
      %and3A_138 = arith.andi %shift_right_logical3A_136, %and3A_137 : vector<16xi32>
      %mul3A_139 = arith.constant 16 : i32
      %mul3A_140 = vector.broadcast %mul3A_139 : i32 to vector<16xi32>
      %mul3A_141 = arith.muli %and3A_138, %mul3A_140 : vector<16xi32>
      %add3A_142 = arith.addi %mul3A_141, %iota3A : vector<16xi32>
      %gather3A = tpu.vector_load_idx %arg10[%add3A_142] : memref<4096xi32, #tpu.memory_space<vmem>>[vector<16xi32>], vector<16xi32>,
      tpu.vector_store_idx %arg4[%gather3A], %get3A_130 : memref<16384xf32, #tpu.memory_space<vmem>>[vector<16xi32>], vector<16xf32>,
      tpu.vector_store_idx %arg6[%gather3A], %get3A_134 : memref<16384xi32, #tpu.memory_space<vmem>>[vector<16xi32>], vector<16xi32>,
      tpu.vector_store_idx %arg10[%add3A_142], %broadcast_in_dim3A_1 {add = true} : memref<4096xi32, #tpu.memory_space<vmem>>[vector<16xi32>], vector<16xi32>,
      %mul3A_143 = arith.constant 8 : i32
      %mul3A_144 = arith.muli %scan3A_122, %mul3A_143 : i32
      %add3A_145 = arith.constant 1 : i32
      %add3A_146 = arith.addi %mul3A_144, %add3A_145 : i32
      %mul3A_147 = arith.constant 16 : i32
      %mul3A_148 = arith.muli %add3A_146, %mul3A_147 : i32
      %get3A_149 = arith.index_cast %mul3A_148 : i32 to index
      %get3A_150 = tpu.vector_load %arg5[%get3A_149] {strides = array<i32>} : memref<16384xf32, #tpu.memory_space<vmem>>, vector<16xf32>,
      %mul3A_151 = arith.constant 16 : i32
      %mul3A_152 = arith.muli %add3A_146, %mul3A_151 : i32
      %get3A_153 = arith.index_cast %mul3A_152 : i32 to index
      %get3A_154 = tpu.vector_load %arg7[%get3A_153] {strides = array<i32>} : memref<16384xi32, #tpu.memory_space<vmem>>, vector<16xi32>,
      %bitcast3A_155 = vector.bitcast %get3A_150 : vector<16xf32> to vector<16xi32>
      %shift_right_logical3A_156 = arith.constant 24 : i32
      %shift_right_logical3A_157 = vector.broadcast %shift_right_logical3A_156 : i32 to vector<16xi32>
      %shift_right_logical3A_158 = arith.shrui %bitcast3A_155, %shift_right_logical3A_157 : vector<16xi32>
      %and3A_159 = arith.constant 255 : i32
      %and3A_160 = vector.broadcast %and3A_159 : i32 to vector<16xi32>
      %and3A_161 = arith.andi %shift_right_logical3A_158, %and3A_160 : vector<16xi32>
      %mul3A_162 = arith.constant 16 : i32
      %mul3A_163 = vector.broadcast %mul3A_162 : i32 to vector<16xi32>
      %mul3A_164 = arith.muli %and3A_161, %mul3A_163 : vector<16xi32>
      %add3A_165 = arith.addi %mul3A_164, %iota3A : vector<16xi32>
      %gather3A_166 = tpu.vector_load_idx %arg10[%add3A_165] : memref<4096xi32, #tpu.memory_space<vmem>>[vector<16xi32>], vector<16xi32>,
      tpu.vector_store_idx %arg4[%gather3A_166], %get3A_150 : memref<16384xf32, #tpu.memory_space<vmem>>[vector<16xi32>], vector<16xf32>,
      tpu.vector_store_idx %arg6[%gather3A_166], %get3A_154 : memref<16384xi32, #tpu.memory_space<vmem>>[vector<16xi32>], vector<16xi32>,
      tpu.vector_store_idx %arg10[%add3A_165], %broadcast_in_dim3A_1 {add = true} : memref<4096xi32, #tpu.memory_space<vmem>>[vector<16xi32>], vector<16xi32>,
      %mul3A_167 = arith.constant 8 : i32
      %mul3A_168 = arith.muli %scan3A_122, %mul3A_167 : i32
      %add3A_169 = arith.constant 2 : i32
      %add3A_170 = arith.addi %mul3A_168, %add3A_169 : i32
      %mul3A_171 = arith.constant 16 : i32
      %mul3A_172 = arith.muli %add3A_170, %mul3A_171 : i32
      %get3A_173 = arith.index_cast %mul3A_172 : i32 to index
      %get3A_174 = tpu.vector_load %arg5[%get3A_173] {strides = array<i32>} : memref<16384xf32, #tpu.memory_space<vmem>>, vector<16xf32>,
      %mul3A_175 = arith.constant 16 : i32
      %mul3A_176 = arith.muli %add3A_170, %mul3A_175 : i32
      %get3A_177 = arith.index_cast %mul3A_176 : i32 to index
      %get3A_178 = tpu.vector_load %arg7[%get3A_177] {strides = array<i32>} : memref<16384xi32, #tpu.memory_space<vmem>>, vector<16xi32>,
      %bitcast3A_179 = vector.bitcast %get3A_174 : vector<16xf32> to vector<16xi32>
      %shift_right_logical3A_180 = arith.constant 24 : i32
      %shift_right_logical3A_181 = vector.broadcast %shift_right_logical3A_180 : i32 to vector<16xi32>
      %shift_right_logical3A_182 = arith.shrui %bitcast3A_179, %shift_right_logical3A_181 : vector<16xi32>
      %and3A_183 = arith.constant 255 : i32
      %and3A_184 = vector.broadcast %and3A_183 : i32 to vector<16xi32>
      %and3A_185 = arith.andi %shift_right_logical3A_182, %and3A_184 : vector<16xi32>
      %mul3A_186 = arith.constant 16 : i32
      %mul3A_187 = vector.broadcast %mul3A_186 : i32 to vector<16xi32>
      %mul3A_188 = arith.muli %and3A_185, %mul3A_187 : vector<16xi32>
      %add3A_189 = arith.addi %mul3A_188, %iota3A : vector<16xi32>
      %gather3A_190 = tpu.vector_load_idx %arg10[%add3A_189] : memref<4096xi32, #tpu.memory_space<vmem>>[vector<16xi32>], vector<16xi32>,
      tpu.vector_store_idx %arg4[%gather3A_190], %get3A_174 : memref<16384xf32, #tpu.memory_space<vmem>>[vector<16xi32>], vector<16xf32>,
      tpu.vector_store_idx %arg6[%gather3A_190], %get3A_178 : memref<16384xi32, #tpu.memory_space<vmem>>[vector<16xi32>], vector<16xi32>,
      tpu.vector_store_idx %arg10[%add3A_189], %broadcast_in_dim3A_1 {add = true} : memref<4096xi32, #tpu.memory_space<vmem>>[vector<16xi32>], vector<16xi32>,
      %mul3A_191 = arith.constant 8 : i32
      %mul3A_192 = arith.muli %scan3A_122, %mul3A_191 : i32
      %add3A_193 = arith.constant 3 : i32
      %add3A_194 = arith.addi %mul3A_192, %add3A_193 : i32
      %mul3A_195 = arith.constant 16 : i32
      %mul3A_196 = arith.muli %add3A_194, %mul3A_195 : i32
      %get3A_197 = arith.index_cast %mul3A_196 : i32 to index
      %get3A_198 = tpu.vector_load %arg5[%get3A_197] {strides = array<i32>} : memref<16384xf32, #tpu.memory_space<vmem>>, vector<16xf32>,
      %mul3A_199 = arith.constant 16 : i32
      %mul3A_200 = arith.muli %add3A_194, %mul3A_199 : i32
      %get3A_201 = arith.index_cast %mul3A_200 : i32 to index
      %get3A_202 = tpu.vector_load %arg7[%get3A_201] {strides = array<i32>} : memref<16384xi32, #tpu.memory_space<vmem>>, vector<16xi32>,
      %bitcast3A_203 = vector.bitcast %get3A_198 : vector<16xf32> to vector<16xi32>
      %shift_right_logical3A_204 = arith.constant 24 : i32
      %shift_right_logical3A_205 = vector.broadcast %shift_right_logical3A_204 : i32 to vector<16xi32>
      %shift_right_logical3A_206 = arith.shrui %bitcast3A_203, %shift_right_logical3A_205 : vector<16xi32>
      %and3A_207 = arith.constant 255 : i32
      %and3A_208 = vector.broadcast %and3A_207 : i32 to vector<16xi32>
      %and3A_209 = arith.andi %shift_right_logical3A_206, %and3A_208 : vector<16xi32>
      %mul3A_210 = arith.constant 16 : i32
      %mul3A_211 = vector.broadcast %mul3A_210 : i32 to vector<16xi32>
      %mul3A_212 = arith.muli %and3A_209, %mul3A_211 : vector<16xi32>
      %add3A_213 = arith.addi %mul3A_212, %iota3A : vector<16xi32>
      %gather3A_214 = tpu.vector_load_idx %arg10[%add3A_213] : memref<4096xi32, #tpu.memory_space<vmem>>[vector<16xi32>], vector<16xi32>,
      tpu.vector_store_idx %arg4[%gather3A_214], %get3A_198 : memref<16384xf32, #tpu.memory_space<vmem>>[vector<16xi32>], vector<16xf32>,
      tpu.vector_store_idx %arg6[%gather3A_214], %get3A_202 : memref<16384xi32, #tpu.memory_space<vmem>>[vector<16xi32>], vector<16xi32>,
      tpu.vector_store_idx %arg10[%add3A_213], %broadcast_in_dim3A_1 {add = true} : memref<4096xi32, #tpu.memory_space<vmem>>[vector<16xi32>], vector<16xi32>,
      %mul3A_215 = arith.constant 8 : i32
      %mul3A_216 = arith.muli %scan3A_122, %mul3A_215 : i32
      %add3A_217 = arith.constant 4 : i32
      %add3A_218 = arith.addi %mul3A_216, %add3A_217 : i32
      %mul3A_219 = arith.constant 16 : i32
      %mul3A_220 = arith.muli %add3A_218, %mul3A_219 : i32
      %get3A_221 = arith.index_cast %mul3A_220 : i32 to index
      %get3A_222 = tpu.vector_load %arg5[%get3A_221] {strides = array<i32>} : memref<16384xf32, #tpu.memory_space<vmem>>, vector<16xf32>,
      %mul3A_223 = arith.constant 16 : i32
      %mul3A_224 = arith.muli %add3A_218, %mul3A_223 : i32
      %get3A_225 = arith.index_cast %mul3A_224 : i32 to index
      %get3A_226 = tpu.vector_load %arg7[%get3A_225] {strides = array<i32>} : memref<16384xi32, #tpu.memory_space<vmem>>, vector<16xi32>,
      %bitcast3A_227 = vector.bitcast %get3A_222 : vector<16xf32> to vector<16xi32>
      %shift_right_logical3A_228 = arith.constant 24 : i32
      %shift_right_logical3A_229 = vector.broadcast %shift_right_logical3A_228 : i32 to vector<16xi32>
      %shift_right_logical3A_230 = arith.shrui %bitcast3A_227, %shift_right_logical3A_229 : vector<16xi32>
      %and3A_231 = arith.constant 255 : i32
      %and3A_232 = vector.broadcast %and3A_231 : i32 to vector<16xi32>
      %and3A_233 = arith.andi %shift_right_logical3A_230, %and3A_232 : vector<16xi32>
      %mul3A_234 = arith.constant 16 : i32
      %mul3A_235 = vector.broadcast %mul3A_234 : i32 to vector<16xi32>
      %mul3A_236 = arith.muli %and3A_233, %mul3A_235 : vector<16xi32>
      %add3A_237 = arith.addi %mul3A_236, %iota3A : vector<16xi32>
      %gather3A_238 = tpu.vector_load_idx %arg10[%add3A_237] : memref<4096xi32, #tpu.memory_space<vmem>>[vector<16xi32>], vector<16xi32>,
      tpu.vector_store_idx %arg4[%gather3A_238], %get3A_222 : memref<16384xf32, #tpu.memory_space<vmem>>[vector<16xi32>], vector<16xf32>,
      tpu.vector_store_idx %arg6[%gather3A_238], %get3A_226 : memref<16384xi32, #tpu.memory_space<vmem>>[vector<16xi32>], vector<16xi32>,
      tpu.vector_store_idx %arg10[%add3A_237], %broadcast_in_dim3A_1 {add = true} : memref<4096xi32, #tpu.memory_space<vmem>>[vector<16xi32>], vector<16xi32>,
      %mul3A_239 = arith.constant 8 : i32
      %mul3A_240 = arith.muli %scan3A_122, %mul3A_239 : i32
      %add3A_241 = arith.constant 5 : i32
      %add3A_242 = arith.addi %mul3A_240, %add3A_241 : i32
      %mul3A_243 = arith.constant 16 : i32
      %mul3A_244 = arith.muli %add3A_242, %mul3A_243 : i32
      %get3A_245 = arith.index_cast %mul3A_244 : i32 to index
      %get3A_246 = tpu.vector_load %arg5[%get3A_245] {strides = array<i32>} : memref<16384xf32, #tpu.memory_space<vmem>>, vector<16xf32>,
      %mul3A_247 = arith.constant 16 : i32
      %mul3A_248 = arith.muli %add3A_242, %mul3A_247 : i32
      %get3A_249 = arith.index_cast %mul3A_248 : i32 to index
      %get3A_250 = tpu.vector_load %arg7[%get3A_249] {strides = array<i32>} : memref<16384xi32, #tpu.memory_space<vmem>>, vector<16xi32>,
      %bitcast3A_251 = vector.bitcast %get3A_246 : vector<16xf32> to vector<16xi32>
      %shift_right_logical3A_252 = arith.constant 24 : i32
      %shift_right_logical3A_253 = vector.broadcast %shift_right_logical3A_252 : i32 to vector<16xi32>
      %shift_right_logical3A_254 = arith.shrui %bitcast3A_251, %shift_right_logical3A_253 : vector<16xi32>
      %and3A_255 = arith.constant 255 : i32
      %and3A_256 = vector.broadcast %and3A_255 : i32 to vector<16xi32>
      %and3A_257 = arith.andi %shift_right_logical3A_254, %and3A_256 : vector<16xi32>
      %mul3A_258 = arith.constant 16 : i32
      %mul3A_259 = vector.broadcast %mul3A_258 : i32 to vector<16xi32>
      %mul3A_260 = arith.muli %and3A_257, %mul3A_259 : vector<16xi32>
      %add3A_261 = arith.addi %mul3A_260, %iota3A : vector<16xi32>
      %gather3A_262 = tpu.vector_load_idx %arg10[%add3A_261] : memref<4096xi32, #tpu.memory_space<vmem>>[vector<16xi32>], vector<16xi32>,
      tpu.vector_store_idx %arg4[%gather3A_262], %get3A_246 : memref<16384xf32, #tpu.memory_space<vmem>>[vector<16xi32>], vector<16xf32>,
      tpu.vector_store_idx %arg6[%gather3A_262], %get3A_250 : memref<16384xi32, #tpu.memory_space<vmem>>[vector<16xi32>], vector<16xi32>,
      tpu.vector_store_idx %arg10[%add3A_261], %broadcast_in_dim3A_1 {add = true} : memref<4096xi32, #tpu.memory_space<vmem>>[vector<16xi32>], vector<16xi32>,
      %mul3A_263 = arith.constant 8 : i32
      %mul3A_264 = arith.muli %scan3A_122, %mul3A_263 : i32
      %add3A_265 = arith.constant 6 : i32
      %add3A_266 = arith.addi %mul3A_264, %add3A_265 : i32
      %mul3A_267 = arith.constant 16 : i32
      %mul3A_268 = arith.muli %add3A_266, %mul3A_267 : i32
      %get3A_269 = arith.index_cast %mul3A_268 : i32 to index
      %get3A_270 = tpu.vector_load %arg5[%get3A_269] {strides = array<i32>} : memref<16384xf32, #tpu.memory_space<vmem>>, vector<16xf32>,
      %mul3A_271 = arith.constant 16 : i32
      %mul3A_272 = arith.muli %add3A_266, %mul3A_271 : i32
      %get3A_273 = arith.index_cast %mul3A_272 : i32 to index
      %get3A_274 = tpu.vector_load %arg7[%get3A_273] {strides = array<i32>} : memref<16384xi32, #tpu.memory_space<vmem>>, vector<16xi32>,
      %bitcast3A_275 = vector.bitcast %get3A_270 : vector<16xf32> to vector<16xi32>
      %shift_right_logical3A_276 = arith.constant 24 : i32
      %shift_right_logical3A_277 = vector.broadcast %shift_right_logical3A_276 : i32 to vector<16xi32>
      %shift_right_logical3A_278 = arith.shrui %bitcast3A_275, %shift_right_logical3A_277 : vector<16xi32>
      %and3A_279 = arith.constant 255 : i32
      %and3A_280 = vector.broadcast %and3A_279 : i32 to vector<16xi32>
      %and3A_281 = arith.andi %shift_right_logical3A_278, %and3A_280 : vector<16xi32>
      %mul3A_282 = arith.constant 16 : i32
      %mul3A_283 = vector.broadcast %mul3A_282 : i32 to vector<16xi32>
      %mul3A_284 = arith.muli %and3A_281, %mul3A_283 : vector<16xi32>
      %add3A_285 = arith.addi %mul3A_284, %iota3A : vector<16xi32>
      %gather3A_286 = tpu.vector_load_idx %arg10[%add3A_285] : memref<4096xi32, #tpu.memory_space<vmem>>[vector<16xi32>], vector<16xi32>,
      tpu.vector_store_idx %arg4[%gather3A_286], %get3A_270 : memref<16384xf32, #tpu.memory_space<vmem>>[vector<16xi32>], vector<16xf32>,
      tpu.vector_store_idx %arg6[%gather3A_286], %get3A_274 : memref<16384xi32, #tpu.memory_space<vmem>>[vector<16xi32>], vector<16xi32>,
      tpu.vector_store_idx %arg10[%add3A_285], %broadcast_in_dim3A_1 {add = true} : memref<4096xi32, #tpu.memory_space<vmem>>[vector<16xi32>], vector<16xi32>,
      %mul3A_287 = arith.constant 8 : i32
      %mul3A_288 = arith.muli %scan3A_122, %mul3A_287 : i32
      %add3A_289 = arith.constant 7 : i32
      %add3A_290 = arith.addi %mul3A_288, %add3A_289 : i32
      %mul3A_291 = arith.constant 16 : i32
      %mul3A_292 = arith.muli %add3A_290, %mul3A_291 : i32
      %get3A_293 = arith.index_cast %mul3A_292 : i32 to index
      %get3A_294 = tpu.vector_load %arg5[%get3A_293] {strides = array<i32>} : memref<16384xf32, #tpu.memory_space<vmem>>, vector<16xf32>,
      %mul3A_295 = arith.constant 16 : i32
      %mul3A_296 = arith.muli %add3A_290, %mul3A_295 : i32
      %get3A_297 = arith.index_cast %mul3A_296 : i32 to index
      %get3A_298 = tpu.vector_load %arg7[%get3A_297] {strides = array<i32>} : memref<16384xi32, #tpu.memory_space<vmem>>, vector<16xi32>,
      %bitcast3A_299 = vector.bitcast %get3A_294 : vector<16xf32> to vector<16xi32>
      %shift_right_logical3A_300 = arith.constant 24 : i32
      %shift_right_logical3A_301 = vector.broadcast %shift_right_logical3A_300 : i32 to vector<16xi32>
      %shift_right_logical3A_302 = arith.shrui %bitcast3A_299, %shift_right_logical3A_301 : vector<16xi32>
      %and3A_303 = arith.constant 255 : i32
      %and3A_304 = vector.broadcast %and3A_303 : i32 to vector<16xi32>
      %and3A_305 = arith.andi %shift_right_logical3A_302, %and3A_304 : vector<16xi32>
      %mul3A_306 = arith.constant 16 : i32
      %mul3A_307 = vector.broadcast %mul3A_306 : i32 to vector<16xi32>
      %mul3A_308 = arith.muli %and3A_305, %mul3A_307 : vector<16xi32>
      %add3A_309 = arith.addi %mul3A_308, %iota3A : vector<16xi32>
      %gather3A_310 = tpu.vector_load_idx %arg10[%add3A_309] : memref<4096xi32, #tpu.memory_space<vmem>>[vector<16xi32>], vector<16xi32>,
      tpu.vector_store_idx %arg4[%gather3A_310], %get3A_294 : memref<16384xf32, #tpu.memory_space<vmem>>[vector<16xi32>], vector<16xf32>,
      tpu.vector_store_idx %arg6[%gather3A_310], %get3A_298 : memref<16384xi32, #tpu.memory_space<vmem>>[vector<16xi32>], vector<16xi32>,
      tpu.vector_store_idx %arg10[%add3A_309], %broadcast_in_dim3A_1 {add = true} : memref<4096xi32, #tpu.memory_space<vmem>>[vector<16xi32>], vector<16xi32>,
      %scan3A_311 = arith.constant 0 : i32
      scf.yield %scan3A_311 : i32
    }
    %scan3A_113 = arith.constant 128 : i32
    %scan3A_114 = arith.constant 0.000000e+00 : f32
    %scan3A_115 = arith.constant 0.000000e+00 : f32
    %scan3A_116 = arith.constant 0 : i32
    %scan3A_117 = arith.constant 1024 : i32
    %scan3A_118 = arith.addi %scan3A_116, %scan3A_117 : i32
    %scan3A_119 = arith.constant 1 : i32
    %scan3A_120:2 = scf.for %scan3A_122 = %scan3A_116 to %scan3A_118 step %scan3A_119 iter_args(%scan3A_123 = %scan3A_114, %scan3A_124 = %scan3A_115) -> (f32, f32)  : i32 {
      %mul3A_125 = arith.constant 16 : i32
      %mul3A_126 = arith.muli %scan3A_122, %mul3A_125 : i32
      %get3A = arith.index_cast %mul3A_126 : i32 to index
      %get3A_127 = tpu.vector_load %arg4[%get3A] {strides = array<i32>} : memref<16384xf32, #tpu.memory_space<vmem>>, vector<16xf32>,
      %bitcast3A = vector.bitcast %get3A_127 : vector<16xf32> to vector<16xi32>
      %shift_right_logical3A = arith.constant 23 : i32
      %shift_right_logical3A_128 = vector.broadcast %shift_right_logical3A : i32 to vector<16xi32>
      %shift_right_logical3A_129 = arith.shrui %bitcast3A, %shift_right_logical3A_128 : vector<16xi32>
      %sub3A = arith.constant 127 : i32
      %sub3A_130 = vector.broadcast %sub3A : i32 to vector<16xi32>
      %sub3A_131 = arith.subi %shift_right_logical3A_129, %sub3A_130 : vector<16xi32>
      %convert_element_type3A = arith.sitofp %sub3A_131 : vector<16xi32> to vector<16xf32>
      %and3A = arith.constant 8388607 : i32
      %and3A_132 = vector.broadcast %and3A : i32 to vector<16xi32>
      %and3A_133 = arith.andi %bitcast3A, %and3A_132 : vector<16xi32>
      %or3A = arith.constant 1065353216 : i32
      %or3A_134 = vector.broadcast %or3A : i32 to vector<16xi32>
      %or3A_135 = arith.ori %and3A_133, %or3A_134 : vector<16xi32>
      %bitcast3A_136 = vector.bitcast %or3A_135 : vector<16xi32> to vector<16xf32>
      %mul3A_137 = arith.constant -0.0248256065 : f32
      %mul3A_138 = vector.broadcast %mul3A_137 : f32 to vector<16xf32>
      %mul3A_139 = arith.mulf %mul3A_138, %bitcast3A_136 : vector<16xf32>
      %add3A_140 = arith.constant 0.266858816 : f32
      %add3A_141 = vector.broadcast %add3A_140 : f32 to vector<16xf32>
      %add3A_142 = arith.addf %mul3A_139, %add3A_141 : vector<16xf32>
      %mul3A_143 = arith.mulf %add3A_142, %bitcast3A_136 : vector<16xf32>
      %add3A_144 = arith.constant -1.23426318 : f32
      %add3A_145 = vector.broadcast %add3A_144 : f32 to vector<16xf32>
      %add3A_146 = arith.addf %mul3A_143, %add3A_145 : vector<16xf32>
      %mul3A_147 = arith.mulf %add3A_146, %bitcast3A_136 : vector<16xf32>
      %add3A_148 = arith.constant 3.21883273 : f32
      %add3A_149 = vector.broadcast %add3A_148 : f32 to vector<16xf32>
      %add3A_150 = arith.addf %mul3A_147, %add3A_149 : vector<16xf32>
      %mul3A_151 = arith.mulf %add3A_150, %bitcast3A_136 : vector<16xf32>
      %add3A_152 = arith.constant -5.26411057 : f32
      %add3A_153 = vector.broadcast %add3A_152 : f32 to vector<16xf32>
      %add3A_154 = arith.addf %mul3A_151, %add3A_153 : vector<16xf32>
      %mul3A_155 = arith.mulf %add3A_154, %bitcast3A_136 : vector<16xf32>
      %add3A_156 = arith.constant 6.065830e+00 : f32
      %add3A_157 = vector.broadcast %add3A_156 : f32 to vector<16xf32>
      %add3A_158 = arith.addf %mul3A_155, %add3A_157 : vector<16xf32>
      %mul3A_159 = arith.mulf %add3A_158, %bitcast3A_136 : vector<16xf32>
      %add3A_160 = arith.constant -3.02831745 : f32
      %add3A_161 = vector.broadcast %add3A_160 : f32 to vector<16xf32>
      %add3A_162 = arith.addf %mul3A_159, %add3A_161 : vector<16xf32>
      %add3A_163 = arith.addf %add3A_162, %convert_element_type3A : vector<16xf32>
      %broadcast_in_dim3A_164 = arith.constant true
      %broadcast_in_dim3A_165 = vector.broadcast %broadcast_in_dim3A_164 : i1 to vector<16xi1>
      %masked_cumsum3A = tpu.scan <sum>, %add3A_163 masked %broadcast_in_dim3A_165 : vector<16xf32>, vector<16xi1> -> vector<16xf32>
      %sub3A_166 = arith.subf %masked_cumsum3A, %add3A_163 : vector<16xf32>
      %add3A_167 = vector.broadcast %scan3A_123 : f32 to vector<16xf32>
      %add3A_168 = arith.addf %add3A_167, %sub3A_166 : vector<16xf32>
      %lt3A = arith.constant -1.162700e+02 : f32
      %lt3A_169 = vector.broadcast %lt3A : f32 to vector<16xf32>
      %lt3A_170 = arith.cmpf olt, %add3A_168, %lt3A_169 : vector<16xf32>
      %jit3A = arith.constant 1.000000e+00 : f32
      %jit3A_171 = arith.constant 0.000000e+00 : f32
      %broadcast_in_dim3A_172 = vector.broadcast %jit3A : f32 to vector<16xf32>
      %broadcast_in_dim3A_173 = vector.broadcast %jit3A_171 : f32 to vector<16xf32>
      %select_n3A = arith.select %lt3A_170, %broadcast_in_dim3A_172, %broadcast_in_dim3A_173 : vector<16xi1>, vector<16xf32>
      %broadcast_in_dim3A_174 = arith.constant true
      %broadcast_in_dim3A_175 = vector.broadcast %broadcast_in_dim3A_174 : i1 to vector<16xi1>
      %masked_cummax3A = tpu.scan <max>, %select_n3A masked %broadcast_in_dim3A_175 : vector<16xf32>, vector<16xi1> -> vector<16xf32>
      %broadcast_in_dim3A_176 = vector.broadcast %scan3A_124 : f32 to vector<16xf32>
      %max3A = arith.maximumf %masked_cummax3A, %broadcast_in_dim3A_176 : vector<16xf32>
      %gt3A = arith.constant 0.000000e+00 : f32
      %gt3A_177 = vector.broadcast %gt3A : f32 to vector<16xf32>
      %gt3A_178 = arith.cmpf ogt, %max3A, %gt3A_177 : vector<16xf32>
      %mul3A_179 = arith.constant 0.693147182 : f32
      %mul3A_180 = vector.broadcast %mul3A_179 : f32 to vector<16xf32>
      %mul3A_181 = arith.mulf %add3A_168, %mul3A_180 : vector<16xf32>
      %exp3A = math.exp %mul3A_181 : vector<16xf32>
      %jit3A_182 = arith.constant 0.000000e+00 : f32
      %broadcast_in_dim3A_183 = vector.broadcast %jit3A_182 : f32 to vector<16xf32>
      %select_n3A_184 = arith.select %gt3A_178, %broadcast_in_dim3A_183, %exp3A : vector<16xi1>, vector<16xf32>
      %sub3A_185 = arith.constant 1.000000e+00 : f32
      %sub3A_186 = vector.broadcast %sub3A_185 : f32 to vector<16xf32>
      %sub3A_187 = arith.subf %sub3A_186, %get3A_127 : vector<16xf32>
      %mul3A_188 = arith.mulf %sub3A_187, %select_n3A_184 : vector<16xf32>
      %mul3A_189 = arith.constant 16 : i32
      %mul3A_190 = arith.muli %scan3A_122, %mul3A_189 : i32
      %get3A_191 = arith.index_cast %mul3A_190 : i32 to index
      %get3A_192 = tpu.vector_load %arg6[%get3A_191] {strides = array<i32>} : memref<16384xi32, #tpu.memory_space<vmem>>, vector<16xi32>,
      tpu.vector_store_idx %arg8[%get3A_192], %mul3A_188 : memref<16384xf32, #tpu.memory_space<vmem>>[vector<16xi32>], vector<16xf32>,
      %reduce_sum3A = arith.constant true
      %reduce_sum3A_193 = vector.broadcast %reduce_sum3A : i1 to vector<16xi1>
      %reduce_sum3A_194 = tpu.scan <sum>, %add3A_163 masked %reduce_sum3A_193 : vector<16xf32>, vector<16xi1> -> vector<16xf32>
      %reduce_sum3A_195 = vector.extract %reduce_sum3A_194[15] : f32 from vector<16xf32>
      %add3A_196 = arith.addf %scan3A_123, %reduce_sum3A_195 : f32
      %reduce_max3A = arith.constant true
      %reduce_max3A_197 = vector.broadcast %reduce_max3A : i1 to vector<16xi1>
      %reduce_max3A_198 = tpu.scan <max>, %max3A masked %reduce_max3A_197 : vector<16xf32>, vector<16xi1> -> vector<16xf32>
      %reduce_max3A_199 = vector.extract %reduce_max3A_198[15] : f32 from vector<16xf32>
      %max3A_200 = arith.maximumf %scan3A_124, %reduce_max3A_199 : f32
      scf.yield %add3A_196, %max3A_200 : f32, f32
    }
    %scan3A_121 = arith.constant 1024 : i32
    "tpu.region"() ({
      %run_scoped3A = tpu.sem_alloc : memref<!tpu.dma_semaphore, #tpu.memory_space<semaphore_mem>>
      %dma_start3A = arith.constant 0 : i32
      %dma_start3A_122 = tpu.memref_slice %arg3[%add3A, %dma_start3A] : memref<32x16384xf32, #tpu.memory_space<hbm>> -> memref<1x16384xf32, #tpu.memory_space<hbm>>
      %dma_start3A_123 = tpu.memref_squeeze %dma_start3A_122 : memref<1x16384xf32, #tpu.memory_space<hbm>> -> memref<16384xf32, #tpu.memory_space<hbm>>
      %dma_start3A_124 = arith.constant 0 : i32
      %dma_start3A_125 = tpu.memref_slice %arg3[%add3A, %dma_start3A_124] : memref<32x16384xf32, #tpu.memory_space<hbm>> -> memref<1x16384xf32, #tpu.memory_space<hbm>>
      %dma_start3A_126 = tpu.memref_squeeze %dma_start3A_125 : memref<1x16384xf32, #tpu.memory_space<hbm>> -> memref<16384xf32, #tpu.memory_space<hbm>>
      tpu.enqueue_dma source(%arg8 : memref<16384xf32, #tpu.memory_space<vmem>>) target(%dma_start3A_126 : memref<16384xf32, #tpu.memory_space<hbm>>) target_semaphore(%run_scoped3A : memref<!tpu.dma_semaphore, #tpu.memory_space<semaphore_mem>>)
      %dma_wait3A = arith.constant 0 : i32
      %dma_wait3A_127 = tpu.memref_slice %arg3[%add3A, %dma_wait3A] : memref<32x16384xf32, #tpu.memory_space<hbm>> -> memref<1x16384xf32, #tpu.memory_space<hbm>>
      %dma_wait3A_128 = tpu.memref_squeeze %dma_wait3A_127 : memref<1x16384xf32, #tpu.memory_space<hbm>> -> memref<16384xf32, #tpu.memory_space<hbm>>
      %dma_wait3A_129 = arith.constant 0 : i32
      %dma_wait3A_130 = tpu.memref_slice %arg3[%add3A, %dma_wait3A_129] : memref<32x16384xf32, #tpu.memory_space<hbm>> -> memref<1x16384xf32, #tpu.memory_space<hbm>>
      %dma_wait3A_131 = tpu.memref_squeeze %dma_wait3A_130 : memref<1x16384xf32, #tpu.memory_space<hbm>> -> memref<16384xf32, #tpu.memory_space<hbm>>
      tpu.wait_dma2 semaphore(%run_scoped3A : memref<!tpu.dma_semaphore, #tpu.memory_space<semaphore_mem>>) src(%arg8 : memref<16384xf32, #tpu.memory_space<vmem>>) dst(%dma_wait3A_131 : memref<16384xf32, #tpu.memory_space<hbm>>)
      tpu.yield
    }) : () -> ()
    return
  }
}

module attributes {stable_mosaic.version = 14 : i64} {
  func.func @_k3_body(%arg0: i32, %arg1: memref<1x64x16384xf32, #tpu.memory_space<vmem>>, %arg2: memref<32x16384xf32, #tpu.memory_space<vmem>>, %arg3: memref<32x16384xf32, #tpu.memory_space<vmem>>, %arg4: memref<1x4x16384xf32, #tpu.memory_space<vmem>>, %arg5: memref<32x1xf32, #tpu.memory_space<smem>>, %arg6: memref<32x1xf32, #tpu.memory_space<smem>>, %arg7: memref<32x1xf32, #tpu.memory_space<smem>>, %arg8: memref<32x1xf32, #tpu.memory_space<smem>>, %arg9: memref<1x64x1xf32, #tpu.memory_space<vmem>>, %arg10: memref<1x64x1xf32, #tpu.memory_space<vmem>>, %arg11: memref<1x64x16384xf32, #tpu.memory_space<vmem>>, %arg12: memref<1x64x4xf32, #tpu.memory_space<vmem>>) attributes {dimension_semantics = [#tpu.dimension_semantics<arbitrary>], iteration_bounds = array<i64: 32>, scalar_prefetch = 0 : i64, scratch_operands = 0 : i64, tpu.core_type = #tpu.core_type<tc>, window_params = [{transform_indices = @transform_0, window_bounds = array<i64: 1, 64, 16384>}, {pipeline_mode = #tpu.pipeline_mode<synchronous>, transform_indices = @transform_1, window_bounds = array<i64: 32, 16384>}, {pipeline_mode = #tpu.pipeline_mode<synchronous>, transform_indices = @transform_2, window_bounds = array<i64: 32, 16384>}, {transform_indices = @transform_3, window_bounds = array<i64: 1, 4, 16384>}, {transform_indices = @transform_4, window_bounds = array<i64: 32, 1>}, {transform_indices = @transform_5, window_bounds = array<i64: 32, 1>}, {transform_indices = @transform_6, window_bounds = array<i64: 32, 1>}, {transform_indices = @transform_7, window_bounds = array<i64: 32, 1>}, {transform_indices = @transform_8, window_bounds = array<i64: 1, 64, 1>}, {transform_indices = @transform_9, window_bounds = array<i64: 1, 64, 1>}, {transform_indices = @transform_10, window_bounds = array<i64: 1, 64, 16384>}, {transform_indices = @transform_11, window_bounds = array<i64: 1, 64, 4>}]} {
    %get3A = arith.index_cast %arg0 : i32 to index
    %get3A_0 = arith.constant 0 : index
    %get3A_1 = vector.load %arg2[%get3A, %get3A_0] : memref<32x16384xf32, #tpu.memory_space<vmem>>, vector<1x16384xf32>
    %get3A_2 = vector.shape_cast %get3A_1 : vector<1x16384xf32> to vector<16384xf32>
    %get3A_3 = arith.index_cast %arg0 : i32 to index
    %get3A_4 = arith.constant 0 : index
    %get3A_5 = memref.load %arg5[%get3A_3, %get3A_4] : memref<32x1xf32, #tpu.memory_space<smem>>
    %sub3A = vector.broadcast %get3A_5 : f32 to vector<16384xf32>
    %sub3A_6 = arith.subf %get3A_2, %sub3A : vector<16384xf32>
    %exp3A = math.exp %sub3A_6 : vector<16384xf32>
    %get3A_7 = arith.index_cast %arg0 : i32 to index
    %get3A_8 = arith.constant 0 : index
    %get3A_9 = memref.load %arg6[%get3A_7, %get3A_8] : memref<32x1xf32, #tpu.memory_space<smem>>
    %div3A = vector.broadcast %get3A_9 : f32 to vector<16384xf32>
    %div3A_10 = arith.divf %exp3A, %div3A : vector<16384xf32>
    %get3A_11 = arith.index_cast %arg0 : i32 to index
    %get3A_12 = arith.constant 0 : index
    %get3A_13 = memref.load %arg8[%get3A_11, %get3A_12] : memref<32x1xf32, #tpu.memory_space<smem>>
    %get3A_14 = arith.index_cast %arg0 : i32 to index
    %get3A_15 = arith.constant 0 : index
    %get3A_16 = memref.load %arg7[%get3A_14, %get3A_15] : memref<32x1xf32, #tpu.memory_space<smem>>
    %get3A_17 = arith.index_cast %arg0 : i32 to index
    %get3A_18 = arith.constant 0 : index
    %get3A_19 = vector.load %arg3[%get3A_17, %get3A_18] : memref<32x16384xf32, #tpu.memory_space<vmem>>, vector<1x16384xf32>
    %get3A_20 = vector.shape_cast %get3A_19 : vector<1x16384xf32> to vector<16384xf32>
    %mul3A = vector.broadcast %get3A_13 : f32 to vector<16384xf32>
    %mul3A_21 = arith.mulf %mul3A, %get3A_20 : vector<16384xf32>
    %sub3A_22 = arith.constant 1.000000e+00 : f32
    %sub3A_23 = arith.subf %sub3A_22, %get3A_13 : f32
    %mul3A_24 = vector.broadcast %sub3A_23 : f32 to vector<16384xf32>
    %mul3A_25 = arith.mulf %mul3A_24, %div3A_10 : vector<16384xf32>
    %add3A = arith.addf %mul3A_21, %mul3A_25 : vector<16384xf32>
    %mul3A_26 = vector.broadcast %get3A_16 : f32 to vector<16384xf32>
    %mul3A_27 = arith.mulf %mul3A_26, %add3A : vector<16384xf32>
    %get3A_28 = arith.constant 0 : index
    %get3A_29 = arith.constant 0 : index
    %get3A_30 = arith.constant 0 : index
    %get3A_31 = vector.load %arg1[%get3A_28, %get3A_29, %get3A_30] : memref<1x64x16384xf32, #tpu.memory_space<vmem>>, vector<1x64x16384xf32>
    %get3A_32 = vector.shape_cast %get3A_31 : vector<1x64x16384xf32> to vector<64x16384xf32>
    %get3A_33 = arith.constant 0 : index
    %get3A_34 = arith.constant 0 : index
    %get3A_35 = arith.constant 0 : index
    %get3A_36 = vector.load %arg10[%get3A_33, %get3A_34, %get3A_35] : memref<1x64x1xf32, #tpu.memory_space<vmem>>, vector<1x64x1xf32>
    %get3A_37 = vector.shape_cast %get3A_36 : vector<1x64x1xf32> to vector<64xf32>
    %get3A_38 = arith.constant 0 : index
    %get3A_39 = arith.constant 0 : index
    %get3A_40 = arith.constant 0 : index
    %get3A_41 = vector.load %arg9[%get3A_38, %get3A_39, %get3A_40] : memref<1x64x1xf32, #tpu.memory_space<vmem>>, vector<1x64x1xf32>
    %get3A_42 = vector.shape_cast %get3A_41 : vector<1x64x1xf32> to vector<64xf32>
    %broadcast_in_dim3A = vector.shape_cast %get3A_37 : vector<64xf32> to vector<64x1xf32>
    %broadcast_in_dim3A_43 = vector.shape_cast %mul3A_27 : vector<16384xf32> to vector<1x16384xf32>
    %mul3A_44 = vector.broadcast %broadcast_in_dim3A : vector<64x1xf32> to vector<64x16384xf32>
    %mul3A_45 = vector.broadcast %broadcast_in_dim3A_43 : vector<1x16384xf32> to vector<64x16384xf32>
    %mul3A_46 = arith.mulf %mul3A_44, %mul3A_45 : vector<64x16384xf32>
    %sub3A_47 = arith.constant 1.000000e+00 : f32
    %sub3A_48 = vector.broadcast %sub3A_47 : f32 to vector<64x16384xf32>
    %sub3A_49 = arith.subf %sub3A_48, %mul3A_46 : vector<64x16384xf32>
    %mul3A_50 = arith.mulf %get3A_32, %sub3A_49 : vector<64x16384xf32>
    %broadcast_in_dim3A_51 = vector.shape_cast %get3A_42 : vector<64xf32> to vector<64x1xf32>
    %broadcast_in_dim3A_52 = vector.shape_cast %mul3A_27 : vector<16384xf32> to vector<1x16384xf32>
    %mul3A_53 = vector.broadcast %broadcast_in_dim3A_51 : vector<64x1xf32> to vector<64x16384xf32>
    %mul3A_54 = vector.broadcast %broadcast_in_dim3A_52 : vector<1x16384xf32> to vector<64x16384xf32>
    %mul3A_55 = arith.mulf %mul3A_53, %mul3A_54 : vector<64x16384xf32>
    %add3A_56 = arith.addf %mul3A_50, %mul3A_55 : vector<64x16384xf32>
    %swap3A = arith.constant 0 : index
    %swap3A_57 = arith.constant 0 : index
    %swap3A_58 = arith.constant 0 : index
    %swap3A_59 = vector.load %arg11[%swap3A, %swap3A_57, %swap3A_58] : memref<1x64x16384xf32, #tpu.memory_space<vmem>>, vector<1x64x16384xf32>
    %swap3A_60 = vector.shape_cast %swap3A_59 : vector<1x64x16384xf32> to vector<64x16384xf32>
    %swap3A_61 = vector.shape_cast %add3A_56 : vector<64x16384xf32> to vector<1x64x16384xf32>
    tpu.vector_store %arg11[%swap3A, %swap3A_57, %swap3A_58], %swap3A_61 {strides = array<i32>} : memref<1x64x16384xf32, #tpu.memory_space<vmem>>, vector<1x64x16384xf32>,
    %get3A_62 = arith.constant 0 : index
    %get3A_63 = arith.constant 0 : index
    %get3A_64 = arith.constant 0 : index
    %get3A_65 = vector.load %arg4[%get3A_62, %get3A_63, %get3A_64] : memref<1x4x16384xf32, #tpu.memory_space<vmem>>, vector<1x4x16384xf32>
    %get3A_66 = vector.shape_cast %get3A_65 : vector<1x4x16384xf32> to vector<4x16384xf32>
    %dot_general3A = arith.constant dense<0.000000e+00> : vector<64x4xf32>
    %dot_general3A_67 = tpu.matmul %add3A_56, %get3A_66, %dot_general3A {dimension_numbers = #tpu.dot_dimension_numbers<[1], [1], [0], [0], [0, 0, 1, 0], [], []>, transpose_lhs_hint = false} : vector<64x16384xf32>, vector<4x16384xf32>, vector<64x4xf32> -> vector<64x4xf32>
    %swap3A_68 = arith.constant 0 : index
    %swap3A_69 = arith.constant 0 : index
    %swap3A_70 = arith.constant 0 : index
    %swap3A_71 = vector.load %arg12[%swap3A_68, %swap3A_69, %swap3A_70] : memref<1x64x4xf32, #tpu.memory_space<vmem>>, vector<1x64x4xf32>
    %swap3A_72 = vector.shape_cast %swap3A_71 : vector<1x64x4xf32> to vector<64x4xf32>
    %swap3A_73 = vector.shape_cast %dot_general3A_67 : vector<64x4xf32> to vector<1x64x4xf32>
    tpu.vector_store %arg12[%swap3A_68, %swap3A_69, %swap3A_70], %swap3A_73 {strides = array<i32>} : memref<1x64x4xf32, #tpu.memory_space<vmem>>, vector<1x64x4xf32>,
    return
  }
  func.func @transform_0(%arg0: i32) -> (i32, i32, i32) {
    %c0_i32 = arith.constant 0 : i32
    %c0_i32_0 = arith.constant 0 : i32
    %c0_i32_1 = arith.constant 0 : i32
    return %arg0, %c0_i32, %c0_i32_0 : i32, i32, i32
  }
  func.func @transform_1(%arg0: i32) -> (i32, i32) {
    %c0_i32 = arith.constant 0 : i32
    %c0_i32_0 = arith.constant 0 : i32
    %c0_i32_1 = arith.constant 0 : i32
    return %c0_i32, %c0_i32_0 : i32, i32
  }
  func.func @transform_2(%arg0: i32) -> (i32, i32) {
    %c0_i32 = arith.constant 0 : i32
    %c0_i32_0 = arith.constant 0 : i32
    %c0_i32_1 = arith.constant 0 : i32
    return %c0_i32, %c0_i32_0 : i32, i32
  }
  func.func @transform_3(%arg0: i32) -> (i32, i32, i32) {
    %c0_i32 = arith.constant 0 : i32
    %c0_i32_0 = arith.constant 0 : i32
    %c0_i32_1 = arith.constant 0 : i32
    return %arg0, %c0_i32, %c0_i32_0 : i32, i32, i32
  }
  func.func @transform_4(%arg0: i32) -> (i32, i32) {
    %c0_i32 = arith.constant 0 : i32
    %c0_i32_0 = arith.constant 0 : i32
    %c0_i32_1 = arith.constant 0 : i32
    return %c0_i32, %c0_i32_0 : i32, i32
  }
  func.func @transform_5(%arg0: i32) -> (i32, i32) {
    %c0_i32 = arith.constant 0 : i32
    %c0_i32_0 = arith.constant 0 : i32
    %c0_i32_1 = arith.constant 0 : i32
    return %c0_i32, %c0_i32_0 : i32, i32
  }
  func.func @transform_6(%arg0: i32) -> (i32, i32) {
    %c0_i32 = arith.constant 0 : i32
    %c0_i32_0 = arith.constant 0 : i32
    %c0_i32_1 = arith.constant 0 : i32
    return %c0_i32, %c0_i32_0 : i32, i32
  }
  func.func @transform_7(%arg0: i32) -> (i32, i32) {
    %c0_i32 = arith.constant 0 : i32
    %c0_i32_0 = arith.constant 0 : i32
    %c0_i32_1 = arith.constant 0 : i32
    return %c0_i32, %c0_i32_0 : i32, i32
  }
  func.func @transform_8(%arg0: i32) -> (i32, i32, i32) {
    %c0_i32 = arith.constant 0 : i32
    %c0_i32_0 = arith.constant 0 : i32
    %c0_i32_1 = arith.constant 0 : i32
    return %arg0, %c0_i32, %c0_i32_0 : i32, i32, i32
  }
  func.func @transform_9(%arg0: i32) -> (i32, i32, i32) {
    %c0_i32 = arith.constant 0 : i32
    %c0_i32_0 = arith.constant 0 : i32
    %c0_i32_1 = arith.constant 0 : i32
    return %arg0, %c0_i32, %c0_i32_0 : i32, i32, i32
  }
  func.func @transform_10(%arg0: i32) -> (i32, i32, i32) {
    %c0_i32 = arith.constant 0 : i32
    %c0_i32_0 = arith.constant 0 : i32
    %c0_i32_1 = arith.constant 0 : i32
    return %arg0, %c0_i32, %c0_i32_0 : i32, i32, i32
  }
  func.func @transform_11(%arg0: i32) -> (i32, i32, i32) {
    %c0_i32 = arith.constant 0 : i32
    %c0_i32_0 = arith.constant 0 : i32
    %c0_i32_1 = arith.constant 0 : i32
    return %arg0, %c0_i32, %c0_i32_0 : i32, i32, i32
  }
}

module attributes {stable_mosaic.version = 14 : i64} {
  func.func @_k1_body(%arg0: i32, %arg1: memref<1x64x16384xf32, #tpu.memory_space<vmem>>, %arg2: memref<1x1x64xf32, #tpu.memory_space<vmem>>, %arg3: memref<1x1x1xf32, #tpu.memory_space<smem>>, %arg4: memref<32x16384xf32, #tpu.memory_space<vmem>>, %arg5: memref<32x1xf32, #tpu.memory_space<smem>>, %arg6: memref<32x1xf32, #tpu.memory_space<smem>>) attributes {dimension_semantics = [#tpu.dimension_semantics<arbitrary>], iteration_bounds = array<i64: 32>, scalar_prefetch = 0 : i64, scratch_operands = 0 : i64, tpu.core_type = #tpu.core_type<tc>, window_params = [{transform_indices = @transform_0, window_bounds = array<i64: 1, 64, 16384>}, {transform_indices = @transform_1, window_bounds = array<i64: 1, 1, 64>}, {transform_indices = @transform_2, window_bounds = array<i64: 1, 1, 1>}, {pipeline_mode = #tpu.pipeline_mode<synchronous>, transform_indices = @transform_3, window_bounds = array<i64: 32, 16384>}, {transform_indices = @transform_4, window_bounds = array<i64: 32, 1>}, {transform_indices = @transform_5, window_bounds = array<i64: 32, 1>}]} {
    %get3A = arith.constant 0 : index
    %get3A_0 = arith.constant 0 : index
    %get3A_1 = arith.constant 0 : index
    %get3A_2 = vector.load %arg1[%get3A, %get3A_0, %get3A_1] : memref<1x64x16384xf32, #tpu.memory_space<vmem>>, vector<1x64x16384xf32>
    %get3A_3 = vector.shape_cast %get3A_2 : vector<1x64x16384xf32> to vector<64x16384xf32>
    %get3A_4 = arith.constant 0 : index
    %get3A_5 = arith.constant 0 : index
    %get3A_6 = arith.constant 0 : index
    %get3A_7 = vector.load %arg2[%get3A_4, %get3A_5, %get3A_6] : memref<1x1x64xf32, #tpu.memory_space<vmem>>, vector<1x1x64xf32>
    %get3A_8 = vector.shape_cast %get3A_7 : vector<1x1x64xf32> to vector<64xf32>
    %mul3A = arith.mulf %get3A_8, %get3A_8 : vector<64xf32>
    %reduce_sum3A = vector.shape_cast %mul3A : vector<64xf32> to vector<1x64xf32>
    %reduce_sum3A_9 = arith.constant dense<0.000000e+00> : vector<1xf32>
    %reduce_sum3A_10 = vector.multi_reduction <add>, %reduce_sum3A, %reduce_sum3A_9 [1] : vector<1x64xf32> to vector<1xf32>
    %reduce_sum3A_11 = vector.shape_cast %reduce_sum3A_10 : vector<1xf32> to vector<1x1xf32>
    %reduce_sum3A_12 = vector.extract %reduce_sum3A_11[0, 0] : f32 from vector<1x1xf32>
    %sqrt3A = math.sqrt %reduce_sum3A_12 : f32
    %add3A = arith.constant 9.99999993E-9 : f32
    %add3A_13 = arith.addf %sqrt3A, %add3A : f32
    %div3A = vector.broadcast %add3A_13 : f32 to vector<64xf32>
    %div3A_14 = arith.divf %get3A_8, %div3A : vector<64xf32>
    %broadcast_in_dim3A = vector.shape_cast %div3A_14 : vector<64xf32> to vector<1x64xf32>
    %dot_general3A = arith.constant dense<0.000000e+00> : vector<1x16384xf32>
    %dot_general3A_15 = tpu.matmul %broadcast_in_dim3A, %get3A_3, %dot_general3A {dimension_numbers = #tpu.dot_dimension_numbers<[1], [0], [0], [1], [0, 0, 1, 1], [], []>, transpose_lhs_hint = false} : vector<1x64xf32>, vector<64x16384xf32>, vector<1x16384xf32> -> vector<1x16384xf32>
    %squeeze3A = vector.shape_cast %dot_general3A_15 : vector<1x16384xf32> to vector<16384xf32>
    %mul3A_16 = arith.mulf %get3A_3, %get3A_3 : vector<64x16384xf32>
    %reduce_sum3A_17 = arith.constant dense<0.000000e+00> : vector<16384xf32>
    %reduce_sum3A_18 = vector.multi_reduction <add>, %mul3A_16, %reduce_sum3A_17 [0] : vector<64x16384xf32> to vector<16384xf32>
    %sqrt3A_19 = math.sqrt %reduce_sum3A_18 : vector<16384xf32>
    %add3A_20 = arith.constant 9.99999993E-9 : f32
    %add3A_21 = vector.broadcast %add3A_20 : f32 to vector<16384xf32>
    %add3A_22 = arith.addf %sqrt3A_19, %add3A_21 : vector<16384xf32>
    %div3A_23 = arith.divf %squeeze3A, %add3A_22 : vector<16384xf32>
    %get3A_24 = arith.constant 0 : index
    %get3A_25 = arith.constant 0 : index
    %get3A_26 = arith.constant 0 : index
    %get3A_27 = memref.load %arg3[%get3A_24, %get3A_25, %get3A_26] : memref<1x1x1xf32, #tpu.memory_space<smem>>
    %mul3A_28 = vector.broadcast %get3A_27 : f32 to vector<16384xf32>
    %mul3A_29 = arith.mulf %div3A_23, %mul3A_28 : vector<16384xf32>
    %broadcast_in_dim3A_30 = vector.shape_cast %mul3A_29 : vector<16384xf32> to vector<1x16384xf32>
    %swap3A = arith.index_cast %arg0 : i32 to index
    %swap3A_31 = arith.constant 0 : index
    %swap3A_32 = vector.load %arg4[%swap3A, %swap3A_31] : memref<32x16384xf32, #tpu.memory_space<vmem>>, vector<1x16384xf32>
    tpu.vector_store %arg4[%swap3A, %swap3A_31], %broadcast_in_dim3A_30 {strides = array<i32>} : memref<32x16384xf32, #tpu.memory_space<vmem>>, vector<1x16384xf32>,
    %reduce_max3A = vector.shape_cast %mul3A_29 : vector<16384xf32> to vector<1x16384xf32>
    %reduce_max3A_33 = arith.constant dense<0xFF800000> : vector<1xf32>
    %reduce_max3A_34 = vector.multi_reduction <maximumf>, %reduce_max3A, %reduce_max3A_33 [1] : vector<1x16384xf32> to vector<1xf32>
    %reduce_max3A_35 = vector.shape_cast %reduce_max3A_34 : vector<1xf32> to vector<1x1xf32>
    %reduce_max3A_36 = vector.extract %reduce_max3A_35[0, 0] : f32 from vector<1x1xf32>
    %swap3A_37 = arith.index_cast %arg0 : i32 to index
    %swap3A_38 = arith.constant 0 : index
    %swap3A_39 = memref.load %arg5[%swap3A_37, %swap3A_38] : memref<32x1xf32, #tpu.memory_space<smem>>
    memref.store %reduce_max3A_36, %arg5[%swap3A_37, %swap3A_38] : memref<32x1xf32, #tpu.memory_space<smem>>
    %sub3A = vector.broadcast %reduce_max3A_36 : f32 to vector<16384xf32>
    %sub3A_40 = arith.subf %mul3A_29, %sub3A : vector<16384xf32>
    %exp3A = math.exp %sub3A_40 : vector<16384xf32>
    %reduce_sum3A_41 = vector.shape_cast %exp3A : vector<16384xf32> to vector<1x16384xf32>
    %reduce_sum3A_42 = arith.constant dense<0.000000e+00> : vector<1xf32>
    %reduce_sum3A_43 = vector.multi_reduction <add>, %reduce_sum3A_41, %reduce_sum3A_42 [1] : vector<1x16384xf32> to vector<1xf32>
    %reduce_sum3A_44 = vector.shape_cast %reduce_sum3A_43 : vector<1xf32> to vector<1x1xf32>
    %reduce_sum3A_45 = vector.extract %reduce_sum3A_44[0, 0] : f32 from vector<1x1xf32>
    %swap3A_46 = arith.index_cast %arg0 : i32 to index
    %swap3A_47 = arith.constant 0 : index
    %swap3A_48 = memref.load %arg6[%swap3A_46, %swap3A_47] : memref<32x1xf32, #tpu.memory_space<smem>>
    memref.store %reduce_sum3A_45, %arg6[%swap3A_46, %swap3A_47] : memref<32x1xf32, #tpu.memory_space<smem>>
    return
  }
  func.func @transform_0(%arg0: i32) -> (i32, i32, i32) {
    %c0_i32 = arith.constant 0 : i32
    %c0_i32_0 = arith.constant 0 : i32
    %c0_i32_1 = arith.constant 0 : i32
    return %arg0, %c0_i32, %c0_i32_0 : i32, i32, i32
  }
  func.func @transform_1(%arg0: i32) -> (i32, i32, i32) {
    %c0_i32 = arith.constant 0 : i32
    %c0_i32_0 = arith.constant 0 : i32
    %c0_i32_1 = arith.constant 0 : i32
    return %arg0, %c0_i32, %c0_i32_0 : i32, i32, i32
  }
  func.func @transform_2(%arg0: i32) -> (i32, i32, i32) {
    %c0_i32 = arith.constant 0 : i32
    %c0_i32_0 = arith.constant 0 : i32
    %c0_i32_1 = arith.constant 0 : i32
    return %arg0, %c0_i32, %c0_i32_0 : i32, i32, i32
  }
  func.func @transform_3(%arg0: i32) -> (i32, i32) {
    %c0_i32 = arith.constant 0 : i32
    %c0_i32_0 = arith.constant 0 : i32
    %c0_i32_1 = arith.constant 0 : i32
    return %c0_i32, %c0_i32_0 : i32, i32
  }
  func.func @transform_4(%arg0: i32) -> (i32, i32) {
    %c0_i32 = arith.constant 0 : i32
    %c0_i32_0 = arith.constant 0 : i32
    %c0_i32_1 = arith.constant 0 : i32
    return %c0_i32, %c0_i32_0 : i32, i32
  }
  func.func @transform_5(%arg0: i32) -> (i32, i32) {
    %c0_i32 = arith.constant 0 : i32
    %c0_i32_0 = arith.constant 0 : i32
    %c0_i32_1 = arith.constant 0 : i32
    return %c0_i32, %c0_i32_0 : i32, i32
  }
}

module attributes {stable_mosaic.version = 14 : i64} {
  func.func @_k0_body(%arg0: i32, %arg1: memref<8x16384xf32, #tpu.memory_space<vmem>>, %arg2: memref<8x16384xf32, #tpu.memory_space<vmem>>, %arg3: memref<8x4x16384xf32, #tpu.memory_space<vmem>>, %arg4: memref<8x4xf32, #tpu.memory_space<vmem>>, %arg5: memref<8x16384xf32, #tpu.memory_space<vmem>>) attributes {dimension_semantics = [#tpu.dimension_semantics<arbitrary>], iteration_bounds = array<i64: 4>, scalar_prefetch = 0 : i64, scratch_operands = 0 : i64, tpu.core_type = #tpu.core_type<tc>, window_params = [{transform_indices = @transform_0, window_bounds = array<i64: 8, 16384>}, {transform_indices = @transform_1, window_bounds = array<i64: 8, 16384>}, {transform_indices = @transform_2, window_bounds = array<i64: 8, 4, 16384>}, {transform_indices = @transform_3, window_bounds = array<i64: 8, 4>}, {transform_indices = @transform_4, window_bounds = array<i64: 8, 16384>}]} {
    %get3A = arith.constant 0 : index
    %get3A_0 = arith.constant 0 : index
    %get3A_1 = arith.constant 0 : index
    %get3A_2 = vector.load %arg3[%get3A, %get3A_0, %get3A_1] : memref<8x4x16384xf32, #tpu.memory_space<vmem>>, vector<8x1x16384xf32>
    %get3A_3 = vector.shape_cast %get3A_2 : vector<8x1x16384xf32> to vector<8x16384xf32>
    %get3A_4 = arith.constant 0 : index
    %get3A_5 = arith.constant 0 : index
    %get3A_6 = vector.load %arg4[%get3A_4, %get3A_5] : memref<8x4xf32, #tpu.memory_space<vmem>>, vector<8x1xf32>
    %get3A_7 = vector.shape_cast %get3A_6 : vector<8x1xf32> to vector<8xf32>
    %broadcast_in_dim3A = vector.shape_cast %get3A_7 : vector<8xf32> to vector<8x1xf32>
    %mul3A = vector.broadcast %broadcast_in_dim3A : vector<8x1xf32> to vector<8x16384xf32>
    %mul3A_8 = arith.mulf %get3A_3, %mul3A : vector<8x16384xf32>
    %sub3A = arith.constant 2.000000e+00 : f32
    %sub3A_9 = vector.broadcast %sub3A : f32 to vector<8x16384xf32>
    %sub3A_10 = arith.subf %sub3A_9, %mul3A_8 : vector<8x16384xf32>
    %mul3A_11 = arith.constant 1.000000e+00 : f32
    %mul3A_12 = vector.broadcast %mul3A_11 : f32 to vector<8x16384xf32>
    %mul3A_13 = arith.mulf %mul3A_12, %sub3A_10 : vector<8x16384xf32>
    %get3A_14 = arith.constant 0 : index
    %get3A_15 = arith.constant 1 : index
    %get3A_16 = arith.constant 0 : index
    %get3A_17 = vector.load %arg3[%get3A_14, %get3A_15, %get3A_16] : memref<8x4x16384xf32, #tpu.memory_space<vmem>>, vector<8x1x16384xf32>
    %get3A_18 = vector.shape_cast %get3A_17 : vector<8x1x16384xf32> to vector<8x16384xf32>
    %get3A_19 = arith.constant 0 : index
    %get3A_20 = arith.constant 1 : index
    %get3A_21 = vector.load %arg4[%get3A_19, %get3A_20] : memref<8x4xf32, #tpu.memory_space<vmem>>, vector<8x1xf32>
    %get3A_22 = vector.shape_cast %get3A_21 : vector<8x1xf32> to vector<8xf32>
    %broadcast_in_dim3A_23 = vector.shape_cast %get3A_22 : vector<8xf32> to vector<8x1xf32>
    %mul3A_24 = vector.broadcast %broadcast_in_dim3A_23 : vector<8x1xf32> to vector<8x16384xf32>
    %mul3A_25 = arith.mulf %get3A_18, %mul3A_24 : vector<8x16384xf32>
    %sub3A_26 = arith.constant 2.000000e+00 : f32
    %sub3A_27 = vector.broadcast %sub3A_26 : f32 to vector<8x16384xf32>
    %sub3A_28 = arith.subf %sub3A_27, %mul3A_25 : vector<8x16384xf32>
    %mul3A_29 = arith.mulf %mul3A_13, %sub3A_28 : vector<8x16384xf32>
    %get3A_30 = arith.constant 0 : index
    %get3A_31 = arith.constant 2 : index
    %get3A_32 = arith.constant 0 : index
    %get3A_33 = vector.load %arg3[%get3A_30, %get3A_31, %get3A_32] : memref<8x4x16384xf32, #tpu.memory_space<vmem>>, vector<8x1x16384xf32>
    %get3A_34 = vector.shape_cast %get3A_33 : vector<8x1x16384xf32> to vector<8x16384xf32>
    %get3A_35 = arith.constant 0 : index
    %get3A_36 = arith.constant 2 : index
    %get3A_37 = vector.load %arg4[%get3A_35, %get3A_36] : memref<8x4xf32, #tpu.memory_space<vmem>>, vector<8x1xf32>
    %get3A_38 = vector.shape_cast %get3A_37 : vector<8x1xf32> to vector<8xf32>
    %broadcast_in_dim3A_39 = vector.shape_cast %get3A_38 : vector<8xf32> to vector<8x1xf32>
    %mul3A_40 = vector.broadcast %broadcast_in_dim3A_39 : vector<8x1xf32> to vector<8x16384xf32>
    %mul3A_41 = arith.mulf %get3A_34, %mul3A_40 : vector<8x16384xf32>
    %sub3A_42 = arith.constant 2.000000e+00 : f32
    %sub3A_43 = vector.broadcast %sub3A_42 : f32 to vector<8x16384xf32>
    %sub3A_44 = arith.subf %sub3A_43, %mul3A_41 : vector<8x16384xf32>
    %mul3A_45 = arith.mulf %mul3A_29, %sub3A_44 : vector<8x16384xf32>
    %get3A_46 = arith.constant 0 : index
    %get3A_47 = arith.constant 3 : index
    %get3A_48 = arith.constant 0 : index
    %get3A_49 = vector.load %arg3[%get3A_46, %get3A_47, %get3A_48] : memref<8x4x16384xf32, #tpu.memory_space<vmem>>, vector<8x1x16384xf32>
    %get3A_50 = vector.shape_cast %get3A_49 : vector<8x1x16384xf32> to vector<8x16384xf32>
    %get3A_51 = arith.constant 0 : index
    %get3A_52 = arith.constant 3 : index
    %get3A_53 = vector.load %arg4[%get3A_51, %get3A_52] : memref<8x4xf32, #tpu.memory_space<vmem>>, vector<8x1xf32>
    %get3A_54 = vector.shape_cast %get3A_53 : vector<8x1xf32> to vector<8xf32>
    %broadcast_in_dim3A_55 = vector.shape_cast %get3A_54 : vector<8xf32> to vector<8x1xf32>
    %mul3A_56 = vector.broadcast %broadcast_in_dim3A_55 : vector<8x1xf32> to vector<8x16384xf32>
    %mul3A_57 = arith.mulf %get3A_50, %mul3A_56 : vector<8x16384xf32>
    %sub3A_58 = arith.constant 2.000000e+00 : f32
    %sub3A_59 = vector.broadcast %sub3A_58 : f32 to vector<8x16384xf32>
    %sub3A_60 = arith.subf %sub3A_59, %mul3A_57 : vector<8x16384xf32>
    %mul3A_61 = arith.mulf %mul3A_45, %sub3A_60 : vector<8x16384xf32>
    %get3A_62 = arith.constant 0 : index
    %get3A_63 = arith.constant 0 : index
    %get3A_64 = vector.load %arg1[%get3A_62, %get3A_63] : memref<8x16384xf32, #tpu.memory_space<vmem>>, vector<8x16384xf32>
    %get3A_65 = arith.constant 0 : index
    %get3A_66 = arith.constant 0 : index
    %get3A_67 = vector.load %arg2[%get3A_65, %get3A_66] : memref<8x16384xf32, #tpu.memory_space<vmem>>, vector<8x16384xf32>
    %add3A = arith.addf %get3A_64, %get3A_67 : vector<8x16384xf32>
    %mul3A_68 = arith.mulf %get3A_64, %get3A_67 : vector<8x16384xf32>
    %sub3A_69 = arith.subf %add3A, %mul3A_68 : vector<8x16384xf32>
    %mul3A_70 = arith.mulf %sub3A_69, %mul3A_61 : vector<8x16384xf32>
    %swap3A = arith.constant 0 : index
    %swap3A_71 = arith.constant 0 : index
    %swap3A_72 = vector.load %arg5[%swap3A, %swap3A_71] : memref<8x16384xf32, #tpu.memory_space<vmem>>, vector<8x16384xf32>
    tpu.vector_store %arg5[%swap3A, %swap3A_71], %mul3A_70 {strides = array<i32>} : memref<8x16384xf32, #tpu.memory_space<vmem>>, vector<8x16384xf32>,
    return
  }
  func.func @transform_0(%arg0: i32) -> (i32, i32) {
    %c0_i32 = arith.constant 0 : i32
    %c0_i32_0 = arith.constant 0 : i32
    return %arg0, %c0_i32 : i32, i32
  }
  func.func @transform_1(%arg0: i32) -> (i32, i32) {
    %c0_i32 = arith.constant 0 : i32
    %c0_i32_0 = arith.constant 0 : i32
    return %arg0, %c0_i32 : i32, i32
  }
  func.func @transform_2(%arg0: i32) -> (i32, i32, i32) {
    %c0_i32 = arith.constant 0 : i32
    %c0_i32_0 = arith.constant 0 : i32
    %c0_i32_1 = arith.constant 0 : i32
    return %arg0, %c0_i32, %c0_i32_0 : i32, i32, i32
  }
  func.func @transform_3(%arg0: i32) -> (i32, i32) {
    %c0_i32 = arith.constant 0 : i32
    %c0_i32_0 = arith.constant 0 : i32
    return %arg0, %c0_i32 : i32, i32
  }
  func.func @transform_4(%arg0: i32) -> (i32, i32) {
    %c0_i32 = arith.constant 0 : i32
    %c0_i32_0 = arith.constant 0 : i32
    return %arg0, %c0_i32 : i32, i32
  }
}

</mosaic_0001>

<sc_bundles>
// kernel: kernel.6.cloned.1.call-start
scs
__scs_entry_jumppad:
0x0: {  	(pc) =	sbr.rel $0x88, $3  }
0x1: {  	(tag) =	ssettag $0x0;
	lr =	simm.s32 $0x1  }
0x2: {  	[smem:$0x3F96] =	sst lr;
	_ =	strace $0xD0000000  }
0x3: {  	_ = 	snop  }
0x4: {  	_ = 	snop  }
0x5: {  	_ = 	snop  }
0x6: {  	_ = 	snop  }
0x7: {  	_ = 	snop  }
__scs_overlays_trampoline_lowered:
0x8: {  	[smem:$0x3FA5] =	sst s0  }
0x9: {  	[smem:$0x3FA6] =	sst s1  }
0xa: {  	[smem:$0x3FA7] =	sst s2  }
0xb: {  	[smem:$0x3FA8] =	sst s3  }
0xc: {  	[smem:$0x3FA9] =	sst s4  }
0xd: {  	[smem:$0x3FAA] =	sst s5  }
0xe: {  	[smem:$0x3FAB] =	sst s6  }
0xf: {  	[smem:$0x3FAC] =	sst s7  }
0x10: {  	[smem:$0x3FAD] =	sst s8  }
0x11: {  	[smem:$0x3FAE] =	sst s9;
	s0 =	simm.s32 @!p0 $0x0  }
0x12: {  	s1 =	sld [smem:$0x3F94];
	s0 =	simm.s32 @p0 $0x1  }
0x13: {  	[smem:$0x3FAF] =	sst s0;
	s0 =	simm.s32 @!p1 $0x0  }
0x14: {  	s2 =	sld [smem:$0x3F93];
	s0 =	simm.s32 @p1 $0x1  }
0x15: {  	[smem:$0x3FB0] =	sst s0;
	s0 =	simm.s32 @!p2 $0x0  }
0x16: {  	s3 =	sld [smem:$0x3FDB];
	s0 =	simm.s32 @p2 $0x1  }
0x17: {  	s4 =	simm.s32 $0x1BF5;
	[smem:$0x3FB2] =	sst s0  }
0x18: {  	s0 =	sld [smem:$0x3F95];
	_ =	swait.ge [sflag:s4], $0x0  }
0x19: {  	s7 =	sld [smem:$0x3F96]  }
0x1a: {  	s8 =	sadd.s32 $0xFFFFE003, lr  }
0x1b: {  	s9 =	sadd.s32 $0xFFFFFEF7, lr;
	s5 =	simm.s32 $0xFFFFFFFF;
	p2 =	slt.u32 s8, $0xFFFFF086  }
0x1c: {  	p1 =	slt.u32 s9, $0xF7A;
	s5 =	simm.s32 @!p2 $0x0  }
0x1d: {  	s5 =	simm.s32 @p1 $0x1;
	p0 =	seq.s32 s7, s2  }
0x1e: {  	s7 =	smul.u32 @!p0 $0xF7A, s2;
	p2 =	seq.s32 @!p0 s5, $0x0  }
0x1f: {  	s9 =	smul.u32 $0xF7A, s1;
	s8 =	simm.s32 @!p0 $0x1BF5;
	p2 =	por !p2, p0  }
0x20: {  	[sflag:s8] =	ssyncset.s32 @!p0 $0xFFFFF086;
	s6 =	sadd.s32 @!p0 s3, s7;
	s7 =	simm.s32 @!p0 $0x108  }
0x21: {  	s3 =	sadd.s32 s3, s9;
	s6 =	sadd.s32 @!p0 $0x88, s6;
	s7 =	simm.s32 @p2 $0x1082  }
0x22: {  	[simem:s7], [sflag:s8] =	dma.local @!p0 [hbm:s6], $0xF7A  }
0x23: {  	s9 =	sor.u32 $0xD0000000, s2;
	s6 =	simm.s32 $0x108;
	_ =	swait.ge @!p0 [sflag:s8], $0x0  }
0x24: {  	s3 =	sadd.s32 $0x88, s3;
	s6 =	simm.s32 @!p1 $0x1082;
	[sflag:s4] =	ssyncset.s32 $0xFFFFF086  }
0x25: {  	[simem:s6], [sflag:s4] =	dma.local [hbm:s3], $0xF7A  }
0x26: {  	[smem:$0x3F96] =	sst s1;
	(tag) =	ssettag s2;
	_ =	strace s9  }
0x27: {  	s1 =	sld [smem:$0x3FA6]  }
0x28: {  	s2 =	sld [smem:$0x3FA7]  }
0x29: {  	s4 =	sld [smem:$0x3FA9]  }
0x2a: {  	p0 =	seq.s32 s5, $0x0;
	s5 =	sld [smem:$0x3FAA]  }
0x2b: {  	s6 =	sld [smem:$0x3FAB]  }
0x2c: {  	s7 =	sld [smem:$0x3FAC]  }
0x2d: {  	s3 =	simm.s32 $0x108;
	s8 =	sld [smem:$0x3FAD]  }
0x2e: {  	s3 =	simm.s32 @!p0 $0x1082;
	s9 =	sld [smem:$0x3FAE]  }
0x2f: {  	lr =	sadd.s32 s0, s3;
	s0 =	sld [smem:$0x3FA5]  }
0x30: {  	s3 =	sld [smem:$0x3FA8]  }
0x31: {  	[smem:$0x3FB1] =	sst s10  }
0x32: {  	s10 =	sld [smem:$0x3FAF];
	_ =	sdelay $0x3  }
0x33: {  	p0 =	seq.s32 s10, $0x1;
	s10 =	sld [smem:$0x3FB1];
	_ =	sdelay $0x3  }
0x34: {  	[smem:$0x3FB1] =	sst s10  }
0x35: {  	s10 =	sld [smem:$0x3FB0];
	_ =	sdelay $0x3  }
0x36: {  	p1 =	seq.s32 s10, $0x1;
	s10 =	sld [smem:$0x3FB1];
	_ =	sdelay $0x3  }
0x37: {  	[smem:$0x3FB1] =	sst s10  }
0x38: {  	s10 =	sld [smem:$0x3FB2]  }
0x39: {  	_ = 	snop;
	(pc) =	sbr.ind lr, $3  }
0x3a: {  	_ = 	snop  }
0x3b: {  	_ = 	snop  }
0x3c: {  	p2 =	seq.s32 s10, $0x1;
	s10 =	sld [smem:$0x3FB1]  }
0x3d: {  	_ =	shalt  }
0x3e: {  	_ =	shalt  }
0x3f: {  	_ =	shalt  }
0x40: {  	_ =	shalt  }
0x41: {  	_ =	shalt  }
0x42: {  	_ =	shalt  }
0x43: {  	_ =	shalt  }
0x44: {  	_ =	shalt  }
0x45: {  	_ =	shalt  }
0x46: {  	_ =	shalt  }
0x47: {  	_ =	shalt  }
0x48: {  	_ =	shalt  }
0x49: {  	_ =	shalt  }
0x4a: {  	_ =	shalt  }
0x4b: {  	_ =	shalt  }
0x4c: {  	_ =	shalt  }
0x4d: {  	_ =	shalt  }
0x4e: {  	_ =	shalt  }
0x4f: {  	_ =	shalt  }
0x50: {  	_ =	shalt  }
0x51: {  	_ =	shalt  }
0x52: {  	_ =	shalt  }
0x53: {  	_ =	shalt  }
0x54: {  	_ =	shalt  }
0x55: {  	_ =	shalt  }
0x56: {  	_ =	shalt  }
0x57: {  	_ =	shalt  }
0x58: {  	_ =	shalt  }
0x59: {  	_ =	shalt  }
0x5a: {  	_ =	shalt  }
0x5b: {  	_ =	shalt  }
0x5c: {  	_ =	shalt  }
0x5d: {  	_ =	shalt  }
0x5e: {  	_ =	shalt  }
0x5f: {  	_ =	shalt  }
0x60: {  	_ =	shalt  }
0x61: {  	_ =	shalt  }
0x62: {  	_ =	shalt  }
0x63: {  	_ =	shalt  }
0x64: {  	_ =	shalt  }
0x65: {  	_ =	shalt  }
0x66: {  	_ =	shalt  }
0x67: {  	_ =	shalt  }
0x68: {  	_ =	shalt  }
0x69: {  	_ =	shalt  }
0x6a: {  	_ =	shalt  }
0x6b: {  	_ =	shalt  }
0x6c: {  	_ =	shalt  }
0x6d: {  	_ =	shalt  }
0x6e: {  	_ =	shalt  }
0x6f: {  	_ =	shalt  }
0x70: {  	_ =	shalt  }
0x71: {  	_ =	shalt  }
0x72: {  	_ =	shalt  }
0x73: {  	_ =	shalt  }
0x74: {  	_ =	shalt  }
0x75: {  	_ =	shalt  }
0x76: {  	_ =	shalt  }
0x77: {  	_ =	shalt  }
0x78: {  	_ =	shalt  }
0x79: {  	_ =	shalt  }
0x7a: {  	_ =	shalt  }
0x7b: {  	_ =	shalt  }
0x7c: {  	_ =	shalt  }
0x7d: {  	_ =	shalt  }
0x7e: {  	_ =	shalt  }
0x7f: {  	_ =	shalt  }
0x80: {  	_ =	shalt  }
0x81: {  	_ =	shalt  }
0x82: {  	_ =	shalt  }
0x83: {  	_ =	shalt  }
0x84: {  	_ =	shalt  }
0x85: {  	_ =	shalt  }
0x86: {  	_ =	shalt  }
0x87: {  	_ =	shalt  }
.Lfunc_end0:
.L_simem_size_0:
called_computation_lowered:
.L_overlay_start_0:
0x88: {  	s2 =	sld [smem:$0x3FD9]  }
0x89: {  	s3 =	sld [smem:$0x3FFE];
	_ =	sdelay $0x1  }
0x8a: {  	s1 =	srdreg.scid  }
0x8b: {  	s0 =	sand.u32 $0x1, s1  }
0x8c: {  	s14 =	sshll.u32 s0, $0xA;
	s2 =	sadd.s32 s3, s2  }
0x8d: {  	s2 =	sadd.s32 s2, s14  }
0x8e: {  	[smem:$0x3FBD] =	sst s2  }
0x8f: {  	_ = 	snop  }
0x90: {  	s2 =	sld [smem:$0x3FD0];
	_ =	sdelay $0x2  }
0x91: {  	s15 =	simm.s32 $0xA;
	s4 =	simm.s32 $0x10  }
0x92: {  	[smem:s4], [sflag:s15] =	dma.local [hbm:s2], $0x1  }
0x93: {  	_ =	swait.eq [sflag:s15], $0x1  }
0x94: {  	[sflag:s15] =	ssyncset.done $0x0  }
0x95: {  	[sflag:s15] =	ssyncadd.s32 $0xFFFFFFFF  }
0x96: {  	s16 =	sld [smem:$0x10];
	(tm) =	ssettm $0x1  }
0x97: {  	s17 =	sld [smem:$0x3FFB];
	_ =	sdelay $0x3  }
0x98: {  	_ =	strace s17  }
0x99: {  	s3 =	sld [smem:$0x3FFC];
	_ =	sdelay $0x3  }
0x9a: {  	_ =	strace s3  }
0x9b: {  	s3 =	sld [smem:$0x3FFD];
	_ =	sdelay $0x3  }
0x9c: {  	_ =	strace s3  }
0x9d: {  	_ =	strace $0x8FFFFFFF  }
0x9e: {  	s18 =	sld [smem:$0x3FDB];
	_ =	sdelay $0x1  }
0x9f: {  	s19 =	simm.s32 $_scs_section_size  }
0xa0: {  	s5 =	simm.s32 $_size__tile_overlayer_lowered;
	s6 =	simm.s32 $_tile_overlayer_lowered  }
0xa1: {  	s22 =	simm.s32 $0x1BFF;
	s21 =	sshll.u32 s6, $0x1;
	s3 =	sadd.s32 s19, s18  }
0xa2: {  	s7 =	simm.s32 $0x0;
	s20 =	sshll.u32 s5, $0x1;
	s5 =	sadd.s32 s21, s3  }
0xa3: {  	[timem:s7], [sflag:s22] =	dma.local [hbm:s5], s20  }
0xa4: {  	_ =	swait.ge [sflag:s22], s20  }
0xa5: {  	s4 =	ssub.s32 $0x0, s20;
	[sflag:s22] =	ssyncset.done $0x0  }
0xa6: {  	[sflag:s22] =	ssyncadd.s32 s4;
	_ =	sdelay $0x1  }
0xa7: {  	s23 =	simm.s32 $0x1B8B  }
0xa8: {  	_ =	swait.ge [sflag:s23], $0x1  }
0xa9: {  	[sflag:s23] =	ssyncset.done $0x0  }
0xaa: {  	s25 =	simm.s32 $0x1B8E;
	s24 =	sld [smem:$0x3FFE];
	[sflag:s23] =	ssyncadd.s32 $0xFFFFFFFF  }
0xab: {  	s26 =	simm.s32 $execute0_lowered;
	[smem:$0x3FD2] =	sst s25  }
0xac: {  	s5 =	sshll.u32 s26, $0x1;
	_ =	strace $0x80000046;
	[dreg:$0x1] =	wrdreg $0xFFFFFFFF  }
0xad: {  	s28 =	simm.s32 $_size_execute0_lowered;
	s3 =	sadd.s32 s3, s5;
	[dreg:$0x0] =	wrdreg $0x0  }
0xae: {  	s5 =	sshll.u32 s28, $0x1;
	[dreg:$0x2] =	wrdreg s3  }
0xaf: {  	[dreg:$0x3] =	wrdreg s5  }
0xb0: {  	[dreg:$0x4] =	wrdreg $0xC0  }
0xb1: {  	_ =	task [dreg:s7], $0x5FFFF  }
0xb2: {  	[dreg:$0x1] =	wrdreg $0xFFFFFFFF  }
0xb3: {  	[dreg:$0x0] =	wrdreg $0x60  }
0xb4: {  	[dreg:$0x2] =	wrdreg s16  }
0xb5: {  	[dreg:$0x3] =	wrdreg s24  }
0xb6: {  	[dreg:$0x4] =	wrdreg $0x9  }
0xb7: {  	_ =	task.clear_ibuf [dreg:s7], $0x5FFFF;
	_ =	strace $0x90000046  }
0xb8: {  	s29 =	simm.s32 $0x9;
	_ =	strace $0x80000048  }
0xb9: {  	_ =	swait.ge [sflag:s29], $0x1  }
0xba: {  	[sflag:s29] =	ssyncadd.s32 $0xFFFFFFFF  }
0xbb: {  	_ =	strace $0x90000048  }
0xbc: {  	_ =	sfence  }
0xbd: {  	s30 =	sld [smem:$0x0];
	_ =	sdelay $0x2  }
0xbe: {  	s31 =	sshll.u32 s1, $0xD;
	s1 =	sshrl.u32 s1, $0x2  }
0xbf: {  	s3 =	sand.u32 $0x4000, s31;
	s1 =	sadd.s32 s1, s30  }
0xc0: {  	s0 =	sor.u32 s3, s0;
	s1 =	sshll.u32 s1, $0x11  }
0xc1: {  	s0 =	sor.u32 s1, s0  }
0xc2: {  	s0 =	sadd.s32 $0x8F2B, s0  }
0xc3: {  	[sflag:s0] =	ssyncadd.remote.s32 $0x1  }
0xc4: {  	_ =	sfence.sel $0xFFFF  }
0xc5: {  	[dreg:$0x0] =	wrdreg $0xFFFFFFFF;
	(pc) =	sbr.abs _section_cstart, $3  }
0xc6: {  	[dreg:$0x1] =	wrdreg $0xFFFFFFFF  }
0xc7: {  	_ =	task.clear_ibuf [dreg:s7], $0x2FFFF;
	_ =	strace $0x9FFFFFFF  }
0xc8: {  	(tm) =	ssettm $0x7FFFFFFF  }
0xc9: {  	_ =	shalt  }
tec
execute0_lowered:
.L_overlay_start_1:
0x0: {  	(tag) =	ssettag $0x1  }
0x1: {  	s3 =	rddreg [dreg:$0x0]  }
0x2: {  	s4 =	rddreg [dreg:$0x1]  }
0x3: {  	s2 =	srdreg.scid;
	s1 =	stileid.u32  }
0x4: {  	s0 =	rddreg [dreg:$0x2];
	s9 =	simm.s32 $0x14000;
	s10 =	simm.s32 $0x16000  }
0x5: {  	s11 =	simm.s32 $0x15000;
	s12 =	simm.s32 $0x4000;
	s13 =	simm.s32 $0xC000  }
0x6: {  	s14 =	simm.s32 $0x8000;
	s15 =	simm.s32 $0x10000;
	s16 =	simm.s32 $0x0  }
0x7: {  	s5 =	sand.u32 $0x1, s2;
	s30 =	sshll.u32 s1, $0x5;
	s6 =	sshll.u32 s1, $0xC  }
0x8: {  	v1 =	vlaneseq.u32;
	s2 =	simm.s32 $0x0;
	s7 =	sshll.u32 s5, $0x4;
	s8 =	sand.u32 $0x60, s30  }
0x9: {  	v3 =	vadd.s32 $0xF, v1;
	s6 =	sand.u32 $0xC000, s6;
	[smem:$0x7FF] =	sst s2;
	s5 =	ssub.s32 $0x2, s5  }
0xa: {  	s7 =	sor.u32 s7, s8;
	_ =	strace $0x80000047;
	s31 =	sshrl.u32 s5, $0x1  }
0xb: {  	s8 =	simm.s32 $0x1;
	s6 =	sor.u32 s6, s7;
	s5 =	ssub.s32 s5, s31  }
0xc: {  	v0 =	vimm.s32 $0x0;
	s7 =	simm.s32 $0x400;
	s4 =	sadd.s32 s6, s4;
	s3 =	sadd.s32 s3, s6  }
0xd: {  	v2 =	vimm.s32 $0x1;
	v4 =	vimm.s32 $0x1F;
	v5 =	vimm.f32 $0.0e+00;
	s5 =	smax.u32 s5, $0x1;
	s6 =	simm.s32 $0x80;
	s4 =	sadd.s32 $0x2600, s4  }
.LBB2_1:
0xe: {  	[tilespmem:s2], [sflag:$0x1] =	stream.strided.gather [hbm4b:s3+s6], $0x4000, s7, s6, $0x38;
	[tilespmem:$0x16080] =	vst v63  }
0xf: {  	_ =	swait.ge [sflag:s8], $0x4000  }
0x10: {  	[sflag:s8] =	ssyncset.done $0x0  }
0x11: {  	[sflag:s8] =	ssyncadd.s32 $0xFFFFC000  }
0x12: {  	s17 =	simm.s32 $0x100;
	s18 =	simm.s32 $0x0;
	[tilespmem:$0x16000] =	vst v0  }
.LBB2_2:
0x13: {  	p0 =	sne.s32 s17, $0x3F00;
	[tilespmem:s18+$0x14030] =	vst v0;
	s19 =	smov.u32 s17;
	s17 =	sadd.s32 $0x100, s17  }
.Ltmp0:
0x14: {  	[tilespmem:s18+$0x14020] =	vst v0;
	(pc) =	sbr.rel @p0 .LBB2_2-.Ltmp0, $3  }
0x15: {  	[tilespmem:s18+$0x14000] =	vst v0  }
0x16: {  	[tilespmem:s18+$0x14010] =	vst v0;
	_ =	sdelay $0x1  }
0x17: {  	s18 =	sshra.s32 s19, $0x2  }
0x18: {  	[tilespmem:s18+$0x14030] =	vst v0  }
0x19: {  	[tilespmem:s18+$0x14020] =	vst v0  }
0x1a: {  	[tilespmem:s18+$0x14000] =	vst v0  }
0x1b: {  	s17 =	simm.s32 $0x0;
	[tilespmem:s18+$0x14010] =	vst v0  }
.LBB2_4:
0x1c: {  	s18 =	sshra.s32 s17, $0x2  }
0x1d: {  	v6 =	vld [tilespmem:s18+$0x0];
	_ =	sdelay $0x4  }
0x1e: {  	v6 =	vshll.u32 v6, $0x4  }
0x1f: {  	v6 =	vor.u32 v1, v6  }
0x20: {  	v6 =	vand.u32 $0xFFF, v6;
	_ =	sdelay $0x4  }
0x21: {  	[tilespmem:v6+s9+$0x0] =	vst.idx.add.s32.msk $0xffff, v2  }
0x22: {  	v6 =	vld [tilespmem:s18+$0x10];
	_ =	sdelay $0x4  }
0x23: {  	v6 =	vshll.u32 v6, $0x4  }
0x24: {  	v6 =	vor.u32 v1, v6  }
0x25: {  	v6 =	vand.u32 $0xFFF, v6;
	_ =	sdelay $0x4  }
0x26: {  	[tilespmem:v6+s9+$0x0] =	vst.idx.add.s32.msk $0xffff, v2  }
0x27: {  	v6 =	vld [tilespmem:s18+$0x20];
	_ =	sdelay $0x4  }
0x28: {  	v6 =	vshll.u32 v6, $0x4  }
0x29: {  	v6 =	vor.u32 v1, v6  }
0x2a: {  	v6 =	vand.u32 $0xFFF, v6;
	_ =	sdelay $0x4  }
0x2b: {  	[tilespmem:v6+s9+$0x0] =	vst.idx.add.s32.msk $0xffff, v2  }
0x2c: {  	v6 =	vld [tilespmem:s18+$0x30];
	_ =	sdelay $0x4  }
0x2d: {  	v6 =	vshll.u32 v6, $0x4  }
0x2e: {  	v6 =	vor.u32 v1, v6  }
0x2f: {  	v6 =	vand.u32 $0xFFF, v6;
	_ =	sdelay $0x4  }
0x30: {  	[tilespmem:v6+s9+$0x0] =	vst.idx.add.s32.msk $0xffff, v2  }
0x31: {  	v6 =	vld [tilespmem:s18+$0x40];
	_ =	sdelay $0x4  }
0x32: {  	v6 =	vshll.u32 v6, $0x4  }
0x33: {  	v6 =	vor.u32 v1, v6  }
0x34: {  	v6 =	vand.u32 $0xFFF, v6;
	_ =	sdelay $0x4  }
0x35: {  	[tilespmem:v6+s9+$0x0] =	vst.idx.add.s32.msk $0xffff, v2  }
0x36: {  	v6 =	vld [tilespmem:s18+$0x50];
	_ =	sdelay $0x4  }
0x37: {  	v6 =	vshll.u32 v6, $0x4  }
0x38: {  	v6 =	vor.u32 v1, v6  }
0x39: {  	v6 =	vand.u32 $0xFFF, v6;
	_ =	sdelay $0x4  }
0x3a: {  	[tilespmem:v6+s9+$0x0] =	vst.idx.add.s32.msk $0xffff, v2  }
0x3b: {  	v6 =	vld [tilespmem:s18+$0x60];
	_ =	sdelay $0x4  }
0x3c: {  	v6 =	vshll.u32 v6, $0x4  }
0x3d: {  	v6 =	vor.u32 v1, v6  }
0x3e: {  	v6 =	vand.u32 $0xFFF, v6;
	_ =	sdelay $0x4  }
0x3f: {  	[tilespmem:v6+s9+$0x0] =	vst.idx.add.s32.msk $0xffff, v2  }
0x40: {  	v6 =	vld [tilespmem:s18+$0x70];
	_ =	sdelay $0x4  }
0x41: {  	v6 =	vshll.u32 v6, $0x4  }
0x42: {  	v6 =	vor.u32 v1, v6  }
0x43: {  	v6 =	vand.u32 $0xFFF, v6;
	_ =	sdelay $0x4  }
0x44: {  	[tilespmem:v6+s9+$0x0] =	vst.idx.add.s32.msk $0xffff, v2  }
0x45: {  	v6 =	vld [tilespmem:s18+$0x80];
	_ =	sdelay $0x4  }
0x46: {  	v6 =	vshll.u32 v6, $0x4  }
0x47: {  	v6 =	vor.u32 v1, v6  }
0x48: {  	v6 =	vand.u32 $0xFFF, v6;
	_ =	sdelay $0x4  }
0x49: {  	[tilespmem:v6+s9+$0x0] =	vst.idx.add.s32.msk $0xffff, v2  }
0x4a: {  	v6 =	vld [tilespmem:s18+$0x90];
	_ =	sdelay $0x4  }
0x4b: {  	v6 =	vshll.u32 v6, $0x4  }
0x4c: {  	v6 =	vor.u32 v1, v6  }
0x4d: {  	v6 =	vand.u32 $0xFFF, v6;
	_ =	sdelay $0x4  }
0x4e: {  	[tilespmem:v6+s9+$0x0] =	vst.idx.add.s32.msk $0xffff, v2  }
0x4f: {  	v6 =	vld [tilespmem:s18+$0xA0];
	_ =	sdelay $0x4  }
0x50: {  	v6 =	vshll.u32 v6, $0x4  }
0x51: {  	v6 =	vor.u32 v1, v6  }
0x52: {  	v6 =	vand.u32 $0xFFF, v6;
	_ =	sdelay $0x4  }
0x53: {  	[tilespmem:v6+s9+$0x0] =	vst.idx.add.s32.msk $0xffff, v2  }
0x54: {  	v6 =	vld [tilespmem:s18+$0xB0];
	_ =	sdelay $0x4  }
0x55: {  	v6 =	vshll.u32 v6, $0x4  }
0x56: {  	v6 =	vor.u32 v1, v6  }
0x57: {  	v6 =	vand.u32 $0xFFF, v6;
	_ =	sdelay $0x4  }
0x58: {  	[tilespmem:v6+s9+$0x0] =	vst.idx.add.s32.msk $0xffff, v2  }
0x59: {  	v6 =	vld [tilespmem:s18+$0xC0];
	_ =	sdelay $0x4  }
0x5a: {  	v6 =	vshll.u32 v6, $0x4  }
0x5b: {  	v6 =	vor.u32 v1, v6  }
0x5c: {  	v6 =	vand.u32 $0xFFF, v6;
	_ =	sdelay $0x4  }
0x5d: {  	[tilespmem:v6+s9+$0x0] =	vst.idx.add.s32.msk $0xffff, v2  }
0x5e: {  	v6 =	vld [tilespmem:s18+$0xD0];
	_ =	sdelay $0x4  }
0x5f: {  	v6 =	vshll.u32 v6, $0x4  }
0x60: {  	v6 =	vor.u32 v1, v6  }
0x61: {  	v6 =	vand.u32 $0xFFF, v6;
	_ =	sdelay $0x4  }
0x62: {  	[tilespmem:v6+s9+$0x0] =	vst.idx.add.s32.msk $0xffff, v2  }
0x63: {  	v6 =	vld [tilespmem:s18+$0xE0];
	_ =	sdelay $0x4  }
0x64: {  	v6 =	vshll.u32 v6, $0x4  }
0x65: {  	v6 =	vor.u32 v1, v6  }
0x66: {  	v6 =	vand.u32 $0xFFF, v6;
	_ =	sdelay $0x4  }
0x67: {  	[tilespmem:v6+s9+$0x0] =	vst.idx.add.s32.msk $0xffff, v2  }
0x68: {  	v6 =	vld [tilespmem:s18+$0xF0];
	_ =	sdelay $0x4  }
0x69: {  	v6 =	vshll.u32 v6, $0x4  }
0x6a: {  	v6 =	vor.u32 v1, v6  }
0x6b: {  	p0 =	sne.s32 s17, $0xFC00;
	v6 =	vand.u32 $0xFFF, v6  }
.Ltmp1:
0x6c: {  	_ = 	snop;
	(pc) =	sbr.rel @p0 .LBB2_4-.Ltmp1, $2  }
0x6d: {  	_ =	sdelay $0x2  }
0x6e: {  	s17 =	sadd.s32 $0x400, s17;
	[tilespmem:v6+s9+$0x0] =	vst.idx.add.s32.msk $0xffff, v2  }
0x6f: {  	s18 =	simm.s32 $0x0  }
0x70: {  	v6 =	vld [tilespmem:s18+$0x14000];
	_ =	sdelay $0x4  }
0x71: {  	(xrf0) =	vadd.scan.msk.s32 $0xffff, v6;
	_ =	sdelay $0x5  }
0x72: {  	v6, _, _ =	vpop (xrf0)  }
0x73: {  	s17 =	simm.s32 $0x10;
	[tilespmem:$0x16010] =	vst v6  }
0x74: {  	v6 =	vld [tilespmem:s17+$0x14000];
	_ =	sdelay $0x2  }
0x75: {  	v7 =	vld.idx.msk [tilespmem:v3+s10+$0x0], $0xffff;
	_ =	sdelay $0x1  }
0x76: {  	(xrf0) =	vadd.scan.msk.s32 $0xffff, v6;
	_ =	sdelay $0x1  }
0x77: {  	v6 =	vimm.s32 $0x0  }
0x78: {  	v7 =	vadd.s32 v6, v7  }
0x79: {  	[tilespmem:s18+$0x15000] =	vst v7  }
0x7a: {  	v7 =	vld.idx.msk [tilespmem:v4+s10+$0x0], $0xffff  }
0x7b: {  	v8, _, _ =	vpop (xrf0)  }
0x7c: {  	s18 =	simm.s32 $0x20;
	[tilespmem:$0x16010] =	vst v8  }
0x7d: {  	s19 =	simm.s32 $0xC0;
	v8 =	vld [tilespmem:s18+$0x14000]  }
.LBB2_6:
0x7e: {  	p0 =	sne.s32 s19, $0x3FC0;
	v9 =	vld.idx.msk [tilespmem:v3+s10+$0x0], $0xffff;
	s20 =	smov.u32 s19;
	s19 =	sadd.s32 $0x40, s19  }
0x7f: {  	v6 =	vadd.s32 v6, v7;
	_ =	sdelay $0x2  }
0x80: {  	(xrf0) =	vadd.scan.msk.s32 $0xffff, v8;
	_ =	sdelay $0x1  }
0x81: {  	v7 =	vadd.s32 v6, v9  }
0x82: {  	[tilespmem:s17+$0x15000] =	vst v7;
	s17 =	smov.u32 s18  }
.Ltmp2:
0x83: {  	v7 =	vld.idx.msk [tilespmem:v4+s10+$0x0], $0xffff;
	(pc) =	sbr.rel @p0 .LBB2_6-.Ltmp2, $4  }
0x84: {  	_ = 	snop  }
0x85: {  	v8, _, _ =	vpop (xrf0)  }
0x86: {  	s18 =	sshra.s32 s20, $0x2;
	[tilespmem:$0x16010] =	vst v8  }
0x87: {  	v8 =	vld [tilespmem:s18+$0x14000]  }
0x88: {  	_ =	sdelay $0x3  }
0x89: {  	v9 =	vld.idx.msk [tilespmem:v3+s10+$0x0], $0xffff;
	(xrf0) =	vadd.scan.msk.s32 $0xffff, v8;
	_ =	sdelay $0x3  }
0x8a: {  	v6 =	vadd.s32 v6, v7  }
0x8b: {  	v7 =	vadd.s32 v6, v9  }
0x8c: {  	[tilespmem:s17+$0x15000] =	vst v7;
	v8, _, _ =	vpop (xrf0)  }
0x8d: {  	v7 =	vld.idx.msk [tilespmem:v4+s10+$0x0], $0xffff;
	[tilespmem:$0x16010] =	vst v8  }
0x8e: {  	v8 =	vld.idx.msk [tilespmem:v3+s10+$0x0], $0xffff;
	_ =	sdelay $0x3  }
0x8f: {  	v6 =	vadd.s32 v6, v7  }
0x90: {  	v6 =	vadd.s32 v6, v8  }
0x91: {  	s17 =	simm.s32 $0x70;
	[tilespmem:s18+$0x15000] =	vst v6;
	s18 =	simm.s32 $0x40  }
.LBB2_8:
0x92: {  	v6 =	vld [tilespmem:s18+$0xFFFFFFC0];
	_ =	sdelay $0x4  }
0x93: {  	v7 =	vshll.u32 v6, $0x4  }
0x94: {  	v7 =	vor.u32 v1, v7  }
0x95: {  	v7 =	vand.u32 $0xFFF, v7;
	_ =	sdelay $0x4  }
0x96: {  	v8 =	vld.idx.msk [tilespmem:v7+s11+$0x0], $0xffff;
	_ =	sdelay $0x4  }
0x97: {  	v9 =	vshll.u32 v8, $0x4  }
0x98: {  	v8 =	vshrl.u32 v8, $0xA;
	v9 =	vand.u32 $0x3FF0, v9  }
0x99: {  	v8 =	vor.u32 v8, v9;
	_ =	sdelay $0x3  }
0x9a: {  	s19 =	sadd.s32 $0xFFFFFF90, s17  }
0x9b: {  	v49 =	vor.u32 s19, v1;
	[tilespmem:v8+s12+$0x0] =	vst.idx.msk $0xffff, v6  }
0x9c: {  	[tilespmem:v8+s13+$0x0] =	vst.idx.msk $0xffff, v49  }
0x9d: {  	[tilespmem:v7+s11+$0x0] =	vst.idx.add.s32.msk $0xffff, v2  }
0x9e: {  	v6 =	vld [tilespmem:s18+$0xFFFFFFD0];
	_ =	sdelay $0x4  }
0x9f: {  	v7 =	vshll.u32 v6, $0x4  }
0xa0: {  	v7 =	vor.u32 v1, v7  }
0xa1: {  	v7 =	vand.u32 $0xFFF, v7;
	_ =	sdelay $0x4  }
0xa2: {  	v8 =	vld.idx.msk [tilespmem:v7+s11+$0x0], $0xffff;
	_ =	sdelay $0x4  }
0xa3: {  	v50 =	vshll.u32 v8, $0x4  }
0xa4: {  	v8 =	vshrl.u32 v8, $0xA;
	v9 =	vand.u32 $0x3FF0, v50  }
0xa5: {  	v8 =	vor.u32 v8, v9;
	_ =	sdelay $0x3  }
0xa6: {  	s25 =	sadd.s32 $0xFFFFFFA0, s17  }
0xa7: {  	v51 =	vor.u32 s25, v1;
	[tilespmem:v8+s12+$0x0] =	vst.idx.msk $0xffff, v6  }
0xa8: {  	[tilespmem:v8+s13+$0x0] =	vst.idx.msk $0xffff, v51  }
0xa9: {  	[tilespmem:v7+s11+$0x0] =	vst.idx.add.s32.msk $0xffff, v2  }
0xaa: {  	v6 =	vld [tilespmem:s18+$0xFFFFFFE0];
	_ =	sdelay $0x4  }
0xab: {  	v7 =	vshll.u32 v6, $0x4  }
0xac: {  	v7 =	vor.u32 v1, v7  }
0xad: {  	v7 =	vand.u32 $0xFFF, v7;
	_ =	sdelay $0x4  }
0xae: {  	v8 =	vld.idx.msk [tilespmem:v7+s11+$0x0], $0xffff;
	_ =	sdelay $0x4  }
0xaf: {  	v52 =	vshll.u32 v8, $0x4  }
0xb0: {  	v8 =	vshrl.u32 v8, $0xA;
	v9 =	vand.u32 $0x3FF0, v52  }
0xb1: {  	v8 =	vor.u32 v8, v9;
	_ =	sdelay $0x3  }
0xb2: {  	s26 =	sadd.s32 $0xFFFFFFB0, s17  }
0xb3: {  	v53 =	vor.u32 s26, v1;
	[tilespmem:v8+s12+$0x0] =	vst.idx.msk $0xffff, v6  }
0xb4: {  	[tilespmem:v8+s13+$0x0] =	vst.idx.msk $0xffff, v53  }
0xb5: {  	[tilespmem:v7+s11+$0x0] =	vst.idx.add.s32.msk $0xffff, v2  }
0xb6: {  	v6 =	vld [tilespmem:s18+$0xFFFFFFF0];
	_ =	sdelay $0x4  }
0xb7: {  	v7 =	vshll.u32 v6, $0x4  }
0xb8: {  	v7 =	vor.u32 v1, v7  }
0xb9: {  	v7 =	vand.u32 $0xFFF, v7;
	_ =	sdelay $0x4  }
0xba: {  	v8 =	vld.idx.msk [tilespmem:v7+s11+$0x0], $0xffff;
	_ =	sdelay $0x4  }
0xbb: {  	v54 =	vshll.u32 v8, $0x4  }
0xbc: {  	v8 =	vshrl.u32 v8, $0xA;
	v9 =	vand.u32 $0x3FF0, v54  }
0xbd: {  	v8 =	vor.u32 v8, v9;
	_ =	sdelay $0x3  }
0xbe: {  	s28 =	sadd.s32 $0xFFFFFFC0, s17  }
0xbf: {  	v55 =	vor.u32 s28, v1;
	[tilespmem:v8+s12+$0x0] =	vst.idx.msk $0xffff, v6  }
0xc0: {  	[tilespmem:v8+s13+$0x0] =	vst.idx.msk $0xffff, v55  }
0xc1: {  	[tilespmem:v7+s11+$0x0] =	vst.idx.add.s32.msk $0xffff, v2  }
0xc2: {  	v6 =	vld [tilespmem:s18+$0x0];
	_ =	sdelay $0x4  }
0xc3: {  	v7 =	vshll.u32 v6, $0x4  }
0xc4: {  	v7 =	vor.u32 v1, v7  }
0xc5: {  	v7 =	vand.u32 $0xFFF, v7;
	_ =	sdelay $0x4  }
0xc6: {  	v8 =	vld.idx.msk [tilespmem:v7+s11+$0x0], $0xffff;
	_ =	sdelay $0x4  }
0xc7: {  	v56 =	vshll.u32 v8, $0x4  }
0xc8: {  	v8 =	vshrl.u32 v8, $0xA;
	v9 =	vand.u32 $0x3FF0, v56  }
0xc9: {  	v8 =	vor.u32 v8, v9;
	_ =	sdelay $0x3  }
0xca: {  	s29 =	sadd.s32 $0xFFFFFFD0, s17  }
0xcb: {  	v57 =	vor.u32 s29, v1;
	[tilespmem:v8+s12+$0x0] =	vst.idx.msk $0xffff, v6  }
0xcc: {  	[tilespmem:v8+s13+$0x0] =	vst.idx.msk $0xffff, v57  }
0xcd: {  	[tilespmem:v7+s11+$0x0] =	vst.idx.add.s32.msk $0xffff, v2  }
0xce: {  	v6 =	vld [tilespmem:s18+$0x10];
	_ =	sdelay $0x4  }
0xcf: {  	v7 =	vshll.u32 v6, $0x4  }
0xd0: {  	v7 =	vor.u32 v1, v7  }
0xd1: {  	v7 =	vand.u32 $0xFFF, v7;
	_ =	sdelay $0x4  }
0xd2: {  	v8 =	vld.idx.msk [tilespmem:v7+s11+$0x0], $0xffff;
	_ =	sdelay $0x4  }
0xd3: {  	v58 =	vshll.u32 v8, $0x4  }
0xd4: {  	v8 =	vshrl.u32 v8, $0xA;
	v9 =	vand.u32 $0x3FF0, v58  }
0xd5: {  	v8 =	vor.u32 v8, v9;
	_ =	sdelay $0x3  }
0xd6: {  	s30 =	sadd.s32 $0xFFFFFFE0, s17  }
0xd7: {  	v59 =	vor.u32 s30, v1;
	[tilespmem:v8+s12+$0x0] =	vst.idx.msk $0xffff, v6  }
0xd8: {  	[tilespmem:v8+s13+$0x0] =	vst.idx.msk $0xffff, v59  }
0xd9: {  	[tilespmem:v7+s11+$0x0] =	vst.idx.add.s32.msk $0xffff, v2  }
0xda: {  	v6 =	vld [tilespmem:s18+$0x20];
	_ =	sdelay $0x4  }
0xdb: {  	v7 =	vshll.u32 v6, $0x4  }
0xdc: {  	v7 =	vor.u32 v1, v7  }
0xdd: {  	v7 =	vand.u32 $0xFFF, v7;
	_ =	sdelay $0x4  }
0xde: {  	v8 =	vld.idx.msk [tilespmem:v7+s11+$0x0], $0xffff;
	_ =	sdelay $0x4  }
0xdf: {  	v60 =	vshll.u32 v8, $0x4  }
0xe0: {  	v8 =	vshrl.u32 v8, $0xA;
	v9 =	vand.u32 $0x3FF0, v60  }
0xe1: {  	v8 =	vor.u32 v8, v9;
	_ =	sdelay $0x3  }
0xe2: {  	s31 =	sadd.s32 $0xFFFFFFF0, s17  }
0xe3: {  	v61 =	vor.u32 s31, v1;
	[tilespmem:v8+s12+$0x0] =	vst.idx.msk $0xffff, v6  }
0xe4: {  	[tilespmem:v8+s13+$0x0] =	vst.idx.msk $0xffff, v61  }
0xe5: {  	[tilespmem:v7+s11+$0x0] =	vst.idx.add.s32.msk $0xffff, v2  }
0xe6: {  	v6 =	vld [tilespmem:s18+$0x30];
	_ =	sdelay $0x4  }
0xe7: {  	v7 =	vshll.u32 v6, $0x4  }
0xe8: {  	v7 =	vor.u32 v1, v7  }
0xe9: {  	v7 =	vand.u32 $0xFFF, v7;
	_ =	sdelay $0x4  }
0xea: {  	v8 =	vld.idx.msk [tilespmem:v7+s11+$0x0], $0xffff;
	_ =	sdelay $0x4  }
0xeb: {  	v62 =	vshll.u32 v8, $0x4  }
0xec: {  	v8 =	vshrl.u32 v8, $0xA;
	v9 =	vand.u32 $0x3FF0, v62  }
0xed: {  	v8 =	vor.u32 v8, v9;
	_ =	sdelay $0x1  }
0xee: {  	p0 =	sne.s32 s17, $0x3FF0  }
.Ltmp3:
0xef: {  	_ = 	snop;
	(pc) =	sbr.rel @p0 .LBB2_8-.Ltmp3, $4  }
0xf0: {  	_ = 	snop  }
0xf1: {  	v63 =	vor.u32 s17, v1;
	[tilespmem:v8+s12+$0x0] =	vst.idx.msk $0xffff, v6  }
0xf2: {  	[tilespmem:v8+s13+$0x0] =	vst.idx.msk $0xffff, v63  }
0xf3: {  	s17 =	sadd.s32 $0x80, s17;
	s19 =	simm.s32 $0x0;
	s18 =	sadd.s32 $0x80, s18;
	[tilespmem:v7+s11+$0x0] =	vst.idx.add.s32.msk $0xffff, v2  }
0xf4: {  	s18 =	simm.s32 $0x100;
	s17 =	simm.s32 $0x0  }
.LBB2_10:
0xf5: {  	p0 =	sne.s32 s18, $0x3F00;
	[tilespmem:s17+$0x14030] =	vst v0;
	s20 =	smov.u32 s18;
	s18 =	sadd.s32 $0x100, s18  }
.Ltmp4:
0xf6: {  	[tilespmem:s17+$0x14020] =	vst v0;
	(pc) =	sbr.rel @p0 .LBB2_10-.Ltmp4, $3  }
0xf7: {  	[tilespmem:s17+$0x14000] =	vst v0  }
0xf8: {  	[tilespmem:s17+$0x14010] =	vst v0;
	_ =	sdelay $0x1  }
0xf9: {  	s17 =	sshra.s32 s20, $0x2  }
0xfa: {  	[tilespmem:s17+$0x14030] =	vst v0  }
0xfb: {  	[tilespmem:s17+$0x14020] =	vst v0  }
0xfc: {  	[tilespmem:s17+$0x14000] =	vst v0  }
0xfd: {  	[tilespmem:s17+$0x14010] =	vst v0  }
.LBB2_12:
0xfe: {  	s17 =	sshra.s32 s19, $0x2  }
0xff: {  	v6 =	vld [tilespmem:s17+$0x4000];
	_ =	sdelay $0x4  }
0x100: {  	v6 =	vshrl.u32 v6, $0x4  }
0x101: {  	v6 =	vand.u32 $0xFF0, v6  }
0x102: {  	v6 =	vor.u32 v1, v6;
	_ =	sdelay $0x4  }
0x103: {  	[tilespmem:v6+s9+$0x0] =	vst.idx.add.s32.msk $0xffff, v2  }
0x104: {  	v6 =	vld [tilespmem:s17+$0x4010];
	_ =	sdelay $0x4  }
0x105: {  	v6 =	vshrl.u32 v6, $0x4  }
0x106: {  	v6 =	vand.u32 $0xFF0, v6  }
0x107: {  	v6 =	vor.u32 v1, v6;
	_ =	sdelay $0x4  }
0x108: {  	[tilespmem:v6+s9+$0x0] =	vst.idx.add.s32.msk $0xffff, v2  }
0x109: {  	v6 =	vld [tilespmem:s17+$0x4020];
	_ =	sdelay $0x4  }
0x10a: {  	v6 =	vshrl.u32 v6, $0x4  }
0x10b: {  	v6 =	vand.u32 $0xFF0, v6  }
0x10c: {  	v6 =	vor.u32 v1, v6;
	_ =	sdelay $0x4  }
0x10d: {  	[tilespmem:v6+s9+$0x0] =	vst.idx.add.s32.msk $0xffff, v2  }
0x10e: {  	v6 =	vld [tilespmem:s17+$0x4030];
	_ =	sdelay $0x4  }
0x10f: {  	v6 =	vshrl.u32 v6, $0x4  }
0x110: {  	v6 =	vand.u32 $0xFF0, v6  }
0x111: {  	v6 =	vor.u32 v1, v6;
	_ =	sdelay $0x4  }
0x112: {  	[tilespmem:v6+s9+$0x0] =	vst.idx.add.s32.msk $0xffff, v2  }
0x113: {  	v6 =	vld [tilespmem:s17+$0x4040];
	_ =	sdelay $0x4  }
0x114: {  	v6 =	vshrl.u32 v6, $0x4  }
0x115: {  	v6 =	vand.u32 $0xFF0, v6  }
0x116: {  	v6 =	vor.u32 v1, v6;
	_ =	sdelay $0x4  }
0x117: {  	[tilespmem:v6+s9+$0x0] =	vst.idx.add.s32.msk $0xffff, v2  }
0x118: {  	v6 =	vld [tilespmem:s17+$0x4050];
	_ =	sdelay $0x4  }
0x119: {  	v6 =	vshrl.u32 v6, $0x4  }
0x11a: {  	v6 =	vand.u32 $0xFF0, v6  }
0x11b: {  	v6 =	vor.u32 v1, v6;
	_ =	sdelay $0x4  }
0x11c: {  	[tilespmem:v6+s9+$0x0] =	vst.idx.add.s32.msk $0xffff, v2  }
0x11d: {  	v6 =	vld [tilespmem:s17+$0x4060];
	_ =	sdelay $0x4  }
0x11e: {  	v6 =	vshrl.u32 v6, $0x4  }
0x11f: {  	v6 =	vand.u32 $0xFF0, v6  }
0x120: {  	v6 =	vor.u32 v1, v6;
	_ =	sdelay $0x4  }
0x121: {  	[tilespmem:v6+s9+$0x0] =	vst.idx.add.s32.msk $0xffff, v2  }
0x122: {  	v6 =	vld [tilespmem:s17+$0x4070];
	_ =	sdelay $0x4  }
0x123: {  	v6 =	vshrl.u32 v6, $0x4  }
0x124: {  	v6 =	vand.u32 $0xFF0, v6  }
0x125: {  	v6 =	vor.u32 v1, v6;
	_ =	sdelay $0x4  }
0x126: {  	[tilespmem:v6+s9+$0x0] =	vst.idx.add.s32.msk $0xffff, v2  }
0x127: {  	v6 =	vld [tilespmem:s17+$0x4080];
	_ =	sdelay $0x4  }
0x128: {  	v6 =	vshrl.u32 v6, $0x4  }
0x129: {  	v6 =	vand.u32 $0xFF0, v6  }
0x12a: {  	v6 =	vor.u32 v1, v6;
	_ =	sdelay $0x4  }
0x12b: {  	[tilespmem:v6+s9+$0x0] =	vst.idx.add.s32.msk $0xffff, v2  }
0x12c: {  	v6 =	vld [tilespmem:s17+$0x4090];
	_ =	sdelay $0x4  }
0x12d: {  	v6 =	vshrl.u32 v6, $0x4  }
0x12e: {  	v6 =	vand.u32 $0xFF0, v6  }
0x12f: {  	v6 =	vor.u32 v1, v6;
	_ =	sdelay $0x4  }
0x130: {  	[tilespmem:v6+s9+$0x0] =	vst.idx.add.s32.msk $0xffff, v2  }
0x131: {  	v6 =	vld [tilespmem:s17+$0x40A0];
	_ =	sdelay $0x4  }
0x132: {  	v6 =	vshrl.u32 v6, $0x4  }
0x133: {  	v6 =	vand.u32 $0xFF0, v6  }
0x134: {  	v6 =	vor.u32 v1, v6;
	_ =	sdelay $0x4  }
0x135: {  	[tilespmem:v6+s9+$0x0] =	vst.idx.add.s32.msk $0xffff, v2  }
0x136: {  	v6 =	vld [tilespmem:s17+$0x40B0];
	_ =	sdelay $0x4  }
0x137: {  	v6 =	vshrl.u32 v6, $0x4  }
0x138: {  	v6 =	vand.u32 $0xFF0, v6  }
0x139: {  	v6 =	vor.u32 v1, v6;
	_ =	sdelay $0x4  }
0x13a: {  	[tilespmem:v6+s9+$0x0] =	vst.idx.add.s32.msk $0xffff, v2  }
0x13b: {  	v6 =	vld [tilespmem:s17+$0x40C0];
	_ =	sdelay $0x4  }
0x13c: {  	v6 =	vshrl.u32 v6, $0x4  }
0x13d: {  	v6 =	vand.u32 $0xFF0, v6  }
0x13e: {  	v6 =	vor.u32 v1, v6;
	_ =	sdelay $0x4  }
0x13f: {  	[tilespmem:v6+s9+$0x0] =	vst.idx.add.s32.msk $0xffff, v2  }
0x140: {  	v6 =	vld [tilespmem:s17+$0x40D0];
	_ =	sdelay $0x4  }
0x141: {  	v6 =	vshrl.u32 v6, $0x4  }
0x142: {  	v6 =	vand.u32 $0xFF0, v6  }
0x143: {  	v6 =	vor.u32 v1, v6;
	_ =	sdelay $0x4  }
0x144: {  	[tilespmem:v6+s9+$0x0] =	vst.idx.add.s32.msk $0xffff, v2  }
0x145: {  	v6 =	vld [tilespmem:s17+$0x40E0];
	_ =	sdelay $0x4  }
0x146: {  	v6 =	vshrl.u32 v6, $0x4  }
0x147: {  	v6 =	vand.u32 $0xFF0, v6  }
0x148: {  	v6 =	vor.u32 v1, v6;
	_ =	sdelay $0x4  }
0x149: {  	[tilespmem:v6+s9+$0x0] =	vst.idx.add.s32.msk $0xffff, v2  }
0x14a: {  	v6 =	vld [tilespmem:s17+$0x40F0];
	_ =	sdelay $0x4  }
0x14b: {  	v6 =	vshrl.u32 v6, $0x4  }
0x14c: {  	v6 =	vand.u32 $0xFF0, v6  }
0x14d: {  	p0 =	sne.s32 s19, $0xFC00;
	v6 =	vor.u32 v1, v6  }
.Ltmp5:
0x14e: {  	_ = 	snop;
	(pc) =	sbr.rel @p0 .LBB2_12-.Ltmp5, $2  }
0x14f: {  	_ =	sdelay $0x2  }
0x150: {  	s19 =	sadd.s32 $0x400, s19;
	[tilespmem:v6+s9+$0x0] =	vst.idx.add.s32.msk $0xffff, v2  }
0x151: {  	s18 =	simm.s32 $0x0  }
0x152: {  	v6 =	vld [tilespmem:s18+$0x14000];
	_ =	sdelay $0x4  }
0x153: {  	(xrf0) =	vadd.scan.msk.s32 $0xffff, v6;
	_ =	sdelay $0x5  }
0x154: {  	v6, _, _ =	vpop (xrf0)  }
0x155: {  	s17 =	simm.s32 $0x10;
	[tilespmem:$0x16010] =	vst v6  }
0x156: {  	v6 =	vld [tilespmem:s17+$0x14000];
	_ =	sdelay $0x2  }
0x157: {  	v7 =	vld.idx.msk [tilespmem:v3+s10+$0x0], $0xffff;
	_ =	sdelay $0x1  }
0x158: {  	(xrf0) =	vadd.scan.msk.s32 $0xffff, v6;
	_ =	sdelay $0x1  }
0x159: {  	v6 =	vimm.s32 $0x0  }
0x15a: {  	v7 =	vadd.s32 v6, v7  }
0x15b: {  	[tilespmem:s18+$0x15000] =	vst v7  }
0x15c: {  	v7 =	vld.idx.msk [tilespmem:v4+s10+$0x0], $0xffff  }
0x15d: {  	v8, _, _ =	vpop (xrf0)  }
0x15e: {  	s19 =	simm.s32 $0x20;
	[tilespmem:$0x16010] =	vst v8  }
0x15f: {  	s20 =	simm.s32 $0xC0;
	s18 =	simm.s32 $0x0;
	v8 =	vld [tilespmem:s19+$0x14000]  }
.LBB2_14:
0x160: {  	p0 =	sne.s32 s20, $0x3FC0;
	v9 =	vld.idx.msk [tilespmem:v3+s10+$0x0], $0xffff;
	s21 =	smov.u32 s20;
	s20 =	sadd.s32 $0x40, s20  }
0x161: {  	v6 =	vadd.s32 v6, v7;
	_ =	sdelay $0x2  }
0x162: {  	(xrf0) =	vadd.scan.msk.s32 $0xffff, v8;
	_ =	sdelay $0x1  }
0x163: {  	v7 =	vadd.s32 v6, v9  }
0x164: {  	[tilespmem:s17+$0x15000] =	vst v7;
	s17 =	smov.u32 s19  }
.Ltmp6:
0x165: {  	v7 =	vld.idx.msk [tilespmem:v4+s10+$0x0], $0xffff;
	(pc) =	sbr.rel @p0 .LBB2_14-.Ltmp6, $4  }
0x166: {  	_ = 	snop  }
0x167: {  	v8, _, _ =	vpop (xrf0)  }
0x168: {  	s19 =	sshra.s32 s21, $0x2;
	[tilespmem:$0x16010] =	vst v8  }
0x169: {  	v8 =	vld [tilespmem:s19+$0x14000]  }
0x16a: {  	_ =	sdelay $0x3  }
0x16b: {  	v9 =	vld.idx.msk [tilespmem:v3+s10+$0x0], $0xffff;
	(xrf0) =	vadd.scan.msk.s32 $0xffff, v8;
	_ =	sdelay $0x3  }
0x16c: {  	v6 =	vadd.s32 v6, v7  }
0x16d: {  	v7 =	vadd.s32 v6, v9  }
0x16e: {  	[tilespmem:s17+$0x15000] =	vst v7;
	v8, _, _ =	vpop (xrf0)  }
0x16f: {  	v7 =	vld.idx.msk [tilespmem:v4+s10+$0x0], $0xffff;
	[tilespmem:$0x16010] =	vst v8  }
0x170: {  	v8 =	vld.idx.msk [tilespmem:v3+s10+$0x0], $0xffff;
	_ =	sdelay $0x3  }
0x171: {  	v6 =	vadd.s32 v6, v7  }
0x172: {  	v6 =	vadd.s32 v6, v8  }
0x173: {  	[tilespmem:s19+$0x15000] =	vst v6  }
.LBB2_16:
0x174: {  	s19 =	sshra.s32 s18, $0x2  }
0x175: {  	v6 =	vld [tilespmem:s19+$0x4000];
	_ =	sdelay $0x4  }
0x176: {  	v7 =	vshrl.u32 v6, $0x4  }
0x177: {  	v7 =	vand.u32 $0xFF0, v7  }
0x178: {  	v7 =	vor.u32 v1, v7;
	_ =	sdelay $0x4  }
0x179: {  	v8 =	vld.idx.msk [tilespmem:v7+s11+$0x0], $0xffff;
	_ =	sdelay $0x4  }
0x17a: {  	v9 =	vshll.u32 v8, $0x4  }
0x17b: {  	v8 =	vshrl.u32 v8, $0xA;
	v9 =	vand.u32 $0x3FF0, v9  }
0x17c: {  	v8 =	vor.u32 v8, v9  }
0x17d: {  	v49 =	vld [tilespmem:s19+$0xC000];
	_ =	sdelay $0x2  }
0x17e: {  	s17 =	simm.s32 $0x0  }
0x17f: {  	[tilespmem:v8+s17+$0x0] =	vst.idx.msk $0xffff, v6  }
0x180: {  	[tilespmem:v8+s14+$0x0] =	vst.idx.msk $0xffff, v49  }
0x181: {  	[tilespmem:v7+s11+$0x0] =	vst.idx.add.s32.msk $0xffff, v2  }
0x182: {  	v6 =	vld [tilespmem:s19+$0x4010];
	_ =	sdelay $0x4  }
0x183: {  	v7 =	vshrl.u32 v6, $0x4  }
0x184: {  	v7 =	vand.u32 $0xFF0, v7  }
0x185: {  	v7 =	vor.u32 v1, v7;
	_ =	sdelay $0x4  }
0x186: {  	v8 =	vld.idx.msk [tilespmem:v7+s11+$0x0], $0xffff;
	_ =	sdelay $0x4  }
0x187: {  	v50 =	vshll.u32 v8, $0x4  }
0x188: {  	v8 =	vshrl.u32 v8, $0xA;
	v9 =	vand.u32 $0x3FF0, v50  }
0x189: {  	v8 =	vor.u32 v8, v9  }
0x18a: {  	v51 =	vld [tilespmem:s19+$0xC010];
	_ =	sdelay $0x3  }
0x18b: {  	[tilespmem:v8+s17+$0x0] =	vst.idx.msk $0xffff, v6  }
0x18c: {  	[tilespmem:v8+s14+$0x0] =	vst.idx.msk $0xffff, v51  }
0x18d: {  	[tilespmem:v7+s11+$0x0] =	vst.idx.add.s32.msk $0xffff, v2  }
0x18e: {  	v6 =	vld [tilespmem:s19+$0x4020];
	_ =	sdelay $0x4  }
0x18f: {  	v7 =	vshrl.u32 v6, $0x4  }
0x190: {  	v7 =	vand.u32 $0xFF0, v7  }
0x191: {  	v7 =	vor.u32 v1, v7;
	_ =	sdelay $0x4  }
0x192: {  	v8 =	vld.idx.msk [tilespmem:v7+s11+$0x0], $0xffff;
	_ =	sdelay $0x4  }
0x193: {  	v52 =	vshll.u32 v8, $0x4  }
0x194: {  	v8 =	vshrl.u32 v8, $0xA;
	v9 =	vand.u32 $0x3FF0, v52  }
0x195: {  	v8 =	vor.u32 v8, v9  }
0x196: {  	v53 =	vld [tilespmem:s19+$0xC020];
	_ =	sdelay $0x3  }
0x197: {  	[tilespmem:v8+s17+$0x0] =	vst.idx.msk $0xffff, v6  }
0x198: {  	[tilespmem:v8+s14+$0x0] =	vst.idx.msk $0xffff, v53  }
0x199: {  	[tilespmem:v7+s11+$0x0] =	vst.idx.add.s32.msk $0xffff, v2  }
0x19a: {  	v6 =	vld [tilespmem:s19+$0x4030];
	_ =	sdelay $0x4  }
0x19b: {  	v7 =	vshrl.u32 v6, $0x4  }
0x19c: {  	v7 =	vand.u32 $0xFF0, v7  }
0x19d: {  	v7 =	vor.u32 v1, v7;
	_ =	sdelay $0x4  }
0x19e: {  	v8 =	vld.idx.msk [tilespmem:v7+s11+$0x0], $0xffff;
	_ =	sdelay $0x4  }
0x19f: {  	v54 =	vshll.u32 v8, $0x4  }
0x1a0: {  	v8 =	vshrl.u32 v8, $0xA;
	v9 =	vand.u32 $0x3FF0, v54  }
0x1a1: {  	v8 =	vor.u32 v8, v9  }
0x1a2: {  	v55 =	vld [tilespmem:s19+$0xC030];
	_ =	sdelay $0x3  }
0x1a3: {  	[tilespmem:v8+s17+$0x0] =	vst.idx.msk $0xffff, v6  }
0x1a4: {  	[tilespmem:v8+s14+$0x0] =	vst.idx.msk $0xffff, v55  }
0x1a5: {  	[tilespmem:v7+s11+$0x0] =	vst.idx.add.s32.msk $0xffff, v2  }
0x1a6: {  	v6 =	vld [tilespmem:s19+$0x4040];
	_ =	sdelay $0x4  }
0x1a7: {  	v7 =	vshrl.u32 v6, $0x4  }
0x1a8: {  	v7 =	vand.u32 $0xFF0, v7  }
0x1a9: {  	v7 =	vor.u32 v1, v7;
	_ =	sdelay $0x4  }
0x1aa: {  	v8 =	vld.idx.msk [tilespmem:v7+s11+$0x0], $0xffff;
	_ =	sdelay $0x4  }
0x1ab: {  	v56 =	vshll.u32 v8, $0x4  }
0x1ac: {  	v8 =	vshrl.u32 v8, $0xA;
	v9 =	vand.u32 $0x3FF0, v56  }
0x1ad: {  	v8 =	vor.u32 v8, v9  }
0x1ae: {  	v57 =	vld [tilespmem:s19+$0xC040];
	_ =	sdelay $0x3  }
0x1af: {  	[tilespmem:v8+s17+$0x0] =	vst.idx.msk $0xffff, v6  }
0x1b0: {  	[tilespmem:v8+s14+$0x0] =	vst.idx.msk $0xffff, v57  }
0x1b1: {  	[tilespmem:v7+s11+$0x0] =	vst.idx.add.s32.msk $0xffff, v2  }
0x1b2: {  	v6 =	vld [tilespmem:s19+$0x4050];
	_ =	sdelay $0x4  }
0x1b3: {  	v7 =	vshrl.u32 v6, $0x4  }
0x1b4: {  	v7 =	vand.u32 $0xFF0, v7  }
0x1b5: {  	v7 =	vor.u32 v1, v7;
	_ =	sdelay $0x4  }
0x1b6: {  	v8 =	vld.idx.msk [tilespmem:v7+s11+$0x0], $0xffff;
	_ =	sdelay $0x4  }
0x1b7: {  	v58 =	vshll.u32 v8, $0x4  }
0x1b8: {  	v8 =	vshrl.u32 v8, $0xA;
	v9 =	vand.u32 $0x3FF0, v58  }
0x1b9: {  	v8 =	vor.u32 v8, v9  }
0x1ba: {  	v59 =	vld [tilespmem:s19+$0xC050];
	_ =	sdelay $0x3  }
0x1bb: {  	[tilespmem:v8+s17+$0x0] =	vst.idx.msk $0xffff, v6  }
0x1bc: {  	[tilespmem:v8+s14+$0x0] =	vst.idx.msk $0xffff, v59  }
0x1bd: {  	[tilespmem:v7+s11+$0x0] =	vst.idx.add.s32.msk $0xffff, v2  }
0x1be: {  	v6 =	vld [tilespmem:s19+$0x4060];
	_ =	sdelay $0x4  }
0x1bf: {  	v7 =	vshrl.u32 v6, $0x4  }
0x1c0: {  	v7 =	vand.u32 $0xFF0, v7  }
0x1c1: {  	v7 =	vor.u32 v1, v7;
	_ =	sdelay $0x4  }
0x1c2: {  	v8 =	vld.idx.msk [tilespmem:v7+s11+$0x0], $0xffff;
	_ =	sdelay $0x4  }
0x1c3: {  	v60 =	vshll.u32 v8, $0x4  }
0x1c4: {  	v8 =	vshrl.u32 v8, $0xA;
	v9 =	vand.u32 $0x3FF0, v60  }
0x1c5: {  	v8 =	vor.u32 v8, v9  }
0x1c6: {  	v61 =	vld [tilespmem:s19+$0xC060];
	_ =	sdelay $0x3  }
0x1c7: {  	[tilespmem:v8+s17+$0x0] =	vst.idx.msk $0xffff, v6  }
0x1c8: {  	[tilespmem:v8+s14+$0x0] =	vst.idx.msk $0xffff, v61  }
0x1c9: {  	[tilespmem:v7+s11+$0x0] =	vst.idx.add.s32.msk $0xffff, v2  }
0x1ca: {  	v6 =	vld [tilespmem:s19+$0x4070];
	_ =	sdelay $0x4  }
0x1cb: {  	v7 =	vshrl.u32 v6, $0x4  }
0x1cc: {  	v7 =	vand.u32 $0xFF0, v7  }
0x1cd: {  	v7 =	vor.u32 v1, v7;
	_ =	sdelay $0x4  }
0x1ce: {  	v8 =	vld.idx.msk [tilespmem:v7+s11+$0x0], $0xffff;
	_ =	sdelay $0x4  }
0x1cf: {  	v62 =	vshll.u32 v8, $0x4  }
0x1d0: {  	v8 =	vshrl.u32 v8, $0xA;
	v9 =	vand.u32 $0x3FF0, v62  }
0x1d1: {  	v8 =	vor.u32 v8, v9  }
0x1d2: {  	v63 =	vld [tilespmem:s19+$0xC070]  }
0x1d3: {  	p0 =	sne.s32 s18, $0xFE00  }
.Ltmp7:
0x1d4: {  	_ = 	snop;
	(pc) =	sbr.rel @p0 .LBB2_16-.Ltmp7, $4  }
0x1d5: {  	_ = 	snop  }
0x1d6: {  	[tilespmem:v8+s17+$0x0] =	vst.idx.msk $0xffff, v6  }
0x1d7: {  	[tilespmem:v8+s14+$0x0] =	vst.idx.msk $0xffff, v63  }
0x1d8: {  	s18 =	sadd.s32 $0x200, s18;
	[tilespmem:v7+s11+$0x0] =	vst.idx.add.s32.msk $0xffff, v2  }
0x1d9: {  	s19 =	simm.s32 $0x100;
	s18 =	simm.s32 $0x0  }
.LBB2_18:
0x1da: {  	p0 =	sne.s32 s19, $0x3F00;
	[tilespmem:s18+$0x14030] =	vst v0;
	s20 =	smov.u32 s19;
	s19 =	sadd.s32 $0x100, s19  }
.Ltmp8:
0x1db: {  	[tilespmem:s18+$0x14020] =	vst v0;
	(pc) =	sbr.rel @p0 .LBB2_18-.Ltmp8, $3  }
0x1dc: {  	[tilespmem:s18+$0x14000] =	vst v0  }
0x1dd: {  	[tilespmem:s18+$0x14010] =	vst v0;
	_ =	sdelay $0x1  }
0x1de: {  	s18 =	sshra.s32 s20, $0x2  }
0x1df: {  	[tilespmem:s18+$0x14030] =	vst v0  }
0x1e0: {  	[tilespmem:s18+$0x14020] =	vst v0  }
0x1e1: {  	[tilespmem:s18+$0x14000] =	vst v0  }
0x1e2: {  	[tilespmem:s18+$0x14010] =	vst v0  }
.LBB2_20:
0x1e3: {  	s18 =	sshra.s32 s17, $0x2  }
0x1e4: {  	v6 =	vld [tilespmem:s18+$0x0];
	_ =	sdelay $0x4  }
0x1e5: {  	v6 =	vshrl.u32 v6, $0xC  }
0x1e6: {  	v6 =	vand.u32 $0xFF0, v6  }
0x1e7: {  	v6 =	vor.u32 v1, v6;
	_ =	sdelay $0x4  }
0x1e8: {  	[tilespmem:v6+s9+$0x0] =	vst.idx.add.s32.msk $0xffff, v2  }
0x1e9: {  	v6 =	vld [tilespmem:s18+$0x10];
	_ =	sdelay $0x4  }
0x1ea: {  	v6 =	vshrl.u32 v6, $0xC  }
0x1eb: {  	v6 =	vand.u32 $0xFF0, v6  }
0x1ec: {  	v6 =	vor.u32 v1, v6;
	_ =	sdelay $0x4  }
0x1ed: {  	[tilespmem:v6+s9+$0x0] =	vst.idx.add.s32.msk $0xffff, v2  }
0x1ee: {  	v6 =	vld [tilespmem:s18+$0x20];
	_ =	sdelay $0x4  }
0x1ef: {  	v6 =	vshrl.u32 v6, $0xC  }
0x1f0: {  	v6 =	vand.u32 $0xFF0, v6  }
0x1f1: {  	v6 =	vor.u32 v1, v6;
	_ =	sdelay $0x4  }
0x1f2: {  	[tilespmem:v6+s9+$0x0] =	vst.idx.add.s32.msk $0xffff, v2  }
0x1f3: {  	v6 =	vld [tilespmem:s18+$0x30];
	_ =	sdelay $0x4  }
0x1f4: {  	v6 =	vshrl.u32 v6, $0xC  }
0x1f5: {  	v6 =	vand.u32 $0xFF0, v6  }
0x1f6: {  	v6 =	vor.u32 v1, v6;
	_ =	sdelay $0x4  }
0x1f7: {  	[tilespmem:v6+s9+$0x0] =	vst.idx.add.s32.msk $0xffff, v2  }
0x1f8: {  	v6 =	vld [tilespmem:s18+$0x40];
	_ =	sdelay $0x4  }
0x1f9: {  	v6 =	vshrl.u32 v6, $0xC  }
0x1fa: {  	v6 =	vand.u32 $0xFF0, v6  }
0x1fb: {  	v6 =	vor.u32 v1, v6;
	_ =	sdelay $0x4  }
0x1fc: {  	[tilespmem:v6+s9+$0x0] =	vst.idx.add.s32.msk $0xffff, v2  }
0x1fd: {  	v6 =	vld [tilespmem:s18+$0x50];
	_ =	sdelay $0x4  }
0x1fe: {  	v6 =	vshrl.u32 v6, $0xC  }
0x1ff: {  	v6 =	vand.u32 $0xFF0, v6  }
0x200: {  	v6 =	vor.u32 v1, v6;
	_ =	sdelay $0x4  }
0x201: {  	[tilespmem:v6+s9+$0x0] =	vst.idx.add.s32.msk $0xffff, v2  }
0x202: {  	v6 =	vld [tilespmem:s18+$0x60];
	_ =	sdelay $0x4  }
0x203: {  	v6 =	vshrl.u32 v6, $0xC  }
0x204: {  	v6 =	vand.u32 $0xFF0, v6  }
0x205: {  	v6 =	vor.u32 v1, v6;
	_ =	sdelay $0x4  }
0x206: {  	[tilespmem:v6+s9+$0x0] =	vst.idx.add.s32.msk $0xffff, v2  }
0x207: {  	v6 =	vld [tilespmem:s18+$0x70];
	_ =	sdelay $0x4  }
0x208: {  	v6 =	vshrl.u32 v6, $0xC  }
0x209: {  	v6 =	vand.u32 $0xFF0, v6  }
0x20a: {  	v6 =	vor.u32 v1, v6;
	_ =	sdelay $0x4  }
0x20b: {  	[tilespmem:v6+s9+$0x0] =	vst.idx.add.s32.msk $0xffff, v2  }
0x20c: {  	v6 =	vld [tilespmem:s18+$0x80];
	_ =	sdelay $0x4  }
0x20d: {  	v6 =	vshrl.u32 v6, $0xC  }
0x20e: {  	v6 =	vand.u32 $0xFF0, v6  }
0x20f: {  	v6 =	vor.u32 v1, v6;
	_ =	sdelay $0x4  }
0x210: {  	[tilespmem:v6+s9+$0x0] =	vst.idx.add.s32.msk $0xffff, v2  }
0x211: {  	v6 =	vld [tilespmem:s18+$0x90];
	_ =	sdelay $0x4  }
0x212: {  	v6 =	vshrl.u32 v6, $0xC  }
0x213: {  	v6 =	vand.u32 $0xFF0, v6  }
0x214: {  	v6 =	vor.u32 v1, v6;
	_ =	sdelay $0x4  }
0x215: {  	[tilespmem:v6+s9+$0x0] =	vst.idx.add.s32.msk $0xffff, v2  }
0x216: {  	v6 =	vld [tilespmem:s18+$0xA0];
	_ =	sdelay $0x4  }
0x217: {  	v6 =	vshrl.u32 v6, $0xC  }
0x218: {  	v6 =	vand.u32 $0xFF0, v6  }
0x219: {  	v6 =	vor.u32 v1, v6;
	_ =	sdelay $0x4  }
0x21a: {  	[tilespmem:v6+s9+$0x0] =	vst.idx.add.s32.msk $0xffff, v2  }
0x21b: {  	v6 =	vld [tilespmem:s18+$0xB0];
	_ =	sdelay $0x4  }
0x21c: {  	v6 =	vshrl.u32 v6, $0xC  }
0x21d: {  	v6 =	vand.u32 $0xFF0, v6  }
0x21e: {  	v6 =	vor.u32 v1, v6;
	_ =	sdelay $0x4  }
0x21f: {  	[tilespmem:v6+s9+$0x0] =	vst.idx.add.s32.msk $0xffff, v2  }
0x220: {  	v6 =	vld [tilespmem:s18+$0xC0];
	_ =	sdelay $0x4  }
0x221: {  	v6 =	vshrl.u32 v6, $0xC  }
0x222: {  	v6 =	vand.u32 $0xFF0, v6  }
0x223: {  	v6 =	vor.u32 v1, v6;
	_ =	sdelay $0x4  }
0x224: {  	[tilespmem:v6+s9+$0x0] =	vst.idx.add.s32.msk $0xffff, v2  }
0x225: {  	v6 =	vld [tilespmem:s18+$0xD0];
	_ =	sdelay $0x4  }
0x226: {  	v6 =	vshrl.u32 v6, $0xC  }
0x227: {  	v6 =	vand.u32 $0xFF0, v6  }
0x228: {  	v6 =	vor.u32 v1, v6;
	_ =	sdelay $0x4  }
0x229: {  	[tilespmem:v6+s9+$0x0] =	vst.idx.add.s32.msk $0xffff, v2  }
0x22a: {  	v6 =	vld [tilespmem:s18+$0xE0];
	_ =	sdelay $0x4  }
0x22b: {  	v6 =	vshrl.u32 v6, $0xC  }
0x22c: {  	v6 =	vand.u32 $0xFF0, v6  }
0x22d: {  	v6 =	vor.u32 v1, v6;
	_ =	sdelay $0x4  }
0x22e: {  	[tilespmem:v6+s9+$0x0] =	vst.idx.add.s32.msk $0xffff, v2  }
0x22f: {  	v6 =	vld [tilespmem:s18+$0xF0];
	_ =	sdelay $0x4  }
0x230: {  	v6 =	vshrl.u32 v6, $0xC  }
0x231: {  	v6 =	vand.u32 $0xFF0, v6  }
0x232: {  	p0 =	sne.s32 s17, $0xFC00;
	v6 =	vor.u32 v1, v6  }
.Ltmp9:
0x233: {  	_ = 	snop;
	(pc) =	sbr.rel @p0 .LBB2_20-.Ltmp9, $2  }
0x234: {  	_ =	sdelay $0x2  }
0x235: {  	s17 =	sadd.s32 $0x400, s17;
	[tilespmem:v6+s9+$0x0] =	vst.idx.add.s32.msk $0xffff, v2  }
0x236: {  	s17 =	simm.s32 $0x0  }
0x237: {  	v6 =	vld [tilespmem:s17+$0x14000];
	_ =	sdelay $0x4  }
0x238: {  	(xrf0) =	vadd.scan.msk.s32 $0xffff, v6;
	_ =	sdelay $0x5  }
0x239: {  	v6, _, _ =	vpop (xrf0)  }
0x23a: {  	s18 =	simm.s32 $0x10;
	[tilespmem:$0x16010] =	vst v6  }
0x23b: {  	v6 =	vld [tilespmem:s18+$0x14000];
	_ =	sdelay $0x2  }
0x23c: {  	v7 =	vld.idx.msk [tilespmem:v3+s10+$0x0], $0xffff;
	_ =	sdelay $0x1  }
0x23d: {  	(xrf0) =	vadd.scan.msk.s32 $0xffff, v6;
	_ =	sdelay $0x1  }
0x23e: {  	v6 =	vimm.s32 $0x0  }
0x23f: {  	v7 =	vadd.s32 v6, v7  }
0x240: {  	[tilespmem:s17+$0x15000] =	vst v7  }
0x241: {  	v7 =	vld.idx.msk [tilespmem:v4+s10+$0x0], $0xffff  }
0x242: {  	v8, _, _ =	vpop (xrf0)  }
0x243: {  	s19 =	simm.s32 $0x20;
	[tilespmem:$0x16010] =	vst v8  }
0x244: {  	s20 =	simm.s32 $0xC0;
	s17 =	simm.s32 $0x0;
	v8 =	vld [tilespmem:s19+$0x14000]  }
.LBB2_22:
0x245: {  	p0 =	sne.s32 s20, $0x3FC0;
	v9 =	vld.idx.msk [tilespmem:v3+s10+$0x0], $0xffff;
	s21 =	smov.u32 s20;
	s20 =	sadd.s32 $0x40, s20  }
0x246: {  	v6 =	vadd.s32 v6, v7;
	_ =	sdelay $0x2  }
0x247: {  	(xrf0) =	vadd.scan.msk.s32 $0xffff, v8;
	_ =	sdelay $0x1  }
0x248: {  	v7 =	vadd.s32 v6, v9  }
0x249: {  	[tilespmem:s18+$0x15000] =	vst v7;
	s18 =	smov.u32 s19  }
.Ltmp10:
0x24a: {  	v7 =	vld.idx.msk [tilespmem:v4+s10+$0x0], $0xffff;
	(pc) =	sbr.rel @p0 .LBB2_22-.Ltmp10, $4  }
0x24b: {  	_ = 	snop  }
0x24c: {  	v8, _, _ =	vpop (xrf0)  }
0x24d: {  	s19 =	sshra.s32 s21, $0x2;
	[tilespmem:$0x16010] =	vst v8  }
0x24e: {  	v8 =	vld [tilespmem:s19+$0x14000]  }
0x24f: {  	_ =	sdelay $0x3  }
0x250: {  	v9 =	vld.idx.msk [tilespmem:v3+s10+$0x0], $0xffff;
	(xrf0) =	vadd.scan.msk.s32 $0xffff, v8;
	_ =	sdelay $0x3  }
0x251: {  	v6 =	vadd.s32 v6, v7  }
0x252: {  	v7 =	vadd.s32 v6, v9  }
0x253: {  	[tilespmem:s18+$0x15000] =	vst v7;
	v8, _, _ =	vpop (xrf0)  }
0x254: {  	v7 =	vld.idx.msk [tilespmem:v4+s10+$0x0], $0xffff;
	[tilespmem:$0x16010] =	vst v8  }
0x255: {  	v8 =	vld.idx.msk [tilespmem:v3+s10+$0x0], $0xffff;
	_ =	sdelay $0x3  }
0x256: {  	v6 =	vadd.s32 v6, v7  }
0x257: {  	v6 =	vadd.s32 v6, v8  }
0x258: {  	[tilespmem:s19+$0x15000] =	vst v6  }
.LBB2_24:
0x259: {  	s18 =	sshra.s32 s17, $0x2  }
0x25a: {  	v6 =	vld [tilespmem:s18+$0x0];
	_ =	sdelay $0x4  }
0x25b: {  	v7 =	vshrl.u32 v6, $0xC  }
0x25c: {  	v7 =	vand.u32 $0xFF0, v7  }
0x25d: {  	v7 =	vor.u32 v1, v7;
	_ =	sdelay $0x4  }
0x25e: {  	v8 =	vld.idx.msk [tilespmem:v7+s11+$0x0], $0xffff;
	_ =	sdelay $0x4  }
0x25f: {  	v9 =	vshll.u32 v8, $0x4  }
0x260: {  	v8 =	vshrl.u32 v8, $0xA;
	v9 =	vand.u32 $0x3FF0, v9  }
0x261: {  	v8 =	vor.u32 v8, v9  }
0x262: {  	v49 =	vld [tilespmem:s18+$0x8000];
	_ =	sdelay $0x3  }
0x263: {  	[tilespmem:v8+s12+$0x0] =	vst.idx.msk $0xffff, v6  }
0x264: {  	[tilespmem:v8+s13+$0x0] =	vst.idx.msk $0xffff, v49  }
0x265: {  	[tilespmem:v7+s11+$0x0] =	vst.idx.add.s32.msk $0xffff, v2  }
0x266: {  	v6 =	vld [tilespmem:s18+$0x10];
	_ =	sdelay $0x4  }
0x267: {  	v7 =	vshrl.u32 v6, $0xC  }
0x268: {  	v7 =	vand.u32 $0xFF0, v7  }
0x269: {  	v7 =	vor.u32 v1, v7;
	_ =	sdelay $0x4  }
0x26a: {  	v8 =	vld.idx.msk [tilespmem:v7+s11+$0x0], $0xffff;
	_ =	sdelay $0x4  }
0x26b: {  	v50 =	vshll.u32 v8, $0x4  }
0x26c: {  	v8 =	vshrl.u32 v8, $0xA;
	v9 =	vand.u32 $0x3FF0, v50  }
0x26d: {  	v8 =	vor.u32 v8, v9  }
0x26e: {  	v51 =	vld [tilespmem:s18+$0x8010];
	_ =	sdelay $0x3  }
0x26f: {  	[tilespmem:v8+s12+$0x0] =	vst.idx.msk $0xffff, v6  }
0x270: {  	[tilespmem:v8+s13+$0x0] =	vst.idx.msk $0xffff, v51  }
0x271: {  	[tilespmem:v7+s11+$0x0] =	vst.idx.add.s32.msk $0xffff, v2  }
0x272: {  	v6 =	vld [tilespmem:s18+$0x20];
	_ =	sdelay $0x4  }
0x273: {  	v7 =	vshrl.u32 v6, $0xC  }
0x274: {  	v7 =	vand.u32 $0xFF0, v7  }
0x275: {  	v7 =	vor.u32 v1, v7;
	_ =	sdelay $0x4  }
0x276: {  	v8 =	vld.idx.msk [tilespmem:v7+s11+$0x0], $0xffff;
	_ =	sdelay $0x4  }
0x277: {  	v52 =	vshll.u32 v8, $0x4  }
0x278: {  	v8 =	vshrl.u32 v8, $0xA;
	v9 =	vand.u32 $0x3FF0, v52  }
0x279: {  	v8 =	vor.u32 v8, v9  }
0x27a: {  	v53 =	vld [tilespmem:s18+$0x8020];
	_ =	sdelay $0x3  }
0x27b: {  	[tilespmem:v8+s12+$0x0] =	vst.idx.msk $0xffff, v6  }
0x27c: {  	[tilespmem:v8+s13+$0x0] =	vst.idx.msk $0xffff, v53  }
0x27d: {  	[tilespmem:v7+s11+$0x0] =	vst.idx.add.s32.msk $0xffff, v2  }
0x27e: {  	v6 =	vld [tilespmem:s18+$0x30];
	_ =	sdelay $0x4  }
0x27f: {  	v7 =	vshrl.u32 v6, $0xC  }
0x280: {  	v7 =	vand.u32 $0xFF0, v7  }
0x281: {  	v7 =	vor.u32 v1, v7;
	_ =	sdelay $0x4  }
0x282: {  	v8 =	vld.idx.msk [tilespmem:v7+s11+$0x0], $0xffff;
	_ =	sdelay $0x4  }
0x283: {  	v54 =	vshll.u32 v8, $0x4  }
0x284: {  	v8 =	vshrl.u32 v8, $0xA;
	v9 =	vand.u32 $0x3FF0, v54  }
0x285: {  	v8 =	vor.u32 v8, v9  }
0x286: {  	v55 =	vld [tilespmem:s18+$0x8030];
	_ =	sdelay $0x3  }
0x287: {  	[tilespmem:v8+s12+$0x0] =	vst.idx.msk $0xffff, v6  }
0x288: {  	[tilespmem:v8+s13+$0x0] =	vst.idx.msk $0xffff, v55  }
0x289: {  	[tilespmem:v7+s11+$0x0] =	vst.idx.add.s32.msk $0xffff, v2  }
0x28a: {  	v6 =	vld [tilespmem:s18+$0x40];
	_ =	sdelay $0x4  }
0x28b: {  	v7 =	vshrl.u32 v6, $0xC  }
0x28c: {  	v7 =	vand.u32 $0xFF0, v7  }
0x28d: {  	v7 =	vor.u32 v1, v7;
	_ =	sdelay $0x4  }
0x28e: {  	v8 =	vld.idx.msk [tilespmem:v7+s11+$0x0], $0xffff;
	_ =	sdelay $0x4  }
0x28f: {  	v56 =	vshll.u32 v8, $0x4  }
0x290: {  	v8 =	vshrl.u32 v8, $0xA;
	v9 =	vand.u32 $0x3FF0, v56  }
0x291: {  	v8 =	vor.u32 v8, v9  }
0x292: {  	v57 =	vld [tilespmem:s18+$0x8040];
	_ =	sdelay $0x3  }
0x293: {  	[tilespmem:v8+s12+$0x0] =	vst.idx.msk $0xffff, v6  }
0x294: {  	[tilespmem:v8+s13+$0x0] =	vst.idx.msk $0xffff, v57  }
0x295: {  	[tilespmem:v7+s11+$0x0] =	vst.idx.add.s32.msk $0xffff, v2  }
0x296: {  	v6 =	vld [tilespmem:s18+$0x50];
	_ =	sdelay $0x4  }
0x297: {  	v7 =	vshrl.u32 v6, $0xC  }
0x298: {  	v7 =	vand.u32 $0xFF0, v7  }
0x299: {  	v7 =	vor.u32 v1, v7;
	_ =	sdelay $0x4  }
0x29a: {  	v8 =	vld.idx.msk [tilespmem:v7+s11+$0x0], $0xffff;
	_ =	sdelay $0x4  }
0x29b: {  	v58 =	vshll.u32 v8, $0x4  }
0x29c: {  	v8 =	vshrl.u32 v8, $0xA;
	v9 =	vand.u32 $0x3FF0, v58  }
0x29d: {  	v8 =	vor.u32 v8, v9  }
0x29e: {  	v59 =	vld [tilespmem:s18+$0x8050];
	_ =	sdelay $0x3  }
0x29f: {  	[tilespmem:v8+s12+$0x0] =	vst.idx.msk $0xffff, v6  }
0x2a0: {  	[tilespmem:v8+s13+$0x0] =	vst.idx.msk $0xffff, v59  }
0x2a1: {  	[tilespmem:v7+s11+$0x0] =	vst.idx.add.s32.msk $0xffff, v2  }
0x2a2: {  	v6 =	vld [tilespmem:s18+$0x60];
	_ =	sdelay $0x4  }
0x2a3: {  	v7 =	vshrl.u32 v6, $0xC  }
0x2a4: {  	v7 =	vand.u32 $0xFF0, v7  }
0x2a5: {  	v7 =	vor.u32 v1, v7;
	_ =	sdelay $0x4  }
0x2a6: {  	v8 =	vld.idx.msk [tilespmem:v7+s11+$0x0], $0xffff;
	_ =	sdelay $0x4  }
0x2a7: {  	v60 =	vshll.u32 v8, $0x4  }
0x2a8: {  	v8 =	vshrl.u32 v8, $0xA;
	v9 =	vand.u32 $0x3FF0, v60  }
0x2a9: {  	v8 =	vor.u32 v8, v9  }
0x2aa: {  	v61 =	vld [tilespmem:s18+$0x8060];
	_ =	sdelay $0x3  }
0x2ab: {  	[tilespmem:v8+s12+$0x0] =	vst.idx.msk $0xffff, v6  }
0x2ac: {  	[tilespmem:v8+s13+$0x0] =	vst.idx.msk $0xffff, v61  }
0x2ad: {  	[tilespmem:v7+s11+$0x0] =	vst.idx.add.s32.msk $0xffff, v2  }
0x2ae: {  	v6 =	vld [tilespmem:s18+$0x70];
	_ =	sdelay $0x4  }
0x2af: {  	v7 =	vshrl.u32 v6, $0xC  }
0x2b0: {  	v7 =	vand.u32 $0xFF0, v7  }
0x2b1: {  	v7 =	vor.u32 v1, v7;
	_ =	sdelay $0x4  }
0x2b2: {  	v8 =	vld.idx.msk [tilespmem:v7+s11+$0x0], $0xffff;
	_ =	sdelay $0x4  }
0x2b3: {  	v62 =	vshll.u32 v8, $0x4  }
0x2b4: {  	v8 =	vshrl.u32 v8, $0xA;
	v9 =	vand.u32 $0x3FF0, v62  }
0x2b5: {  	v8 =	vor.u32 v8, v9  }
0x2b6: {  	v63 =	vld [tilespmem:s18+$0x8070]  }
0x2b7: {  	p0 =	sne.s32 s17, $0xFE00  }
.Ltmp11:
0x2b8: {  	_ = 	snop;
	(pc) =	sbr.rel @p0 .LBB2_24-.Ltmp11, $4  }
0x2b9: {  	_ = 	snop  }
0x2ba: {  	[tilespmem:v8+s12+$0x0] =	vst.idx.msk $0xffff, v6  }
0x2bb: {  	[tilespmem:v8+s13+$0x0] =	vst.idx.msk $0xffff, v63  }
0x2bc: {  	s17 =	sadd.s32 $0x200, s17;
	s18 =	simm.s32 $0x0;
	[tilespmem:v7+s11+$0x0] =	vst.idx.add.s32.msk $0xffff, v2  }
0x2bd: {  	s19 =	simm.s32 $0x100;
	s17 =	simm.s32 $0x0  }
.LBB2_26:
0x2be: {  	p0 =	sne.s32 s19, $0x3F00;
	[tilespmem:s17+$0x14030] =	vst v0;
	s20 =	smov.u32 s19;
	s19 =	sadd.s32 $0x100, s19  }
.Ltmp12:
0x2bf: {  	[tilespmem:s17+$0x14020] =	vst v0;
	(pc) =	sbr.rel @p0 .LBB2_26-.Ltmp12, $3  }
0x2c0: {  	[tilespmem:s17+$0x14000] =	vst v0  }
0x2c1: {  	[tilespmem:s17+$0x14010] =	vst v0;
	_ =	sdelay $0x1  }
0x2c2: {  	s17 =	sshra.s32 s20, $0x2  }
0x2c3: {  	[tilespmem:s17+$0x14030] =	vst v0  }
0x2c4: {  	[tilespmem:s17+$0x14020] =	vst v0  }
0x2c5: {  	[tilespmem:s17+$0x14000] =	vst v0  }
0x2c6: {  	[tilespmem:s17+$0x14010] =	vst v0  }
.LBB2_28:
0x2c7: {  	s17 =	sshra.s32 s18, $0x2  }
0x2c8: {  	v6 =	vld [tilespmem:s17+$0x4000];
	_ =	sdelay $0x4  }
0x2c9: {  	v6 =	vshrl.u32 v6, $0x14  }
0x2ca: {  	v6 =	vand.u32 $0xFF0, v6  }
0x2cb: {  	v6 =	vor.u32 v1, v6;
	_ =	sdelay $0x4  }
0x2cc: {  	[tilespmem:v6+s9+$0x0] =	vst.idx.add.s32.msk $0xffff, v2  }
0x2cd: {  	v6 =	vld [tilespmem:s17+$0x4010];
	_ =	sdelay $0x4  }
0x2ce: {  	v6 =	vshrl.u32 v6, $0x14  }
0x2cf: {  	v6 =	vand.u32 $0xFF0, v6  }
0x2d0: {  	v6 =	vor.u32 v1, v6;
	_ =	sdelay $0x4  }
0x2d1: {  	[tilespmem:v6+s9+$0x0] =	vst.idx.add.s32.msk $0xffff, v2  }
0x2d2: {  	v6 =	vld [tilespmem:s17+$0x4020];
	_ =	sdelay $0x4  }
0x2d3: {  	v6 =	vshrl.u32 v6, $0x14  }
0x2d4: {  	v6 =	vand.u32 $0xFF0, v6  }
0x2d5: {  	v6 =	vor.u32 v1, v6;
	_ =	sdelay $0x4  }
0x2d6: {  	[tilespmem:v6+s9+$0x0] =	vst.idx.add.s32.msk $0xffff, v2  }
0x2d7: {  	v6 =	vld [tilespmem:s17+$0x4030];
	_ =	sdelay $0x4  }
0x2d8: {  	v6 =	vshrl.u32 v6, $0x14  }
0x2d9: {  	v6 =	vand.u32 $0xFF0, v6  }
0x2da: {  	v6 =	vor.u32 v1, v6;
	_ =	sdelay $0x4  }
0x2db: {  	[tilespmem:v6+s9+$0x0] =	vst.idx.add.s32.msk $0xffff, v2  }
0x2dc: {  	v6 =	vld [tilespmem:s17+$0x4040];
	_ =	sdelay $0x4  }
0x2dd: {  	v6 =	vshrl.u32 v6, $0x14  }
0x2de: {  	v6 =	vand.u32 $0xFF0, v6  }
0x2df: {  	v6 =	vor.u32 v1, v6;
	_ =	sdelay $0x4  }
0x2e0: {  	[tilespmem:v6+s9+$0x0] =	vst.idx.add.s32.msk $0xffff, v2  }
0x2e1: {  	v6 =	vld [tilespmem:s17+$0x4050];
	_ =	sdelay $0x4  }
0x2e2: {  	v6 =	vshrl.u32 v6, $0x14  }
0x2e3: {  	v6 =	vand.u32 $0xFF0, v6  }
0x2e4: {  	v6 =	vor.u32 v1, v6;
	_ =	sdelay $0x4  }
0x2e5: {  	[tilespmem:v6+s9+$0x0] =	vst.idx.add.s32.msk $0xffff, v2  }
0x2e6: {  	v6 =	vld [tilespmem:s17+$0x4060];
	_ =	sdelay $0x4  }
0x2e7: {  	v6 =	vshrl.u32 v6, $0x14  }
0x2e8: {  	v6 =	vand.u32 $0xFF0, v6  }
0x2e9: {  	v6 =	vor.u32 v1, v6;
	_ =	sdelay $0x4  }
0x2ea: {  	[tilespmem:v6+s9+$0x0] =	vst.idx.add.s32.msk $0xffff, v2  }
0x2eb: {  	v6 =	vld [tilespmem:s17+$0x4070];
	_ =	sdelay $0x4  }
0x2ec: {  	v6 =	vshrl.u32 v6, $0x14  }
0x2ed: {  	v6 =	vand.u32 $0xFF0, v6  }
0x2ee: {  	v6 =	vor.u32 v1, v6;
	_ =	sdelay $0x4  }
0x2ef: {  	[tilespmem:v6+s9+$0x0] =	vst.idx.add.s32.msk $0xffff, v2  }
0x2f0: {  	v6 =	vld [tilespmem:s17+$0x4080];
	_ =	sdelay $0x4  }
0x2f1: {  	v6 =	vshrl.u32 v6, $0x14  }
0x2f2: {  	v6 =	vand.u32 $0xFF0, v6  }
0x2f3: {  	v6 =	vor.u32 v1, v6;
	_ =	sdelay $0x4  }
0x2f4: {  	[tilespmem:v6+s9+$0x0] =	vst.idx.add.s32.msk $0xffff, v2  }
0x2f5: {  	v6 =	vld [tilespmem:s17+$0x4090];
	_ =	sdelay $0x4  }
0x2f6: {  	v6 =	vshrl.u32 v6, $0x14  }
0x2f7: {  	v6 =	vand.u32 $0xFF0, v6  }
0x2f8: {  	v6 =	vor.u32 v1, v6;
	_ =	sdelay $0x4  }
0x2f9: {  	[tilespmem:v6+s9+$0x0] =	vst.idx.add.s32.msk $0xffff, v2  }
0x2fa: {  	v6 =	vld [tilespmem:s17+$0x40A0];
	_ =	sdelay $0x4  }
0x2fb: {  	v6 =	vshrl.u32 v6, $0x14  }
0x2fc: {  	v6 =	vand.u32 $0xFF0, v6  }
0x2fd: {  	v6 =	vor.u32 v1, v6;
	_ =	sdelay $0x4  }
0x2fe: {  	[tilespmem:v6+s9+$0x0] =	vst.idx.add.s32.msk $0xffff, v2  }
0x2ff: {  	v6 =	vld [tilespmem:s17+$0x40B0];
	_ =	sdelay $0x4  }
0x300: {  	v6 =	vshrl.u32 v6, $0x14  }
0x301: {  	v6 =	vand.u32 $0xFF0, v6  }
0x302: {  	v6 =	vor.u32 v1, v6;
	_ =	sdelay $0x4  }
0x303: {  	[tilespmem:v6+s9+$0x0] =	vst.idx.add.s32.msk $0xffff, v2  }
0x304: {  	v6 =	vld [tilespmem:s17+$0x40C0];
	_ =	sdelay $0x4  }
0x305: {  	v6 =	vshrl.u32 v6, $0x14  }
0x306: {  	v6 =	vand.u32 $0xFF0, v6  }
0x307: {  	v6 =	vor.u32 v1, v6;
	_ =	sdelay $0x4  }
0x308: {  	[tilespmem:v6+s9+$0x0] =	vst.idx.add.s32.msk $0xffff, v2  }
0x309: {  	v6 =	vld [tilespmem:s17+$0x40D0];
	_ =	sdelay $0x4  }
0x30a: {  	v6 =	vshrl.u32 v6, $0x14  }
0x30b: {  	v6 =	vand.u32 $0xFF0, v6  }
0x30c: {  	v6 =	vor.u32 v1, v6;
	_ =	sdelay $0x4  }
0x30d: {  	[tilespmem:v6+s9+$0x0] =	vst.idx.add.s32.msk $0xffff, v2  }
0x30e: {  	v6 =	vld [tilespmem:s17+$0x40E0];
	_ =	sdelay $0x4  }
0x30f: {  	v6 =	vshrl.u32 v6, $0x14  }
0x310: {  	v6 =	vand.u32 $0xFF0, v6  }
0x311: {  	v6 =	vor.u32 v1, v6;
	_ =	sdelay $0x4  }
0x312: {  	[tilespmem:v6+s9+$0x0] =	vst.idx.add.s32.msk $0xffff, v2  }
0x313: {  	v6 =	vld [tilespmem:s17+$0x40F0];
	_ =	sdelay $0x4  }
0x314: {  	v6 =	vshrl.u32 v6, $0x14  }
0x315: {  	v6 =	vand.u32 $0xFF0, v6  }
0x316: {  	p0 =	sne.s32 s18, $0xFC00;
	v6 =	vor.u32 v1, v6  }
.Ltmp13:
0x317: {  	_ = 	snop;
	(pc) =	sbr.rel @p0 .LBB2_28-.Ltmp13, $2  }
0x318: {  	_ =	sdelay $0x2  }
0x319: {  	s18 =	sadd.s32 $0x400, s18;
	[tilespmem:v6+s9+$0x0] =	vst.idx.add.s32.msk $0xffff, v2  }
0x31a: {  	s17 =	simm.s32 $0x0  }
0x31b: {  	v6 =	vld [tilespmem:s17+$0x14000];
	_ =	sdelay $0x4  }
0x31c: {  	(xrf0) =	vadd.scan.msk.s32 $0xffff, v6;
	_ =	sdelay $0x5  }
0x31d: {  	v6, _, _ =	vpop (xrf0)  }
0x31e: {  	s18 =	simm.s32 $0x10;
	[tilespmem:$0x16010] =	vst v6  }
0x31f: {  	v6 =	vld [tilespmem:s18+$0x14000];
	_ =	sdelay $0x2  }
0x320: {  	v7 =	vld.idx.msk [tilespmem:v3+s10+$0x0], $0xffff;
	_ =	sdelay $0x1  }
0x321: {  	(xrf0) =	vadd.scan.msk.s32 $0xffff, v6;
	_ =	sdelay $0x1  }
0x322: {  	v6 =	vimm.s32 $0x0  }
0x323: {  	v7 =	vadd.s32 v6, v7  }
0x324: {  	[tilespmem:s17+$0x15000] =	vst v7  }
0x325: {  	v7 =	vld.idx.msk [tilespmem:v4+s10+$0x0], $0xffff  }
0x326: {  	v8, _, _ =	vpop (xrf0)  }
0x327: {  	s19 =	simm.s32 $0x20;
	[tilespmem:$0x16010] =	vst v8  }
0x328: {  	s20 =	simm.s32 $0xC0;
	s17 =	simm.s32 $0x0;
	v8 =	vld [tilespmem:s19+$0x14000]  }
.LBB2_30:
0x329: {  	p0 =	sne.s32 s20, $0x3FC0;
	v9 =	vld.idx.msk [tilespmem:v3+s10+$0x0], $0xffff;
	s21 =	smov.u32 s20;
	s20 =	sadd.s32 $0x40, s20  }
0x32a: {  	v6 =	vadd.s32 v6, v7;
	_ =	sdelay $0x2  }
0x32b: {  	(xrf0) =	vadd.scan.msk.s32 $0xffff, v8;
	_ =	sdelay $0x1  }
0x32c: {  	v7 =	vadd.s32 v6, v9  }
0x32d: {  	[tilespmem:s18+$0x15000] =	vst v7;
	s18 =	smov.u32 s19  }
.Ltmp14:
0x32e: {  	v7 =	vld.idx.msk [tilespmem:v4+s10+$0x0], $0xffff;
	(pc) =	sbr.rel @p0 .LBB2_30-.Ltmp14, $4  }
0x32f: {  	_ = 	snop  }
0x330: {  	v8, _, _ =	vpop (xrf0)  }
0x331: {  	s19 =	sshra.s32 s21, $0x2;
	[tilespmem:$0x16010] =	vst v8  }
0x332: {  	v8 =	vld [tilespmem:s19+$0x14000]  }
0x333: {  	_ =	sdelay $0x3  }
0x334: {  	v9 =	vld.idx.msk [tilespmem:v3+s10+$0x0], $0xffff;
	(xrf0) =	vadd.scan.msk.s32 $0xffff, v8;
	_ =	sdelay $0x3  }
0x335: {  	v6 =	vadd.s32 v6, v7  }
0x336: {  	v7 =	vadd.s32 v6, v9  }
0x337: {  	[tilespmem:s18+$0x15000] =	vst v7;
	v8, _, _ =	vpop (xrf0)  }
0x338: {  	v7 =	vld.idx.msk [tilespmem:v4+s10+$0x0], $0xffff;
	[tilespmem:$0x16010] =	vst v8  }
0x339: {  	v8 =	vld.idx.msk [tilespmem:v3+s10+$0x0], $0xffff;
	_ =	sdelay $0x3  }
0x33a: {  	v6 =	vadd.s32 v6, v7  }
0x33b: {  	v6 =	vadd.s32 v6, v8  }
0x33c: {  	[tilespmem:s19+$0x15000] =	vst v6  }
.LBB2_32:
0x33d: {  	s18 =	sshra.s32 s17, $0x2  }
0x33e: {  	v6 =	vld [tilespmem:s18+$0x4000];
	_ =	sdelay $0x4  }
0x33f: {  	v7 =	vshrl.u32 v6, $0x14  }
0x340: {  	v7 =	vand.u32 $0xFF0, v7  }
0x341: {  	v7 =	vor.u32 v1, v7;
	_ =	sdelay $0x4  }
0x342: {  	v8 =	vld.idx.msk [tilespmem:v7+s11+$0x0], $0xffff;
	_ =	sdelay $0x3  }
0x343: {  	v9 =	vld [tilespmem:s18+$0xC000];
	_ =	sdelay $0x2  }
0x344: {  	s19 =	simm.s32 $0x0  }
0x345: {  	[tilespmem:v8+s19+$0x0] =	vst.idx.msk $0xffff, v6  }
0x346: {  	[tilespmem:v8+s14+$0x0] =	vst.idx.msk $0xffff, v9  }
0x347: {  	[tilespmem:v7+s11+$0x0] =	vst.idx.add.s32.msk $0xffff, v2  }
0x348: {  	v6 =	vld [tilespmem:s18+$0x4010];
	_ =	sdelay $0x4  }
0x349: {  	v7 =	vshrl.u32 v6, $0x14  }
0x34a: {  	v7 =	vand.u32 $0xFF0, v7  }
0x34b: {  	v7 =	vor.u32 v1, v7;
	_ =	sdelay $0x4  }
0x34c: {  	v8 =	vld.idx.msk [tilespmem:v7+s11+$0x0], $0xffff;
	_ =	sdelay $0x3  }
0x34d: {  	v9 =	vld [tilespmem:s18+$0xC010];
	_ =	sdelay $0x3  }
0x34e: {  	[tilespmem:v8+s19+$0x0] =	vst.idx.msk $0xffff, v6  }
0x34f: {  	[tilespmem:v8+s14+$0x0] =	vst.idx.msk $0xffff, v9  }
0x350: {  	[tilespmem:v7+s11+$0x0] =	vst.idx.add.s32.msk $0xffff, v2  }
0x351: {  	v6 =	vld [tilespmem:s18+$0x4020];
	_ =	sdelay $0x4  }
0x352: {  	v7 =	vshrl.u32 v6, $0x14  }
0x353: {  	v7 =	vand.u32 $0xFF0, v7  }
0x354: {  	v7 =	vor.u32 v1, v7;
	_ =	sdelay $0x4  }
0x355: {  	v8 =	vld.idx.msk [tilespmem:v7+s11+$0x0], $0xffff;
	_ =	sdelay $0x3  }
0x356: {  	v9 =	vld [tilespmem:s18+$0xC020];
	_ =	sdelay $0x3  }
0x357: {  	[tilespmem:v8+s19+$0x0] =	vst.idx.msk $0xffff, v6  }
0x358: {  	[tilespmem:v8+s14+$0x0] =	vst.idx.msk $0xffff, v9  }
0x359: {  	[tilespmem:v7+s11+$0x0] =	vst.idx.add.s32.msk $0xffff, v2  }
0x35a: {  	v6 =	vld [tilespmem:s18+$0x4030];
	_ =	sdelay $0x4  }
0x35b: {  	v7 =	vshrl.u32 v6, $0x14  }
0x35c: {  	v7 =	vand.u32 $0xFF0, v7  }
0x35d: {  	v7 =	vor.u32 v1, v7;
	_ =	sdelay $0x4  }
0x35e: {  	v8 =	vld.idx.msk [tilespmem:v7+s11+$0x0], $0xffff;
	_ =	sdelay $0x3  }
0x35f: {  	v9 =	vld [tilespmem:s18+$0xC030];
	_ =	sdelay $0x3  }
0x360: {  	[tilespmem:v8+s19+$0x0] =	vst.idx.msk $0xffff, v6  }
0x361: {  	[tilespmem:v8+s14+$0x0] =	vst.idx.msk $0xffff, v9  }
0x362: {  	[tilespmem:v7+s11+$0x0] =	vst.idx.add.s32.msk $0xffff, v2  }
0x363: {  	v6 =	vld [tilespmem:s18+$0x4040];
	_ =	sdelay $0x4  }
0x364: {  	v7 =	vshrl.u32 v6, $0x14  }
0x365: {  	v7 =	vand.u32 $0xFF0, v7  }
0x366: {  	v7 =	vor.u32 v1, v7;
	_ =	sdelay $0x4  }
0x367: {  	v8 =	vld.idx.msk [tilespmem:v7+s11+$0x0], $0xffff;
	_ =	sdelay $0x3  }
0x368: {  	v9 =	vld [tilespmem:s18+$0xC040];
	_ =	sdelay $0x3  }
0x369: {  	[tilespmem:v8+s19+$0x0] =	vst.idx.msk $0xffff, v6  }
0x36a: {  	[tilespmem:v8+s14+$0x0] =	vst.idx.msk $0xffff, v9  }
0x36b: {  	[tilespmem:v7+s11+$0x0] =	vst.idx.add.s32.msk $0xffff, v2  }
0x36c: {  	v6 =	vld [tilespmem:s18+$0x4050];
	_ =	sdelay $0x4  }
0x36d: {  	v7 =	vshrl.u32 v6, $0x14  }
0x36e: {  	v7 =	vand.u32 $0xFF0, v7  }
0x36f: {  	v7 =	vor.u32 v1, v7;
	_ =	sdelay $0x4  }
0x370: {  	v8 =	vld.idx.msk [tilespmem:v7+s11+$0x0], $0xffff;
	_ =	sdelay $0x3  }
0x371: {  	v9 =	vld [tilespmem:s18+$0xC050];
	_ =	sdelay $0x3  }
0x372: {  	[tilespmem:v8+s19+$0x0] =	vst.idx.msk $0xffff, v6  }
0x373: {  	[tilespmem:v8+s14+$0x0] =	vst.idx.msk $0xffff, v9  }
0x374: {  	[tilespmem:v7+s11+$0x0] =	vst.idx.add.s32.msk $0xffff, v2  }
0x375: {  	v6 =	vld [tilespmem:s18+$0x4060];
	_ =	sdelay $0x4  }
0x376: {  	v7 =	vshrl.u32 v6, $0x14  }
0x377: {  	v7 =	vand.u32 $0xFF0, v7  }
0x378: {  	v7 =	vor.u32 v1, v7;
	_ =	sdelay $0x4  }
0x379: {  	v8 =	vld.idx.msk [tilespmem:v7+s11+$0x0], $0xffff;
	_ =	sdelay $0x3  }
0x37a: {  	v9 =	vld [tilespmem:s18+$0xC060];
	_ =	sdelay $0x3  }
0x37b: {  	[tilespmem:v8+s19+$0x0] =	vst.idx.msk $0xffff, v6  }
0x37c: {  	[tilespmem:v8+s14+$0x0] =	vst.idx.msk $0xffff, v9  }
0x37d: {  	[tilespmem:v7+s11+$0x0] =	vst.idx.add.s32.msk $0xffff, v2  }
0x37e: {  	v6 =	vld [tilespmem:s18+$0x4070];
	_ =	sdelay $0x4  }
0x37f: {  	v7 =	vshrl.u32 v6, $0x14  }
0x380: {  	v7 =	vand.u32 $0xFF0, v7  }
0x381: {  	v7 =	vor.u32 v1, v7;
	_ =	sdelay $0x4  }
0x382: {  	v8 =	vld.idx.msk [tilespmem:v7+s11+$0x0], $0xffff;
	_ =	sdelay $0x3  }
0x383: {  	v9 =	vld [tilespmem:s18+$0xC070]  }
0x384: {  	p0 =	sne.s32 s17, $0xFE00  }
.Ltmp15:
0x385: {  	_ = 	snop;
	(pc) =	sbr.rel @p0 .LBB2_32-.Ltmp15, $4  }
0x386: {  	_ = 	snop  }
0x387: {  	[tilespmem:v8+s19+$0x0] =	vst.idx.msk $0xffff, v6  }
0x388: {  	[tilespmem:v8+s14+$0x0] =	vst.idx.msk $0xffff, v9  }
0x389: {  	s17 =	sadd.s32 $0x200, s17;
	[tilespmem:v7+s11+$0x0] =	vst.idx.add.s32.msk $0xffff, v2  }
0x38a: {  	s18 =	simm.s32 $0x0  }
0x38b: {  	v6 =	vld [tilespmem:s18+$0x0];
	_ =	sdelay $0x4  }
0x38c: {  	v7 =	vand.u32 $0x7FFFFF, v6  }
0x38d: {  	v7 =	vor.u32 $0x3F800000, v7  }
0x38e: {  	v8 =	vmul.f32 $-2.482560650e-02, v7;
	_ =	sdelay $0x1  }
0x38f: {  	v8 =	vadd.f32 $2.668588160e-01, v8;
	_ =	sdelay $0x1  }
0x390: {  	v8 =	vmul.f32 v7, v8;
	_ =	sdelay $0x1  }
0x391: {  	v8 =	vadd.f32 $-1.234263180e+00, v8;
	_ =	sdelay $0x1  }
0x392: {  	v8 =	vmul.f32 v7, v8;
	_ =	sdelay $0x1  }
0x393: {  	v8 =	vadd.f32 $3.218832730e+00, v8;
	_ =	sdelay $0x1  }
0x394: {  	v8 =	vmul.f32 v7, v8;
	_ =	sdelay $0x1  }
0x395: {  	v8 =	vadd.f32 $-5.264110570e+00, v8;
	_ =	sdelay $0x1  }
0x396: {  	v8 =	vmul.f32 v7, v8;
	_ =	sdelay $0x1  }
0x397: {  	v8 =	vadd.f32 $6.065830230e+00, v8;
	_ =	sdelay $0x1  }
0x398: {  	v9 =	vshrl.u32 v6, $0x17;
	v7 =	vmul.f32 v7, v8  }
0x399: {  	v8 =	vadd.s32 $0xFFFFFF81, v9  }
0x39a: {  	v8 =	vcvt.s32.f32 v8;
	v7 =	vadd.f32 $-3.028317450e+00, v7;
	_ =	sdelay $0x1  }
0x39b: {  	v7 =	vadd.f32 v8, v7;
	_ =	sdelay $0x1  }
0x39c: {  	(xrf2) =	vadd.scan.msk.f32 $0xffff, v7;
	_ =	sdelay $0x9  }
0x39d: {  	v8, _, _ =	vpop (xrf2)  }
0x39e: {  	v7 =	vsub.f32 v8, v7  }
0x39f: {  	s17 =	simm.f32 $0.0e+00  }
0x3a0: {  	v7 =	vadd.f32 s17, v7;
	_ =	sdelay $0x1  }
0x3a1: {  	vm0 =	vlt.f32 v7, $-1.162699970e+02;
	v7 =	vmul.f32 $6.931471820e-01, v7;
	_ =	sdelay $0x1  }
0x3a2: {  	v9 =	vsel vm0, $0x3F800000, v5;
	v7 =	vmul.f32 $1.442695020e+00, v7  }
0x3a3: {  	(xrf0) =	vmax.scan.msk.f32 $0xffff, v9  }
0x3a4: {  	(erf) = vpow2.f32 v7;
	_ =	sdelay $0x4  }
0x3a5: {  	v7, _, _ =	vpop (xrf0)  }
0x3a6: {  	v7 =	vmax.f32 v7, s17  }
0x3a7: {  	v9 =	vld [tilespmem:s18+$0x8000];
	(xrf0) =	vmax.scan.msk.f32 $0xffff, v7;
	_ =	sdelay $0x1  }
0x3a8: {  	vm15 =	vgt.f32 v7, $0.0e+00;
	v7 =	vpop (erf)  }
0x3a9: {  	v7 =	vsel vm15, $0x0, v7  }
0x3aa: {  	v6 =	vsub.f32 $1.000000000e+00, v6;
	_ =	sdelay $0x1  }
0x3ab: {  	(v2sf) =	vpush v8, $0xF;
	v6 =	vmul.f32 v7, v6;
	v7, _, _ =	vpop (xrf0)  }
0x3ac: {  	(v2sf) =	vpush v7, $0xF  }
0x3ad: {  	s18 =	simm.s32 $0x10;
	[tilespmem:v9+s15+$0x0] =	vst.idx.msk $0xffff, v6  }
0x3ae: {  	v6 =	vld [tilespmem:s18+$0x0];
	_ =	sdelay $0x4  }
0x3af: {  	v7 =	vand.u32 $0x7FFFFF, v6  }
0x3b0: {  	v7 =	vor.u32 $0x3F800000, v7  }
0x3b1: {  	v8 =	vmul.f32 $-2.482560650e-02, v7;
	_ =	sdelay $0x1  }
0x3b2: {  	v8 =	vadd.f32 $2.668588160e-01, v8;
	_ =	sdelay $0x1  }
0x3b3: {  	v9 =	vmul.f32 v7, v8  }
0x3b4: {  	s19 =	spop (v2sf);
	v8 =	vshrl.u32 v6, $0x17  }
0x3b5: {  	s20 =	simm.s32 $0x80;
	s19 =	sadd.f32 s19, s17;
	v8 =	vadd.s32 $0xFFFFFF81, v8;
	v9 =	vadd.f32 $-1.234263180e+00, v9;
	s21 =	spop (v2sf)  }
.LBB2_34:
0x3b6: {  	p0 =	sne.s32 s20, $0xFFC0  }
0x3b7: {  	v9 =	vmul.f32 v7, v9;
	s17 =	smax.f32 s17, s21;
	s21 =	smov.u32 s20;
	s20 =	sadd.s32 $0x40, s20  }
0x3b8: {  	_ = 	snop  }
0x3b9: {  	v9 =	vadd.f32 $3.218832730e+00, v9;
	_ =	sdelay $0x1  }
0x3ba: {  	v9 =	vmul.f32 v7, v9;
	_ =	sdelay $0x1  }
0x3bb: {  	v9 =	vadd.f32 $-5.264110570e+00, v9;
	_ =	sdelay $0x1  }
0x3bc: {  	v9 =	vmul.f32 v7, v9;
	_ =	sdelay $0x1  }
0x3bd: {  	v9 =	vadd.f32 $6.065830230e+00, v9;
	_ =	sdelay $0x1  }
0x3be: {  	v7 =	vmul.f32 v7, v9;
	_ =	sdelay $0x1  }
0x3bf: {  	v8 =	vcvt.s32.f32 v8;
	v7 =	vadd.f32 $-3.028317450e+00, v7;
	_ =	sdelay $0x1  }
0x3c0: {  	v7 =	vadd.f32 v8, v7;
	_ =	sdelay $0x1  }
0x3c1: {  	(xrf2) =	vadd.scan.msk.f32 $0xffff, v7;
	_ =	sdelay $0x9  }
0x3c2: {  	v8, _, _ =	vpop (xrf2)  }
0x3c3: {  	v7 =	vsub.f32 v8, v7;
	(v2sf) =	vpush v8, $0xF;
	_ =	sdelay $0x1  }
0x3c4: {  	v7 =	vadd.f32 s19, v7;
	_ =	sdelay $0x1  }
0x3c5: {  	vm0 =	vlt.f32 v7, $-1.162699970e+02;
	v7 =	vmul.f32 $6.931471820e-01, v7  }
0x3c6: {  	v8 =	vsel vm0, $0x3F800000, v5  }
0x3c7: {  	v7 =	vmul.f32 $1.442695020e+00, v7;
	(xrf0) =	vmax.scan.msk.f32 $0xffff, v8;
	_ =	sdelay $0x1  }
0x3c8: {  	(erf) = vpow2.f32 v7;
	_ =	sdelay $0x3  }
0x3c9: {  	v7, _, _ =	vpop (xrf0)  }
0x3ca: {  	v7 =	vmax.f32 v7, s17;
	v8 =	vld [tilespmem:s18+$0x8000]  }
0x3cb: {  	(xrf0) =	vmax.scan.msk.f32 $0xffff, v7  }
0x3cc: {  	s18 =	spop (v2sf)  }
0x3cd: {  	s19 =	sadd.f32 s18, s19  }
0x3ce: {  	v6 =	vsub.f32 $1.000000000e+00, v6;
	vm0 =	vgt.f32 v7, $0.0e+00;
	v7 =	vpop (erf)  }
0x3cf: {  	v9 =	vsel vm0, $0x0, v7  }
0x3d0: {  	v6 =	vmul.f32 v9, v6  }
0x3d1: {  	v7, _, _ =	vpop (xrf0)  }
0x3d2: {  	s18 =	sshra.s32 s21, $0x2;
	[tilespmem:v8+s15+$0x0] =	vst.idx.msk $0xffff, v6;
	(v2sf) =	vpush v7, $0xF  }
0x3d3: {  	v6 =	vld [tilespmem:s18+$0x0];
	_ =	sdelay $0x4  }
0x3d4: {  	v7 =	vshrl.u32 v6, $0x17;
	v9 =	vand.u32 $0x7FFFFF, v6  }
0x3d5: {  	v8 =	vadd.s32 $0xFFFFFF81, v7;
	v7 =	vor.u32 $0x3F800000, v9  }
0x3d6: {  	v9 =	vmul.f32 $-2.482560650e-02, v7;
	_ =	sdelay $0x1  }
0x3d7: {  	v9 =	vadd.f32 $2.668588160e-01, v9  }
.Ltmp16:
0x3d8: {  	(pc) =	sbr.rel @p0 .LBB2_34-.Ltmp16, $3  }
0x3d9: {  	v9 =	vmul.f32 v7, v9;
	_ =	sdelay $0x1  }
0x3da: {  	v9 =	vadd.f32 $-1.234263180e+00, v9  }
0x3db: {  	s21 =	spop (v2sf)  }
0x3dc: {  	v9 =	vmul.f32 v7, v9;
	_ =	sdelay $0x1  }
0x3dd: {  	v9 =	vadd.f32 $3.218832730e+00, v9;
	_ =	sdelay $0x1  }
0x3de: {  	v9 =	vmul.f32 v7, v9;
	_ =	sdelay $0x1  }
0x3df: {  	v9 =	vadd.f32 $-5.264110570e+00, v9;
	_ =	sdelay $0x1  }
0x3e0: {  	v9 =	vmul.f32 v7, v9;
	_ =	sdelay $0x1  }
0x3e1: {  	v9 =	vadd.f32 $6.065830230e+00, v9;
	_ =	sdelay $0x1  }
0x3e2: {  	v7 =	vmul.f32 v7, v9;
	_ =	sdelay $0x1  }
0x3e3: {  	v8 =	vcvt.s32.f32 v8;
	v7 =	vadd.f32 $-3.028317450e+00, v7;
	_ =	sdelay $0x1  }
0x3e4: {  	v7 =	vadd.f32 v8, v7;
	_ =	sdelay $0x1  }
0x3e5: {  	(xrf2) =	vadd.scan.msk.f32 $0xffff, v7;
	_ =	sdelay $0x9  }
0x3e6: {  	v60, _, _ =	vpop (xrf2)  }
0x3e7: {  	v7 =	vsub.f32 v60, v7;
	_ =	sdelay $0x1  }
0x3e8: {  	v7 =	vadd.f32 s19, v7;
	_ =	sdelay $0x1  }
0x3e9: {  	vm0 =	vlt.f32 v7, $-1.162699970e+02  }
0x3ea: {  	v61 =	vsel vm0, $0x3F800000, v5  }
0x3eb: {  	(xrf0) =	vmax.scan.msk.f32 $0xffff, v61;
	_ =	sdelay $0x5  }
0x3ec: {  	s17 =	smax.f32 s17, s21;
	v9, _, _ =	vpop (xrf0)  }
0x3ed: {  	v9 =	vmax.f32 v9, s17  }
0x3ee: {  	(xrf0) =	vmax.scan.msk.f32 $0xffff, v9;
	_ =	sdelay $0x1  }
0x3ef: {  	v7 =	vmul.f32 $6.931471820e-01, v7;
	_ =	sdelay $0x1  }
0x3f0: {  	v7 =	vmul.f32 $1.442695020e+00, v7;
	_ =	sdelay $0x1  }
0x3f1: {  	(v2sf) =	vpush v60, $0xF;
	(erf) = vpow2.f32 v7;
	v62, _, _ =	vpop (xrf0)  }
0x3f2: {  	(v2sf) =	vpush v62, $0xF;
	_ =	sdelay $0x3  }
0x3f3: {  	v7 =	vld [tilespmem:s18+$0x8000];
	_ =	sdelay $0x3  }
0x3f4: {  	v6 =	vsub.f32 $1.000000000e+00, v6;
	vm15 =	vgt.f32 v9, $0.0e+00;
	v63 =	vpop (erf)  }
0x3f5: {  	v8 =	vsel vm15, $0x0, v63  }
0x3f6: {  	v6 =	vmul.f32 v8, v6  }
0x3f7: {  	s16 =	sadd.s32 $0x1, s16  }
0x3f8: {  	p0 =	sne.s32 s16, s5;
	[tilespmem:v7+s15+$0x0] =	vst.idx.msk $0xffff, v6  }
0x3f9: {  	[hbm4b:s4+s6] =	stream.strided.scatter [tilespmem:s15], [sflag:$0x1], $0x4000, s7, s6, $0x38;
	[tilespmem:$0x16080] =	vst v63  }
.Ltmp17:
0x3fa: {  	s30 =	spop (v2sf);
	(pc) =	sbr.rel @p0 .LBB2_1-.Ltmp17, $4  }
0x3fb: {  	s31 =	spop (v2sf)  }
0x3fc: {  	_ =	swait.ge [sflag:s8], $0x4000  }
0x3fd: {  	[sflag:s8] =	ssyncset.done $0x0  }
0x3fe: {  	[sflag:s8] =	ssyncadd.s32 $0xFFFFC000  }
0x3ff: {  	_ =	sfence.sel $0x180000  }
0x400: {  	[bflag:$0x0] =	sbarrier.arrive $0xFFFF  }
0x401: {  	p0 =	sne.s32 s1, $0x0;
	_ =	strace $0x90000047  }
0x402: {  	s0 =	sadd.s32 @!p0 $0x100000, s0;
	[bflag:$0x2] =	sbarrier.arrive $0xFFFF  }
0x403: {  	[sflag:s0] =	ssyncadd.tile.s32 @!p0 $0x1;
	_ =	shalt  }
.Lfunc_end2:
_tile_overlayer_lowered:
.L_overlay_start_2:
0x404: {  	(tag) =	ssettag $0x2  }
0x405: {  	s0 =	rddreg [dreg:$0x0];
	s2 =	stileid.u32  }
0x406: {  	s1 =	rddreg [dreg:$0x1];
	p0 =	sne.s32 s2, $0x0  }
0x407: {  	s3 =	rddreg [dreg:$0x2];
	[bflag:$0x3] =	sbarrier.arrive $0xFFFF;
	s2 =	simm.s32 @!p0 $0x1C01  }
0x408: {  	[timem:s3], [sflag:s2] =	dma.local @!p0 [hbm:s0], s1  }
0x409: {  	s0 =	simm.s32 @!p0 $0x1  }
0x40a: {  	_ =	swait.ge @!p0 [sflag:s0], s1  }
0x40b: {  	s1 =	ssub.s32 @!p0 $0x0, s1;
	[sflag:s0] =	ssyncset.done @!p0 $0x0  }
0x40c: {  	[sflag:s0] =	ssyncadd.s32 @!p0 s1  }
0x40d: {  	[bflag:$0x3] =	sbarrier.arrive $0xFFFF  }
0x40e: {  	_ =	shalt  }

</sc_bundles>
